<compile_context>
chip_gen: v7x
topology: tpu7x:2x2x1
jax: 0.10.2.dev20260603
libtpu: 0.0.44.dev20260713+nightly
codegen_flags: <defaults>
</compile_context>

<pallas_src>
import functools
import math

import jax
import jax.numpy as jnp
from jax import lax
from jax.experimental import pallas as pl
from jax.experimental.pallas import tpu as pltpu
from jax.experimental.pallas import tpu_sc as plsc

VOCAB = 100000
D_MODEL = 128
BATCH = 4096
HIST = 50
PAIR = 2 * HIST
PAIR_PAD = 128

NC = 2
NS = 16
NW = NC * NS
B_PER_W = BATCH // NW
NPAIR = B_PER_W // 2
NRB = 8
SCALE = math.sqrt(D_MODEL)

_mesh = plsc.VectorSubcoreMesh(core_axis_name="c", subcore_axis_name="s")


@functools.partial(
    pl.kernel,
    mesh=_mesh,
    out_type=jax.ShapeDtypeStruct((BATCH, HIST, D_MODEL), jnp.float32),
    scratch_types=[
        pltpu.VMEM((NPAIR, PAIR_PAD), jnp.int32),
        pltpu.VMEM((NRB, PAIR, D_MODEL), jnp.float32),
        pltpu.SemaphoreType.DMA,
        pltpu.SemaphoreType.DMA,
    ],
    compiler_params=pltpu.CompilerParams(use_tc_tiling_on_sc=True),
)
def _emb_sc(x_hbm, w_hbm, out_hbm, idx_v, rows_v, gsem, osem):
    wid = lax.axis_index("s") * NC + lax.axis_index("c")
    b0 = wid * B_PER_W

    pltpu.sync_copy(x_hbm.at[pl.ds(wid * NPAIR, NPAIR)], idx_v)

    def gather_start(p, rb):
        pltpu.async_copy(
            w_hbm.at[idx_v.at[p, pl.ds(0, PAIR)]], rows_v.at[rb], gsem
        )

    def gather_wait(p, rb):
        pltpu.make_async_copy(
            w_hbm.at[idx_v.at[p, pl.ds(0, PAIR)]], rows_v.at[rb], gsem
        ).wait()

    def out_start(p, rb):
        pltpu.async_copy(
            rows_v.at[rb, pl.ds(0, HIST)], out_hbm.at[b0 + 2 * p], osem
        )
        pltpu.async_copy(
            rows_v.at[rb, pl.ds(HIST, HIST)], out_hbm.at[b0 + 2 * p + 1], osem
        )

    def out_wait(p, rb):
        pltpu.make_async_copy(
            rows_v.at[rb, pl.ds(0, HIST)], out_hbm.at[b0 + 2 * p], osem
        ).wait()
        pltpu.make_async_copy(
            rows_v.at[rb, pl.ds(HIST, HIST)], out_hbm.at[b0 + 2 * p + 1], osem
        ).wait()

    def scale_buf(rb):
        rows = rows_v.at[rb]

        @plsc.parallel_loop(0, PAIR, unroll=4)
        def _(k):
            for i in range(D_MODEL // 16):
                sl = pl.ds(16 * i, 16)
                rows[k, sl] = rows[k, sl] * SCALE

    for rb in range(NRB):
        gather_start(rb, rb)

    def outer(g, _):
        for rb in range(NRB):
            p = g * NRB + rb
            gather_wait(p, rb)
            scale_buf(rb)
            out_start(p, rb)
            nxt = p + NRB

            @pl.when(nxt < NPAIR)
            def _():
                out_wait(p, rb)
                gather_start(nxt, rb)

        return 0

    lax.fori_loop(0, NPAIR // NRB, outer, 0)

    for rb in range(NRB):
        out_wait(NPAIR - NRB + rb, rb)


def kernel(x, weight):
    xq = x.reshape(BATCH // 2, PAIR)
    xq = jnp.concatenate([xq, xq[:, : PAIR_PAD - PAIR]], axis=1)
    return _emb_sc(xq, weight)

# --- scband reference (transcript-rebuilt; emitter-appended) ---
"""Pipeline reference for scband-embedding-layer-54382875902659 (READ-ONLY COPY).

The authoritative reference and input builder live on the scoring server;
editing this copy changes nothing except your own understanding.
"""

import jax, jax.numpy as jnp
import numpy as np
import math

VOCAB = 100000
D_MODEL = 128
BATCH = 4096
HIST = 50

def setup_inputs(seed: int = 0) -> dict:
    key = jax.random.key(seed)
    k1, k2 = jax.random.split(key)
    x = jax.random.randint(k1, (BATCH, HIST), 0, VOCAB, dtype=jnp.int32)
    weight = jax.random.normal(k2, (VOCAB, D_MODEL), dtype=jnp.float32)
    return {"x": x, "weight": weight}

def reference(x, weight):
    # Embedding lookup: gather rows of the table, then scale by sqrt(d_model)
    emb = jnp.take(weight, x, axis=0)
    return emb * math.sqrt(D_MODEL)

if __name__ == "__main__":
    import jax
    _d = setup_inputs()
    print(jax.jit(kernel)(*tuple(_d.values())))

</pallas_src>

<mosaic_0001>
#map = affine_map<(d0, d1) -> (0, 0)>
#map1 = affine_map<(d0, d1) -> (0, 0, 0)>
module attributes {stable_mosaic.version = 14 : i64} {
  func.func @_emb_sc(%arg0: i32, %arg1: i32, %arg2: memref<2048x128xi32, #tpu.memory_space<hbm>>, %arg3: memref<100000x128xf32, #tpu.memory_space<hbm>>, %arg4: memref<4096x50x128xf32, #tpu.memory_space<hbm>>, %arg5: memref<64x128xi32, #tpu.memory_space<vmem>>, %arg6: memref<8x100x128xf32, #tpu.memory_space<vmem>>, %arg7: memref<!tpu.dma_semaphore, #tpu.memory_space<semaphore_mem>>, %arg8: memref<!tpu.dma_semaphore, #tpu.memory_space<semaphore_mem>>) attributes {dimension_semantics = [#tpu.dimension_semantics<core_parallel>, #tpu.dimension_semantics<subcore_parallel>], iteration_bounds = array<i64: 2, 16>, scalar_prefetch = 0 : i64, scratch_operands = 4 : i64, tpu.core_type = #tpu.core_type<sc_vector_subcore>, window_params = [{transform_indices = #map}, {transform_indices = #map}, {transform_indices = #map1}]} {
    %mul3A = arith.constant 2 : i32
    %mul3A_0 = arith.muli %arg1, %mul3A : i32
    %add3A = arith.addi %mul3A_0, %arg0 : i32
    %mul3A_1 = arith.constant 128 : i32
    %mul3A_2 = arith.muli %add3A, %mul3A_1 : i32
    %mul3A_3 = arith.constant 64 : i32
    %mul3A_4 = arith.muli %add3A, %mul3A_3 : i32
    "tpu.region"() ({
      %run_scoped3A = tpu.sem_alloc : memref<!tpu.dma_semaphore, #tpu.memory_space<semaphore_mem>>
      %dma_start3A_425 = arith.constant 0 : i32
      %dma_start3A_426 = tpu.memref_slice %arg2[%mul3A_4, %dma_start3A_425] : memref<2048x128xi32, #tpu.memory_space<hbm>> -> memref<64x128xi32, #tpu.memory_space<hbm>>
      %dma_start3A_427 = arith.constant 0 : i32
      %dma_start3A_428 = tpu.memref_slice %arg2[%mul3A_4, %dma_start3A_427] : memref<2048x128xi32, #tpu.memory_space<hbm>> -> memref<64x128xi32, #tpu.memory_space<hbm>>
      tpu.enqueue_dma source(%dma_start3A_428 : memref<64x128xi32, #tpu.memory_space<hbm>>) target(%arg5 : memref<64x128xi32, #tpu.memory_space<vmem>>) target_semaphore(%run_scoped3A : memref<!tpu.dma_semaphore, #tpu.memory_space<semaphore_mem>>)
      %dma_wait3A_429 = arith.constant 0 : i32
      %dma_wait3A_430 = tpu.memref_slice %arg2[%mul3A_4, %dma_wait3A_429] : memref<2048x128xi32, #tpu.memory_space<hbm>> -> memref<64x128xi32, #tpu.memory_space<hbm>>
      %dma_wait3A_431 = arith.constant 0 : i32
      %dma_wait3A_432 = tpu.memref_slice %arg2[%mul3A_4, %dma_wait3A_431] : memref<2048x128xi32, #tpu.memory_space<hbm>> -> memref<64x128xi32, #tpu.memory_space<hbm>>
      tpu.wait_dma2 semaphore(%run_scoped3A : memref<!tpu.dma_semaphore, #tpu.memory_space<semaphore_mem>>) src(%dma_wait3A_432 : memref<64x128xi32, #tpu.memory_space<hbm>>) dst(%arg5 : memref<64x128xi32, #tpu.memory_space<vmem>>)
      tpu.yield
    }) : () -> ()
    %dma_start3A = arith.constant 0 : i32
    %dma_start3A_5 = arith.constant 0 : i32
    %dma_start3A_6 = arith.constant 0 : i32
    %dma_start3A_7 = arith.constant 0 : i32
    %dma_start3A_8 = tpu.memref_slice %arg6[%dma_start3A_5, %dma_start3A_6, %dma_start3A_7] : memref<8x100x128xf32, #tpu.memory_space<vmem>> -> memref<1x100x128xf32, #tpu.memory_space<vmem>>
    %dma_start3A_9 = tpu.memref_squeeze %dma_start3A_8 : memref<1x100x128xf32, #tpu.memory_space<vmem>> -> memref<100x128xf32, #tpu.memory_space<vmem>>
    %dma_start3A_10 = arith.constant 0 : i32
    %dma_start3A_11 = tpu.memref_slice %arg5[%dma_start3A, %dma_start3A_10] : memref<64x128xi32, #tpu.memory_space<vmem>> -> memref<1x100xi32, #tpu.memory_space<vmem>>
    %dma_start3A_12 = tpu.memref_squeeze %dma_start3A_11 : memref<1x100xi32, #tpu.memory_space<vmem>> -> memref<100xi32, #tpu.memory_space<vmem>>
    %dma_start3A_13 = arith.constant 0 : i32
    %dma_start3A_14 = arith.constant 0 : i32
    %dma_start3A_15 = tpu.memref_slice %arg3[%dma_start3A_13, %dma_start3A_14] : memref<100000x128xf32, #tpu.memory_space<hbm>> -> memref<100000x128xf32, #tpu.memory_space<hbm>>
    tpu.enqueue_indirect_dma source(%dma_start3A_15 : memref<100000x128xf32, #tpu.memory_space<hbm>>) target(%dma_start3A_9 : memref<100x128xf32, #tpu.memory_space<vmem>>) offsets(%dma_start3A_12 : memref<100xi32, #tpu.memory_space<vmem>>) semaphore(%arg7 : memref<!tpu.dma_semaphore, #tpu.memory_space<semaphore_mem>>)
    %dma_start3A_16 = arith.constant 1 : i32
    %dma_start3A_17 = arith.constant 1 : i32
    %dma_start3A_18 = arith.constant 0 : i32
    %dma_start3A_19 = arith.constant 0 : i32
    %dma_start3A_20 = tpu.memref_slice %arg6[%dma_start3A_17, %dma_start3A_18, %dma_start3A_19] : memref<8x100x128xf32, #tpu.memory_space<vmem>> -> memref<1x100x128xf32, #tpu.memory_space<vmem>>
    %dma_start3A_21 = tpu.memref_squeeze %dma_start3A_20 : memref<1x100x128xf32, #tpu.memory_space<vmem>> -> memref<100x128xf32, #tpu.memory_space<vmem>>
    %dma_start3A_22 = arith.constant 0 : i32
    %dma_start3A_23 = tpu.memref_slice %arg5[%dma_start3A_16, %dma_start3A_22] : memref<64x128xi32, #tpu.memory_space<vmem>> -> memref<1x100xi32, #tpu.memory_space<vmem>>
    %dma_start3A_24 = tpu.memref_squeeze %dma_start3A_23 : memref<1x100xi32, #tpu.memory_space<vmem>> -> memref<100xi32, #tpu.memory_space<vmem>>
    %dma_start3A_25 = arith.constant 0 : i32
    %dma_start3A_26 = arith.constant 0 : i32
    %dma_start3A_27 = tpu.memref_slice %arg3[%dma_start3A_25, %dma_start3A_26] : memref<100000x128xf32, #tpu.memory_space<hbm>> -> memref<100000x128xf32, #tpu.memory_space<hbm>>
    tpu.enqueue_indirect_dma source(%dma_start3A_27 : memref<100000x128xf32, #tpu.memory_space<hbm>>) target(%dma_start3A_21 : memref<100x128xf32, #tpu.memory_space<vmem>>) offsets(%dma_start3A_24 : memref<100xi32, #tpu.memory_space<vmem>>) semaphore(%arg7 : memref<!tpu.dma_semaphore, #tpu.memory_space<semaphore_mem>>)
    %dma_start3A_28 = arith.constant 2 : i32
    %dma_start3A_29 = arith.constant 2 : i32
    %dma_start3A_30 = arith.constant 0 : i32
    %dma_start3A_31 = arith.constant 0 : i32
    %dma_start3A_32 = tpu.memref_slice %arg6[%dma_start3A_29, %dma_start3A_30, %dma_start3A_31] : memref<8x100x128xf32, #tpu.memory_space<vmem>> -> memref<1x100x128xf32, #tpu.memory_space<vmem>>
    %dma_start3A_33 = tpu.memref_squeeze %dma_start3A_32 : memref<1x100x128xf32, #tpu.memory_space<vmem>> -> memref<100x128xf32, #tpu.memory_space<vmem>>
    %dma_start3A_34 = arith.constant 0 : i32
    %dma_start3A_35 = tpu.memref_slice %arg5[%dma_start3A_28, %dma_start3A_34] : memref<64x128xi32, #tpu.memory_space<vmem>> -> memref<1x100xi32, #tpu.memory_space<vmem>>
    %dma_start3A_36 = tpu.memref_squeeze %dma_start3A_35 : memref<1x100xi32, #tpu.memory_space<vmem>> -> memref<100xi32, #tpu.memory_space<vmem>>
    %dma_start3A_37 = arith.constant 0 : i32
    %dma_start3A_38 = arith.constant 0 : i32
    %dma_start3A_39 = tpu.memref_slice %arg3[%dma_start3A_37, %dma_start3A_38] : memref<100000x128xf32, #tpu.memory_space<hbm>> -> memref<100000x128xf32, #tpu.memory_space<hbm>>
    tpu.enqueue_indirect_dma source(%dma_start3A_39 : memref<100000x128xf32, #tpu.memory_space<hbm>>) target(%dma_start3A_33 : memref<100x128xf32, #tpu.memory_space<vmem>>) offsets(%dma_start3A_36 : memref<100xi32, #tpu.memory_space<vmem>>) semaphore(%arg7 : memref<!tpu.dma_semaphore, #tpu.memory_space<semaphore_mem>>)
    %dma_start3A_40 = arith.constant 3 : i32
    %dma_start3A_41 = arith.constant 3 : i32
    %dma_start3A_42 = arith.constant 0 : i32
    %dma_start3A_43 = arith.constant 0 : i32
    %dma_start3A_44 = tpu.memref_slice %arg6[%dma_start3A_41, %dma_start3A_42, %dma_start3A_43] : memref<8x100x128xf32, #tpu.memory_space<vmem>> -> memref<1x100x128xf32, #tpu.memory_space<vmem>>
    %dma_start3A_45 = tpu.memref_squeeze %dma_start3A_44 : memref<1x100x128xf32, #tpu.memory_space<vmem>> -> memref<100x128xf32, #tpu.memory_space<vmem>>
    %dma_start3A_46 = arith.constant 0 : i32
    %dma_start3A_47 = tpu.memref_slice %arg5[%dma_start3A_40, %dma_start3A_46] : memref<64x128xi32, #tpu.memory_space<vmem>> -> memref<1x100xi32, #tpu.memory_space<vmem>>
    %dma_start3A_48 = tpu.memref_squeeze %dma_start3A_47 : memref<1x100xi32, #tpu.memory_space<vmem>> -> memref<100xi32, #tpu.memory_space<vmem>>
    %dma_start3A_49 = arith.constant 0 : i32
    %dma_start3A_50 = arith.constant 0 : i32
    %dma_start3A_51 = tpu.memref_slice %arg3[%dma_start3A_49, %dma_start3A_50] : memref<100000x128xf32, #tpu.memory_space<hbm>> -> memref<100000x128xf32, #tpu.memory_space<hbm>>
    tpu.enqueue_indirect_dma source(%dma_start3A_51 : memref<100000x128xf32, #tpu.memory_space<hbm>>) target(%dma_start3A_45 : memref<100x128xf32, #tpu.memory_space<vmem>>) offsets(%dma_start3A_48 : memref<100xi32, #tpu.memory_space<vmem>>) semaphore(%arg7 : memref<!tpu.dma_semaphore, #tpu.memory_space<semaphore_mem>>)
    %dma_start3A_52 = arith.constant 4 : i32
    %dma_start3A_53 = arith.constant 4 : i32
    %dma_start3A_54 = arith.constant 0 : i32
    %dma_start3A_55 = arith.constant 0 : i32
    %dma_start3A_56 = tpu.memref_slice %arg6[%dma_start3A_53, %dma_start3A_54, %dma_start3A_55] : memref<8x100x128xf32, #tpu.memory_space<vmem>> -> memref<1x100x128xf32, #tpu.memory_space<vmem>>
    %dma_start3A_57 = tpu.memref_squeeze %dma_start3A_56 : memref<1x100x128xf32, #tpu.memory_space<vmem>> -> memref<100x128xf32, #tpu.memory_space<vmem>>
    %dma_start3A_58 = arith.constant 0 : i32
    %dma_start3A_59 = tpu.memref_slice %arg5[%dma_start3A_52, %dma_start3A_58] : memref<64x128xi32, #tpu.memory_space<vmem>> -> memref<1x100xi32, #tpu.memory_space<vmem>>
    %dma_start3A_60 = tpu.memref_squeeze %dma_start3A_59 : memref<1x100xi32, #tpu.memory_space<vmem>> -> memref<100xi32, #tpu.memory_space<vmem>>
    %dma_start3A_61 = arith.constant 0 : i32
    %dma_start3A_62 = arith.constant 0 : i32
    %dma_start3A_63 = tpu.memref_slice %arg3[%dma_start3A_61, %dma_start3A_62] : memref<100000x128xf32, #tpu.memory_space<hbm>> -> memref<100000x128xf32, #tpu.memory_space<hbm>>
    tpu.enqueue_indirect_dma source(%dma_start3A_63 : memref<100000x128xf32, #tpu.memory_space<hbm>>) target(%dma_start3A_57 : memref<100x128xf32, #tpu.memory_space<vmem>>) offsets(%dma_start3A_60 : memref<100xi32, #tpu.memory_space<vmem>>) semaphore(%arg7 : memref<!tpu.dma_semaphore, #tpu.memory_space<semaphore_mem>>)
    %dma_start3A_64 = arith.constant 5 : i32
    %dma_start3A_65 = arith.constant 5 : i32
    %dma_start3A_66 = arith.constant 0 : i32
    %dma_start3A_67 = arith.constant 0 : i32
    %dma_start3A_68 = tpu.memref_slice %arg6[%dma_start3A_65, %dma_start3A_66, %dma_start3A_67] : memref<8x100x128xf32, #tpu.memory_space<vmem>> -> memref<1x100x128xf32, #tpu.memory_space<vmem>>
    %dma_start3A_69 = tpu.memref_squeeze %dma_start3A_68 : memref<1x100x128xf32, #tpu.memory_space<vmem>> -> memref<100x128xf32, #tpu.memory_space<vmem>>
    %dma_start3A_70 = arith.constant 0 : i32
    %dma_start3A_71 = tpu.memref_slice %arg5[%dma_start3A_64, %dma_start3A_70] : memref<64x128xi32, #tpu.memory_space<vmem>> -> memref<1x100xi32, #tpu.memory_space<vmem>>
    %dma_start3A_72 = tpu.memref_squeeze %dma_start3A_71 : memref<1x100xi32, #tpu.memory_space<vmem>> -> memref<100xi32, #tpu.memory_space<vmem>>
    %dma_start3A_73 = arith.constant 0 : i32
    %dma_start3A_74 = arith.constant 0 : i32
    %dma_start3A_75 = tpu.memref_slice %arg3[%dma_start3A_73, %dma_start3A_74] : memref<100000x128xf32, #tpu.memory_space<hbm>> -> memref<100000x128xf32, #tpu.memory_space<hbm>>
    tpu.enqueue_indirect_dma source(%dma_start3A_75 : memref<100000x128xf32, #tpu.memory_space<hbm>>) target(%dma_start3A_69 : memref<100x128xf32, #tpu.memory_space<vmem>>) offsets(%dma_start3A_72 : memref<100xi32, #tpu.memory_space<vmem>>) semaphore(%arg7 : memref<!tpu.dma_semaphore, #tpu.memory_space<semaphore_mem>>)
    %dma_start3A_76 = arith.constant 6 : i32
    %dma_start3A_77 = arith.constant 6 : i32
    %dma_start3A_78 = arith.constant 0 : i32
    %dma_start3A_79 = arith.constant 0 : i32
    %dma_start3A_80 = tpu.memref_slice %arg6[%dma_start3A_77, %dma_start3A_78, %dma_start3A_79] : memref<8x100x128xf32, #tpu.memory_space<vmem>> -> memref<1x100x128xf32, #tpu.memory_space<vmem>>
    %dma_start3A_81 = tpu.memref_squeeze %dma_start3A_80 : memref<1x100x128xf32, #tpu.memory_space<vmem>> -> memref<100x128xf32, #tpu.memory_space<vmem>>
    %dma_start3A_82 = arith.constant 0 : i32
    %dma_start3A_83 = tpu.memref_slice %arg5[%dma_start3A_76, %dma_start3A_82] : memref<64x128xi32, #tpu.memory_space<vmem>> -> memref<1x100xi32, #tpu.memory_space<vmem>>
    %dma_start3A_84 = tpu.memref_squeeze %dma_start3A_83 : memref<1x100xi32, #tpu.memory_space<vmem>> -> memref<100xi32, #tpu.memory_space<vmem>>
    %dma_start3A_85 = arith.constant 0 : i32
    %dma_start3A_86 = arith.constant 0 : i32
    %dma_start3A_87 = tpu.memref_slice %arg3[%dma_start3A_85, %dma_start3A_86] : memref<100000x128xf32, #tpu.memory_space<hbm>> -> memref<100000x128xf32, #tpu.memory_space<hbm>>
    tpu.enqueue_indirect_dma source(%dma_start3A_87 : memref<100000x128xf32, #tpu.memory_space<hbm>>) target(%dma_start3A_81 : memref<100x128xf32, #tpu.memory_space<vmem>>) offsets(%dma_start3A_84 : memref<100xi32, #tpu.memory_space<vmem>>) semaphore(%arg7 : memref<!tpu.dma_semaphore, #tpu.memory_space<semaphore_mem>>)
    %dma_start3A_88 = arith.constant 7 : i32
    %dma_start3A_89 = arith.constant 7 : i32
    %dma_start3A_90 = arith.constant 0 : i32
    %dma_start3A_91 = arith.constant 0 : i32
    %dma_start3A_92 = tpu.memref_slice %arg6[%dma_start3A_89, %dma_start3A_90, %dma_start3A_91] : memref<8x100x128xf32, #tpu.memory_space<vmem>> -> memref<1x100x128xf32, #tpu.memory_space<vmem>>
    %dma_start3A_93 = tpu.memref_squeeze %dma_start3A_92 : memref<1x100x128xf32, #tpu.memory_space<vmem>> -> memref<100x128xf32, #tpu.memory_space<vmem>>
    %dma_start3A_94 = arith.constant 0 : i32
    %dma_start3A_95 = tpu.memref_slice %arg5[%dma_start3A_88, %dma_start3A_94] : memref<64x128xi32, #tpu.memory_space<vmem>> -> memref<1x100xi32, #tpu.memory_space<vmem>>
    %dma_start3A_96 = tpu.memref_squeeze %dma_start3A_95 : memref<1x100xi32, #tpu.memory_space<vmem>> -> memref<100xi32, #tpu.memory_space<vmem>>
    %dma_start3A_97 = arith.constant 0 : i32
    %dma_start3A_98 = arith.constant 0 : i32
    %dma_start3A_99 = tpu.memref_slice %arg3[%dma_start3A_97, %dma_start3A_98] : memref<100000x128xf32, #tpu.memory_space<hbm>> -> memref<100000x128xf32, #tpu.memory_space<hbm>>
    tpu.enqueue_indirect_dma source(%dma_start3A_99 : memref<100000x128xf32, #tpu.memory_space<hbm>>) target(%dma_start3A_93 : memref<100x128xf32, #tpu.memory_space<vmem>>) offsets(%dma_start3A_96 : memref<100xi32, #tpu.memory_space<vmem>>) semaphore(%arg7 : memref<!tpu.dma_semaphore, #tpu.memory_space<semaphore_mem>>)
    %scan3A = arith.constant 0 : i32
    %scan3A_100 = arith.constant 0 : i32
    %scan3A_101 = arith.constant 8 : i32
    %scan3A_102 = arith.addi %scan3A_100, %scan3A_101 : i32
    %scan3A_103 = arith.constant 1 : i32
    %scan3A_104 = scf.for %scan3A_425 = %scan3A_100 to %scan3A_102 step %scan3A_103 iter_args(%scan3A_426 = %scan3A) -> (i32)  : i32 {
      %mul3A_427 = arith.constant 8 : i32
      %mul3A_428 = arith.muli %scan3A_425, %mul3A_427 : i32
      %add3A_429 = arith.constant 0 : i32
      %add3A_430 = arith.addi %mul3A_428, %add3A_429 : i32
      %dma_wait3A_431 = arith.constant 0 : i32
      %dma_wait3A_432 = arith.constant 0 : i32
      %dma_wait3A_433 = arith.constant 0 : i32
      %dma_wait3A_434 = tpu.memref_slice %arg6[%dma_wait3A_431, %dma_wait3A_432, %dma_wait3A_433] : memref<8x100x128xf32, #tpu.memory_space<vmem>> -> memref<1x100x128xf32, #tpu.memory_space<vmem>>
      %dma_wait3A_435 = tpu.memref_squeeze %dma_wait3A_434 : memref<1x100x128xf32, #tpu.memory_space<vmem>> -> memref<100x128xf32, #tpu.memory_space<vmem>>
      %dma_wait3A_436 = arith.constant 0 : i32
      %dma_wait3A_437 = tpu.memref_slice %arg5[%add3A_430, %dma_wait3A_436] : memref<64x128xi32, #tpu.memory_space<vmem>> -> memref<1x100xi32, #tpu.memory_space<vmem>>
      %dma_wait3A_438 = tpu.memref_squeeze %dma_wait3A_437 : memref<1x100xi32, #tpu.memory_space<vmem>> -> memref<100xi32, #tpu.memory_space<vmem>>
      %dma_wait3A_439 = arith.constant 0 : i32
      %dma_wait3A_440 = arith.constant 0 : i32
      %dma_wait3A_441 = tpu.memref_slice %arg3[%dma_wait3A_439, %dma_wait3A_440] : memref<100000x128xf32, #tpu.memory_space<hbm>> -> memref<100000x128xf32, #tpu.memory_space<hbm>>
      tpu.wait_indirect_dma semaphore(%arg7 : memref<!tpu.dma_semaphore, #tpu.memory_space<semaphore_mem>>) src(%dma_wait3A_441 : memref<100000x128xf32, #tpu.memory_space<hbm>>) dst(%dma_wait3A_435 : memref<100x128xf32, #tpu.memory_space<vmem>>)
      %parallel_loop3A = arith.constant 0 : i32
      %parallel_loop3A_442 = arith.constant 100 : i32
      %parallel_loop3A_443 = arith.constant 1 : i32
      %parallel_loop3A_444 = arith.constant 0 : i32
      scf.for %parallel_loop3A_968 = %parallel_loop3A to %parallel_loop3A_442 step %parallel_loop3A_443  : i32 {
        %parallel_loop3A_969 = arith.constant 0 : i32
        %parallel_loop3A_970 = arith.constant 0 : i32
        %parallel_loop3A_971 = tpu.memref_slice %arg6[%parallel_loop3A_444, %parallel_loop3A_969, %parallel_loop3A_970] : memref<8x100x128xf32, #tpu.memory_space<vmem>> -> memref<1x100x128xf32, #tpu.memory_space<vmem>>
        %parallel_loop3A_972 = tpu.memref_squeeze %parallel_loop3A_971 : memref<1x100x128xf32, #tpu.memory_space<vmem>> -> memref<100x128xf32, #tpu.memory_space<vmem>>
        %parallel_loop3A_973 = arith.index_cast %parallel_loop3A_968 : i32 to index
        %parallel_loop3A_974 = arith.constant 0 : index
        %parallel_loop3A_975 = tpu.vector_load %parallel_loop3A_972[%parallel_loop3A_973, %parallel_loop3A_974] {strides = array<i32>} : memref<100x128xf32, #tpu.memory_space<vmem>>, vector<1x16xf32>,
        %parallel_loop3A_976 = vector.shape_cast %parallel_loop3A_975 : vector<1x16xf32> to vector<16xf32>
        %parallel_loop3A_977 = arith.constant 11.3137083 : f32
        %parallel_loop3A_978 = vector.broadcast %parallel_loop3A_977 : f32 to vector<16xf32>
        %parallel_loop3A_979 = arith.mulf %parallel_loop3A_976, %parallel_loop3A_978 : vector<16xf32>
        %parallel_loop3A_980 = arith.constant 0 : i32
        %parallel_loop3A_981 = arith.constant 0 : i32
        %parallel_loop3A_982 = tpu.memref_slice %arg6[%parallel_loop3A_444, %parallel_loop3A_980, %parallel_loop3A_981] : memref<8x100x128xf32, #tpu.memory_space<vmem>> -> memref<1x100x128xf32, #tpu.memory_space<vmem>>
        %parallel_loop3A_983 = tpu.memref_squeeze %parallel_loop3A_982 : memref<1x100x128xf32, #tpu.memory_space<vmem>> -> memref<100x128xf32, #tpu.memory_space<vmem>>
        %parallel_loop3A_984 = arith.index_cast %parallel_loop3A_968 : i32 to index
        %parallel_loop3A_985 = arith.constant 0 : index
        %parallel_loop3A_986 = tpu.vector_load %parallel_loop3A_983[%parallel_loop3A_984, %parallel_loop3A_985] {strides = array<i32>} : memref<100x128xf32, #tpu.memory_space<vmem>>, vector<1x16xf32>,
        %parallel_loop3A_987 = vector.shape_cast %parallel_loop3A_986 : vector<1x16xf32> to vector<16xf32>
        %parallel_loop3A_988 = vector.shape_cast %parallel_loop3A_979 : vector<16xf32> to vector<1x16xf32>
        tpu.vector_store %parallel_loop3A_983[%parallel_loop3A_984, %parallel_loop3A_985], %parallel_loop3A_988 {strides = array<i32>} : memref<100x128xf32, #tpu.memory_space<vmem>>, vector<1x16xf32>,
        %parallel_loop3A_989 = arith.constant 0 : i32
        %parallel_loop3A_990 = arith.constant 0 : i32
        %parallel_loop3A_991 = tpu.memref_slice %arg6[%parallel_loop3A_444, %parallel_loop3A_989, %parallel_loop3A_990] : memref<8x100x128xf32, #tpu.memory_space<vmem>> -> memref<1x100x128xf32, #tpu.memory_space<vmem>>
        %parallel_loop3A_992 = tpu.memref_squeeze %parallel_loop3A_991 : memref<1x100x128xf32, #tpu.memory_space<vmem>> -> memref<100x128xf32, #tpu.memory_space<vmem>>
        %parallel_loop3A_993 = arith.index_cast %parallel_loop3A_968 : i32 to index
        %parallel_loop3A_994 = arith.constant 16 : index
        %parallel_loop3A_995 = tpu.vector_load %parallel_loop3A_992[%parallel_loop3A_993, %parallel_loop3A_994] {strides = array<i32>} : memref<100x128xf32, #tpu.memory_space<vmem>>, vector<1x16xf32>,
        %parallel_loop3A_996 = vector.shape_cast %parallel_loop3A_995 : vector<1x16xf32> to vector<16xf32>
        %parallel_loop3A_997 = arith.constant 11.3137083 : f32
        %parallel_loop3A_998 = vector.broadcast %parallel_loop3A_997 : f32 to vector<16xf32>
        %parallel_loop3A_999 = arith.mulf %parallel_loop3A_996, %parallel_loop3A_998 : vector<16xf32>
        %parallel_loop3A_1000 = arith.constant 0 : i32
        %parallel_loop3A_1001 = arith.constant 0 : i32
        %parallel_loop3A_1002 = tpu.memref_slice %arg6[%parallel_loop3A_444, %parallel_loop3A_1000, %parallel_loop3A_1001] : memref<8x100x128xf32, #tpu.memory_space<vmem>> -> memref<1x100x128xf32, #tpu.memory_space<vmem>>
        %parallel_loop3A_1003 = tpu.memref_squeeze %parallel_loop3A_1002 : memref<1x100x128xf32, #tpu.memory_space<vmem>> -> memref<100x128xf32, #tpu.memory_space<vmem>>
        %parallel_loop3A_1004 = arith.index_cast %parallel_loop3A_968 : i32 to index
        %parallel_loop3A_1005 = arith.constant 16 : index
        %parallel_loop3A_1006 = tpu.vector_load %parallel_loop3A_1003[%parallel_loop3A_1004, %parallel_loop3A_1005] {strides = array<i32>} : memref<100x128xf32, #tpu.memory_space<vmem>>, vector<1x16xf32>,
        %parallel_loop3A_1007 = vector.shape_cast %parallel_loop3A_1006 : vector<1x16xf32> to vector<16xf32>
        %parallel_loop3A_1008 = vector.shape_cast %parallel_loop3A_999 : vector<16xf32> to vector<1x16xf32>
        tpu.vector_store %parallel_loop3A_1003[%parallel_loop3A_1004, %parallel_loop3A_1005], %parallel_loop3A_1008 {strides = array<i32>} : memref<100x128xf32, #tpu.memory_space<vmem>>, vector<1x16xf32>,
        %parallel_loop3A_1009 = arith.constant 0 : i32
        %parallel_loop3A_1010 = arith.constant 0 : i32
        %parallel_loop3A_1011 = tpu.memref_slice %arg6[%parallel_loop3A_444, %parallel_loop3A_1009, %parallel_loop3A_1010] : memref<8x100x128xf32, #tpu.memory_space<vmem>> -> memref<1x100x128xf32, #tpu.memory_space<vmem>>
        %parallel_loop3A_1012 = tpu.memref_squeeze %parallel_loop3A_1011 : memref<1x100x128xf32, #tpu.memory_space<vmem>> -> memref<100x128xf32, #tpu.memory_space<vmem>>
        %parallel_loop3A_1013 = arith.index_cast %parallel_loop3A_968 : i32 to index
        %parallel_loop3A_1014 = arith.constant 32 : index
        %parallel_loop3A_1015 = tpu.vector_load %parallel_loop3A_1012[%parallel_loop3A_1013, %parallel_loop3A_1014] {strides = array<i32>} : memref<100x128xf32, #tpu.memory_space<vmem>>, vector<1x16xf32>,
        %parallel_loop3A_1016 = vector.shape_cast %parallel_loop3A_1015 : vector<1x16xf32> to vector<16xf32>
        %parallel_loop3A_1017 = arith.constant 11.3137083 : f32
        %parallel_loop3A_1018 = vector.broadcast %parallel_loop3A_1017 : f32 to vector<16xf32>
        %parallel_loop3A_1019 = arith.mulf %parallel_loop3A_1016, %parallel_loop3A_1018 : vector<16xf32>
        %parallel_loop3A_1020 = arith.constant 0 : i32
        %parallel_loop3A_1021 = arith.constant 0 : i32
        %parallel_loop3A_1022 = tpu.memref_slice %arg6[%parallel_loop3A_444, %parallel_loop3A_1020, %parallel_loop3A_1021] : memref<8x100x128xf32, #tpu.memory_space<vmem>> -> memref<1x100x128xf32, #tpu.memory_space<vmem>>
        %parallel_loop3A_1023 = tpu.memref_squeeze %parallel_loop3A_1022 : memref<1x100x128xf32, #tpu.memory_space<vmem>> -> memref<100x128xf32, #tpu.memory_space<vmem>>
        %parallel_loop3A_1024 = arith.index_cast %parallel_loop3A_968 : i32 to index
        %parallel_loop3A_1025 = arith.constant 32 : index
        %parallel_loop3A_1026 = tpu.vector_load %parallel_loop3A_1023[%parallel_loop3A_1024, %parallel_loop3A_1025] {strides = array<i32>} : memref<100x128xf32, #tpu.memory_space<vmem>>, vector<1x16xf32>,
        %parallel_loop3A_1027 = vector.shape_cast %parallel_loop3A_1026 : vector<1x16xf32> to vector<16xf32>
        %parallel_loop3A_1028 = vector.shape_cast %parallel_loop3A_1019 : vector<16xf32> to vector<1x16xf32>
        tpu.vector_store %parallel_loop3A_1023[%parallel_loop3A_1024, %parallel_loop3A_1025], %parallel_loop3A_1028 {strides = array<i32>} : memref<100x128xf32, #tpu.memory_space<vmem>>, vector<1x16xf32>,
        %parallel_loop3A_1029 = arith.constant 0 : i32
        %parallel_loop3A_1030 = arith.constant 0 : i32
        %parallel_loop3A_1031 = tpu.memref_slice %arg6[%parallel_loop3A_444, %parallel_loop3A_1029, %parallel_loop3A_1030] : memref<8x100x128xf32, #tpu.memory_space<vmem>> -> memref<1x100x128xf32, #tpu.memory_space<vmem>>
        %parallel_loop3A_1032 = tpu.memref_squeeze %parallel_loop3A_1031 : memref<1x100x128xf32, #tpu.memory_space<vmem>> -> memref<100x128xf32, #tpu.memory_space<vmem>>
        %parallel_loop3A_1033 = arith.index_cast %parallel_loop3A_968 : i32 to index
        %parallel_loop3A_1034 = arith.constant 48 : index
        %parallel_loop3A_1035 = tpu.vector_load %parallel_loop3A_1032[%parallel_loop3A_1033, %parallel_loop3A_1034] {strides = array<i32>} : memref<100x128xf32, #tpu.memory_space<vmem>>, vector<1x16xf32>,
        %parallel_loop3A_1036 = vector.shape_cast %parallel_loop3A_1035 : vector<1x16xf32> to vector<16xf32>
        %parallel_loop3A_1037 = arith.constant 11.3137083 : f32
        %parallel_loop3A_1038 = vector.broadcast %parallel_loop3A_1037 : f32 to vector<16xf32>
        %parallel_loop3A_1039 = arith.mulf %parallel_loop3A_1036, %parallel_loop3A_1038 : vector<16xf32>
        %parallel_loop3A_1040 = arith.constant 0 : i32
        %parallel_loop3A_1041 = arith.constant 0 : i32
        %parallel_loop3A_1042 = tpu.memref_slice %arg6[%parallel_loop3A_444, %parallel_loop3A_1040, %parallel_loop3A_1041] : memref<8x100x128xf32, #tpu.memory_space<vmem>> -> memref<1x100x128xf32, #tpu.memory_space<vmem>>
        %parallel_loop3A_1043 = tpu.memref_squeeze %parallel_loop3A_1042 : memref<1x100x128xf32, #tpu.memory_space<vmem>> -> memref<100x128xf32, #tpu.memory_space<vmem>>
        %parallel_loop3A_1044 = arith.index_cast %parallel_loop3A_968 : i32 to index
        %parallel_loop3A_1045 = arith.constant 48 : index
        %parallel_loop3A_1046 = tpu.vector_load %parallel_loop3A_1043[%parallel_loop3A_1044, %parallel_loop3A_1045] {strides = array<i32>} : memref<100x128xf32, #tpu.memory_space<vmem>>, vector<1x16xf32>,
        %parallel_loop3A_1047 = vector.shape_cast %parallel_loop3A_1046 : vector<1x16xf32> to vector<16xf32>
        %parallel_loop3A_1048 = vector.shape_cast %parallel_loop3A_1039 : vector<16xf32> to vector<1x16xf32>
        tpu.vector_store %parallel_loop3A_1043[%parallel_loop3A_1044, %parallel_loop3A_1045], %parallel_loop3A_1048 {strides = array<i32>} : memref<100x128xf32, #tpu.memory_space<vmem>>, vector<1x16xf32>,
        %parallel_loop3A_1049 = arith.constant 0 : i32
        %parallel_loop3A_1050 = arith.constant 0 : i32
        %parallel_loop3A_1051 = tpu.memref_slice %arg6[%parallel_loop3A_444, %parallel_loop3A_1049, %parallel_loop3A_1050] : memref<8x100x128xf32, #tpu.memory_space<vmem>> -> memref<1x100x128xf32, #tpu.memory_space<vmem>>
        %parallel_loop3A_1052 = tpu.memref_squeeze %parallel_loop3A_1051 : memref<1x100x128xf32, #tpu.memory_space<vmem>> -> memref<100x128xf32, #tpu.memory_space<vmem>>
        %parallel_loop3A_1053 = arith.index_cast %parallel_loop3A_968 : i32 to index
        %parallel_loop3A_1054 = arith.constant 64 : index
        %parallel_loop3A_1055 = tpu.vector_load %parallel_loop3A_1052[%parallel_loop3A_1053, %parallel_loop3A_1054] {strides = array<i32>} : memref<100x128xf32, #tpu.memory_space<vmem>>, vector<1x16xf32>,
        %parallel_loop3A_1056 = vector.shape_cast %parallel_loop3A_1055 : vector<1x16xf32> to vector<16xf32>
        %parallel_loop3A_1057 = arith.constant 11.3137083 : f32
        %parallel_loop3A_1058 = vector.broadcast %parallel_loop3A_1057 : f32 to vector<16xf32>
        %parallel_loop3A_1059 = arith.mulf %parallel_loop3A_1056, %parallel_loop3A_1058 : vector<16xf32>
        %parallel_loop3A_1060 = arith.constant 0 : i32
        %parallel_loop3A_1061 = arith.constant 0 : i32
        %parallel_loop3A_1062 = tpu.memref_slice %arg6[%parallel_loop3A_444, %parallel_loop3A_1060, %parallel_loop3A_1061] : memref<8x100x128xf32, #tpu.memory_space<vmem>> -> memref<1x100x128xf32, #tpu.memory_space<vmem>>
        %parallel_loop3A_1063 = tpu.memref_squeeze %parallel_loop3A_1062 : memref<1x100x128xf32, #tpu.memory_space<vmem>> -> memref<100x128xf32, #tpu.memory_space<vmem>>
        %parallel_loop3A_1064 = arith.index_cast %parallel_loop3A_968 : i32 to index
        %parallel_loop3A_1065 = arith.constant 64 : index
        %parallel_loop3A_1066 = tpu.vector_load %parallel_loop3A_1063[%parallel_loop3A_1064, %parallel_loop3A_1065] {strides = array<i32>} : memref<100x128xf32, #tpu.memory_space<vmem>>, vector<1x16xf32>,
        %parallel_loop3A_1067 = vector.shape_cast %parallel_loop3A_1066 : vector<1x16xf32> to vector<16xf32>
        %parallel_loop3A_1068 = vector.shape_cast %parallel_loop3A_1059 : vector<16xf32> to vector<1x16xf32>
        tpu.vector_store %parallel_loop3A_1063[%parallel_loop3A_1064, %parallel_loop3A_1065], %parallel_loop3A_1068 {strides = array<i32>} : memref<100x128xf32, #tpu.memory_space<vmem>>, vector<1x16xf32>,
        %parallel_loop3A_1069 = arith.constant 0 : i32
        %parallel_loop3A_1070 = arith.constant 0 : i32
        %parallel_loop3A_1071 = tpu.memref_slice %arg6[%parallel_loop3A_444, %parallel_loop3A_1069, %parallel_loop3A_1070] : memref<8x100x128xf32, #tpu.memory_space<vmem>> -> memref<1x100x128xf32, #tpu.memory_space<vmem>>
        %parallel_loop3A_1072 = tpu.memref_squeeze %parallel_loop3A_1071 : memref<1x100x128xf32, #tpu.memory_space<vmem>> -> memref<100x128xf32, #tpu.memory_space<vmem>>
        %parallel_loop3A_1073 = arith.index_cast %parallel_loop3A_968 : i32 to index
        %parallel_loop3A_1074 = arith.constant 80 : index
        %parallel_loop3A_1075 = tpu.vector_load %parallel_loop3A_1072[%parallel_loop3A_1073, %parallel_loop3A_1074] {strides = array<i32>} : memref<100x128xf32, #tpu.memory_space<vmem>>, vector<1x16xf32>,
        %parallel_loop3A_1076 = vector.shape_cast %parallel_loop3A_1075 : vector<1x16xf32> to vector<16xf32>
        %parallel_loop3A_1077 = arith.constant 11.3137083 : f32
        %parallel_loop3A_1078 = vector.broadcast %parallel_loop3A_1077 : f32 to vector<16xf32>
        %parallel_loop3A_1079 = arith.mulf %parallel_loop3A_1076, %parallel_loop3A_1078 : vector<16xf32>
        %parallel_loop3A_1080 = arith.constant 0 : i32
        %parallel_loop3A_1081 = arith.constant 0 : i32
        %parallel_loop3A_1082 = tpu.memref_slice %arg6[%parallel_loop3A_444, %parallel_loop3A_1080, %parallel_loop3A_1081] : memref<8x100x128xf32, #tpu.memory_space<vmem>> -> memref<1x100x128xf32, #tpu.memory_space<vmem>>
        %parallel_loop3A_1083 = tpu.memref_squeeze %parallel_loop3A_1082 : memref<1x100x128xf32, #tpu.memory_space<vmem>> -> memref<100x128xf32, #tpu.memory_space<vmem>>
        %parallel_loop3A_1084 = arith.index_cast %parallel_loop3A_968 : i32 to index
        %parallel_loop3A_1085 = arith.constant 80 : index
        %parallel_loop3A_1086 = tpu.vector_load %parallel_loop3A_1083[%parallel_loop3A_1084, %parallel_loop3A_1085] {strides = array<i32>} : memref<100x128xf32, #tpu.memory_space<vmem>>, vector<1x16xf32>,
        %parallel_loop3A_1087 = vector.shape_cast %parallel_loop3A_1086 : vector<1x16xf32> to vector<16xf32>
        %parallel_loop3A_1088 = vector.shape_cast %parallel_loop3A_1079 : vector<16xf32> to vector<1x16xf32>
        tpu.vector_store %parallel_loop3A_1083[%parallel_loop3A_1084, %parallel_loop3A_1085], %parallel_loop3A_1088 {strides = array<i32>} : memref<100x128xf32, #tpu.memory_space<vmem>>, vector<1x16xf32>,
        %parallel_loop3A_1089 = arith.constant 0 : i32
        %parallel_loop3A_1090 = arith.constant 0 : i32
        %parallel_loop3A_1091 = tpu.memref_slice %arg6[%parallel_loop3A_444, %parallel_loop3A_1089, %parallel_loop3A_1090] : memref<8x100x128xf32, #tpu.memory_space<vmem>> -> memref<1x100x128xf32, #tpu.memory_space<vmem>>
        %parallel_loop3A_1092 = tpu.memref_squeeze %parallel_loop3A_1091 : memref<1x100x128xf32, #tpu.memory_space<vmem>> -> memref<100x128xf32, #tpu.memory_space<vmem>>
        %parallel_loop3A_1093 = arith.index_cast %parallel_loop3A_968 : i32 to index
        %parallel_loop3A_1094 = arith.constant 96 : index
        %parallel_loop3A_1095 = tpu.vector_load %parallel_loop3A_1092[%parallel_loop3A_1093, %parallel_loop3A_1094] {strides = array<i32>} : memref<100x128xf32, #tpu.memory_space<vmem>>, vector<1x16xf32>,
        %parallel_loop3A_1096 = vector.shape_cast %parallel_loop3A_1095 : vector<1x16xf32> to vector<16xf32>
        %parallel_loop3A_1097 = arith.constant 11.3137083 : f32
        %parallel_loop3A_1098 = vector.broadcast %parallel_loop3A_1097 : f32 to vector<16xf32>
        %parallel_loop3A_1099 = arith.mulf %parallel_loop3A_1096, %parallel_loop3A_1098 : vector<16xf32>
        %parallel_loop3A_1100 = arith.constant 0 : i32
        %parallel_loop3A_1101 = arith.constant 0 : i32
        %parallel_loop3A_1102 = tpu.memref_slice %arg6[%parallel_loop3A_444, %parallel_loop3A_1100, %parallel_loop3A_1101] : memref<8x100x128xf32, #tpu.memory_space<vmem>> -> memref<1x100x128xf32, #tpu.memory_space<vmem>>
        %parallel_loop3A_1103 = tpu.memref_squeeze %parallel_loop3A_1102 : memref<1x100x128xf32, #tpu.memory_space<vmem>> -> memref<100x128xf32, #tpu.memory_space<vmem>>
        %parallel_loop3A_1104 = arith.index_cast %parallel_loop3A_968 : i32 to index
        %parallel_loop3A_1105 = arith.constant 96 : index
        %parallel_loop3A_1106 = tpu.vector_load %parallel_loop3A_1103[%parallel_loop3A_1104, %parallel_loop3A_1105] {strides = array<i32>} : memref<100x128xf32, #tpu.memory_space<vmem>>, vector<1x16xf32>,
        %parallel_loop3A_1107 = vector.shape_cast %parallel_loop3A_1106 : vector<1x16xf32> to vector<16xf32>
        %parallel_loop3A_1108 = vector.shape_cast %parallel_loop3A_1099 : vector<16xf32> to vector<1x16xf32>
        tpu.vector_store %parallel_loop3A_1103[%parallel_loop3A_1104, %parallel_loop3A_1105], %parallel_loop3A_1108 {strides = array<i32>} : memref<100x128xf32, #tpu.memory_space<vmem>>, vector<1x16xf32>,
        %parallel_loop3A_1109 = arith.constant 0 : i32
        %parallel_loop3A_1110 = arith.constant 0 : i32
        %parallel_loop3A_1111 = tpu.memref_slice %arg6[%parallel_loop3A_444, %parallel_loop3A_1109, %parallel_loop3A_1110] : memref<8x100x128xf32, #tpu.memory_space<vmem>> -> memref<1x100x128xf32, #tpu.memory_space<vmem>>
        %parallel_loop3A_1112 = tpu.memref_squeeze %parallel_loop3A_1111 : memref<1x100x128xf32, #tpu.memory_space<vmem>> -> memref<100x128xf32, #tpu.memory_space<vmem>>
        %parallel_loop3A_1113 = arith.index_cast %parallel_loop3A_968 : i32 to index
        %parallel_loop3A_1114 = arith.constant 112 : index
        %parallel_loop3A_1115 = tpu.vector_load %parallel_loop3A_1112[%parallel_loop3A_1113, %parallel_loop3A_1114] {strides = array<i32>} : memref<100x128xf32, #tpu.memory_space<vmem>>, vector<1x16xf32>,
        %parallel_loop3A_1116 = vector.shape_cast %parallel_loop3A_1115 : vector<1x16xf32> to vector<16xf32>
        %parallel_loop3A_1117 = arith.constant 11.3137083 : f32
        %parallel_loop3A_1118 = vector.broadcast %parallel_loop3A_1117 : f32 to vector<16xf32>
        %parallel_loop3A_1119 = arith.mulf %parallel_loop3A_1116, %parallel_loop3A_1118 : vector<16xf32>
        %parallel_loop3A_1120 = arith.constant 0 : i32
        %parallel_loop3A_1121 = arith.constant 0 : i32
        %parallel_loop3A_1122 = tpu.memref_slice %arg6[%parallel_loop3A_444, %parallel_loop3A_1120, %parallel_loop3A_1121] : memref<8x100x128xf32, #tpu.memory_space<vmem>> -> memref<1x100x128xf32, #tpu.memory_space<vmem>>
        %parallel_loop3A_1123 = tpu.memref_squeeze %parallel_loop3A_1122 : memref<1x100x128xf32, #tpu.memory_space<vmem>> -> memref<100x128xf32, #tpu.memory_space<vmem>>
        %parallel_loop3A_1124 = arith.index_cast %parallel_loop3A_968 : i32 to index
        %parallel_loop3A_1125 = arith.constant 112 : index
        %parallel_loop3A_1126 = tpu.vector_load %parallel_loop3A_1123[%parallel_loop3A_1124, %parallel_loop3A_1125] {strides = array<i32>} : memref<100x128xf32, #tpu.memory_space<vmem>>, vector<1x16xf32>,
        %parallel_loop3A_1127 = vector.shape_cast %parallel_loop3A_1126 : vector<1x16xf32> to vector<16xf32>
        %parallel_loop3A_1128 = vector.shape_cast %parallel_loop3A_1119 : vector<16xf32> to vector<1x16xf32>
        tpu.vector_store %parallel_loop3A_1123[%parallel_loop3A_1124, %parallel_loop3A_1125], %parallel_loop3A_1128 {strides = array<i32>} : memref<100x128xf32, #tpu.memory_space<vmem>>, vector<1x16xf32>,
      } {sc.loop_unroll_factor = 4 : i64, sc.parallel_access}
      %mul3A_445 = arith.constant 2 : i32
      %mul3A_446 = arith.muli %mul3A_445, %add3A_430 : i32
      %add3A_447 = arith.addi %mul3A_2, %mul3A_446 : i32
      %dma_start3A_448 = arith.constant 0 : i32
      %dma_start3A_449 = arith.constant 0 : i32
      %dma_start3A_450 = arith.constant 0 : i32
      %dma_start3A_451 = tpu.memref_slice %arg6[%dma_start3A_448, %dma_start3A_449, %dma_start3A_450] : memref<8x100x128xf32, #tpu.memory_space<vmem>> -> memref<1x50x128xf32, #tpu.memory_space<vmem>>
      %dma_start3A_452 = tpu.memref_squeeze %dma_start3A_451 : memref<1x50x128xf32, #tpu.memory_space<vmem>> -> memref<50x128xf32, #tpu.memory_space<vmem>>
      %dma_start3A_453 = arith.constant 0 : i32
      %dma_start3A_454 = arith.constant 0 : i32
      %dma_start3A_455 = tpu.memref_slice %arg4[%add3A_447, %dma_start3A_453, %dma_start3A_454] : memref<4096x50x128xf32, #tpu.memory_space<hbm>> -> memref<1x50x128xf32, #tpu.memory_space<hbm>>
      %dma_start3A_456 = tpu.memref_squeeze %dma_start3A_455 : memref<1x50x128xf32, #tpu.memory_space<hbm>> -> memref<50x128xf32, #tpu.memory_space<hbm>>
      %dma_start3A_457 = arith.constant 0 : i32
      %dma_start3A_458 = arith.constant 0 : i32
      %dma_start3A_459 = tpu.memref_slice %arg4[%add3A_447, %dma_start3A_457, %dma_start3A_458] : memref<4096x50x128xf32, #tpu.memory_space<hbm>> -> memref<1x50x128xf32, #tpu.memory_space<hbm>>
      %dma_start3A_460 = tpu.memref_squeeze %dma_start3A_459 : memref<1x50x128xf32, #tpu.memory_space<hbm>> -> memref<50x128xf32, #tpu.memory_space<hbm>>
      %dma_start3A_461 = arith.constant 0 : i32
      %dma_start3A_462 = arith.constant 0 : i32
      %dma_start3A_463 = tpu.memref_slice %arg6[%dma_start3A_448, %dma_start3A_461, %dma_start3A_462] : memref<8x100x128xf32, #tpu.memory_space<vmem>> -> memref<1x50x128xf32, #tpu.memory_space<vmem>>
      %dma_start3A_464 = tpu.memref_squeeze %dma_start3A_463 : memref<1x50x128xf32, #tpu.memory_space<vmem>> -> memref<50x128xf32, #tpu.memory_space<vmem>>
      tpu.enqueue_dma source(%dma_start3A_464 : memref<50x128xf32, #tpu.memory_space<vmem>>) target(%dma_start3A_460 : memref<50x128xf32, #tpu.memory_space<hbm>>) target_semaphore(%arg8 : memref<!tpu.dma_semaphore, #tpu.memory_space<semaphore_mem>>)
      %mul3A_465 = arith.constant 2 : i32
      %mul3A_466 = arith.muli %mul3A_465, %add3A_430 : i32
      %add3A_467 = arith.addi %mul3A_2, %mul3A_466 : i32
      %add3A_468 = arith.constant 1 : i32
      %add3A_469 = arith.addi %add3A_467, %add3A_468 : i32
      %dma_start3A_470 = arith.constant 0 : i32
      %dma_start3A_471 = arith.constant 50 : i32
      %dma_start3A_472 = arith.constant 0 : i32
      %dma_start3A_473 = tpu.memref_slice %arg6[%dma_start3A_470, %dma_start3A_471, %dma_start3A_472] : memref<8x100x128xf32, #tpu.memory_space<vmem>> -> memref<1x50x128xf32, #tpu.memory_space<vmem>>
      %dma_start3A_474 = tpu.memref_squeeze %dma_start3A_473 : memref<1x50x128xf32, #tpu.memory_space<vmem>> -> memref<50x128xf32, #tpu.memory_space<vmem>>
      %dma_start3A_475 = arith.constant 0 : i32
      %dma_start3A_476 = arith.constant 0 : i32
      %dma_start3A_477 = tpu.memref_slice %arg4[%add3A_469, %dma_start3A_475, %dma_start3A_476] : memref<4096x50x128xf32, #tpu.memory_space<hbm>> -> memref<1x50x128xf32, #tpu.memory_space<hbm>>
      %dma_start3A_478 = tpu.memref_squeeze %dma_start3A_477 : memref<1x50x128xf32, #tpu.memory_space<hbm>> -> memref<50x128xf32, #tpu.memory_space<hbm>>
      %dma_start3A_479 = arith.constant 0 : i32
      %dma_start3A_480 = arith.constant 0 : i32
      %dma_start3A_481 = tpu.memref_slice %arg4[%add3A_469, %dma_start3A_479, %dma_start3A_480] : memref<4096x50x128xf32, #tpu.memory_space<hbm>> -> memref<1x50x128xf32, #tpu.memory_space<hbm>>
      %dma_start3A_482 = tpu.memref_squeeze %dma_start3A_481 : memref<1x50x128xf32, #tpu.memory_space<hbm>> -> memref<50x128xf32, #tpu.memory_space<hbm>>
      %dma_start3A_483 = arith.constant 50 : i32
      %dma_start3A_484 = arith.constant 0 : i32
      %dma_start3A_485 = tpu.memref_slice %arg6[%dma_start3A_470, %dma_start3A_483, %dma_start3A_484] : memref<8x100x128xf32, #tpu.memory_space<vmem>> -> memref<1x50x128xf32, #tpu.memory_space<vmem>>
      %dma_start3A_486 = tpu.memref_squeeze %dma_start3A_485 : memref<1x50x128xf32, #tpu.memory_space<vmem>> -> memref<50x128xf32, #tpu.memory_space<vmem>>
      tpu.enqueue_dma source(%dma_start3A_486 : memref<50x128xf32, #tpu.memory_space<vmem>>) target(%dma_start3A_482 : memref<50x128xf32, #tpu.memory_space<hbm>>) target_semaphore(%arg8 : memref<!tpu.dma_semaphore, #tpu.memory_space<semaphore_mem>>)
      %add3A_487 = arith.constant 8 : i32
      %add3A_488 = arith.addi %add3A_430, %add3A_487 : i32
      %lt3A = arith.constant 64 : i32
      %lt3A_489 = arith.cmpi slt, %add3A_488, %lt3A : i32
      %convert_element_type3A = arith.extui %lt3A_489 : i1 to i32
      %cond3A = arith.constant 0 : i32
      %cond3A_490 = arith.cmpi ne, %convert_element_type3A, %cond3A : i32
      scf.if %cond3A_490 {
        %mul3A_968 = arith.constant 2 : i32
        %mul3A_969 = arith.muli %mul3A_968, %add3A_430 : i32
        %add3A_970 = arith.addi %mul3A_2, %mul3A_969 : i32
        %dma_wait3A_971 = arith.constant 0 : i32
        %dma_wait3A_972 = arith.constant 0 : i32
        %dma_wait3A_973 = arith.constant 0 : i32
        %dma_wait3A_974 = tpu.memref_slice %arg6[%dma_wait3A_971, %dma_wait3A_972, %dma_wait3A_973] : memref<8x100x128xf32, #tpu.memory_space<vmem>> -> memref<1x50x128xf32, #tpu.memory_space<vmem>>
        %dma_wait3A_975 = tpu.memref_squeeze %dma_wait3A_974 : memref<1x50x128xf32, #tpu.memory_space<vmem>> -> memref<50x128xf32, #tpu.memory_space<vmem>>
        %dma_wait3A_976 = arith.constant 0 : i32
        %dma_wait3A_977 = arith.constant 0 : i32
        %dma_wait3A_978 = tpu.memref_slice %arg4[%add3A_970, %dma_wait3A_976, %dma_wait3A_977] : memref<4096x50x128xf32, #tpu.memory_space<hbm>> -> memref<1x50x128xf32, #tpu.memory_space<hbm>>
        %dma_wait3A_979 = tpu.memref_squeeze %dma_wait3A_978 : memref<1x50x128xf32, #tpu.memory_space<hbm>> -> memref<50x128xf32, #tpu.memory_space<hbm>>
        %dma_wait3A_980 = arith.constant 0 : i32
        %dma_wait3A_981 = arith.constant 0 : i32
        %dma_wait3A_982 = tpu.memref_slice %arg4[%add3A_970, %dma_wait3A_980, %dma_wait3A_981] : memref<4096x50x128xf32, #tpu.memory_space<hbm>> -> memref<1x50x128xf32, #tpu.memory_space<hbm>>
        %dma_wait3A_983 = tpu.memref_squeeze %dma_wait3A_982 : memref<1x50x128xf32, #tpu.memory_space<hbm>> -> memref<50x128xf32, #tpu.memory_space<hbm>>
        %dma_wait3A_984 = arith.constant 0 : i32
        %dma_wait3A_985 = arith.constant 0 : i32
        %dma_wait3A_986 = tpu.memref_slice %arg6[%dma_wait3A_971, %dma_wait3A_984, %dma_wait3A_985] : memref<8x100x128xf32, #tpu.memory_space<vmem>> -> memref<1x50x128xf32, #tpu.memory_space<vmem>>
        %dma_wait3A_987 = tpu.memref_squeeze %dma_wait3A_986 : memref<1x50x128xf32, #tpu.memory_space<vmem>> -> memref<50x128xf32, #tpu.memory_space<vmem>>
        tpu.wait_dma2 semaphore(%arg8 : memref<!tpu.dma_semaphore, #tpu.memory_space<semaphore_mem>>) src(%dma_wait3A_987 : memref<50x128xf32, #tpu.memory_space<vmem>>) dst(%dma_wait3A_983 : memref<50x128xf32, #tpu.memory_space<hbm>>)
        %mul3A_988 = arith.constant 2 : i32
        %mul3A_989 = arith.muli %mul3A_988, %add3A_430 : i32
        %add3A_990 = arith.addi %mul3A_2, %mul3A_989 : i32
        %add3A_991 = arith.constant 1 : i32
        %add3A_992 = arith.addi %add3A_990, %add3A_991 : i32
        %dma_wait3A_993 = arith.constant 0 : i32
        %dma_wait3A_994 = arith.constant 50 : i32
        %dma_wait3A_995 = arith.constant 0 : i32
        %dma_wait3A_996 = tpu.memref_slice %arg6[%dma_wait3A_993, %dma_wait3A_994, %dma_wait3A_995] : memref<8x100x128xf32, #tpu.memory_space<vmem>> -> memref<1x50x128xf32, #tpu.memory_space<vmem>>
        %dma_wait3A_997 = tpu.memref_squeeze %dma_wait3A_996 : memref<1x50x128xf32, #tpu.memory_space<vmem>> -> memref<50x128xf32, #tpu.memory_space<vmem>>
        %dma_wait3A_998 = arith.constant 0 : i32
        %dma_wait3A_999 = arith.constant 0 : i32
        %dma_wait3A_1000 = tpu.memref_slice %arg4[%add3A_992, %dma_wait3A_998, %dma_wait3A_999] : memref<4096x50x128xf32, #tpu.memory_space<hbm>> -> memref<1x50x128xf32, #tpu.memory_space<hbm>>
        %dma_wait3A_1001 = tpu.memref_squeeze %dma_wait3A_1000 : memref<1x50x128xf32, #tpu.memory_space<hbm>> -> memref<50x128xf32, #tpu.memory_space<hbm>>
        %dma_wait3A_1002 = arith.constant 0 : i32
        %dma_wait3A_1003 = arith.constant 0 : i32
        %dma_wait3A_1004 = tpu.memref_slice %arg4[%add3A_992, %dma_wait3A_1002, %dma_wait3A_1003] : memref<4096x50x128xf32, #tpu.memory_space<hbm>> -> memref<1x50x128xf32, #tpu.memory_space<hbm>>
        %dma_wait3A_1005 = tpu.memref_squeeze %dma_wait3A_1004 : memref<1x50x128xf32, #tpu.memory_space<hbm>> -> memref<50x128xf32, #tpu.memory_space<hbm>>
        %dma_wait3A_1006 = arith.constant 50 : i32
        %dma_wait3A_1007 = arith.constant 0 : i32
        %dma_wait3A_1008 = tpu.memref_slice %arg6[%dma_wait3A_993, %dma_wait3A_1006, %dma_wait3A_1007] : memref<8x100x128xf32, #tpu.memory_space<vmem>> -> memref<1x50x128xf32, #tpu.memory_space<vmem>>
        %dma_wait3A_1009 = tpu.memref_squeeze %dma_wait3A_1008 : memref<1x50x128xf32, #tpu.memory_space<vmem>> -> memref<50x128xf32, #tpu.memory_space<vmem>>
        tpu.wait_dma2 semaphore(%arg8 : memref<!tpu.dma_semaphore, #tpu.memory_space<semaphore_mem>>) src(%dma_wait3A_1009 : memref<50x128xf32, #tpu.memory_space<vmem>>) dst(%dma_wait3A_1005 : memref<50x128xf32, #tpu.memory_space<hbm>>)
        %dma_start3A_1010 = arith.constant 0 : i32
        %dma_start3A_1011 = arith.constant 0 : i32
        %dma_start3A_1012 = arith.constant 0 : i32
        %dma_start3A_1013 = tpu.memref_slice %arg6[%dma_start3A_1010, %dma_start3A_1011, %dma_start3A_1012] : memref<8x100x128xf32, #tpu.memory_space<vmem>> -> memref<1x100x128xf32, #tpu.memory_space<vmem>>
        %dma_start3A_1014 = tpu.memref_squeeze %dma_start3A_1013 : memref<1x100x128xf32, #tpu.memory_space<vmem>> -> memref<100x128xf32, #tpu.memory_space<vmem>>
        %dma_start3A_1015 = arith.constant 0 : i32
        %dma_start3A_1016 = tpu.memref_slice %arg5[%add3A_488, %dma_start3A_1015] : memref<64x128xi32, #tpu.memory_space<vmem>> -> memref<1x100xi32, #tpu.memory_space<vmem>>
        %dma_start3A_1017 = tpu.memref_squeeze %dma_start3A_1016 : memref<1x100xi32, #tpu.memory_space<vmem>> -> memref<100xi32, #tpu.memory_space<vmem>>
        %dma_start3A_1018 = arith.constant 0 : i32
        %dma_start3A_1019 = arith.constant 0 : i32
        %dma_start3A_1020 = tpu.memref_slice %arg3[%dma_start3A_1018, %dma_start3A_1019] : memref<100000x128xf32, #tpu.memory_space<hbm>> -> memref<100000x128xf32, #tpu.memory_space<hbm>>
        tpu.enqueue_indirect_dma source(%dma_start3A_1020 : memref<100000x128xf32, #tpu.memory_space<hbm>>) target(%dma_start3A_1014 : memref<100x128xf32, #tpu.memory_space<vmem>>) offsets(%dma_start3A_1017 : memref<100xi32, #tpu.memory_space<vmem>>) semaphore(%arg7 : memref<!tpu.dma_semaphore, #tpu.memory_space<semaphore_mem>>)
      } else {
      }
      %mul3A_491 = arith.constant 8 : i32
      %mul3A_492 = arith.muli %scan3A_425, %mul3A_491 : i32
      %add3A_493 = arith.constant 1 : i32
      %add3A_494 = arith.addi %mul3A_492, %add3A_493 : i32
      %dma_wait3A_495 = arith.constant 1 : i32
      %dma_wait3A_496 = arith.constant 0 : i32
      %dma_wait3A_497 = arith.constant 0 : i32
      %dma_wait3A_498 = tpu.memref_slice %arg6[%dma_wait3A_495, %dma_wait3A_496, %dma_wait3A_497] : memref<8x100x128xf32, #tpu.memory_space<vmem>> -> memref<1x100x128xf32, #tpu.memory_space<vmem>>
      %dma_wait3A_499 = tpu.memref_squeeze %dma_wait3A_498 : memref<1x100x128xf32, #tpu.memory_space<vmem>> -> memref<100x128xf32, #tpu.memory_space<vmem>>
      %dma_wait3A_500 = arith.constant 0 : i32
      %dma_wait3A_501 = tpu.memref_slice %arg5[%add3A_494, %dma_wait3A_500] : memref<64x128xi32, #tpu.memory_space<vmem>> -> memref<1x100xi32, #tpu.memory_space<vmem>>
      %dma_wait3A_502 = tpu.memref_squeeze %dma_wait3A_501 : memref<1x100xi32, #tpu.memory_space<vmem>> -> memref<100xi32, #tpu.memory_space<vmem>>
      %dma_wait3A_503 = arith.constant 0 : i32
      %dma_wait3A_504 = arith.constant 0 : i32
      %dma_wait3A_505 = tpu.memref_slice %arg3[%dma_wait3A_503, %dma_wait3A_504] : memref<100000x128xf32, #tpu.memory_space<hbm>> -> memref<100000x128xf32, #tpu.memory_space<hbm>>
      tpu.wait_indirect_dma semaphore(%arg7 : memref<!tpu.dma_semaphore, #tpu.memory_space<semaphore_mem>>) src(%dma_wait3A_505 : memref<100000x128xf32, #tpu.memory_space<hbm>>) dst(%dma_wait3A_499 : memref<100x128xf32, #tpu.memory_space<vmem>>)
      %parallel_loop3A_506 = arith.constant 0 : i32
      %parallel_loop3A_507 = arith.constant 100 : i32
      %parallel_loop3A_508 = arith.constant 1 : i32
      %parallel_loop3A_509 = arith.constant 1 : i32
      scf.for %parallel_loop3A_968 = %parallel_loop3A_506 to %parallel_loop3A_507 step %parallel_loop3A_508  : i32 {
        %parallel_loop3A_969 = arith.constant 0 : i32
        %parallel_loop3A_970 = arith.constant 0 : i32
        %parallel_loop3A_971 = tpu.memref_slice %arg6[%parallel_loop3A_509, %parallel_loop3A_969, %parallel_loop3A_970] : memref<8x100x128xf32, #tpu.memory_space<vmem>> -> memref<1x100x128xf32, #tpu.memory_space<vmem>>
        %parallel_loop3A_972 = tpu.memref_squeeze %parallel_loop3A_971 : memref<1x100x128xf32, #tpu.memory_space<vmem>> -> memref<100x128xf32, #tpu.memory_space<vmem>>
        %parallel_loop3A_973 = arith.index_cast %parallel_loop3A_968 : i32 to index
        %parallel_loop3A_974 = arith.constant 0 : index
        %parallel_loop3A_975 = tpu.vector_load %parallel_loop3A_972[%parallel_loop3A_973, %parallel_loop3A_974] {strides = array<i32>} : memref<100x128xf32, #tpu.memory_space<vmem>>, vector<1x16xf32>,
        %parallel_loop3A_976 = vector.shape_cast %parallel_loop3A_975 : vector<1x16xf32> to vector<16xf32>
        %parallel_loop3A_977 = arith.constant 11.3137083 : f32
        %parallel_loop3A_978 = vector.broadcast %parallel_loop3A_977 : f32 to vector<16xf32>
        %parallel_loop3A_979 = arith.mulf %parallel_loop3A_976, %parallel_loop3A_978 : vector<16xf32>
        %parallel_loop3A_980 = arith.constant 0 : i32
        %parallel_loop3A_981 = arith.constant 0 : i32
        %parallel_loop3A_982 = tpu.memref_slice %arg6[%parallel_loop3A_509, %parallel_loop3A_980, %parallel_loop3A_981] : memref<8x100x128xf32, #tpu.memory_space<vmem>> -> memref<1x100x128xf32, #tpu.memory_space<vmem>>
        %parallel_loop3A_983 = tpu.memref_squeeze %parallel_loop3A_982 : memref<1x100x128xf32, #tpu.memory_space<vmem>> -> memref<100x128xf32, #tpu.memory_space<vmem>>
        %parallel_loop3A_984 = arith.index_cast %parallel_loop3A_968 : i32 to index
        %parallel_loop3A_985 = arith.constant 0 : index
        %parallel_loop3A_986 = tpu.vector_load %parallel_loop3A_983[%parallel_loop3A_984, %parallel_loop3A_985] {strides = array<i32>} : memref<100x128xf32, #tpu.memory_space<vmem>>, vector<1x16xf32>,
        %parallel_loop3A_987 = vector.shape_cast %parallel_loop3A_986 : vector<1x16xf32> to vector<16xf32>
        %parallel_loop3A_988 = vector.shape_cast %parallel_loop3A_979 : vector<16xf32> to vector<1x16xf32>
        tpu.vector_store %parallel_loop3A_983[%parallel_loop3A_984, %parallel_loop3A_985], %parallel_loop3A_988 {strides = array<i32>} : memref<100x128xf32, #tpu.memory_space<vmem>>, vector<1x16xf32>,
        %parallel_loop3A_989 = arith.constant 0 : i32
        %parallel_loop3A_990 = arith.constant 0 : i32
        %parallel_loop3A_991 = tpu.memref_slice %arg6[%parallel_loop3A_509, %parallel_loop3A_989, %parallel_loop3A_990] : memref<8x100x128xf32, #tpu.memory_space<vmem>> -> memref<1x100x128xf32, #tpu.memory_space<vmem>>
        %parallel_loop3A_992 = tpu.memref_squeeze %parallel_loop3A_991 : memref<1x100x128xf32, #tpu.memory_space<vmem>> -> memref<100x128xf32, #tpu.memory_space<vmem>>
        %parallel_loop3A_993 = arith.index_cast %parallel_loop3A_968 : i32 to index
        %parallel_loop3A_994 = arith.constant 16 : index
        %parallel_loop3A_995 = tpu.vector_load %parallel_loop3A_992[%parallel_loop3A_993, %parallel_loop3A_994] {strides = array<i32>} : memref<100x128xf32, #tpu.memory_space<vmem>>, vector<1x16xf32>,
        %parallel_loop3A_996 = vector.shape_cast %parallel_loop3A_995 : vector<1x16xf32> to vector<16xf32>
        %parallel_loop3A_997 = arith.constant 11.3137083 : f32
        %parallel_loop3A_998 = vector.broadcast %parallel_loop3A_997 : f32 to vector<16xf32>
        %parallel_loop3A_999 = arith.mulf %parallel_loop3A_996, %parallel_loop3A_998 : vector<16xf32>
        %parallel_loop3A_1000 = arith.constant 0 : i32
        %parallel_loop3A_1001 = arith.constant 0 : i32
        %parallel_loop3A_1002 = tpu.memref_slice %arg6[%parallel_loop3A_509, %parallel_loop3A_1000, %parallel_loop3A_1001] : memref<8x100x128xf32, #tpu.memory_space<vmem>> -> memref<1x100x128xf32, #tpu.memory_space<vmem>>
        %parallel_loop3A_1003 = tpu.memref_squeeze %parallel_loop3A_1002 : memref<1x100x128xf32, #tpu.memory_space<vmem>> -> memref<100x128xf32, #tpu.memory_space<vmem>>
        %parallel_loop3A_1004 = arith.index_cast %parallel_loop3A_968 : i32 to index
        %parallel_loop3A_1005 = arith.constant 16 : index
        %parallel_loop3A_1006 = tpu.vector_load %parallel_loop3A_1003[%parallel_loop3A_1004, %parallel_loop3A_1005] {strides = array<i32>} : memref<100x128xf32, #tpu.memory_space<vmem>>, vector<1x16xf32>,
        %parallel_loop3A_1007 = vector.shape_cast %parallel_loop3A_1006 : vector<1x16xf32> to vector<16xf32>
        %parallel_loop3A_1008 = vector.shape_cast %parallel_loop3A_999 : vector<16xf32> to vector<1x16xf32>
        tpu.vector_store %parallel_loop3A_1003[%parallel_loop3A_1004, %parallel_loop3A_1005], %parallel_loop3A_1008 {strides = array<i32>} : memref<100x128xf32, #tpu.memory_space<vmem>>, vector<1x16xf32>,
        %parallel_loop3A_1009 = arith.constant 0 : i32
        %parallel_loop3A_1010 = arith.constant 0 : i32
        %parallel_loop3A_1011 = tpu.memref_slice %arg6[%parallel_loop3A_509, %parallel_loop3A_1009, %parallel_loop3A_1010] : memref<8x100x128xf32, #tpu.memory_space<vmem>> -> memref<1x100x128xf32, #tpu.memory_space<vmem>>
        %parallel_loop3A_1012 = tpu.memref_squeeze %parallel_loop3A_1011 : memref<1x100x128xf32, #tpu.memory_space<vmem>> -> memref<100x128xf32, #tpu.memory_space<vmem>>
        %parallel_loop3A_1013 = arith.index_cast %parallel_loop3A_968 : i32 to index
        %parallel_loop3A_1014 = arith.constant 32 : index
        %parallel_loop3A_1015 = tpu.vector_load %parallel_loop3A_1012[%parallel_loop3A_1013, %parallel_loop3A_1014] {strides = array<i32>} : memref<100x128xf32, #tpu.memory_space<vmem>>, vector<1x16xf32>,
        %parallel_loop3A_1016 = vector.shape_cast %parallel_loop3A_1015 : vector<1x16xf32> to vector<16xf32>
        %parallel_loop3A_1017 = arith.constant 11.3137083 : f32
        %parallel_loop3A_1018 = vector.broadcast %parallel_loop3A_1017 : f32 to vector<16xf32>
        %parallel_loop3A_1019 = arith.mulf %parallel_loop3A_1016, %parallel_loop3A_1018 : vector<16xf32>
        %parallel_loop3A_1020 = arith.constant 0 : i32
        %parallel_loop3A_1021 = arith.constant 0 : i32
        %parallel_loop3A_1022 = tpu.memref_slice %arg6[%parallel_loop3A_509, %parallel_loop3A_1020, %parallel_loop3A_1021] : memref<8x100x128xf32, #tpu.memory_space<vmem>> -> memref<1x100x128xf32, #tpu.memory_space<vmem>>
        %parallel_loop3A_1023 = tpu.memref_squeeze %parallel_loop3A_1022 : memref<1x100x128xf32, #tpu.memory_space<vmem>> -> memref<100x128xf32, #tpu.memory_space<vmem>>
        %parallel_loop3A_1024 = arith.index_cast %parallel_loop3A_968 : i32 to index
        %parallel_loop3A_1025 = arith.constant 32 : index
        %parallel_loop3A_1026 = tpu.vector_load %parallel_loop3A_1023[%parallel_loop3A_1024, %parallel_loop3A_1025] {strides = array<i32>} : memref<100x128xf32, #tpu.memory_space<vmem>>, vector<1x16xf32>,
        %parallel_loop3A_1027 = vector.shape_cast %parallel_loop3A_1026 : vector<1x16xf32> to vector<16xf32>
        %parallel_loop3A_1028 = vector.shape_cast %parallel_loop3A_1019 : vector<16xf32> to vector<1x16xf32>
        tpu.vector_store %parallel_loop3A_1023[%parallel_loop3A_1024, %parallel_loop3A_1025], %parallel_loop3A_1028 {strides = array<i32>} : memref<100x128xf32, #tpu.memory_space<vmem>>, vector<1x16xf32>,
        %parallel_loop3A_1029 = arith.constant 0 : i32
        %parallel_loop3A_1030 = arith.constant 0 : i32
        %parallel_loop3A_1031 = tpu.memref_slice %arg6[%parallel_loop3A_509, %parallel_loop3A_1029, %parallel_loop3A_1030] : memref<8x100x128xf32, #tpu.memory_space<vmem>> -> memref<1x100x128xf32, #tpu.memory_space<vmem>>
        %parallel_loop3A_1032 = tpu.memref_squeeze %parallel_loop3A_1031 : memref<1x100x128xf32, #tpu.memory_space<vmem>> -> memref<100x128xf32, #tpu.memory_space<vmem>>
        %parallel_loop3A_1033 = arith.index_cast %parallel_loop3A_968 : i32 to index
        %parallel_loop3A_1034 = arith.constant 48 : index
        %parallel_loop3A_1035 = tpu.vector_load %parallel_loop3A_1032[%parallel_loop3A_1033, %parallel_loop3A_1034] {strides = array<i32>} : memref<100x128xf32, #tpu.memory_space<vmem>>, vector<1x16xf32>,
        %parallel_loop3A_1036 = vector.shape_cast %parallel_loop3A_1035 : vector<1x16xf32> to vector<16xf32>
        %parallel_loop3A_1037 = arith.constant 11.3137083 : f32
        %parallel_loop3A_1038 = vector.broadcast %parallel_loop3A_1037 : f32 to vector<16xf32>
        %parallel_loop3A_1039 = arith.mulf %parallel_loop3A_1036, %parallel_loop3A_1038 : vector<16xf32>
        %parallel_loop3A_1040 = arith.constant 0 : i32
        %parallel_loop3A_1041 = arith.constant 0 : i32
        %parallel_loop3A_1042 = tpu.memref_slice %arg6[%parallel_loop3A_509, %parallel_loop3A_1040, %parallel_loop3A_1041] : memref<8x100x128xf32, #tpu.memory_space<vmem>> -> memref<1x100x128xf32, #tpu.memory_space<vmem>>
        %parallel_loop3A_1043 = tpu.memref_squeeze %parallel_loop3A_1042 : memref<1x100x128xf32, #tpu.memory_space<vmem>> -> memref<100x128xf32, #tpu.memory_space<vmem>>
        %parallel_loop3A_1044 = arith.index_cast %parallel_loop3A_968 : i32 to index
        %parallel_loop3A_1045 = arith.constant 48 : index
        %parallel_loop3A_1046 = tpu.vector_load %parallel_loop3A_1043[%parallel_loop3A_1044, %parallel_loop3A_1045] {strides = array<i32>} : memref<100x128xf32, #tpu.memory_space<vmem>>, vector<1x16xf32>,
        %parallel_loop3A_1047 = vector.shape_cast %parallel_loop3A_1046 : vector<1x16xf32> to vector<16xf32>
        %parallel_loop3A_1048 = vector.shape_cast %parallel_loop3A_1039 : vector<16xf32> to vector<1x16xf32>
        tpu.vector_store %parallel_loop3A_1043[%parallel_loop3A_1044, %parallel_loop3A_1045], %parallel_loop3A_1048 {strides = array<i32>} : memref<100x128xf32, #tpu.memory_space<vmem>>, vector<1x16xf32>,
        %parallel_loop3A_1049 = arith.constant 0 : i32
        %parallel_loop3A_1050 = arith.constant 0 : i32
        %parallel_loop3A_1051 = tpu.memref_slice %arg6[%parallel_loop3A_509, %parallel_loop3A_1049, %parallel_loop3A_1050] : memref<8x100x128xf32, #tpu.memory_space<vmem>> -> memref<1x100x128xf32, #tpu.memory_space<vmem>>
        %parallel_loop3A_1052 = tpu.memref_squeeze %parallel_loop3A_1051 : memref<1x100x128xf32, #tpu.memory_space<vmem>> -> memref<100x128xf32, #tpu.memory_space<vmem>>
        %parallel_loop3A_1053 = arith.index_cast %parallel_loop3A_968 : i32 to index
        %parallel_loop3A_1054 = arith.constant 64 : index
        %parallel_loop3A_1055 = tpu.vector_load %parallel_loop3A_1052[%parallel_loop3A_1053, %parallel_loop3A_1054] {strides = array<i32>} : memref<100x128xf32, #tpu.memory_space<vmem>>, vector<1x16xf32>,
        %parallel_loop3A_1056 = vector.shape_cast %parallel_loop3A_1055 : vector<1x16xf32> to vector<16xf32>
        %parallel_loop3A_1057 = arith.constant 11.3137083 : f32
        %parallel_loop3A_1058 = vector.broadcast %parallel_loop3A_1057 : f32 to vector<16xf32>
        %parallel_loop3A_1059 = arith.mulf %parallel_loop3A_1056, %parallel_loop3A_1058 : vector<16xf32>
        %parallel_loop3A_1060 = arith.constant 0 : i32
        %parallel_loop3A_1061 = arith.constant 0 : i32
        %parallel_loop3A_1062 = tpu.memref_slice %arg6[%parallel_loop3A_509, %parallel_loop3A_1060, %parallel_loop3A_1061] : memref<8x100x128xf32, #tpu.memory_space<vmem>> -> memref<1x100x128xf32, #tpu.memory_space<vmem>>
        %parallel_loop3A_1063 = tpu.memref_squeeze %parallel_loop3A_1062 : memref<1x100x128xf32, #tpu.memory_space<vmem>> -> memref<100x128xf32, #tpu.memory_space<vmem>>
        %parallel_loop3A_1064 = arith.index_cast %parallel_loop3A_968 : i32 to index
        %parallel_loop3A_1065 = arith.constant 64 : index
        %parallel_loop3A_1066 = tpu.vector_load %parallel_loop3A_1063[%parallel_loop3A_1064, %parallel_loop3A_1065] {strides = array<i32>} : memref<100x128xf32, #tpu.memory_space<vmem>>, vector<1x16xf32>,
        %parallel_loop3A_1067 = vector.shape_cast %parallel_loop3A_1066 : vector<1x16xf32> to vector<16xf32>
        %parallel_loop3A_1068 = vector.shape_cast %parallel_loop3A_1059 : vector<16xf32> to vector<1x16xf32>
        tpu.vector_store %parallel_loop3A_1063[%parallel_loop3A_1064, %parallel_loop3A_1065], %parallel_loop3A_1068 {strides = array<i32>} : memref<100x128xf32, #tpu.memory_space<vmem>>, vector<1x16xf32>,
        %parallel_loop3A_1069 = arith.constant 0 : i32
        %parallel_loop3A_1070 = arith.constant 0 : i32
        %parallel_loop3A_1071 = tpu.memref_slice %arg6[%parallel_loop3A_509, %parallel_loop3A_1069, %parallel_loop3A_1070] : memref<8x100x128xf32, #tpu.memory_space<vmem>> -> memref<1x100x128xf32, #tpu.memory_space<vmem>>
        %parallel_loop3A_1072 = tpu.memref_squeeze %parallel_loop3A_1071 : memref<1x100x128xf32, #tpu.memory_space<vmem>> -> memref<100x128xf32, #tpu.memory_space<vmem>>
        %parallel_loop3A_1073 = arith.index_cast %parallel_loop3A_968 : i32 to index
        %parallel_loop3A_1074 = arith.constant 80 : index
        %parallel_loop3A_1075 = tpu.vector_load %parallel_loop3A_1072[%parallel_loop3A_1073, %parallel_loop3A_1074] {strides = array<i32>} : memref<100x128xf32, #tpu.memory_space<vmem>>, vector<1x16xf32>,
        %parallel_loop3A_1076 = vector.shape_cast %parallel_loop3A_1075 : vector<1x16xf32> to vector<16xf32>
        %parallel_loop3A_1077 = arith.constant 11.3137083 : f32
        %parallel_loop3A_1078 = vector.broadcast %parallel_loop3A_1077 : f32 to vector<16xf32>
        %parallel_loop3A_1079 = arith.mulf %parallel_loop3A_1076, %parallel_loop3A_1078 : vector<16xf32>
        %parallel_loop3A_1080 = arith.constant 0 : i32
        %parallel_loop3A_1081 = arith.constant 0 : i32
        %parallel_loop3A_1082 = tpu.memref_slice %arg6[%parallel_loop3A_509, %parallel_loop3A_1080, %parallel_loop3A_1081] : memref<8x100x128xf32, #tpu.memory_space<vmem>> -> memref<1x100x128xf32, #tpu.memory_space<vmem>>
        %parallel_loop3A_1083 = tpu.memref_squeeze %parallel_loop3A_1082 : memref<1x100x128xf32, #tpu.memory_space<vmem>> -> memref<100x128xf32, #tpu.memory_space<vmem>>
        %parallel_loop3A_1084 = arith.index_cast %parallel_loop3A_968 : i32 to index
        %parallel_loop3A_1085 = arith.constant 80 : index
        %parallel_loop3A_1086 = tpu.vector_load %parallel_loop3A_1083[%parallel_loop3A_1084, %parallel_loop3A_1085] {strides = array<i32>} : memref<100x128xf32, #tpu.memory_space<vmem>>, vector<1x16xf32>,
        %parallel_loop3A_1087 = vector.shape_cast %parallel_loop3A_1086 : vector<1x16xf32> to vector<16xf32>
        %parallel_loop3A_1088 = vector.shape_cast %parallel_loop3A_1079 : vector<16xf32> to vector<1x16xf32>
        tpu.vector_store %parallel_loop3A_1083[%parallel_loop3A_1084, %parallel_loop3A_1085], %parallel_loop3A_1088 {strides = array<i32>} : memref<100x128xf32, #tpu.memory_space<vmem>>, vector<1x16xf32>,
        %parallel_loop3A_1089 = arith.constant 0 : i32
        %parallel_loop3A_1090 = arith.constant 0 : i32
        %parallel_loop3A_1091 = tpu.memref_slice %arg6[%parallel_loop3A_509, %parallel_loop3A_1089, %parallel_loop3A_1090] : memref<8x100x128xf32, #tpu.memory_space<vmem>> -> memref<1x100x128xf32, #tpu.memory_space<vmem>>
        %parallel_loop3A_1092 = tpu.memref_squeeze %parallel_loop3A_1091 : memref<1x100x128xf32, #tpu.memory_space<vmem>> -> memref<100x128xf32, #tpu.memory_space<vmem>>
        %parallel_loop3A_1093 = arith.index_cast %parallel_loop3A_968 : i32 to index
        %parallel_loop3A_1094 = arith.constant 96 : index
        %parallel_loop3A_1095 = tpu.vector_load %parallel_loop3A_1092[%parallel_loop3A_1093, %parallel_loop3A_1094] {strides = array<i32>} : memref<100x128xf32, #tpu.memory_space<vmem>>, vector<1x16xf32>,
        %parallel_loop3A_1096 = vector.shape_cast %parallel_loop3A_1095 : vector<1x16xf32> to vector<16xf32>
        %parallel_loop3A_1097 = arith.constant 11.3137083 : f32
        %parallel_loop3A_1098 = vector.broadcast %parallel_loop3A_1097 : f32 to vector<16xf32>
        %parallel_loop3A_1099 = arith.mulf %parallel_loop3A_1096, %parallel_loop3A_1098 : vector<16xf32>
        %parallel_loop3A_1100 = arith.constant 0 : i32
        %parallel_loop3A_1101 = arith.constant 0 : i32
        %parallel_loop3A_1102 = tpu.memref_slice %arg6[%parallel_loop3A_509, %parallel_loop3A_1100, %parallel_loop3A_1101] : memref<8x100x128xf32, #tpu.memory_space<vmem>> -> memref<1x100x128xf32, #tpu.memory_space<vmem>>
        %parallel_loop3A_1103 = tpu.memref_squeeze %parallel_loop3A_1102 : memref<1x100x128xf32, #tpu.memory_space<vmem>> -> memref<100x128xf32, #tpu.memory_space<vmem>>
        %parallel_loop3A_1104 = arith.index_cast %parallel_loop3A_968 : i32 to index
        %parallel_loop3A_1105 = arith.constant 96 : index
        %parallel_loop3A_1106 = tpu.vector_load %parallel_loop3A_1103[%parallel_loop3A_1104, %parallel_loop3A_1105] {strides = array<i32>} : memref<100x128xf32, #tpu.memory_space<vmem>>, vector<1x16xf32>,
        %parallel_loop3A_1107 = vector.shape_cast %parallel_loop3A_1106 : vector<1x16xf32> to vector<16xf32>
        %parallel_loop3A_1108 = vector.shape_cast %parallel_loop3A_1099 : vector<16xf32> to vector<1x16xf32>
        tpu.vector_store %parallel_loop3A_1103[%parallel_loop3A_1104, %parallel_loop3A_1105], %parallel_loop3A_1108 {strides = array<i32>} : memref<100x128xf32, #tpu.memory_space<vmem>>, vector<1x16xf32>,
        %parallel_loop3A_1109 = arith.constant 0 : i32
        %parallel_loop3A_1110 = arith.constant 0 : i32
        %parallel_loop3A_1111 = tpu.memref_slice %arg6[%parallel_loop3A_509, %parallel_loop3A_1109, %parallel_loop3A_1110] : memref<8x100x128xf32, #tpu.memory_space<vmem>> -> memref<1x100x128xf32, #tpu.memory_space<vmem>>
        %parallel_loop3A_1112 = tpu.memref_squeeze %parallel_loop3A_1111 : memref<1x100x128xf32, #tpu.memory_space<vmem>> -> memref<100x128xf32, #tpu.memory_space<vmem>>
        %parallel_loop3A_1113 = arith.index_cast %parallel_loop3A_968 : i32 to index
        %parallel_loop3A_1114 = arith.constant 112 : index
        %parallel_loop3A_1115 = tpu.vector_load %parallel_loop3A_1112[%parallel_loop3A_1113, %parallel_loop3A_1114] {strides = array<i32>} : memref<100x128xf32, #tpu.memory_space<vmem>>, vector<1x16xf32>,
        %parallel_loop3A_1116 = vector.shape_cast %parallel_loop3A_1115 : vector<1x16xf32> to vector<16xf32>
        %parallel_loop3A_1117 = arith.constant 11.3137083 : f32
        %parallel_loop3A_1118 = vector.broadcast %parallel_loop3A_1117 : f32 to vector<16xf32>
        %parallel_loop3A_1119 = arith.mulf %parallel_loop3A_1116, %parallel_loop3A_1118 : vector<16xf32>
        %parallel_loop3A_1120 = arith.constant 0 : i32
        %parallel_loop3A_1121 = arith.constant 0 : i32
        %parallel_loop3A_1122 = tpu.memref_slice %arg6[%parallel_loop3A_509, %parallel_loop3A_1120, %parallel_loop3A_1121] : memref<8x100x128xf32, #tpu.memory_space<vmem>> -> memref<1x100x128xf32, #tpu.memory_space<vmem>>
        %parallel_loop3A_1123 = tpu.memref_squeeze %parallel_loop3A_1122 : memref<1x100x128xf32, #tpu.memory_space<vmem>> -> memref<100x128xf32, #tpu.memory_space<vmem>>
        %parallel_loop3A_1124 = arith.index_cast %parallel_loop3A_968 : i32 to index
        %parallel_loop3A_1125 = arith.constant 112 : index
        %parallel_loop3A_1126 = tpu.vector_load %parallel_loop3A_1123[%parallel_loop3A_1124, %parallel_loop3A_1125] {strides = array<i32>} : memref<100x128xf32, #tpu.memory_space<vmem>>, vector<1x16xf32>,
        %parallel_loop3A_1127 = vector.shape_cast %parallel_loop3A_1126 : vector<1x16xf32> to vector<16xf32>
        %parallel_loop3A_1128 = vector.shape_cast %parallel_loop3A_1119 : vector<16xf32> to vector<1x16xf32>
        tpu.vector_store %parallel_loop3A_1123[%parallel_loop3A_1124, %parallel_loop3A_1125], %parallel_loop3A_1128 {strides = array<i32>} : memref<100x128xf32, #tpu.memory_space<vmem>>, vector<1x16xf32>,
      } {sc.loop_unroll_factor = 4 : i64, sc.parallel_access}
      %mul3A_510 = arith.constant 2 : i32
      %mul3A_511 = arith.muli %mul3A_510, %add3A_494 : i32
      %add3A_512 = arith.addi %mul3A_2, %mul3A_511 : i32
      %dma_start3A_513 = arith.constant 1 : i32
      %dma_start3A_514 = arith.constant 0 : i32
      %dma_start3A_515 = arith.constant 0 : i32
      %dma_start3A_516 = tpu.memref_slice %arg6[%dma_start3A_513, %dma_start3A_514, %dma_start3A_515] : memref<8x100x128xf32, #tpu.memory_space<vmem>> -> memref<1x50x128xf32, #tpu.memory_space<vmem>>
      %dma_start3A_517 = tpu.memref_squeeze %dma_start3A_516 : memref<1x50x128xf32, #tpu.memory_space<vmem>> -> memref<50x128xf32, #tpu.memory_space<vmem>>
      %dma_start3A_518 = arith.constant 0 : i32
      %dma_start3A_519 = arith.constant 0 : i32
      %dma_start3A_520 = tpu.memref_slice %arg4[%add3A_512, %dma_start3A_518, %dma_start3A_519] : memref<4096x50x128xf32, #tpu.memory_space<hbm>> -> memref<1x50x128xf32, #tpu.memory_space<hbm>>
      %dma_start3A_521 = tpu.memref_squeeze %dma_start3A_520 : memref<1x50x128xf32, #tpu.memory_space<hbm>> -> memref<50x128xf32, #tpu.memory_space<hbm>>
      %dma_start3A_522 = arith.constant 0 : i32
      %dma_start3A_523 = arith.constant 0 : i32
      %dma_start3A_524 = tpu.memref_slice %arg4[%add3A_512, %dma_start3A_522, %dma_start3A_523] : memref<4096x50x128xf32, #tpu.memory_space<hbm>> -> memref<1x50x128xf32, #tpu.memory_space<hbm>>
      %dma_start3A_525 = tpu.memref_squeeze %dma_start3A_524 : memref<1x50x128xf32, #tpu.memory_space<hbm>> -> memref<50x128xf32, #tpu.memory_space<hbm>>
      %dma_start3A_526 = arith.constant 0 : i32
      %dma_start3A_527 = arith.constant 0 : i32
      %dma_start3A_528 = tpu.memref_slice %arg6[%dma_start3A_513, %dma_start3A_526, %dma_start3A_527] : memref<8x100x128xf32, #tpu.memory_space<vmem>> -> memref<1x50x128xf32, #tpu.memory_space<vmem>>
      %dma_start3A_529 = tpu.memref_squeeze %dma_start3A_528 : memref<1x50x128xf32, #tpu.memory_space<vmem>> -> memref<50x128xf32, #tpu.memory_space<vmem>>
      tpu.enqueue_dma source(%dma_start3A_529 : memref<50x128xf32, #tpu.memory_space<vmem>>) target(%dma_start3A_525 : memref<50x128xf32, #tpu.memory_space<hbm>>) target_semaphore(%arg8 : memref<!tpu.dma_semaphore, #tpu.memory_space<semaphore_mem>>)
      %mul3A_530 = arith.constant 2 : i32
      %mul3A_531 = arith.muli %mul3A_530, %add3A_494 : i32
      %add3A_532 = arith.addi %mul3A_2, %mul3A_531 : i32
      %add3A_533 = arith.constant 1 : i32
      %add3A_534 = arith.addi %add3A_532, %add3A_533 : i32
      %dma_start3A_535 = arith.constant 1 : i32
      %dma_start3A_536 = arith.constant 50 : i32
      %dma_start3A_537 = arith.constant 0 : i32
      %dma_start3A_538 = tpu.memref_slice %arg6[%dma_start3A_535, %dma_start3A_536, %dma_start3A_537] : memref<8x100x128xf32, #tpu.memory_space<vmem>> -> memref<1x50x128xf32, #tpu.memory_space<vmem>>
      %dma_start3A_539 = tpu.memref_squeeze %dma_start3A_538 : memref<1x50x128xf32, #tpu.memory_space<vmem>> -> memref<50x128xf32, #tpu.memory_space<vmem>>
      %dma_start3A_540 = arith.constant 0 : i32
      %dma_start3A_541 = arith.constant 0 : i32
      %dma_start3A_542 = tpu.memref_slice %arg4[%add3A_534, %dma_start3A_540, %dma_start3A_541] : memref<4096x50x128xf32, #tpu.memory_space<hbm>> -> memref<1x50x128xf32, #tpu.memory_space<hbm>>
      %dma_start3A_543 = tpu.memref_squeeze %dma_start3A_542 : memref<1x50x128xf32, #tpu.memory_space<hbm>> -> memref<50x128xf32, #tpu.memory_space<hbm>>
      %dma_start3A_544 = arith.constant 0 : i32
      %dma_start3A_545 = arith.constant 0 : i32
      %dma_start3A_546 = tpu.memref_slice %arg4[%add3A_534, %dma_start3A_544, %dma_start3A_545] : memref<4096x50x128xf32, #tpu.memory_space<hbm>> -> memref<1x50x128xf32, #tpu.memory_space<hbm>>
      %dma_start3A_547 = tpu.memref_squeeze %dma_start3A_546 : memref<1x50x128xf32, #tpu.memory_space<hbm>> -> memref<50x128xf32, #tpu.memory_space<hbm>>
      %dma_start3A_548 = arith.constant 50 : i32
      %dma_start3A_549 = arith.constant 0 : i32
      %dma_start3A_550 = tpu.memref_slice %arg6[%dma_start3A_535, %dma_start3A_548, %dma_start3A_549] : memref<8x100x128xf32, #tpu.memory_space<vmem>> -> memref<1x50x128xf32, #tpu.memory_space<vmem>>
      %dma_start3A_551 = tpu.memref_squeeze %dma_start3A_550 : memref<1x50x128xf32, #tpu.memory_space<vmem>> -> memref<50x128xf32, #tpu.memory_space<vmem>>
      tpu.enqueue_dma source(%dma_start3A_551 : memref<50x128xf32, #tpu.memory_space<vmem>>) target(%dma_start3A_547 : memref<50x128xf32, #tpu.memory_space<hbm>>) target_semaphore(%arg8 : memref<!tpu.dma_semaphore, #tpu.memory_space<semaphore_mem>>)
      %add3A_552 = arith.constant 8 : i32
      %add3A_553 = arith.addi %add3A_494, %add3A_552 : i32
      %lt3A_554 = arith.constant 64 : i32
      %lt3A_555 = arith.cmpi slt, %add3A_553, %lt3A_554 : i32
      %convert_element_type3A_556 = arith.extui %lt3A_555 : i1 to i32
      %cond3A_557 = arith.constant 0 : i32
      %cond3A_558 = arith.cmpi ne, %convert_element_type3A_556, %cond3A_557 : i32
      scf.if %cond3A_558 {
        %mul3A_968 = arith.constant 2 : i32
        %mul3A_969 = arith.muli %mul3A_968, %add3A_494 : i32
        %add3A_970 = arith.addi %mul3A_2, %mul3A_969 : i32
        %dma_wait3A_971 = arith.constant 1 : i32
        %dma_wait3A_972 = arith.constant 0 : i32
        %dma_wait3A_973 = arith.constant 0 : i32
        %dma_wait3A_974 = tpu.memref_slice %arg6[%dma_wait3A_971, %dma_wait3A_972, %dma_wait3A_973] : memref<8x100x128xf32, #tpu.memory_space<vmem>> -> memref<1x50x128xf32, #tpu.memory_space<vmem>>
        %dma_wait3A_975 = tpu.memref_squeeze %dma_wait3A_974 : memref<1x50x128xf32, #tpu.memory_space<vmem>> -> memref<50x128xf32, #tpu.memory_space<vmem>>
        %dma_wait3A_976 = arith.constant 0 : i32
        %dma_wait3A_977 = arith.constant 0 : i32
        %dma_wait3A_978 = tpu.memref_slice %arg4[%add3A_970, %dma_wait3A_976, %dma_wait3A_977] : memref<4096x50x128xf32, #tpu.memory_space<hbm>> -> memref<1x50x128xf32, #tpu.memory_space<hbm>>
        %dma_wait3A_979 = tpu.memref_squeeze %dma_wait3A_978 : memref<1x50x128xf32, #tpu.memory_space<hbm>> -> memref<50x128xf32, #tpu.memory_space<hbm>>
        %dma_wait3A_980 = arith.constant 0 : i32
        %dma_wait3A_981 = arith.constant 0 : i32
        %dma_wait3A_982 = tpu.memref_slice %arg4[%add3A_970, %dma_wait3A_980, %dma_wait3A_981] : memref<4096x50x128xf32, #tpu.memory_space<hbm>> -> memref<1x50x128xf32, #tpu.memory_space<hbm>>
        %dma_wait3A_983 = tpu.memref_squeeze %dma_wait3A_982 : memref<1x50x128xf32, #tpu.memory_space<hbm>> -> memref<50x128xf32, #tpu.memory_space<hbm>>
        %dma_wait3A_984 = arith.constant 0 : i32
        %dma_wait3A_985 = arith.constant 0 : i32
        %dma_wait3A_986 = tpu.memref_slice %arg6[%dma_wait3A_971, %dma_wait3A_984, %dma_wait3A_985] : memref<8x100x128xf32, #tpu.memory_space<vmem>> -> memref<1x50x128xf32, #tpu.memory_space<vmem>>
        %dma_wait3A_987 = tpu.memref_squeeze %dma_wait3A_986 : memref<1x50x128xf32, #tpu.memory_space<vmem>> -> memref<50x128xf32, #tpu.memory_space<vmem>>
        tpu.wait_dma2 semaphore(%arg8 : memref<!tpu.dma_semaphore, #tpu.memory_space<semaphore_mem>>) src(%dma_wait3A_987 : memref<50x128xf32, #tpu.memory_space<vmem>>) dst(%dma_wait3A_983 : memref<50x128xf32, #tpu.memory_space<hbm>>)
        %mul3A_988 = arith.constant 2 : i32
        %mul3A_989 = arith.muli %mul3A_988, %add3A_494 : i32
        %add3A_990 = arith.addi %mul3A_2, %mul3A_989 : i32
        %add3A_991 = arith.constant 1 : i32
        %add3A_992 = arith.addi %add3A_990, %add3A_991 : i32
        %dma_wait3A_993 = arith.constant 1 : i32
        %dma_wait3A_994 = arith.constant 50 : i32
        %dma_wait3A_995 = arith.constant 0 : i32
        %dma_wait3A_996 = tpu.memref_slice %arg6[%dma_wait3A_993, %dma_wait3A_994, %dma_wait3A_995] : memref<8x100x128xf32, #tpu.memory_space<vmem>> -> memref<1x50x128xf32, #tpu.memory_space<vmem>>
        %dma_wait3A_997 = tpu.memref_squeeze %dma_wait3A_996 : memref<1x50x128xf32, #tpu.memory_space<vmem>> -> memref<50x128xf32, #tpu.memory_space<vmem>>
        %dma_wait3A_998 = arith.constant 0 : i32
        %dma_wait3A_999 = arith.constant 0 : i32
        %dma_wait3A_1000 = tpu.memref_slice %arg4[%add3A_992, %dma_wait3A_998, %dma_wait3A_999] : memref<4096x50x128xf32, #tpu.memory_space<hbm>> -> memref<1x50x128xf32, #tpu.memory_space<hbm>>
        %dma_wait3A_1001 = tpu.memref_squeeze %dma_wait3A_1000 : memref<1x50x128xf32, #tpu.memory_space<hbm>> -> memref<50x128xf32, #tpu.memory_space<hbm>>
        %dma_wait3A_1002 = arith.constant 0 : i32
        %dma_wait3A_1003 = arith.constant 0 : i32
        %dma_wait3A_1004 = tpu.memref_slice %arg4[%add3A_992, %dma_wait3A_1002, %dma_wait3A_1003] : memref<4096x50x128xf32, #tpu.memory_space<hbm>> -> memref<1x50x128xf32, #tpu.memory_space<hbm>>
        %dma_wait3A_1005 = tpu.memref_squeeze %dma_wait3A_1004 : memref<1x50x128xf32, #tpu.memory_space<hbm>> -> memref<50x128xf32, #tpu.memory_space<hbm>>
        %dma_wait3A_1006 = arith.constant 50 : i32
        %dma_wait3A_1007 = arith.constant 0 : i32
        %dma_wait3A_1008 = tpu.memref_slice %arg6[%dma_wait3A_993, %dma_wait3A_1006, %dma_wait3A_1007] : memref<8x100x128xf32, #tpu.memory_space<vmem>> -> memref<1x50x128xf32, #tpu.memory_space<vmem>>
        %dma_wait3A_1009 = tpu.memref_squeeze %dma_wait3A_1008 : memref<1x50x128xf32, #tpu.memory_space<vmem>> -> memref<50x128xf32, #tpu.memory_space<vmem>>
        tpu.wait_dma2 semaphore(%arg8 : memref<!tpu.dma_semaphore, #tpu.memory_space<semaphore_mem>>) src(%dma_wait3A_1009 : memref<50x128xf32, #tpu.memory_space<vmem>>) dst(%dma_wait3A_1005 : memref<50x128xf32, #tpu.memory_space<hbm>>)
        %dma_start3A_1010 = arith.constant 1 : i32
        %dma_start3A_1011 = arith.constant 0 : i32
        %dma_start3A_1012 = arith.constant 0 : i32
        %dma_start3A_1013 = tpu.memref_slice %arg6[%dma_start3A_1010, %dma_start3A_1011, %dma_start3A_1012] : memref<8x100x128xf32, #tpu.memory_space<vmem>> -> memref<1x100x128xf32, #tpu.memory_space<vmem>>
        %dma_start3A_1014 = tpu.memref_squeeze %dma_start3A_1013 : memref<1x100x128xf32, #tpu.memory_space<vmem>> -> memref<100x128xf32, #tpu.memory_space<vmem>>
        %dma_start3A_1015 = arith.constant 0 : i32
        %dma_start3A_1016 = tpu.memref_slice %arg5[%add3A_553, %dma_start3A_1015] : memref<64x128xi32, #tpu.memory_space<vmem>> -> memref<1x100xi32, #tpu.memory_space<vmem>>
        %dma_start3A_1017 = tpu.memref_squeeze %dma_start3A_1016 : memref<1x100xi32, #tpu.memory_space<vmem>> -> memref<100xi32, #tpu.memory_space<vmem>>
        %dma_start3A_1018 = arith.constant 0 : i32
        %dma_start3A_1019 = arith.constant 0 : i32
        %dma_start3A_1020 = tpu.memref_slice %arg3[%dma_start3A_1018, %dma_start3A_1019] : memref<100000x128xf32, #tpu.memory_space<hbm>> -> memref<100000x128xf32, #tpu.memory_space<hbm>>
        tpu.enqueue_indirect_dma source(%dma_start3A_1020 : memref<100000x128xf32, #tpu.memory_space<hbm>>) target(%dma_start3A_1014 : memref<100x128xf32, #tpu.memory_space<vmem>>) offsets(%dma_start3A_1017 : memref<100xi32, #tpu.memory_space<vmem>>) semaphore(%arg7 : memref<!tpu.dma_semaphore, #tpu.memory_space<semaphore_mem>>)
      } else {
      }
      %mul3A_559 = arith.constant 8 : i32
      %mul3A_560 = arith.muli %scan3A_425, %mul3A_559 : i32
      %add3A_561 = arith.constant 2 : i32
      %add3A_562 = arith.addi %mul3A_560, %add3A_561 : i32
      %dma_wait3A_563 = arith.constant 2 : i32
      %dma_wait3A_564 = arith.constant 0 : i32
      %dma_wait3A_565 = arith.constant 0 : i32
      %dma_wait3A_566 = tpu.memref_slice %arg6[%dma_wait3A_563, %dma_wait3A_564, %dma_wait3A_565] : memref<8x100x128xf32, #tpu.memory_space<vmem>> -> memref<1x100x128xf32, #tpu.memory_space<vmem>>
      %dma_wait3A_567 = tpu.memref_squeeze %dma_wait3A_566 : memref<1x100x128xf32, #tpu.memory_space<vmem>> -> memref<100x128xf32, #tpu.memory_space<vmem>>
      %dma_wait3A_568 = arith.constant 0 : i32
      %dma_wait3A_569 = tpu.memref_slice %arg5[%add3A_562, %dma_wait3A_568] : memref<64x128xi32, #tpu.memory_space<vmem>> -> memref<1x100xi32, #tpu.memory_space<vmem>>
      %dma_wait3A_570 = tpu.memref_squeeze %dma_wait3A_569 : memref<1x100xi32, #tpu.memory_space<vmem>> -> memref<100xi32, #tpu.memory_space<vmem>>
      %dma_wait3A_571 = arith.constant 0 : i32
      %dma_wait3A_572 = arith.constant 0 : i32
      %dma_wait3A_573 = tpu.memref_slice %arg3[%dma_wait3A_571, %dma_wait3A_572] : memref<100000x128xf32, #tpu.memory_space<hbm>> -> memref<100000x128xf32, #tpu.memory_space<hbm>>
      tpu.wait_indirect_dma semaphore(%arg7 : memref<!tpu.dma_semaphore, #tpu.memory_space<semaphore_mem>>) src(%dma_wait3A_573 : memref<100000x128xf32, #tpu.memory_space<hbm>>) dst(%dma_wait3A_567 : memref<100x128xf32, #tpu.memory_space<vmem>>)
      %parallel_loop3A_574 = arith.constant 0 : i32
      %parallel_loop3A_575 = arith.constant 100 : i32
      %parallel_loop3A_576 = arith.constant 1 : i32
      %parallel_loop3A_577 = arith.constant 2 : i32
      scf.for %parallel_loop3A_968 = %parallel_loop3A_574 to %parallel_loop3A_575 step %parallel_loop3A_576  : i32 {
        %parallel_loop3A_969 = arith.constant 0 : i32
        %parallel_loop3A_970 = arith.constant 0 : i32
        %parallel_loop3A_971 = tpu.memref_slice %arg6[%parallel_loop3A_577, %parallel_loop3A_969, %parallel_loop3A_970] : memref<8x100x128xf32, #tpu.memory_space<vmem>> -> memref<1x100x128xf32, #tpu.memory_space<vmem>>
        %parallel_loop3A_972 = tpu.memref_squeeze %parallel_loop3A_971 : memref<1x100x128xf32, #tpu.memory_space<vmem>> -> memref<100x128xf32, #tpu.memory_space<vmem>>
        %parallel_loop3A_973 = arith.index_cast %parallel_loop3A_968 : i32 to index
        %parallel_loop3A_974 = arith.constant 0 : index
        %parallel_loop3A_975 = tpu.vector_load %parallel_loop3A_972[%parallel_loop3A_973, %parallel_loop3A_974] {strides = array<i32>} : memref<100x128xf32, #tpu.memory_space<vmem>>, vector<1x16xf32>,
        %parallel_loop3A_976 = vector.shape_cast %parallel_loop3A_975 : vector<1x16xf32> to vector<16xf32>
        %parallel_loop3A_977 = arith.constant 11.3137083 : f32
        %parallel_loop3A_978 = vector.broadcast %parallel_loop3A_977 : f32 to vector<16xf32>
        %parallel_loop3A_979 = arith.mulf %parallel_loop3A_976, %parallel_loop3A_978 : vector<16xf32>
        %parallel_loop3A_980 = arith.constant 0 : i32
        %parallel_loop3A_981 = arith.constant 0 : i32
        %parallel_loop3A_982 = tpu.memref_slice %arg6[%parallel_loop3A_577, %parallel_loop3A_980, %parallel_loop3A_981] : memref<8x100x128xf32, #tpu.memory_space<vmem>> -> memref<1x100x128xf32, #tpu.memory_space<vmem>>
        %parallel_loop3A_983 = tpu.memref_squeeze %parallel_loop3A_982 : memref<1x100x128xf32, #tpu.memory_space<vmem>> -> memref<100x128xf32, #tpu.memory_space<vmem>>
        %parallel_loop3A_984 = arith.index_cast %parallel_loop3A_968 : i32 to index
        %parallel_loop3A_985 = arith.constant 0 : index
        %parallel_loop3A_986 = tpu.vector_load %parallel_loop3A_983[%parallel_loop3A_984, %parallel_loop3A_985] {strides = array<i32>} : memref<100x128xf32, #tpu.memory_space<vmem>>, vector<1x16xf32>,
        %parallel_loop3A_987 = vector.shape_cast %parallel_loop3A_986 : vector<1x16xf32> to vector<16xf32>
        %parallel_loop3A_988 = vector.shape_cast %parallel_loop3A_979 : vector<16xf32> to vector<1x16xf32>
        tpu.vector_store %parallel_loop3A_983[%parallel_loop3A_984, %parallel_loop3A_985], %parallel_loop3A_988 {strides = array<i32>} : memref<100x128xf32, #tpu.memory_space<vmem>>, vector<1x16xf32>,
        %parallel_loop3A_989 = arith.constant 0 : i32
        %parallel_loop3A_990 = arith.constant 0 : i32
        %parallel_loop3A_991 = tpu.memref_slice %arg6[%parallel_loop3A_577, %parallel_loop3A_989, %parallel_loop3A_990] : memref<8x100x128xf32, #tpu.memory_space<vmem>> -> memref<1x100x128xf32, #tpu.memory_space<vmem>>
        %parallel_loop3A_992 = tpu.memref_squeeze %parallel_loop3A_991 : memref<1x100x128xf32, #tpu.memory_space<vmem>> -> memref<100x128xf32, #tpu.memory_space<vmem>>
        %parallel_loop3A_993 = arith.index_cast %parallel_loop3A_968 : i32 to index
        %parallel_loop3A_994 = arith.constant 16 : index
        %parallel_loop3A_995 = tpu.vector_load %parallel_loop3A_992[%parallel_loop3A_993, %parallel_loop3A_994] {strides = array<i32>} : memref<100x128xf32, #tpu.memory_space<vmem>>, vector<1x16xf32>,
        %parallel_loop3A_996 = vector.shape_cast %parallel_loop3A_995 : vector<1x16xf32> to vector<16xf32>
        %parallel_loop3A_997 = arith.constant 11.3137083 : f32
        %parallel_loop3A_998 = vector.broadcast %parallel_loop3A_997 : f32 to vector<16xf32>
        %parallel_loop3A_999 = arith.mulf %parallel_loop3A_996, %parallel_loop3A_998 : vector<16xf32>
        %parallel_loop3A_1000 = arith.constant 0 : i32
        %parallel_loop3A_1001 = arith.constant 0 : i32
        %parallel_loop3A_1002 = tpu.memref_slice %arg6[%parallel_loop3A_577, %parallel_loop3A_1000, %parallel_loop3A_1001] : memref<8x100x128xf32, #tpu.memory_space<vmem>> -> memref<1x100x128xf32, #tpu.memory_space<vmem>>
        %parallel_loop3A_1003 = tpu.memref_squeeze %parallel_loop3A_1002 : memref<1x100x128xf32, #tpu.memory_space<vmem>> -> memref<100x128xf32, #tpu.memory_space<vmem>>
        %parallel_loop3A_1004 = arith.index_cast %parallel_loop3A_968 : i32 to index
        %parallel_loop3A_1005 = arith.constant 16 : index
        %parallel_loop3A_1006 = tpu.vector_load %parallel_loop3A_1003[%parallel_loop3A_1004, %parallel_loop3A_1005] {strides = array<i32>} : memref<100x128xf32, #tpu.memory_space<vmem>>, vector<1x16xf32>,
        %parallel_loop3A_1007 = vector.shape_cast %parallel_loop3A_1006 : vector<1x16xf32> to vector<16xf32>
        %parallel_loop3A_1008 = vector.shape_cast %parallel_loop3A_999 : vector<16xf32> to vector<1x16xf32>
        tpu.vector_store %parallel_loop3A_1003[%parallel_loop3A_1004, %parallel_loop3A_1005], %parallel_loop3A_1008 {strides = array<i32>} : memref<100x128xf32, #tpu.memory_space<vmem>>, vector<1x16xf32>,
        %parallel_loop3A_1009 = arith.constant 0 : i32
        %parallel_loop3A_1010 = arith.constant 0 : i32
        %parallel_loop3A_1011 = tpu.memref_slice %arg6[%parallel_loop3A_577, %parallel_loop3A_1009, %parallel_loop3A_1010] : memref<8x100x128xf32, #tpu.memory_space<vmem>> -> memref<1x100x128xf32, #tpu.memory_space<vmem>>
        %parallel_loop3A_1012 = tpu.memref_squeeze %parallel_loop3A_1011 : memref<1x100x128xf32, #tpu.memory_space<vmem>> -> memref<100x128xf32, #tpu.memory_space<vmem>>
        %parallel_loop3A_1013 = arith.index_cast %parallel_loop3A_968 : i32 to index
        %parallel_loop3A_1014 = arith.constant 32 : index
        %parallel_loop3A_1015 = tpu.vector_load %parallel_loop3A_1012[%parallel_loop3A_1013, %parallel_loop3A_1014] {strides = array<i32>} : memref<100x128xf32, #tpu.memory_space<vmem>>, vector<1x16xf32>,
        %parallel_loop3A_1016 = vector.shape_cast %parallel_loop3A_1015 : vector<1x16xf32> to vector<16xf32>
        %parallel_loop3A_1017 = arith.constant 11.3137083 : f32
        %parallel_loop3A_1018 = vector.broadcast %parallel_loop3A_1017 : f32 to vector<16xf32>
        %parallel_loop3A_1019 = arith.mulf %parallel_loop3A_1016, %parallel_loop3A_1018 : vector<16xf32>
        %parallel_loop3A_1020 = arith.constant 0 : i32
        %parallel_loop3A_1021 = arith.constant 0 : i32
        %parallel_loop3A_1022 = tpu.memref_slice %arg6[%parallel_loop3A_577, %parallel_loop3A_1020, %parallel_loop3A_1021] : memref<8x100x128xf32, #tpu.memory_space<vmem>> -> memref<1x100x128xf32, #tpu.memory_space<vmem>>
        %parallel_loop3A_1023 = tpu.memref_squeeze %parallel_loop3A_1022 : memref<1x100x128xf32, #tpu.memory_space<vmem>> -> memref<100x128xf32, #tpu.memory_space<vmem>>
        %parallel_loop3A_1024 = arith.index_cast %parallel_loop3A_968 : i32 to index
        %parallel_loop3A_1025 = arith.constant 32 : index
        %parallel_loop3A_1026 = tpu.vector_load %parallel_loop3A_1023[%parallel_loop3A_1024, %parallel_loop3A_1025] {strides = array<i32>} : memref<100x128xf32, #tpu.memory_space<vmem>>, vector<1x16xf32>,
        %parallel_loop3A_1027 = vector.shape_cast %parallel_loop3A_1026 : vector<1x16xf32> to vector<16xf32>
        %parallel_loop3A_1028 = vector.shape_cast %parallel_loop3A_1019 : vector<16xf32> to vector<1x16xf32>
        tpu.vector_store %parallel_loop3A_1023[%parallel_loop3A_1024, %parallel_loop3A_1025], %parallel_loop3A_1028 {strides = array<i32>} : memref<100x128xf32, #tpu.memory_space<vmem>>, vector<1x16xf32>,
        %parallel_loop3A_1029 = arith.constant 0 : i32
        %parallel_loop3A_1030 = arith.constant 0 : i32
        %parallel_loop3A_1031 = tpu.memref_slice %arg6[%parallel_loop3A_577, %parallel_loop3A_1029, %parallel_loop3A_1030] : memref<8x100x128xf32, #tpu.memory_space<vmem>> -> memref<1x100x128xf32, #tpu.memory_space<vmem>>
        %parallel_loop3A_1032 = tpu.memref_squeeze %parallel_loop3A_1031 : memref<1x100x128xf32, #tpu.memory_space<vmem>> -> memref<100x128xf32, #tpu.memory_space<vmem>>
        %parallel_loop3A_1033 = arith.index_cast %parallel_loop3A_968 : i32 to index
        %parallel_loop3A_1034 = arith.constant 48 : index
        %parallel_loop3A_1035 = tpu.vector_load %parallel_loop3A_1032[%parallel_loop3A_1033, %parallel_loop3A_1034] {strides = array<i32>} : memref<100x128xf32, #tpu.memory_space<vmem>>, vector<1x16xf32>,
        %parallel_loop3A_1036 = vector.shape_cast %parallel_loop3A_1035 : vector<1x16xf32> to vector<16xf32>
        %parallel_loop3A_1037 = arith.constant 11.3137083 : f32
        %parallel_loop3A_1038 = vector.broadcast %parallel_loop3A_1037 : f32 to vector<16xf32>
        %parallel_loop3A_1039 = arith.mulf %parallel_loop3A_1036, %parallel_loop3A_1038 : vector<16xf32>
        %parallel_loop3A_1040 = arith.constant 0 : i32
        %parallel_loop3A_1041 = arith.constant 0 : i32
        %parallel_loop3A_1042 = tpu.memref_slice %arg6[%parallel_loop3A_577, %parallel_loop3A_1040, %parallel_loop3A_1041] : memref<8x100x128xf32, #tpu.memory_space<vmem>> -> memref<1x100x128xf32, #tpu.memory_space<vmem>>
        %parallel_loop3A_1043 = tpu.memref_squeeze %parallel_loop3A_1042 : memref<1x100x128xf32, #tpu.memory_space<vmem>> -> memref<100x128xf32, #tpu.memory_space<vmem>>
        %parallel_loop3A_1044 = arith.index_cast %parallel_loop3A_968 : i32 to index
        %parallel_loop3A_1045 = arith.constant 48 : index
        %parallel_loop3A_1046 = tpu.vector_load %parallel_loop3A_1043[%parallel_loop3A_1044, %parallel_loop3A_1045] {strides = array<i32>} : memref<100x128xf32, #tpu.memory_space<vmem>>, vector<1x16xf32>,
        %parallel_loop3A_1047 = vector.shape_cast %parallel_loop3A_1046 : vector<1x16xf32> to vector<16xf32>
        %parallel_loop3A_1048 = vector.shape_cast %parallel_loop3A_1039 : vector<16xf32> to vector<1x16xf32>
        tpu.vector_store %parallel_loop3A_1043[%parallel_loop3A_1044, %parallel_loop3A_1045], %parallel_loop3A_1048 {strides = array<i32>} : memref<100x128xf32, #tpu.memory_space<vmem>>, vector<1x16xf32>,
        %parallel_loop3A_1049 = arith.constant 0 : i32
        %parallel_loop3A_1050 = arith.constant 0 : i32
        %parallel_loop3A_1051 = tpu.memref_slice %arg6[%parallel_loop3A_577, %parallel_loop3A_1049, %parallel_loop3A_1050] : memref<8x100x128xf32, #tpu.memory_space<vmem>> -> memref<1x100x128xf32, #tpu.memory_space<vmem>>
        %parallel_loop3A_1052 = tpu.memref_squeeze %parallel_loop3A_1051 : memref<1x100x128xf32, #tpu.memory_space<vmem>> -> memref<100x128xf32, #tpu.memory_space<vmem>>
        %parallel_loop3A_1053 = arith.index_cast %parallel_loop3A_968 : i32 to index
        %parallel_loop3A_1054 = arith.constant 64 : index
        %parallel_loop3A_1055 = tpu.vector_load %parallel_loop3A_1052[%parallel_loop3A_1053, %parallel_loop3A_1054] {strides = array<i32>} : memref<100x128xf32, #tpu.memory_space<vmem>>, vector<1x16xf32>,
        %parallel_loop3A_1056 = vector.shape_cast %parallel_loop3A_1055 : vector<1x16xf32> to vector<16xf32>
        %parallel_loop3A_1057 = arith.constant 11.3137083 : f32
        %parallel_loop3A_1058 = vector.broadcast %parallel_loop3A_1057 : f32 to vector<16xf32>
        %parallel_loop3A_1059 = arith.mulf %parallel_loop3A_1056, %parallel_loop3A_1058 : vector<16xf32>
        %parallel_loop3A_1060 = arith.constant 0 : i32
        %parallel_loop3A_1061 = arith.constant 0 : i32
        %parallel_loop3A_1062 = tpu.memref_slice %arg6[%parallel_loop3A_577, %parallel_loop3A_1060, %parallel_loop3A_1061] : memref<8x100x128xf32, #tpu.memory_space<vmem>> -> memref<1x100x128xf32, #tpu.memory_space<vmem>>
        %parallel_loop3A_1063 = tpu.memref_squeeze %parallel_loop3A_1062 : memref<1x100x128xf32, #tpu.memory_space<vmem>> -> memref<100x128xf32, #tpu.memory_space<vmem>>
        %parallel_loop3A_1064 = arith.index_cast %parallel_loop3A_968 : i32 to index
        %parallel_loop3A_1065 = arith.constant 64 : index
        %parallel_loop3A_1066 = tpu.vector_load %parallel_loop3A_1063[%parallel_loop3A_1064, %parallel_loop3A_1065] {strides = array<i32>} : memref<100x128xf32, #tpu.memory_space<vmem>>, vector<1x16xf32>,
        %parallel_loop3A_1067 = vector.shape_cast %parallel_loop3A_1066 : vector<1x16xf32> to vector<16xf32>
        %parallel_loop3A_1068 = vector.shape_cast %parallel_loop3A_1059 : vector<16xf32> to vector<1x16xf32>
        tpu.vector_store %parallel_loop3A_1063[%parallel_loop3A_1064, %parallel_loop3A_1065], %parallel_loop3A_1068 {strides = array<i32>} : memref<100x128xf32, #tpu.memory_space<vmem>>, vector<1x16xf32>,
        %parallel_loop3A_1069 = arith.constant 0 : i32
        %parallel_loop3A_1070 = arith.constant 0 : i32
        %parallel_loop3A_1071 = tpu.memref_slice %arg6[%parallel_loop3A_577, %parallel_loop3A_1069, %parallel_loop3A_1070] : memref<8x100x128xf32, #tpu.memory_space<vmem>> -> memref<1x100x128xf32, #tpu.memory_space<vmem>>
        %parallel_loop3A_1072 = tpu.memref_squeeze %parallel_loop3A_1071 : memref<1x100x128xf32, #tpu.memory_space<vmem>> -> memref<100x128xf32, #tpu.memory_space<vmem>>
        %parallel_loop3A_1073 = arith.index_cast %parallel_loop3A_968 : i32 to index
        %parallel_loop3A_1074 = arith.constant 80 : index
        %parallel_loop3A_1075 = tpu.vector_load %parallel_loop3A_1072[%parallel_loop3A_1073, %parallel_loop3A_1074] {strides = array<i32>} : memref<100x128xf32, #tpu.memory_space<vmem>>, vector<1x16xf32>,
        %parallel_loop3A_1076 = vector.shape_cast %parallel_loop3A_1075 : vector<1x16xf32> to vector<16xf32>
        %parallel_loop3A_1077 = arith.constant 11.3137083 : f32
        %parallel_loop3A_1078 = vector.broadcast %parallel_loop3A_1077 : f32 to vector<16xf32>
        %parallel_loop3A_1079 = arith.mulf %parallel_loop3A_1076, %parallel_loop3A_1078 : vector<16xf32>
        %parallel_loop3A_1080 = arith.constant 0 : i32
        %parallel_loop3A_1081 = arith.constant 0 : i32
        %parallel_loop3A_1082 = tpu.memref_slice %arg6[%parallel_loop3A_577, %parallel_loop3A_1080, %parallel_loop3A_1081] : memref<8x100x128xf32, #tpu.memory_space<vmem>> -> memref<1x100x128xf32, #tpu.memory_space<vmem>>
        %parallel_loop3A_1083 = tpu.memref_squeeze %parallel_loop3A_1082 : memref<1x100x128xf32, #tpu.memory_space<vmem>> -> memref<100x128xf32, #tpu.memory_space<vmem>>
        %parallel_loop3A_1084 = arith.index_cast %parallel_loop3A_968 : i32 to index
        %parallel_loop3A_1085 = arith.constant 80 : index
        %parallel_loop3A_1086 = tpu.vector_load %parallel_loop3A_1083[%parallel_loop3A_1084, %parallel_loop3A_1085] {strides = array<i32>} : memref<100x128xf32, #tpu.memory_space<vmem>>, vector<1x16xf32>,
        %parallel_loop3A_1087 = vector.shape_cast %parallel_loop3A_1086 : vector<1x16xf32> to vector<16xf32>
        %parallel_loop3A_1088 = vector.shape_cast %parallel_loop3A_1079 : vector<16xf32> to vector<1x16xf32>
        tpu.vector_store %parallel_loop3A_1083[%parallel_loop3A_1084, %parallel_loop3A_1085], %parallel_loop3A_1088 {strides = array<i32>} : memref<100x128xf32, #tpu.memory_space<vmem>>, vector<1x16xf32>,
        %parallel_loop3A_1089 = arith.constant 0 : i32
        %parallel_loop3A_1090 = arith.constant 0 : i32
        %parallel_loop3A_1091 = tpu.memref_slice %arg6[%parallel_loop3A_577, %parallel_loop3A_1089, %parallel_loop3A_1090] : memref<8x100x128xf32, #tpu.memory_space<vmem>> -> memref<1x100x128xf32, #tpu.memory_space<vmem>>
        %parallel_loop3A_1092 = tpu.memref_squeeze %parallel_loop3A_1091 : memref<1x100x128xf32, #tpu.memory_space<vmem>> -> memref<100x128xf32, #tpu.memory_space<vmem>>
        %parallel_loop3A_1093 = arith.index_cast %parallel_loop3A_968 : i32 to index
        %parallel_loop3A_1094 = arith.constant 96 : index
        %parallel_loop3A_1095 = tpu.vector_load %parallel_loop3A_1092[%parallel_loop3A_1093, %parallel_loop3A_1094] {strides = array<i32>} : memref<100x128xf32, #tpu.memory_space<vmem>>, vector<1x16xf32>,
        %parallel_loop3A_1096 = vector.shape_cast %parallel_loop3A_1095 : vector<1x16xf32> to vector<16xf32>
        %parallel_loop3A_1097 = arith.constant 11.3137083 : f32
        %parallel_loop3A_1098 = vector.broadcast %parallel_loop3A_1097 : f32 to vector<16xf32>
        %parallel_loop3A_1099 = arith.mulf %parallel_loop3A_1096, %parallel_loop3A_1098 : vector<16xf32>
        %parallel_loop3A_1100 = arith.constant 0 : i32
        %parallel_loop3A_1101 = arith.constant 0 : i32
        %parallel_loop3A_1102 = tpu.memref_slice %arg6[%parallel_loop3A_577, %parallel_loop3A_1100, %parallel_loop3A_1101] : memref<8x100x128xf32, #tpu.memory_space<vmem>> -> memref<1x100x128xf32, #tpu.memory_space<vmem>>
        %parallel_loop3A_1103 = tpu.memref_squeeze %parallel_loop3A_1102 : memref<1x100x128xf32, #tpu.memory_space<vmem>> -> memref<100x128xf32, #tpu.memory_space<vmem>>
        %parallel_loop3A_1104 = arith.index_cast %parallel_loop3A_968 : i32 to index
        %parallel_loop3A_1105 = arith.constant 96 : index
        %parallel_loop3A_1106 = tpu.vector_load %parallel_loop3A_1103[%parallel_loop3A_1104, %parallel_loop3A_1105] {strides = array<i32>} : memref<100x128xf32, #tpu.memory_space<vmem>>, vector<1x16xf32>,
        %parallel_loop3A_1107 = vector.shape_cast %parallel_loop3A_1106 : vector<1x16xf32> to vector<16xf32>
        %parallel_loop3A_1108 = vector.shape_cast %parallel_loop3A_1099 : vector<16xf32> to vector<1x16xf32>
        tpu.vector_store %parallel_loop3A_1103[%parallel_loop3A_1104, %parallel_loop3A_1105], %parallel_loop3A_1108 {strides = array<i32>} : memref<100x128xf32, #tpu.memory_space<vmem>>, vector<1x16xf32>,
        %parallel_loop3A_1109 = arith.constant 0 : i32
        %parallel_loop3A_1110 = arith.constant 0 : i32
        %parallel_loop3A_1111 = tpu.memref_slice %arg6[%parallel_loop3A_577, %parallel_loop3A_1109, %parallel_loop3A_1110] : memref<8x100x128xf32, #tpu.memory_space<vmem>> -> memref<1x100x128xf32, #tpu.memory_space<vmem>>
        %parallel_loop3A_1112 = tpu.memref_squeeze %parallel_loop3A_1111 : memref<1x100x128xf32, #tpu.memory_space<vmem>> -> memref<100x128xf32, #tpu.memory_space<vmem>>
        %parallel_loop3A_1113 = arith.index_cast %parallel_loop3A_968 : i32 to index
        %parallel_loop3A_1114 = arith.constant 112 : index
        %parallel_loop3A_1115 = tpu.vector_load %parallel_loop3A_1112[%parallel_loop3A_1113, %parallel_loop3A_1114] {strides = array<i32>} : memref<100x128xf32, #tpu.memory_space<vmem>>, vector<1x16xf32>,
        %parallel_loop3A_1116 = vector.shape_cast %parallel_loop3A_1115 : vector<1x16xf32> to vector<16xf32>
        %parallel_loop3A_1117 = arith.constant 11.3137083 : f32
        %parallel_loop3A_1118 = vector.broadcast %parallel_loop3A_1117 : f32 to vector<16xf32>
        %parallel_loop3A_1119 = arith.mulf %parallel_loop3A_1116, %parallel_loop3A_1118 : vector<16xf32>
        %parallel_loop3A_1120 = arith.constant 0 : i32
        %parallel_loop3A_1121 = arith.constant 0 : i32
        %parallel_loop3A_1122 = tpu.memref_slice %arg6[%parallel_loop3A_577, %parallel_loop3A_1120, %parallel_loop3A_1121] : memref<8x100x128xf32, #tpu.memory_space<vmem>> -> memref<1x100x128xf32, #tpu.memory_space<vmem>>
        %parallel_loop3A_1123 = tpu.memref_squeeze %parallel_loop3A_1122 : memref<1x100x128xf32, #tpu.memory_space<vmem>> -> memref<100x128xf32, #tpu.memory_space<vmem>>
        %parallel_loop3A_1124 = arith.index_cast %parallel_loop3A_968 : i32 to index
        %parallel_loop3A_1125 = arith.constant 112 : index
        %parallel_loop3A_1126 = tpu.vector_load %parallel_loop3A_1123[%parallel_loop3A_1124, %parallel_loop3A_1125] {strides = array<i32>} : memref<100x128xf32, #tpu.memory_space<vmem>>, vector<1x16xf32>,
        %parallel_loop3A_1127 = vector.shape_cast %parallel_loop3A_1126 : vector<1x16xf32> to vector<16xf32>
        %parallel_loop3A_1128 = vector.shape_cast %parallel_loop3A_1119 : vector<16xf32> to vector<1x16xf32>
        tpu.vector_store %parallel_loop3A_1123[%parallel_loop3A_1124, %parallel_loop3A_1125], %parallel_loop3A_1128 {strides = array<i32>} : memref<100x128xf32, #tpu.memory_space<vmem>>, vector<1x16xf32>,
      } {sc.loop_unroll_factor = 4 : i64, sc.parallel_access}
      %mul3A_578 = arith.constant 2 : i32
      %mul3A_579 = arith.muli %mul3A_578, %add3A_562 : i32
      %add3A_580 = arith.addi %mul3A_2, %mul3A_579 : i32
      %dma_start3A_581 = arith.constant 2 : i32
      %dma_start3A_582 = arith.constant 0 : i32
      %dma_start3A_583 = arith.constant 0 : i32
      %dma_start3A_584 = tpu.memref_slice %arg6[%dma_start3A_581, %dma_start3A_582, %dma_start3A_583] : memref<8x100x128xf32, #tpu.memory_space<vmem>> -> memref<1x50x128xf32, #tpu.memory_space<vmem>>
      %dma_start3A_585 = tpu.memref_squeeze %dma_start3A_584 : memref<1x50x128xf32, #tpu.memory_space<vmem>> -> memref<50x128xf32, #tpu.memory_space<vmem>>
      %dma_start3A_586 = arith.constant 0 : i32
      %dma_start3A_587 = arith.constant 0 : i32
      %dma_start3A_588 = tpu.memref_slice %arg4[%add3A_580, %dma_start3A_586, %dma_start3A_587] : memref<4096x50x128xf32, #tpu.memory_space<hbm>> -> memref<1x50x128xf32, #tpu.memory_space<hbm>>
      %dma_start3A_589 = tpu.memref_squeeze %dma_start3A_588 : memref<1x50x128xf32, #tpu.memory_space<hbm>> -> memref<50x128xf32, #tpu.memory_space<hbm>>
      %dma_start3A_590 = arith.constant 0 : i32
      %dma_start3A_591 = arith.constant 0 : i32
      %dma_start3A_592 = tpu.memref_slice %arg4[%add3A_580, %dma_start3A_590, %dma_start3A_591] : memref<4096x50x128xf32, #tpu.memory_space<hbm>> -> memref<1x50x128xf32, #tpu.memory_space<hbm>>
      %dma_start3A_593 = tpu.memref_squeeze %dma_start3A_592 : memref<1x50x128xf32, #tpu.memory_space<hbm>> -> memref<50x128xf32, #tpu.memory_space<hbm>>
      %dma_start3A_594 = arith.constant 0 : i32
      %dma_start3A_595 = arith.constant 0 : i32
      %dma_start3A_596 = tpu.memref_slice %arg6[%dma_start3A_581, %dma_start3A_594, %dma_start3A_595] : memref<8x100x128xf32, #tpu.memory_space<vmem>> -> memref<1x50x128xf32, #tpu.memory_space<vmem>>
      %dma_start3A_597 = tpu.memref_squeeze %dma_start3A_596 : memref<1x50x128xf32, #tpu.memory_space<vmem>> -> memref<50x128xf32, #tpu.memory_space<vmem>>
      tpu.enqueue_dma source(%dma_start3A_597 : memref<50x128xf32, #tpu.memory_space<vmem>>) target(%dma_start3A_593 : memref<50x128xf32, #tpu.memory_space<hbm>>) target_semaphore(%arg8 : memref<!tpu.dma_semaphore, #tpu.memory_space<semaphore_mem>>)
      %mul3A_598 = arith.constant 2 : i32
      %mul3A_599 = arith.muli %mul3A_598, %add3A_562 : i32
      %add3A_600 = arith.addi %mul3A_2, %mul3A_599 : i32
      %add3A_601 = arith.constant 1 : i32
      %add3A_602 = arith.addi %add3A_600, %add3A_601 : i32
      %dma_start3A_603 = arith.constant 2 : i32
      %dma_start3A_604 = arith.constant 50 : i32
      %dma_start3A_605 = arith.constant 0 : i32
      %dma_start3A_606 = tpu.memref_slice %arg6[%dma_start3A_603, %dma_start3A_604, %dma_start3A_605] : memref<8x100x128xf32, #tpu.memory_space<vmem>> -> memref<1x50x128xf32, #tpu.memory_space<vmem>>
      %dma_start3A_607 = tpu.memref_squeeze %dma_start3A_606 : memref<1x50x128xf32, #tpu.memory_space<vmem>> -> memref<50x128xf32, #tpu.memory_space<vmem>>
      %dma_start3A_608 = arith.constant 0 : i32
      %dma_start3A_609 = arith.constant 0 : i32
      %dma_start3A_610 = tpu.memref_slice %arg4[%add3A_602, %dma_start3A_608, %dma_start3A_609] : memref<4096x50x128xf32, #tpu.memory_space<hbm>> -> memref<1x50x128xf32, #tpu.memory_space<hbm>>
      %dma_start3A_611 = tpu.memref_squeeze %dma_start3A_610 : memref<1x50x128xf32, #tpu.memory_space<hbm>> -> memref<50x128xf32, #tpu.memory_space<hbm>>
      %dma_start3A_612 = arith.constant 0 : i32
      %dma_start3A_613 = arith.constant 0 : i32
      %dma_start3A_614 = tpu.memref_slice %arg4[%add3A_602, %dma_start3A_612, %dma_start3A_613] : memref<4096x50x128xf32, #tpu.memory_space<hbm>> -> memref<1x50x128xf32, #tpu.memory_space<hbm>>
      %dma_start3A_615 = tpu.memref_squeeze %dma_start3A_614 : memref<1x50x128xf32, #tpu.memory_space<hbm>> -> memref<50x128xf32, #tpu.memory_space<hbm>>
      %dma_start3A_616 = arith.constant 50 : i32
      %dma_start3A_617 = arith.constant 0 : i32
      %dma_start3A_618 = tpu.memref_slice %arg6[%dma_start3A_603, %dma_start3A_616, %dma_start3A_617] : memref<8x100x128xf32, #tpu.memory_space<vmem>> -> memref<1x50x128xf32, #tpu.memory_space<vmem>>
      %dma_start3A_619 = tpu.memref_squeeze %dma_start3A_618 : memref<1x50x128xf32, #tpu.memory_space<vmem>> -> memref<50x128xf32, #tpu.memory_space<vmem>>
      tpu.enqueue_dma source(%dma_start3A_619 : memref<50x128xf32, #tpu.memory_space<vmem>>) target(%dma_start3A_615 : memref<50x128xf32, #tpu.memory_space<hbm>>) target_semaphore(%arg8 : memref<!tpu.dma_semaphore, #tpu.memory_space<semaphore_mem>>)
      %add3A_620 = arith.constant 8 : i32
      %add3A_621 = arith.addi %add3A_562, %add3A_620 : i32
      %lt3A_622 = arith.constant 64 : i32
      %lt3A_623 = arith.cmpi slt, %add3A_621, %lt3A_622 : i32
      %convert_element_type3A_624 = arith.extui %lt3A_623 : i1 to i32
      %cond3A_625 = arith.constant 0 : i32
      %cond3A_626 = arith.cmpi ne, %convert_element_type3A_624, %cond3A_625 : i32
      scf.if %cond3A_626 {
        %mul3A_968 = arith.constant 2 : i32
        %mul3A_969 = arith.muli %mul3A_968, %add3A_562 : i32
        %add3A_970 = arith.addi %mul3A_2, %mul3A_969 : i32
        %dma_wait3A_971 = arith.constant 2 : i32
        %dma_wait3A_972 = arith.constant 0 : i32
        %dma_wait3A_973 = arith.constant 0 : i32
        %dma_wait3A_974 = tpu.memref_slice %arg6[%dma_wait3A_971, %dma_wait3A_972, %dma_wait3A_973] : memref<8x100x128xf32, #tpu.memory_space<vmem>> -> memref<1x50x128xf32, #tpu.memory_space<vmem>>
        %dma_wait3A_975 = tpu.memref_squeeze %dma_wait3A_974 : memref<1x50x128xf32, #tpu.memory_space<vmem>> -> memref<50x128xf32, #tpu.memory_space<vmem>>
        %dma_wait3A_976 = arith.constant 0 : i32
        %dma_wait3A_977 = arith.constant 0 : i32
        %dma_wait3A_978 = tpu.memref_slice %arg4[%add3A_970, %dma_wait3A_976, %dma_wait3A_977] : memref<4096x50x128xf32, #tpu.memory_space<hbm>> -> memref<1x50x128xf32, #tpu.memory_space<hbm>>
        %dma_wait3A_979 = tpu.memref_squeeze %dma_wait3A_978 : memref<1x50x128xf32, #tpu.memory_space<hbm>> -> memref<50x128xf32, #tpu.memory_space<hbm>>
        %dma_wait3A_980 = arith.constant 0 : i32
        %dma_wait3A_981 = arith.constant 0 : i32
        %dma_wait3A_982 = tpu.memref_slice %arg4[%add3A_970, %dma_wait3A_980, %dma_wait3A_981] : memref<4096x50x128xf32, #tpu.memory_space<hbm>> -> memref<1x50x128xf32, #tpu.memory_space<hbm>>
        %dma_wait3A_983 = tpu.memref_squeeze %dma_wait3A_982 : memref<1x50x128xf32, #tpu.memory_space<hbm>> -> memref<50x128xf32, #tpu.memory_space<hbm>>
        %dma_wait3A_984 = arith.constant 0 : i32
        %dma_wait3A_985 = arith.constant 0 : i32
        %dma_wait3A_986 = tpu.memref_slice %arg6[%dma_wait3A_971, %dma_wait3A_984, %dma_wait3A_985] : memref<8x100x128xf32, #tpu.memory_space<vmem>> -> memref<1x50x128xf32, #tpu.memory_space<vmem>>
        %dma_wait3A_987 = tpu.memref_squeeze %dma_wait3A_986 : memref<1x50x128xf32, #tpu.memory_space<vmem>> -> memref<50x128xf32, #tpu.memory_space<vmem>>
        tpu.wait_dma2 semaphore(%arg8 : memref<!tpu.dma_semaphore, #tpu.memory_space<semaphore_mem>>) src(%dma_wait3A_987 : memref<50x128xf32, #tpu.memory_space<vmem>>) dst(%dma_wait3A_983 : memref<50x128xf32, #tpu.memory_space<hbm>>)
        %mul3A_988 = arith.constant 2 : i32
        %mul3A_989 = arith.muli %mul3A_988, %add3A_562 : i32
        %add3A_990 = arith.addi %mul3A_2, %mul3A_989 : i32
        %add3A_991 = arith.constant 1 : i32
        %add3A_992 = arith.addi %add3A_990, %add3A_991 : i32
        %dma_wait3A_993 = arith.constant 2 : i32
        %dma_wait3A_994 = arith.constant 50 : i32
        %dma_wait3A_995 = arith.constant 0 : i32
        %dma_wait3A_996 = tpu.memref_slice %arg6[%dma_wait3A_993, %dma_wait3A_994, %dma_wait3A_995] : memref<8x100x128xf32, #tpu.memory_space<vmem>> -> memref<1x50x128xf32, #tpu.memory_space<vmem>>
        %dma_wait3A_997 = tpu.memref_squeeze %dma_wait3A_996 : memref<1x50x128xf32, #tpu.memory_space<vmem>> -> memref<50x128xf32, #tpu.memory_space<vmem>>
        %dma_wait3A_998 = arith.constant 0 : i32
        %dma_wait3A_999 = arith.constant 0 : i32
        %dma_wait3A_1000 = tpu.memref_slice %arg4[%add3A_992, %dma_wait3A_998, %dma_wait3A_999] : memref<4096x50x128xf32, #tpu.memory_space<hbm>> -> memref<1x50x128xf32, #tpu.memory_space<hbm>>
        %dma_wait3A_1001 = tpu.memref_squeeze %dma_wait3A_1000 : memref<1x50x128xf32, #tpu.memory_space<hbm>> -> memref<50x128xf32, #tpu.memory_space<hbm>>
        %dma_wait3A_1002 = arith.constant 0 : i32
        %dma_wait3A_1003 = arith.constant 0 : i32
        %dma_wait3A_1004 = tpu.memref_slice %arg4[%add3A_992, %dma_wait3A_1002, %dma_wait3A_1003] : memref<4096x50x128xf32, #tpu.memory_space<hbm>> -> memref<1x50x128xf32, #tpu.memory_space<hbm>>
        %dma_wait3A_1005 = tpu.memref_squeeze %dma_wait3A_1004 : memref<1x50x128xf32, #tpu.memory_space<hbm>> -> memref<50x128xf32, #tpu.memory_space<hbm>>
        %dma_wait3A_1006 = arith.constant 50 : i32
        %dma_wait3A_1007 = arith.constant 0 : i32
        %dma_wait3A_1008 = tpu.memref_slice %arg6[%dma_wait3A_993, %dma_wait3A_1006, %dma_wait3A_1007] : memref<8x100x128xf32, #tpu.memory_space<vmem>> -> memref<1x50x128xf32, #tpu.memory_space<vmem>>
        %dma_wait3A_1009 = tpu.memref_squeeze %dma_wait3A_1008 : memref<1x50x128xf32, #tpu.memory_space<vmem>> -> memref<50x128xf32, #tpu.memory_space<vmem>>
        tpu.wait_dma2 semaphore(%arg8 : memref<!tpu.dma_semaphore, #tpu.memory_space<semaphore_mem>>) src(%dma_wait3A_1009 : memref<50x128xf32, #tpu.memory_space<vmem>>) dst(%dma_wait3A_1005 : memref<50x128xf32, #tpu.memory_space<hbm>>)
        %dma_start3A_1010 = arith.constant 2 : i32
        %dma_start3A_1011 = arith.constant 0 : i32
        %dma_start3A_1012 = arith.constant 0 : i32
        %dma_start3A_1013 = tpu.memref_slice %arg6[%dma_start3A_1010, %dma_start3A_1011, %dma_start3A_1012] : memref<8x100x128xf32, #tpu.memory_space<vmem>> -> memref<1x100x128xf32, #tpu.memory_space<vmem>>
        %dma_start3A_1014 = tpu.memref_squeeze %dma_start3A_1013 : memref<1x100x128xf32, #tpu.memory_space<vmem>> -> memref<100x128xf32, #tpu.memory_space<vmem>>
        %dma_start3A_1015 = arith.constant 0 : i32
        %dma_start3A_1016 = tpu.memref_slice %arg5[%add3A_621, %dma_start3A_1015] : memref<64x128xi32, #tpu.memory_space<vmem>> -> memref<1x100xi32, #tpu.memory_space<vmem>>
        %dma_start3A_1017 = tpu.memref_squeeze %dma_start3A_1016 : memref<1x100xi32, #tpu.memory_space<vmem>> -> memref<100xi32, #tpu.memory_space<vmem>>
        %dma_start3A_1018 = arith.constant 0 : i32
        %dma_start3A_1019 = arith.constant 0 : i32
        %dma_start3A_1020 = tpu.memref_slice %arg3[%dma_start3A_1018, %dma_start3A_1019] : memref<100000x128xf32, #tpu.memory_space<hbm>> -> memref<100000x128xf32, #tpu.memory_space<hbm>>
        tpu.enqueue_indirect_dma source(%dma_start3A_1020 : memref<100000x128xf32, #tpu.memory_space<hbm>>) target(%dma_start3A_1014 : memref<100x128xf32, #tpu.memory_space<vmem>>) offsets(%dma_start3A_1017 : memref<100xi32, #tpu.memory_space<vmem>>) semaphore(%arg7 : memref<!tpu.dma_semaphore, #tpu.memory_space<semaphore_mem>>)
      } else {
      }
      %mul3A_627 = arith.constant 8 : i32
      %mul3A_628 = arith.muli %scan3A_425, %mul3A_627 : i32
      %add3A_629 = arith.constant 3 : i32
      %add3A_630 = arith.addi %mul3A_628, %add3A_629 : i32
      %dma_wait3A_631 = arith.constant 3 : i32
      %dma_wait3A_632 = arith.constant 0 : i32
      %dma_wait3A_633 = arith.constant 0 : i32
      %dma_wait3A_634 = tpu.memref_slice %arg6[%dma_wait3A_631, %dma_wait3A_632, %dma_wait3A_633] : memref<8x100x128xf32, #tpu.memory_space<vmem>> -> memref<1x100x128xf32, #tpu.memory_space<vmem>>
      %dma_wait3A_635 = tpu.memref_squeeze %dma_wait3A_634 : memref<1x100x128xf32, #tpu.memory_space<vmem>> -> memref<100x128xf32, #tpu.memory_space<vmem>>
      %dma_wait3A_636 = arith.constant 0 : i32
      %dma_wait3A_637 = tpu.memref_slice %arg5[%add3A_630, %dma_wait3A_636] : memref<64x128xi32, #tpu.memory_space<vmem>> -> memref<1x100xi32, #tpu.memory_space<vmem>>
      %dma_wait3A_638 = tpu.memref_squeeze %dma_wait3A_637 : memref<1x100xi32, #tpu.memory_space<vmem>> -> memref<100xi32, #tpu.memory_space<vmem>>
      %dma_wait3A_639 = arith.constant 0 : i32
      %dma_wait3A_640 = arith.constant 0 : i32
      %dma_wait3A_641 = tpu.memref_slice %arg3[%dma_wait3A_639, %dma_wait3A_640] : memref<100000x128xf32, #tpu.memory_space<hbm>> -> memref<100000x128xf32, #tpu.memory_space<hbm>>
      tpu.wait_indirect_dma semaphore(%arg7 : memref<!tpu.dma_semaphore, #tpu.memory_space<semaphore_mem>>) src(%dma_wait3A_641 : memref<100000x128xf32, #tpu.memory_space<hbm>>) dst(%dma_wait3A_635 : memref<100x128xf32, #tpu.memory_space<vmem>>)
      %parallel_loop3A_642 = arith.constant 0 : i32
      %parallel_loop3A_643 = arith.constant 100 : i32
      %parallel_loop3A_644 = arith.constant 1 : i32
      %parallel_loop3A_645 = arith.constant 3 : i32
      scf.for %parallel_loop3A_968 = %parallel_loop3A_642 to %parallel_loop3A_643 step %parallel_loop3A_644  : i32 {
        %parallel_loop3A_969 = arith.constant 0 : i32
        %parallel_loop3A_970 = arith.constant 0 : i32
        %parallel_loop3A_971 = tpu.memref_slice %arg6[%parallel_loop3A_645, %parallel_loop3A_969, %parallel_loop3A_970] : memref<8x100x128xf32, #tpu.memory_space<vmem>> -> memref<1x100x128xf32, #tpu.memory_space<vmem>>
        %parallel_loop3A_972 = tpu.memref_squeeze %parallel_loop3A_971 : memref<1x100x128xf32, #tpu.memory_space<vmem>> -> memref<100x128xf32, #tpu.memory_space<vmem>>
        %parallel_loop3A_973 = arith.index_cast %parallel_loop3A_968 : i32 to index
        %parallel_loop3A_974 = arith.constant 0 : index
        %parallel_loop3A_975 = tpu.vector_load %parallel_loop3A_972[%parallel_loop3A_973, %parallel_loop3A_974] {strides = array<i32>} : memref<100x128xf32, #tpu.memory_space<vmem>>, vector<1x16xf32>,
        %parallel_loop3A_976 = vector.shape_cast %parallel_loop3A_975 : vector<1x16xf32> to vector<16xf32>
        %parallel_loop3A_977 = arith.constant 11.3137083 : f32
        %parallel_loop3A_978 = vector.broadcast %parallel_loop3A_977 : f32 to vector<16xf32>
        %parallel_loop3A_979 = arith.mulf %parallel_loop3A_976, %parallel_loop3A_978 : vector<16xf32>
        %parallel_loop3A_980 = arith.constant 0 : i32
        %parallel_loop3A_981 = arith.constant 0 : i32
        %parallel_loop3A_982 = tpu.memref_slice %arg6[%parallel_loop3A_645, %parallel_loop3A_980, %parallel_loop3A_981] : memref<8x100x128xf32, #tpu.memory_space<vmem>> -> memref<1x100x128xf32, #tpu.memory_space<vmem>>
        %parallel_loop3A_983 = tpu.memref_squeeze %parallel_loop3A_982 : memref<1x100x128xf32, #tpu.memory_space<vmem>> -> memref<100x128xf32, #tpu.memory_space<vmem>>
        %parallel_loop3A_984 = arith.index_cast %parallel_loop3A_968 : i32 to index
        %parallel_loop3A_985 = arith.constant 0 : index
        %parallel_loop3A_986 = tpu.vector_load %parallel_loop3A_983[%parallel_loop3A_984, %parallel_loop3A_985] {strides = array<i32>} : memref<100x128xf32, #tpu.memory_space<vmem>>, vector<1x16xf32>,
        %parallel_loop3A_987 = vector.shape_cast %parallel_loop3A_986 : vector<1x16xf32> to vector<16xf32>
        %parallel_loop3A_988 = vector.shape_cast %parallel_loop3A_979 : vector<16xf32> to vector<1x16xf32>
        tpu.vector_store %parallel_loop3A_983[%parallel_loop3A_984, %parallel_loop3A_985], %parallel_loop3A_988 {strides = array<i32>} : memref<100x128xf32, #tpu.memory_space<vmem>>, vector<1x16xf32>,
        %parallel_loop3A_989 = arith.constant 0 : i32
        %parallel_loop3A_990 = arith.constant 0 : i32
        %parallel_loop3A_991 = tpu.memref_slice %arg6[%parallel_loop3A_645, %parallel_loop3A_989, %parallel_loop3A_990] : memref<8x100x128xf32, #tpu.memory_space<vmem>> -> memref<1x100x128xf32, #tpu.memory_space<vmem>>
        %parallel_loop3A_992 = tpu.memref_squeeze %parallel_loop3A_991 : memref<1x100x128xf32, #tpu.memory_space<vmem>> -> memref<100x128xf32, #tpu.memory_space<vmem>>
        %parallel_loop3A_993 = arith.index_cast %parallel_loop3A_968 : i32 to index
        %parallel_loop3A_994 = arith.constant 16 : index
        %parallel_loop3A_995 = tpu.vector_load %parallel_loop3A_992[%parallel_loop3A_993, %parallel_loop3A_994] {strides = array<i32>} : memref<100x128xf32, #tpu.memory_space<vmem>>, vector<1x16xf32>,
        %parallel_loop3A_996 = vector.shape_cast %parallel_loop3A_995 : vector<1x16xf32> to vector<16xf32>
        %parallel_loop3A_997 = arith.constant 11.3137083 : f32
        %parallel_loop3A_998 = vector.broadcast %parallel_loop3A_997 : f32 to vector<16xf32>
        %parallel_loop3A_999 = arith.mulf %parallel_loop3A_996, %parallel_loop3A_998 : vector<16xf32>
        %parallel_loop3A_1000 = arith.constant 0 : i32
        %parallel_loop3A_1001 = arith.constant 0 : i32
        %parallel_loop3A_1002 = tpu.memref_slice %arg6[%parallel_loop3A_645, %parallel_loop3A_1000, %parallel_loop3A_1001] : memref<8x100x128xf32, #tpu.memory_space<vmem>> -> memref<1x100x128xf32, #tpu.memory_space<vmem>>
        %parallel_loop3A_1003 = tpu.memref_squeeze %parallel_loop3A_1002 : memref<1x100x128xf32, #tpu.memory_space<vmem>> -> memref<100x128xf32, #tpu.memory_space<vmem>>
        %parallel_loop3A_1004 = arith.index_cast %parallel_loop3A_968 : i32 to index
        %parallel_loop3A_1005 = arith.constant 16 : index
        %parallel_loop3A_1006 = tpu.vector_load %parallel_loop3A_1003[%parallel_loop3A_1004, %parallel_loop3A_1005] {strides = array<i32>} : memref<100x128xf32, #tpu.memory_space<vmem>>, vector<1x16xf32>,
        %parallel_loop3A_1007 = vector.shape_cast %parallel_loop3A_1006 : vector<1x16xf32> to vector<16xf32>
        %parallel_loop3A_1008 = vector.shape_cast %parallel_loop3A_999 : vector<16xf32> to vector<1x16xf32>
        tpu.vector_store %parallel_loop3A_1003[%parallel_loop3A_1004, %parallel_loop3A_1005], %parallel_loop3A_1008 {strides = array<i32>} : memref<100x128xf32, #tpu.memory_space<vmem>>, vector<1x16xf32>,
        %parallel_loop3A_1009 = arith.constant 0 : i32
        %parallel_loop3A_1010 = arith.constant 0 : i32
        %parallel_loop3A_1011 = tpu.memref_slice %arg6[%parallel_loop3A_645, %parallel_loop3A_1009, %parallel_loop3A_1010] : memref<8x100x128xf32, #tpu.memory_space<vmem>> -> memref<1x100x128xf32, #tpu.memory_space<vmem>>
        %parallel_loop3A_1012 = tpu.memref_squeeze %parallel_loop3A_1011 : memref<1x100x128xf32, #tpu.memory_space<vmem>> -> memref<100x128xf32, #tpu.memory_space<vmem>>
        %parallel_loop3A_1013 = arith.index_cast %parallel_loop3A_968 : i32 to index
        %parallel_loop3A_1014 = arith.constant 32 : index
        %parallel_loop3A_1015 = tpu.vector_load %parallel_loop3A_1012[%parallel_loop3A_1013, %parallel_loop3A_1014] {strides = array<i32>} : memref<100x128xf32, #tpu.memory_space<vmem>>, vector<1x16xf32>,
        %parallel_loop3A_1016 = vector.shape_cast %parallel_loop3A_1015 : vector<1x16xf32> to vector<16xf32>
        %parallel_loop3A_1017 = arith.constant 11.3137083 : f32
        %parallel_loop3A_1018 = vector.broadcast %parallel_loop3A_1017 : f32 to vector<16xf32>
        %parallel_loop3A_1019 = arith.mulf %parallel_loop3A_1016, %parallel_loop3A_1018 : vector<16xf32>
        %parallel_loop3A_1020 = arith.constant 0 : i32
        %parallel_loop3A_1021 = arith.constant 0 : i32
        %parallel_loop3A_1022 = tpu.memref_slice %arg6[%parallel_loop3A_645, %parallel_loop3A_1020, %parallel_loop3A_1021] : memref<8x100x128xf32, #tpu.memory_space<vmem>> -> memref<1x100x128xf32, #tpu.memory_space<vmem>>
        %parallel_loop3A_1023 = tpu.memref_squeeze %parallel_loop3A_1022 : memref<1x100x128xf32, #tpu.memory_space<vmem>> -> memref<100x128xf32, #tpu.memory_space<vmem>>
        %parallel_loop3A_1024 = arith.index_cast %parallel_loop3A_968 : i32 to index
        %parallel_loop3A_1025 = arith.constant 32 : index
        %parallel_loop3A_1026 = tpu.vector_load %parallel_loop3A_1023[%parallel_loop3A_1024, %parallel_loop3A_1025] {strides = array<i32>} : memref<100x128xf32, #tpu.memory_space<vmem>>, vector<1x16xf32>,
        %parallel_loop3A_1027 = vector.shape_cast %parallel_loop3A_1026 : vector<1x16xf32> to vector<16xf32>
        %parallel_loop3A_1028 = vector.shape_cast %parallel_loop3A_1019 : vector<16xf32> to vector<1x16xf32>
        tpu.vector_store %parallel_loop3A_1023[%parallel_loop3A_1024, %parallel_loop3A_1025], %parallel_loop3A_1028 {strides = array<i32>} : memref<100x128xf32, #tpu.memory_space<vmem>>, vector<1x16xf32>,
        %parallel_loop3A_1029 = arith.constant 0 : i32
        %parallel_loop3A_1030 = arith.constant 0 : i32
        %parallel_loop3A_1031 = tpu.memref_slice %arg6[%parallel_loop3A_645, %parallel_loop3A_1029, %parallel_loop3A_1030] : memref<8x100x128xf32, #tpu.memory_space<vmem>> -> memref<1x100x128xf32, #tpu.memory_space<vmem>>
        %parallel_loop3A_1032 = tpu.memref_squeeze %parallel_loop3A_1031 : memref<1x100x128xf32, #tpu.memory_space<vmem>> -> memref<100x128xf32, #tpu.memory_space<vmem>>
        %parallel_loop3A_1033 = arith.index_cast %parallel_loop3A_968 : i32 to index
        %parallel_loop3A_1034 = arith.constant 48 : index
        %parallel_loop3A_1035 = tpu.vector_load %parallel_loop3A_1032[%parallel_loop3A_1033, %parallel_loop3A_1034] {strides = array<i32>} : memref<100x128xf32, #tpu.memory_space<vmem>>, vector<1x16xf32>,
        %parallel_loop3A_1036 = vector.shape_cast %parallel_loop3A_1035 : vector<1x16xf32> to vector<16xf32>
        %parallel_loop3A_1037 = arith.constant 11.3137083 : f32
        %parallel_loop3A_1038 = vector.broadcast %parallel_loop3A_1037 : f32 to vector<16xf32>
        %parallel_loop3A_1039 = arith.mulf %parallel_loop3A_1036, %parallel_loop3A_1038 : vector<16xf32>
        %parallel_loop3A_1040 = arith.constant 0 : i32
        %parallel_loop3A_1041 = arith.constant 0 : i32
        %parallel_loop3A_1042 = tpu.memref_slice %arg6[%parallel_loop3A_645, %parallel_loop3A_1040, %parallel_loop3A_1041] : memref<8x100x128xf32, #tpu.memory_space<vmem>> -> memref<1x100x128xf32, #tpu.memory_space<vmem>>
        %parallel_loop3A_1043 = tpu.memref_squeeze %parallel_loop3A_1042 : memref<1x100x128xf32, #tpu.memory_space<vmem>> -> memref<100x128xf32, #tpu.memory_space<vmem>>
        %parallel_loop3A_1044 = arith.index_cast %parallel_loop3A_968 : i32 to index
        %parallel_loop3A_1045 = arith.constant 48 : index
        %parallel_loop3A_1046 = tpu.vector_load %parallel_loop3A_1043[%parallel_loop3A_1044, %parallel_loop3A_1045] {strides = array<i32>} : memref<100x128xf32, #tpu.memory_space<vmem>>, vector<1x16xf32>,
        %parallel_loop3A_1047 = vector.shape_cast %parallel_loop3A_1046 : vector<1x16xf32> to vector<16xf32>
        %parallel_loop3A_1048 = vector.shape_cast %parallel_loop3A_1039 : vector<16xf32> to vector<1x16xf32>
        tpu.vector_store %parallel_loop3A_1043[%parallel_loop3A_1044, %parallel_loop3A_1045], %parallel_loop3A_1048 {strides = array<i32>} : memref<100x128xf32, #tpu.memory_space<vmem>>, vector<1x16xf32>,
        %parallel_loop3A_1049 = arith.constant 0 : i32
        %parallel_loop3A_1050 = arith.constant 0 : i32
        %parallel_loop3A_1051 = tpu.memref_slice %arg6[%parallel_loop3A_645, %parallel_loop3A_1049, %parallel_loop3A_1050] : memref<8x100x128xf32, #tpu.memory_space<vmem>> -> memref<1x100x128xf32, #tpu.memory_space<vmem>>
        %parallel_loop3A_1052 = tpu.memref_squeeze %parallel_loop3A_1051 : memref<1x100x128xf32, #tpu.memory_space<vmem>> -> memref<100x128xf32, #tpu.memory_space<vmem>>
        %parallel_loop3A_1053 = arith.index_cast %parallel_loop3A_968 : i32 to index
        %parallel_loop3A_1054 = arith.constant 64 : index
        %parallel_loop3A_1055 = tpu.vector_load %parallel_loop3A_1052[%parallel_loop3A_1053, %parallel_loop3A_1054] {strides = array<i32>} : memref<100x128xf32, #tpu.memory_space<vmem>>, vector<1x16xf32>,
        %parallel_loop3A_1056 = vector.shape_cast %parallel_loop3A_1055 : vector<1x16xf32> to vector<16xf32>
        %parallel_loop3A_1057 = arith.constant 11.3137083 : f32
        %parallel_loop3A_1058 = vector.broadcast %parallel_loop3A_1057 : f32 to vector<16xf32>
        %parallel_loop3A_1059 = arith.mulf %parallel_loop3A_1056, %parallel_loop3A_1058 : vector<16xf32>
        %parallel_loop3A_1060 = arith.constant 0 : i32
        %parallel_loop3A_1061 = arith.constant 0 : i32
        %parallel_loop3A_1062 = tpu.memref_slice %arg6[%parallel_loop3A_645, %parallel_loop3A_1060, %parallel_loop3A_1061] : memref<8x100x128xf32, #tpu.memory_space<vmem>> -> memref<1x100x128xf32, #tpu.memory_space<vmem>>
        %parallel_loop3A_1063 = tpu.memref_squeeze %parallel_loop3A_1062 : memref<1x100x128xf32, #tpu.memory_space<vmem>> -> memref<100x128xf32, #tpu.memory_space<vmem>>
        %parallel_loop3A_1064 = arith.index_cast %parallel_loop3A_968 : i32 to index
        %parallel_loop3A_1065 = arith.constant 64 : index
        %parallel_loop3A_1066 = tpu.vector_load %parallel_loop3A_1063[%parallel_loop3A_1064, %parallel_loop3A_1065] {strides = array<i32>} : memref<100x128xf32, #tpu.memory_space<vmem>>, vector<1x16xf32>,
        %parallel_loop3A_1067 = vector.shape_cast %parallel_loop3A_1066 : vector<1x16xf32> to vector<16xf32>
        %parallel_loop3A_1068 = vector.shape_cast %parallel_loop3A_1059 : vector<16xf32> to vector<1x16xf32>
        tpu.vector_store %parallel_loop3A_1063[%parallel_loop3A_1064, %parallel_loop3A_1065], %parallel_loop3A_1068 {strides = array<i32>} : memref<100x128xf32, #tpu.memory_space<vmem>>, vector<1x16xf32>,
        %parallel_loop3A_1069 = arith.constant 0 : i32
        %parallel_loop3A_1070 = arith.constant 0 : i32
        %parallel_loop3A_1071 = tpu.memref_slice %arg6[%parallel_loop3A_645, %parallel_loop3A_1069, %parallel_loop3A_1070] : memref<8x100x128xf32, #tpu.memory_space<vmem>> -> memref<1x100x128xf32, #tpu.memory_space<vmem>>
        %parallel_loop3A_1072 = tpu.memref_squeeze %parallel_loop3A_1071 : memref<1x100x128xf32, #tpu.memory_space<vmem>> -> memref<100x128xf32, #tpu.memory_space<vmem>>
        %parallel_loop3A_1073 = arith.index_cast %parallel_loop3A_968 : i32 to index
        %parallel_loop3A_1074 = arith.constant 80 : index
        %parallel_loop3A_1075 = tpu.vector_load %parallel_loop3A_1072[%parallel_loop3A_1073, %parallel_loop3A_1074] {strides = array<i32>} : memref<100x128xf32, #tpu.memory_space<vmem>>, vector<1x16xf32>,
        %parallel_loop3A_1076 = vector.shape_cast %parallel_loop3A_1075 : vector<1x16xf32> to vector<16xf32>
        %parallel_loop3A_1077 = arith.constant 11.3137083 : f32
        %parallel_loop3A_1078 = vector.broadcast %parallel_loop3A_1077 : f32 to vector<16xf32>
        %parallel_loop3A_1079 = arith.mulf %parallel_loop3A_1076, %parallel_loop3A_1078 : vector<16xf32>
        %parallel_loop3A_1080 = arith.constant 0 : i32
        %parallel_loop3A_1081 = arith.constant 0 : i32
        %parallel_loop3A_1082 = tpu.memref_slice %arg6[%parallel_loop3A_645, %parallel_loop3A_1080, %parallel_loop3A_1081] : memref<8x100x128xf32, #tpu.memory_space<vmem>> -> memref<1x100x128xf32, #tpu.memory_space<vmem>>
        %parallel_loop3A_1083 = tpu.memref_squeeze %parallel_loop3A_1082 : memref<1x100x128xf32, #tpu.memory_space<vmem>> -> memref<100x128xf32, #tpu.memory_space<vmem>>
        %parallel_loop3A_1084 = arith.index_cast %parallel_loop3A_968 : i32 to index
        %parallel_loop3A_1085 = arith.constant 80 : index
        %parallel_loop3A_1086 = tpu.vector_load %parallel_loop3A_1083[%parallel_loop3A_1084, %parallel_loop3A_1085] {strides = array<i32>} : memref<100x128xf32, #tpu.memory_space<vmem>>, vector<1x16xf32>,
        %parallel_loop3A_1087 = vector.shape_cast %parallel_loop3A_1086 : vector<1x16xf32> to vector<16xf32>
        %parallel_loop3A_1088 = vector.shape_cast %parallel_loop3A_1079 : vector<16xf32> to vector<1x16xf32>
        tpu.vector_store %parallel_loop3A_1083[%parallel_loop3A_1084, %parallel_loop3A_1085], %parallel_loop3A_1088 {strides = array<i32>} : memref<100x128xf32, #tpu.memory_space<vmem>>, vector<1x16xf32>,
        %parallel_loop3A_1089 = arith.constant 0 : i32
        %parallel_loop3A_1090 = arith.constant 0 : i32
        %parallel_loop3A_1091 = tpu.memref_slice %arg6[%parallel_loop3A_645, %parallel_loop3A_1089, %parallel_loop3A_1090] : memref<8x100x128xf32, #tpu.memory_space<vmem>> -> memref<1x100x128xf32, #tpu.memory_space<vmem>>
        %parallel_loop3A_1092 = tpu.memref_squeeze %parallel_loop3A_1091 : memref<1x100x128xf32, #tpu.memory_space<vmem>> -> memref<100x128xf32, #tpu.memory_space<vmem>>
        %parallel_loop3A_1093 = arith.index_cast %parallel_loop3A_968 : i32 to index
        %parallel_loop3A_1094 = arith.constant 96 : index
        %parallel_loop3A_1095 = tpu.vector_load %parallel_loop3A_1092[%parallel_loop3A_1093, %parallel_loop3A_1094] {strides = array<i32>} : memref<100x128xf32, #tpu.memory_space<vmem>>, vector<1x16xf32>,
        %parallel_loop3A_1096 = vector.shape_cast %parallel_loop3A_1095 : vector<1x16xf32> to vector<16xf32>
        %parallel_loop3A_1097 = arith.constant 11.3137083 : f32
        %parallel_loop3A_1098 = vector.broadcast %parallel_loop3A_1097 : f32 to vector<16xf32>
        %parallel_loop3A_1099 = arith.mulf %parallel_loop3A_1096, %parallel_loop3A_1098 : vector<16xf32>
        %parallel_loop3A_1100 = arith.constant 0 : i32
        %parallel_loop3A_1101 = arith.constant 0 : i32
        %parallel_loop3A_1102 = tpu.memref_slice %arg6[%parallel_loop3A_645, %parallel_loop3A_1100, %parallel_loop3A_1101] : memref<8x100x128xf32, #tpu.memory_space<vmem>> -> memref<1x100x128xf32, #tpu.memory_space<vmem>>
        %parallel_loop3A_1103 = tpu.memref_squeeze %parallel_loop3A_1102 : memref<1x100x128xf32, #tpu.memory_space<vmem>> -> memref<100x128xf32, #tpu.memory_space<vmem>>
        %parallel_loop3A_1104 = arith.index_cast %parallel_loop3A_968 : i32 to index
        %parallel_loop3A_1105 = arith.constant 96 : index
        %parallel_loop3A_1106 = tpu.vector_load %parallel_loop3A_1103[%parallel_loop3A_1104, %parallel_loop3A_1105] {strides = array<i32>} : memref<100x128xf32, #tpu.memory_space<vmem>>, vector<1x16xf32>,
        %parallel_loop3A_1107 = vector.shape_cast %parallel_loop3A_1106 : vector<1x16xf32> to vector<16xf32>
        %parallel_loop3A_1108 = vector.shape_cast %parallel_loop3A_1099 : vector<16xf32> to vector<1x16xf32>
        tpu.vector_store %parallel_loop3A_1103[%parallel_loop3A_1104, %parallel_loop3A_1105], %parallel_loop3A_1108 {strides = array<i32>} : memref<100x128xf32, #tpu.memory_space<vmem>>, vector<1x16xf32>,
        %parallel_loop3A_1109 = arith.constant 0 : i32
        %parallel_loop3A_1110 = arith.constant 0 : i32
        %parallel_loop3A_1111 = tpu.memref_slice %arg6[%parallel_loop3A_645, %parallel_loop3A_1109, %parallel_loop3A_1110] : memref<8x100x128xf32, #tpu.memory_space<vmem>> -> memref<1x100x128xf32, #tpu.memory_space<vmem>>
        %parallel_loop3A_1112 = tpu.memref_squeeze %parallel_loop3A_1111 : memref<1x100x128xf32, #tpu.memory_space<vmem>> -> memref<100x128xf32, #tpu.memory_space<vmem>>
        %parallel_loop3A_1113 = arith.index_cast %parallel_loop3A_968 : i32 to index
        %parallel_loop3A_1114 = arith.constant 112 : index
        %parallel_loop3A_1115 = tpu.vector_load %parallel_loop3A_1112[%parallel_loop3A_1113, %parallel_loop3A_1114] {strides = array<i32>} : memref<100x128xf32, #tpu.memory_space<vmem>>, vector<1x16xf32>,
        %parallel_loop3A_1116 = vector.shape_cast %parallel_loop3A_1115 : vector<1x16xf32> to vector<16xf32>
        %parallel_loop3A_1117 = arith.constant 11.3137083 : f32
        %parallel_loop3A_1118 = vector.broadcast %parallel_loop3A_1117 : f32 to vector<16xf32>
        %parallel_loop3A_1119 = arith.mulf %parallel_loop3A_1116, %parallel_loop3A_1118 : vector<16xf32>
        %parallel_loop3A_1120 = arith.constant 0 : i32
        %parallel_loop3A_1121 = arith.constant 0 : i32
        %parallel_loop3A_1122 = tpu.memref_slice %arg6[%parallel_loop3A_645, %parallel_loop3A_1120, %parallel_loop3A_1121] : memref<8x100x128xf32, #tpu.memory_space<vmem>> -> memref<1x100x128xf32, #tpu.memory_space<vmem>>
        %parallel_loop3A_1123 = tpu.memref_squeeze %parallel_loop3A_1122 : memref<1x100x128xf32, #tpu.memory_space<vmem>> -> memref<100x128xf32, #tpu.memory_space<vmem>>
        %parallel_loop3A_1124 = arith.index_cast %parallel_loop3A_968 : i32 to index
        %parallel_loop3A_1125 = arith.constant 112 : index
        %parallel_loop3A_1126 = tpu.vector_load %parallel_loop3A_1123[%parallel_loop3A_1124, %parallel_loop3A_1125] {strides = array<i32>} : memref<100x128xf32, #tpu.memory_space<vmem>>, vector<1x16xf32>,
        %parallel_loop3A_1127 = vector.shape_cast %parallel_loop3A_1126 : vector<1x16xf32> to vector<16xf32>
        %parallel_loop3A_1128 = vector.shape_cast %parallel_loop3A_1119 : vector<16xf32> to vector<1x16xf32>
        tpu.vector_store %parallel_loop3A_1123[%parallel_loop3A_1124, %parallel_loop3A_1125], %parallel_loop3A_1128 {strides = array<i32>} : memref<100x128xf32, #tpu.memory_space<vmem>>, vector<1x16xf32>,
      } {sc.loop_unroll_factor = 4 : i64, sc.parallel_access}
      %mul3A_646 = arith.constant 2 : i32
      %mul3A_647 = arith.muli %mul3A_646, %add3A_630 : i32
      %add3A_648 = arith.addi %mul3A_2, %mul3A_647 : i32
      %dma_start3A_649 = arith.constant 3 : i32
      %dma_start3A_650 = arith.constant 0 : i32
      %dma_start3A_651 = arith.constant 0 : i32
      %dma_start3A_652 = tpu.memref_slice %arg6[%dma_start3A_649, %dma_start3A_650, %dma_start3A_651] : memref<8x100x128xf32, #tpu.memory_space<vmem>> -> memref<1x50x128xf32, #tpu.memory_space<vmem>>
      %dma_start3A_653 = tpu.memref_squeeze %dma_start3A_652 : memref<1x50x128xf32, #tpu.memory_space<vmem>> -> memref<50x128xf32, #tpu.memory_space<vmem>>
      %dma_start3A_654 = arith.constant 0 : i32
      %dma_start3A_655 = arith.constant 0 : i32
      %dma_start3A_656 = tpu.memref_slice %arg4[%add3A_648, %dma_start3A_654, %dma_start3A_655] : memref<4096x50x128xf32, #tpu.memory_space<hbm>> -> memref<1x50x128xf32, #tpu.memory_space<hbm>>
      %dma_start3A_657 = tpu.memref_squeeze %dma_start3A_656 : memref<1x50x128xf32, #tpu.memory_space<hbm>> -> memref<50x128xf32, #tpu.memory_space<hbm>>
      %dma_start3A_658 = arith.constant 0 : i32
      %dma_start3A_659 = arith.constant 0 : i32
      %dma_start3A_660 = tpu.memref_slice %arg4[%add3A_648, %dma_start3A_658, %dma_start3A_659] : memref<4096x50x128xf32, #tpu.memory_space<hbm>> -> memref<1x50x128xf32, #tpu.memory_space<hbm>>
      %dma_start3A_661 = tpu.memref_squeeze %dma_start3A_660 : memref<1x50x128xf32, #tpu.memory_space<hbm>> -> memref<50x128xf32, #tpu.memory_space<hbm>>
      %dma_start3A_662 = arith.constant 0 : i32
      %dma_start3A_663 = arith.constant 0 : i32
      %dma_start3A_664 = tpu.memref_slice %arg6[%dma_start3A_649, %dma_start3A_662, %dma_start3A_663] : memref<8x100x128xf32, #tpu.memory_space<vmem>> -> memref<1x50x128xf32, #tpu.memory_space<vmem>>
      %dma_start3A_665 = tpu.memref_squeeze %dma_start3A_664 : memref<1x50x128xf32, #tpu.memory_space<vmem>> -> memref<50x128xf32, #tpu.memory_space<vmem>>
      tpu.enqueue_dma source(%dma_start3A_665 : memref<50x128xf32, #tpu.memory_space<vmem>>) target(%dma_start3A_661 : memref<50x128xf32, #tpu.memory_space<hbm>>) target_semaphore(%arg8 : memref<!tpu.dma_semaphore, #tpu.memory_space<semaphore_mem>>)
      %mul3A_666 = arith.constant 2 : i32
      %mul3A_667 = arith.muli %mul3A_666, %add3A_630 : i32
      %add3A_668 = arith.addi %mul3A_2, %mul3A_667 : i32
      %add3A_669 = arith.constant 1 : i32
      %add3A_670 = arith.addi %add3A_668, %add3A_669 : i32
      %dma_start3A_671 = arith.constant 3 : i32
      %dma_start3A_672 = arith.constant 50 : i32
      %dma_start3A_673 = arith.constant 0 : i32
      %dma_start3A_674 = tpu.memref_slice %arg6[%dma_start3A_671, %dma_start3A_672, %dma_start3A_673] : memref<8x100x128xf32, #tpu.memory_space<vmem>> -> memref<1x50x128xf32, #tpu.memory_space<vmem>>
      %dma_start3A_675 = tpu.memref_squeeze %dma_start3A_674 : memref<1x50x128xf32, #tpu.memory_space<vmem>> -> memref<50x128xf32, #tpu.memory_space<vmem>>
      %dma_start3A_676 = arith.constant 0 : i32
      %dma_start3A_677 = arith.constant 0 : i32
      %dma_start3A_678 = tpu.memref_slice %arg4[%add3A_670, %dma_start3A_676, %dma_start3A_677] : memref<4096x50x128xf32, #tpu.memory_space<hbm>> -> memref<1x50x128xf32, #tpu.memory_space<hbm>>
      %dma_start3A_679 = tpu.memref_squeeze %dma_start3A_678 : memref<1x50x128xf32, #tpu.memory_space<hbm>> -> memref<50x128xf32, #tpu.memory_space<hbm>>
      %dma_start3A_680 = arith.constant 0 : i32
      %dma_start3A_681 = arith.constant 0 : i32
      %dma_start3A_682 = tpu.memref_slice %arg4[%add3A_670, %dma_start3A_680, %dma_start3A_681] : memref<4096x50x128xf32, #tpu.memory_space<hbm>> -> memref<1x50x128xf32, #tpu.memory_space<hbm>>
      %dma_start3A_683 = tpu.memref_squeeze %dma_start3A_682 : memref<1x50x128xf32, #tpu.memory_space<hbm>> -> memref<50x128xf32, #tpu.memory_space<hbm>>
      %dma_start3A_684 = arith.constant 50 : i32
      %dma_start3A_685 = arith.constant 0 : i32
      %dma_start3A_686 = tpu.memref_slice %arg6[%dma_start3A_671, %dma_start3A_684, %dma_start3A_685] : memref<8x100x128xf32, #tpu.memory_space<vmem>> -> memref<1x50x128xf32, #tpu.memory_space<vmem>>
      %dma_start3A_687 = tpu.memref_squeeze %dma_start3A_686 : memref<1x50x128xf32, #tpu.memory_space<vmem>> -> memref<50x128xf32, #tpu.memory_space<vmem>>
      tpu.enqueue_dma source(%dma_start3A_687 : memref<50x128xf32, #tpu.memory_space<vmem>>) target(%dma_start3A_683 : memref<50x128xf32, #tpu.memory_space<hbm>>) target_semaphore(%arg8 : memref<!tpu.dma_semaphore, #tpu.memory_space<semaphore_mem>>)
      %add3A_688 = arith.constant 8 : i32
      %add3A_689 = arith.addi %add3A_630, %add3A_688 : i32
      %lt3A_690 = arith.constant 64 : i32
      %lt3A_691 = arith.cmpi slt, %add3A_689, %lt3A_690 : i32
      %convert_element_type3A_692 = arith.extui %lt3A_691 : i1 to i32
      %cond3A_693 = arith.constant 0 : i32
      %cond3A_694 = arith.cmpi ne, %convert_element_type3A_692, %cond3A_693 : i32
      scf.if %cond3A_694 {
        %mul3A_968 = arith.constant 2 : i32
        %mul3A_969 = arith.muli %mul3A_968, %add3A_630 : i32
        %add3A_970 = arith.addi %mul3A_2, %mul3A_969 : i32
        %dma_wait3A_971 = arith.constant 3 : i32
        %dma_wait3A_972 = arith.constant 0 : i32
        %dma_wait3A_973 = arith.constant 0 : i32
        %dma_wait3A_974 = tpu.memref_slice %arg6[%dma_wait3A_971, %dma_wait3A_972, %dma_wait3A_973] : memref<8x100x128xf32, #tpu.memory_space<vmem>> -> memref<1x50x128xf32, #tpu.memory_space<vmem>>
        %dma_wait3A_975 = tpu.memref_squeeze %dma_wait3A_974 : memref<1x50x128xf32, #tpu.memory_space<vmem>> -> memref<50x128xf32, #tpu.memory_space<vmem>>
        %dma_wait3A_976 = arith.constant 0 : i32
        %dma_wait3A_977 = arith.constant 0 : i32
        %dma_wait3A_978 = tpu.memref_slice %arg4[%add3A_970, %dma_wait3A_976, %dma_wait3A_977] : memref<4096x50x128xf32, #tpu.memory_space<hbm>> -> memref<1x50x128xf32, #tpu.memory_space<hbm>>
        %dma_wait3A_979 = tpu.memref_squeeze %dma_wait3A_978 : memref<1x50x128xf32, #tpu.memory_space<hbm>> -> memref<50x128xf32, #tpu.memory_space<hbm>>
        %dma_wait3A_980 = arith.constant 0 : i32
        %dma_wait3A_981 = arith.constant 0 : i32
        %dma_wait3A_982 = tpu.memref_slice %arg4[%add3A_970, %dma_wait3A_980, %dma_wait3A_981] : memref<4096x50x128xf32, #tpu.memory_space<hbm>> -> memref<1x50x128xf32, #tpu.memory_space<hbm>>
        %dma_wait3A_983 = tpu.memref_squeeze %dma_wait3A_982 : memref<1x50x128xf32, #tpu.memory_space<hbm>> -> memref<50x128xf32, #tpu.memory_space<hbm>>
        %dma_wait3A_984 = arith.constant 0 : i32
        %dma_wait3A_985 = arith.constant 0 : i32
        %dma_wait3A_986 = tpu.memref_slice %arg6[%dma_wait3A_971, %dma_wait3A_984, %dma_wait3A_985] : memref<8x100x128xf32, #tpu.memory_space<vmem>> -> memref<1x50x128xf32, #tpu.memory_space<vmem>>
        %dma_wait3A_987 = tpu.memref_squeeze %dma_wait3A_986 : memref<1x50x128xf32, #tpu.memory_space<vmem>> -> memref<50x128xf32, #tpu.memory_space<vmem>>
        tpu.wait_dma2 semaphore(%arg8 : memref<!tpu.dma_semaphore, #tpu.memory_space<semaphore_mem>>) src(%dma_wait3A_987 : memref<50x128xf32, #tpu.memory_space<vmem>>) dst(%dma_wait3A_983 : memref<50x128xf32, #tpu.memory_space<hbm>>)
        %mul3A_988 = arith.constant 2 : i32
        %mul3A_989 = arith.muli %mul3A_988, %add3A_630 : i32
        %add3A_990 = arith.addi %mul3A_2, %mul3A_989 : i32
        %add3A_991 = arith.constant 1 : i32
        %add3A_992 = arith.addi %add3A_990, %add3A_991 : i32
        %dma_wait3A_993 = arith.constant 3 : i32
        %dma_wait3A_994 = arith.constant 50 : i32
        %dma_wait3A_995 = arith.constant 0 : i32
        %dma_wait3A_996 = tpu.memref_slice %arg6[%dma_wait3A_993, %dma_wait3A_994, %dma_wait3A_995] : memref<8x100x128xf32, #tpu.memory_space<vmem>> -> memref<1x50x128xf32, #tpu.memory_space<vmem>>
        %dma_wait3A_997 = tpu.memref_squeeze %dma_wait3A_996 : memref<1x50x128xf32, #tpu.memory_space<vmem>> -> memref<50x128xf32, #tpu.memory_space<vmem>>
        %dma_wait3A_998 = arith.constant 0 : i32
        %dma_wait3A_999 = arith.constant 0 : i32
        %dma_wait3A_1000 = tpu.memref_slice %arg4[%add3A_992, %dma_wait3A_998, %dma_wait3A_999] : memref<4096x50x128xf32, #tpu.memory_space<hbm>> -> memref<1x50x128xf32, #tpu.memory_space<hbm>>
        %dma_wait3A_1001 = tpu.memref_squeeze %dma_wait3A_1000 : memref<1x50x128xf32, #tpu.memory_space<hbm>> -> memref<50x128xf32, #tpu.memory_space<hbm>>
        %dma_wait3A_1002 = arith.constant 0 : i32
        %dma_wait3A_1003 = arith.constant 0 : i32
        %dma_wait3A_1004 = tpu.memref_slice %arg4[%add3A_992, %dma_wait3A_1002, %dma_wait3A_1003] : memref<4096x50x128xf32, #tpu.memory_space<hbm>> -> memref<1x50x128xf32, #tpu.memory_space<hbm>>
        %dma_wait3A_1005 = tpu.memref_squeeze %dma_wait3A_1004 : memref<1x50x128xf32, #tpu.memory_space<hbm>> -> memref<50x128xf32, #tpu.memory_space<hbm>>
        %dma_wait3A_1006 = arith.constant 50 : i32
        %dma_wait3A_1007 = arith.constant 0 : i32
        %dma_wait3A_1008 = tpu.memref_slice %arg6[%dma_wait3A_993, %dma_wait3A_1006, %dma_wait3A_1007] : memref<8x100x128xf32, #tpu.memory_space<vmem>> -> memref<1x50x128xf32, #tpu.memory_space<vmem>>
        %dma_wait3A_1009 = tpu.memref_squeeze %dma_wait3A_1008 : memref<1x50x128xf32, #tpu.memory_space<vmem>> -> memref<50x128xf32, #tpu.memory_space<vmem>>
        tpu.wait_dma2 semaphore(%arg8 : memref<!tpu.dma_semaphore, #tpu.memory_space<semaphore_mem>>) src(%dma_wait3A_1009 : memref<50x128xf32, #tpu.memory_space<vmem>>) dst(%dma_wait3A_1005 : memref<50x128xf32, #tpu.memory_space<hbm>>)
        %dma_start3A_1010 = arith.constant 3 : i32
        %dma_start3A_1011 = arith.constant 0 : i32
        %dma_start3A_1012 = arith.constant 0 : i32
        %dma_start3A_1013 = tpu.memref_slice %arg6[%dma_start3A_1010, %dma_start3A_1011, %dma_start3A_1012] : memref<8x100x128xf32, #tpu.memory_space<vmem>> -> memref<1x100x128xf32, #tpu.memory_space<vmem>>
        %dma_start3A_1014 = tpu.memref_squeeze %dma_start3A_1013 : memref<1x100x128xf32, #tpu.memory_space<vmem>> -> memref<100x128xf32, #tpu.memory_space<vmem>>
        %dma_start3A_1015 = arith.constant 0 : i32
        %dma_start3A_1016 = tpu.memref_slice %arg5[%add3A_689, %dma_start3A_1015] : memref<64x128xi32, #tpu.memory_space<vmem>> -> memref<1x100xi32, #tpu.memory_space<vmem>>
        %dma_start3A_1017 = tpu.memref_squeeze %dma_start3A_1016 : memref<1x100xi32, #tpu.memory_space<vmem>> -> memref<100xi32, #tpu.memory_space<vmem>>
        %dma_start3A_1018 = arith.constant 0 : i32
        %dma_start3A_1019 = arith.constant 0 : i32
        %dma_start3A_1020 = tpu.memref_slice %arg3[%dma_start3A_1018, %dma_start3A_1019] : memref<100000x128xf32, #tpu.memory_space<hbm>> -> memref<100000x128xf32, #tpu.memory_space<hbm>>
        tpu.enqueue_indirect_dma source(%dma_start3A_1020 : memref<100000x128xf32, #tpu.memory_space<hbm>>) target(%dma_start3A_1014 : memref<100x128xf32, #tpu.memory_space<vmem>>) offsets(%dma_start3A_1017 : memref<100xi32, #tpu.memory_space<vmem>>) semaphore(%arg7 : memref<!tpu.dma_semaphore, #tpu.memory_space<semaphore_mem>>)
      } else {
      }
      %mul3A_695 = arith.constant 8 : i32
      %mul3A_696 = arith.muli %scan3A_425, %mul3A_695 : i32
      %add3A_697 = arith.constant 4 : i32
      %add3A_698 = arith.addi %mul3A_696, %add3A_697 : i32
      %dma_wait3A_699 = arith.constant 4 : i32
      %dma_wait3A_700 = arith.constant 0 : i32
      %dma_wait3A_701 = arith.constant 0 : i32
      %dma_wait3A_702 = tpu.memref_slice %arg6[%dma_wait3A_699, %dma_wait3A_700, %dma_wait3A_701] : memref<8x100x128xf32, #tpu.memory_space<vmem>> -> memref<1x100x128xf32, #tpu.memory_space<vmem>>
      %dma_wait3A_703 = tpu.memref_squeeze %dma_wait3A_702 : memref<1x100x128xf32, #tpu.memory_space<vmem>> -> memref<100x128xf32, #tpu.memory_space<vmem>>
      %dma_wait3A_704 = arith.constant 0 : i32
      %dma_wait3A_705 = tpu.memref_slice %arg5[%add3A_698, %dma_wait3A_704] : memref<64x128xi32, #tpu.memory_space<vmem>> -> memref<1x100xi32, #tpu.memory_space<vmem>>
      %dma_wait3A_706 = tpu.memref_squeeze %dma_wait3A_705 : memref<1x100xi32, #tpu.memory_space<vmem>> -> memref<100xi32, #tpu.memory_space<vmem>>
      %dma_wait3A_707 = arith.constant 0 : i32
      %dma_wait3A_708 = arith.constant 0 : i32
      %dma_wait3A_709 = tpu.memref_slice %arg3[%dma_wait3A_707, %dma_wait3A_708] : memref<100000x128xf32, #tpu.memory_space<hbm>> -> memref<100000x128xf32, #tpu.memory_space<hbm>>
      tpu.wait_indirect_dma semaphore(%arg7 : memref<!tpu.dma_semaphore, #tpu.memory_space<semaphore_mem>>) src(%dma_wait3A_709 : memref<100000x128xf32, #tpu.memory_space<hbm>>) dst(%dma_wait3A_703 : memref<100x128xf32, #tpu.memory_space<vmem>>)
      %parallel_loop3A_710 = arith.constant 0 : i32
      %parallel_loop3A_711 = arith.constant 100 : i32
      %parallel_loop3A_712 = arith.constant 1 : i32
      %parallel_loop3A_713 = arith.constant 4 : i32
      scf.for %parallel_loop3A_968 = %parallel_loop3A_710 to %parallel_loop3A_711 step %parallel_loop3A_712  : i32 {
        %parallel_loop3A_969 = arith.constant 0 : i32
        %parallel_loop3A_970 = arith.constant 0 : i32
        %parallel_loop3A_971 = tpu.memref_slice %arg6[%parallel_loop3A_713, %parallel_loop3A_969, %parallel_loop3A_970] : memref<8x100x128xf32, #tpu.memory_space<vmem>> -> memref<1x100x128xf32, #tpu.memory_space<vmem>>
        %parallel_loop3A_972 = tpu.memref_squeeze %parallel_loop3A_971 : memref<1x100x128xf32, #tpu.memory_space<vmem>> -> memref<100x128xf32, #tpu.memory_space<vmem>>
        %parallel_loop3A_973 = arith.index_cast %parallel_loop3A_968 : i32 to index
        %parallel_loop3A_974 = arith.constant 0 : index
        %parallel_loop3A_975 = tpu.vector_load %parallel_loop3A_972[%parallel_loop3A_973, %parallel_loop3A_974] {strides = array<i32>} : memref<100x128xf32, #tpu.memory_space<vmem>>, vector<1x16xf32>,
        %parallel_loop3A_976 = vector.shape_cast %parallel_loop3A_975 : vector<1x16xf32> to vector<16xf32>
        %parallel_loop3A_977 = arith.constant 11.3137083 : f32
        %parallel_loop3A_978 = vector.broadcast %parallel_loop3A_977 : f32 to vector<16xf32>
        %parallel_loop3A_979 = arith.mulf %parallel_loop3A_976, %parallel_loop3A_978 : vector<16xf32>
        %parallel_loop3A_980 = arith.constant 0 : i32
        %parallel_loop3A_981 = arith.constant 0 : i32
        %parallel_loop3A_982 = tpu.memref_slice %arg6[%parallel_loop3A_713, %parallel_loop3A_980, %parallel_loop3A_981] : memref<8x100x128xf32, #tpu.memory_space<vmem>> -> memref<1x100x128xf32, #tpu.memory_space<vmem>>
        %parallel_loop3A_983 = tpu.memref_squeeze %parallel_loop3A_982 : memref<1x100x128xf32, #tpu.memory_space<vmem>> -> memref<100x128xf32, #tpu.memory_space<vmem>>
        %parallel_loop3A_984 = arith.index_cast %parallel_loop3A_968 : i32 to index
        %parallel_loop3A_985 = arith.constant 0 : index
        %parallel_loop3A_986 = tpu.vector_load %parallel_loop3A_983[%parallel_loop3A_984, %parallel_loop3A_985] {strides = array<i32>} : memref<100x128xf32, #tpu.memory_space<vmem>>, vector<1x16xf32>,
        %parallel_loop3A_987 = vector.shape_cast %parallel_loop3A_986 : vector<1x16xf32> to vector<16xf32>
        %parallel_loop3A_988 = vector.shape_cast %parallel_loop3A_979 : vector<16xf32> to vector<1x16xf32>
        tpu.vector_store %parallel_loop3A_983[%parallel_loop3A_984, %parallel_loop3A_985], %parallel_loop3A_988 {strides = array<i32>} : memref<100x128xf32, #tpu.memory_space<vmem>>, vector<1x16xf32>,
        %parallel_loop3A_989 = arith.constant 0 : i32
        %parallel_loop3A_990 = arith.constant 0 : i32
        %parallel_loop3A_991 = tpu.memref_slice %arg6[%parallel_loop3A_713, %parallel_loop3A_989, %parallel_loop3A_990] : memref<8x100x128xf32, #tpu.memory_space<vmem>> -> memref<1x100x128xf32, #tpu.memory_space<vmem>>
        %parallel_loop3A_992 = tpu.memref_squeeze %parallel_loop3A_991 : memref<1x100x128xf32, #tpu.memory_space<vmem>> -> memref<100x128xf32, #tpu.memory_space<vmem>>
        %parallel_loop3A_993 = arith.index_cast %parallel_loop3A_968 : i32 to index
        %parallel_loop3A_994 = arith.constant 16 : index
        %parallel_loop3A_995 = tpu.vector_load %parallel_loop3A_992[%parallel_loop3A_993, %parallel_loop3A_994] {strides = array<i32>} : memref<100x128xf32, #tpu.memory_space<vmem>>, vector<1x16xf32>,
        %parallel_loop3A_996 = vector.shape_cast %parallel_loop3A_995 : vector<1x16xf32> to vector<16xf32>
        %parallel_loop3A_997 = arith.constant 11.3137083 : f32
        %parallel_loop3A_998 = vector.broadcast %parallel_loop3A_997 : f32 to vector<16xf32>
        %parallel_loop3A_999 = arith.mulf %parallel_loop3A_996, %parallel_loop3A_998 : vector<16xf32>
        %parallel_loop3A_1000 = arith.constant 0 : i32
        %parallel_loop3A_1001 = arith.constant 0 : i32
        %parallel_loop3A_1002 = tpu.memref_slice %arg6[%parallel_loop3A_713, %parallel_loop3A_1000, %parallel_loop3A_1001] : memref<8x100x128xf32, #tpu.memory_space<vmem>> -> memref<1x100x128xf32, #tpu.memory_space<vmem>>
        %parallel_loop3A_1003 = tpu.memref_squeeze %parallel_loop3A_1002 : memref<1x100x128xf32, #tpu.memory_space<vmem>> -> memref<100x128xf32, #tpu.memory_space<vmem>>
        %parallel_loop3A_1004 = arith.index_cast %parallel_loop3A_968 : i32 to index
        %parallel_loop3A_1005 = arith.constant 16 : index
        %parallel_loop3A_1006 = tpu.vector_load %parallel_loop3A_1003[%parallel_loop3A_1004, %parallel_loop3A_1005] {strides = array<i32>} : memref<100x128xf32, #tpu.memory_space<vmem>>, vector<1x16xf32>,
        %parallel_loop3A_1007 = vector.shape_cast %parallel_loop3A_1006 : vector<1x16xf32> to vector<16xf32>
        %parallel_loop3A_1008 = vector.shape_cast %parallel_loop3A_999 : vector<16xf32> to vector<1x16xf32>
        tpu.vector_store %parallel_loop3A_1003[%parallel_loop3A_1004, %parallel_loop3A_1005], %parallel_loop3A_1008 {strides = array<i32>} : memref<100x128xf32, #tpu.memory_space<vmem>>, vector<1x16xf32>,
        %parallel_loop3A_1009 = arith.constant 0 : i32
        %parallel_loop3A_1010 = arith.constant 0 : i32
        %parallel_loop3A_1011 = tpu.memref_slice %arg6[%parallel_loop3A_713, %parallel_loop3A_1009, %parallel_loop3A_1010] : memref<8x100x128xf32, #tpu.memory_space<vmem>> -> memref<1x100x128xf32, #tpu.memory_space<vmem>>
        %parallel_loop3A_1012 = tpu.memref_squeeze %parallel_loop3A_1011 : memref<1x100x128xf32, #tpu.memory_space<vmem>> -> memref<100x128xf32, #tpu.memory_space<vmem>>
        %parallel_loop3A_1013 = arith.index_cast %parallel_loop3A_968 : i32 to index
        %parallel_loop3A_1014 = arith.constant 32 : index
        %parallel_loop3A_1015 = tpu.vector_load %parallel_loop3A_1012[%parallel_loop3A_1013, %parallel_loop3A_1014] {strides = array<i32>} : memref<100x128xf32, #tpu.memory_space<vmem>>, vector<1x16xf32>,
        %parallel_loop3A_1016 = vector.shape_cast %parallel_loop3A_1015 : vector<1x16xf32> to vector<16xf32>
        %parallel_loop3A_1017 = arith.constant 11.3137083 : f32
        %parallel_loop3A_1018 = vector.broadcast %parallel_loop3A_1017 : f32 to vector<16xf32>
        %parallel_loop3A_1019 = arith.mulf %parallel_loop3A_1016, %parallel_loop3A_1018 : vector<16xf32>
        %parallel_loop3A_1020 = arith.constant 0 : i32
        %parallel_loop3A_1021 = arith.constant 0 : i32
        %parallel_loop3A_1022 = tpu.memref_slice %arg6[%parallel_loop3A_713, %parallel_loop3A_1020, %parallel_loop3A_1021] : memref<8x100x128xf32, #tpu.memory_space<vmem>> -> memref<1x100x128xf32, #tpu.memory_space<vmem>>
        %parallel_loop3A_1023 = tpu.memref_squeeze %parallel_loop3A_1022 : memref<1x100x128xf32, #tpu.memory_space<vmem>> -> memref<100x128xf32, #tpu.memory_space<vmem>>
        %parallel_loop3A_1024 = arith.index_cast %parallel_loop3A_968 : i32 to index
        %parallel_loop3A_1025 = arith.constant 32 : index
        %parallel_loop3A_1026 = tpu.vector_load %parallel_loop3A_1023[%parallel_loop3A_1024, %parallel_loop3A_1025] {strides = array<i32>} : memref<100x128xf32, #tpu.memory_space<vmem>>, vector<1x16xf32>,
        %parallel_loop3A_1027 = vector.shape_cast %parallel_loop3A_1026 : vector<1x16xf32> to vector<16xf32>
        %parallel_loop3A_1028 = vector.shape_cast %parallel_loop3A_1019 : vector<16xf32> to vector<1x16xf32>
        tpu.vector_store %parallel_loop3A_1023[%parallel_loop3A_1024, %parallel_loop3A_1025], %parallel_loop3A_1028 {strides = array<i32>} : memref<100x128xf32, #tpu.memory_space<vmem>>, vector<1x16xf32>,
        %parallel_loop3A_1029 = arith.constant 0 : i32
        %parallel_loop3A_1030 = arith.constant 0 : i32
        %parallel_loop3A_1031 = tpu.memref_slice %arg6[%parallel_loop3A_713, %parallel_loop3A_1029, %parallel_loop3A_1030] : memref<8x100x128xf32, #tpu.memory_space<vmem>> -> memref<1x100x128xf32, #tpu.memory_space<vmem>>
        %parallel_loop3A_1032 = tpu.memref_squeeze %parallel_loop3A_1031 : memref<1x100x128xf32, #tpu.memory_space<vmem>> -> memref<100x128xf32, #tpu.memory_space<vmem>>
        %parallel_loop3A_1033 = arith.index_cast %parallel_loop3A_968 : i32 to index
        %parallel_loop3A_1034 = arith.constant 48 : index
        %parallel_loop3A_1035 = tpu.vector_load %parallel_loop3A_1032[%parallel_loop3A_1033, %parallel_loop3A_1034] {strides = array<i32>} : memref<100x128xf32, #tpu.memory_space<vmem>>, vector<1x16xf32>,
        %parallel_loop3A_1036 = vector.shape_cast %parallel_loop3A_1035 : vector<1x16xf32> to vector<16xf32>
        %parallel_loop3A_1037 = arith.constant 11.3137083 : f32
        %parallel_loop3A_1038 = vector.broadcast %parallel_loop3A_1037 : f32 to vector<16xf32>
        %parallel_loop3A_1039 = arith.mulf %parallel_loop3A_1036, %parallel_loop3A_1038 : vector<16xf32>
        %parallel_loop3A_1040 = arith.constant 0 : i32
        %parallel_loop3A_1041 = arith.constant 0 : i32
        %parallel_loop3A_1042 = tpu.memref_slice %arg6[%parallel_loop3A_713, %parallel_loop3A_1040, %parallel_loop3A_1041] : memref<8x100x128xf32, #tpu.memory_space<vmem>> -> memref<1x100x128xf32, #tpu.memory_space<vmem>>
        %parallel_loop3A_1043 = tpu.memref_squeeze %parallel_loop3A_1042 : memref<1x100x128xf32, #tpu.memory_space<vmem>> -> memref<100x128xf32, #tpu.memory_space<vmem>>
        %parallel_loop3A_1044 = arith.index_cast %parallel_loop3A_968 : i32 to index
        %parallel_loop3A_1045 = arith.constant 48 : index
        %parallel_loop3A_1046 = tpu.vector_load %parallel_loop3A_1043[%parallel_loop3A_1044, %parallel_loop3A_1045] {strides = array<i32>} : memref<100x128xf32, #tpu.memory_space<vmem>>, vector<1x16xf32>,
        %parallel_loop3A_1047 = vector.shape_cast %parallel_loop3A_1046 : vector<1x16xf32> to vector<16xf32>
        %parallel_loop3A_1048 = vector.shape_cast %parallel_loop3A_1039 : vector<16xf32> to vector<1x16xf32>
        tpu.vector_store %parallel_loop3A_1043[%parallel_loop3A_1044, %parallel_loop3A_1045], %parallel_loop3A_1048 {strides = array<i32>} : memref<100x128xf32, #tpu.memory_space<vmem>>, vector<1x16xf32>,
        %parallel_loop3A_1049 = arith.constant 0 : i32
        %parallel_loop3A_1050 = arith.constant 0 : i32
        %parallel_loop3A_1051 = tpu.memref_slice %arg6[%parallel_loop3A_713, %parallel_loop3A_1049, %parallel_loop3A_1050] : memref<8x100x128xf32, #tpu.memory_space<vmem>> -> memref<1x100x128xf32, #tpu.memory_space<vmem>>
        %parallel_loop3A_1052 = tpu.memref_squeeze %parallel_loop3A_1051 : memref<1x100x128xf32, #tpu.memory_space<vmem>> -> memref<100x128xf32, #tpu.memory_space<vmem>>
        %parallel_loop3A_1053 = arith.index_cast %parallel_loop3A_968 : i32 to index
        %parallel_loop3A_1054 = arith.constant 64 : index
        %parallel_loop3A_1055 = tpu.vector_load %parallel_loop3A_1052[%parallel_loop3A_1053, %parallel_loop3A_1054] {strides = array<i32>} : memref<100x128xf32, #tpu.memory_space<vmem>>, vector<1x16xf32>,
        %parallel_loop3A_1056 = vector.shape_cast %parallel_loop3A_1055 : vector<1x16xf32> to vector<16xf32>
        %parallel_loop3A_1057 = arith.constant 11.3137083 : f32
        %parallel_loop3A_1058 = vector.broadcast %parallel_loop3A_1057 : f32 to vector<16xf32>
        %parallel_loop3A_1059 = arith.mulf %parallel_loop3A_1056, %parallel_loop3A_1058 : vector<16xf32>
        %parallel_loop3A_1060 = arith.constant 0 : i32
        %parallel_loop3A_1061 = arith.constant 0 : i32
        %parallel_loop3A_1062 = tpu.memref_slice %arg6[%parallel_loop3A_713, %parallel_loop3A_1060, %parallel_loop3A_1061] : memref<8x100x128xf32, #tpu.memory_space<vmem>> -> memref<1x100x128xf32, #tpu.memory_space<vmem>>
        %parallel_loop3A_1063 = tpu.memref_squeeze %parallel_loop3A_1062 : memref<1x100x128xf32, #tpu.memory_space<vmem>> -> memref<100x128xf32, #tpu.memory_space<vmem>>
        %parallel_loop3A_1064 = arith.index_cast %parallel_loop3A_968 : i32 to index
        %parallel_loop3A_1065 = arith.constant 64 : index
        %parallel_loop3A_1066 = tpu.vector_load %parallel_loop3A_1063[%parallel_loop3A_1064, %parallel_loop3A_1065] {strides = array<i32>} : memref<100x128xf32, #tpu.memory_space<vmem>>, vector<1x16xf32>,
        %parallel_loop3A_1067 = vector.shape_cast %parallel_loop3A_1066 : vector<1x16xf32> to vector<16xf32>
        %parallel_loop3A_1068 = vector.shape_cast %parallel_loop3A_1059 : vector<16xf32> to vector<1x16xf32>
        tpu.vector_store %parallel_loop3A_1063[%parallel_loop3A_1064, %parallel_loop3A_1065], %parallel_loop3A_1068 {strides = array<i32>} : memref<100x128xf32, #tpu.memory_space<vmem>>, vector<1x16xf32>,
        %parallel_loop3A_1069 = arith.constant 0 : i32
        %parallel_loop3A_1070 = arith.constant 0 : i32
        %parallel_loop3A_1071 = tpu.memref_slice %arg6[%parallel_loop3A_713, %parallel_loop3A_1069, %parallel_loop3A_1070] : memref<8x100x128xf32, #tpu.memory_space<vmem>> -> memref<1x100x128xf32, #tpu.memory_space<vmem>>
        %parallel_loop3A_1072 = tpu.memref_squeeze %parallel_loop3A_1071 : memref<1x100x128xf32, #tpu.memory_space<vmem>> -> memref<100x128xf32, #tpu.memory_space<vmem>>
        %parallel_loop3A_1073 = arith.index_cast %parallel_loop3A_968 : i32 to index
        %parallel_loop3A_1074 = arith.constant 80 : index
        %parallel_loop3A_1075 = tpu.vector_load %parallel_loop3A_1072[%parallel_loop3A_1073, %parallel_loop3A_1074] {strides = array<i32>} : memref<100x128xf32, #tpu.memory_space<vmem>>, vector<1x16xf32>,
        %parallel_loop3A_1076 = vector.shape_cast %parallel_loop3A_1075 : vector<1x16xf32> to vector<16xf32>
        %parallel_loop3A_1077 = arith.constant 11.3137083 : f32
        %parallel_loop3A_1078 = vector.broadcast %parallel_loop3A_1077 : f32 to vector<16xf32>
        %parallel_loop3A_1079 = arith.mulf %parallel_loop3A_1076, %parallel_loop3A_1078 : vector<16xf32>
        %parallel_loop3A_1080 = arith.constant 0 : i32
        %parallel_loop3A_1081 = arith.constant 0 : i32
        %parallel_loop3A_1082 = tpu.memref_slice %arg6[%parallel_loop3A_713, %parallel_loop3A_1080, %parallel_loop3A_1081] : memref<8x100x128xf32, #tpu.memory_space<vmem>> -> memref<1x100x128xf32, #tpu.memory_space<vmem>>
        %parallel_loop3A_1083 = tpu.memref_squeeze %parallel_loop3A_1082 : memref<1x100x128xf32, #tpu.memory_space<vmem>> -> memref<100x128xf32, #tpu.memory_space<vmem>>
        %parallel_loop3A_1084 = arith.index_cast %parallel_loop3A_968 : i32 to index
        %parallel_loop3A_1085 = arith.constant 80 : index
        %parallel_loop3A_1086 = tpu.vector_load %parallel_loop3A_1083[%parallel_loop3A_1084, %parallel_loop3A_1085] {strides = array<i32>} : memref<100x128xf32, #tpu.memory_space<vmem>>, vector<1x16xf32>,
        %parallel_loop3A_1087 = vector.shape_cast %parallel_loop3A_1086 : vector<1x16xf32> to vector<16xf32>
        %parallel_loop3A_1088 = vector.shape_cast %parallel_loop3A_1079 : vector<16xf32> to vector<1x16xf32>
        tpu.vector_store %parallel_loop3A_1083[%parallel_loop3A_1084, %parallel_loop3A_1085], %parallel_loop3A_1088 {strides = array<i32>} : memref<100x128xf32, #tpu.memory_space<vmem>>, vector<1x16xf32>,
        %parallel_loop3A_1089 = arith.constant 0 : i32
        %parallel_loop3A_1090 = arith.constant 0 : i32
        %parallel_loop3A_1091 = tpu.memref_slice %arg6[%parallel_loop3A_713, %parallel_loop3A_1089, %parallel_loop3A_1090] : memref<8x100x128xf32, #tpu.memory_space<vmem>> -> memref<1x100x128xf32, #tpu.memory_space<vmem>>
        %parallel_loop3A_1092 = tpu.memref_squeeze %parallel_loop3A_1091 : memref<1x100x128xf32, #tpu.memory_space<vmem>> -> memref<100x128xf32, #tpu.memory_space<vmem>>
        %parallel_loop3A_1093 = arith.index_cast %parallel_loop3A_968 : i32 to index
        %parallel_loop3A_1094 = arith.constant 96 : index
        %parallel_loop3A_1095 = tpu.vector_load %parallel_loop3A_1092[%parallel_loop3A_1093, %parallel_loop3A_1094] {strides = array<i32>} : memref<100x128xf32, #tpu.memory_space<vmem>>, vector<1x16xf32>,
        %parallel_loop3A_1096 = vector.shape_cast %parallel_loop3A_1095 : vector<1x16xf32> to vector<16xf32>
        %parallel_loop3A_1097 = arith.constant 11.3137083 : f32
        %parallel_loop3A_1098 = vector.broadcast %parallel_loop3A_1097 : f32 to vector<16xf32>
        %parallel_loop3A_1099 = arith.mulf %parallel_loop3A_1096, %parallel_loop3A_1098 : vector<16xf32>
        %parallel_loop3A_1100 = arith.constant 0 : i32
        %parallel_loop3A_1101 = arith.constant 0 : i32
        %parallel_loop3A_1102 = tpu.memref_slice %arg6[%parallel_loop3A_713, %parallel_loop3A_1100, %parallel_loop3A_1101] : memref<8x100x128xf32, #tpu.memory_space<vmem>> -> memref<1x100x128xf32, #tpu.memory_space<vmem>>
        %parallel_loop3A_1103 = tpu.memref_squeeze %parallel_loop3A_1102 : memref<1x100x128xf32, #tpu.memory_space<vmem>> -> memref<100x128xf32, #tpu.memory_space<vmem>>
        %parallel_loop3A_1104 = arith.index_cast %parallel_loop3A_968 : i32 to index
        %parallel_loop3A_1105 = arith.constant 96 : index
        %parallel_loop3A_1106 = tpu.vector_load %parallel_loop3A_1103[%parallel_loop3A_1104, %parallel_loop3A_1105] {strides = array<i32>} : memref<100x128xf32, #tpu.memory_space<vmem>>, vector<1x16xf32>,
        %parallel_loop3A_1107 = vector.shape_cast %parallel_loop3A_1106 : vector<1x16xf32> to vector<16xf32>
        %parallel_loop3A_1108 = vector.shape_cast %parallel_loop3A_1099 : vector<16xf32> to vector<1x16xf32>
        tpu.vector_store %parallel_loop3A_1103[%parallel_loop3A_1104, %parallel_loop3A_1105], %parallel_loop3A_1108 {strides = array<i32>} : memref<100x128xf32, #tpu.memory_space<vmem>>, vector<1x16xf32>,
        %parallel_loop3A_1109 = arith.constant 0 : i32
        %parallel_loop3A_1110 = arith.constant 0 : i32
        %parallel_loop3A_1111 = tpu.memref_slice %arg6[%parallel_loop3A_713, %parallel_loop3A_1109, %parallel_loop3A_1110] : memref<8x100x128xf32, #tpu.memory_space<vmem>> -> memref<1x100x128xf32, #tpu.memory_space<vmem>>
        %parallel_loop3A_1112 = tpu.memref_squeeze %parallel_loop3A_1111 : memref<1x100x128xf32, #tpu.memory_space<vmem>> -> memref<100x128xf32, #tpu.memory_space<vmem>>
        %parallel_loop3A_1113 = arith.index_cast %parallel_loop3A_968 : i32 to index
        %parallel_loop3A_1114 = arith.constant 112 : index
        %parallel_loop3A_1115 = tpu.vector_load %parallel_loop3A_1112[%parallel_loop3A_1113, %parallel_loop3A_1114] {strides = array<i32>} : memref<100x128xf32, #tpu.memory_space<vmem>>, vector<1x16xf32>,
        %parallel_loop3A_1116 = vector.shape_cast %parallel_loop3A_1115 : vector<1x16xf32> to vector<16xf32>
        %parallel_loop3A_1117 = arith.constant 11.3137083 : f32
        %parallel_loop3A_1118 = vector.broadcast %parallel_loop3A_1117 : f32 to vector<16xf32>
        %parallel_loop3A_1119 = arith.mulf %parallel_loop3A_1116, %parallel_loop3A_1118 : vector<16xf32>
        %parallel_loop3A_1120 = arith.constant 0 : i32
        %parallel_loop3A_1121 = arith.constant 0 : i32
        %parallel_loop3A_1122 = tpu.memref_slice %arg6[%parallel_loop3A_713, %parallel_loop3A_1120, %parallel_loop3A_1121] : memref<8x100x128xf32, #tpu.memory_space<vmem>> -> memref<1x100x128xf32, #tpu.memory_space<vmem>>
        %parallel_loop3A_1123 = tpu.memref_squeeze %parallel_loop3A_1122 : memref<1x100x128xf32, #tpu.memory_space<vmem>> -> memref<100x128xf32, #tpu.memory_space<vmem>>
        %parallel_loop3A_1124 = arith.index_cast %parallel_loop3A_968 : i32 to index
        %parallel_loop3A_1125 = arith.constant 112 : index
        %parallel_loop3A_1126 = tpu.vector_load %parallel_loop3A_1123[%parallel_loop3A_1124, %parallel_loop3A_1125] {strides = array<i32>} : memref<100x128xf32, #tpu.memory_space<vmem>>, vector<1x16xf32>,
        %parallel_loop3A_1127 = vector.shape_cast %parallel_loop3A_1126 : vector<1x16xf32> to vector<16xf32>
        %parallel_loop3A_1128 = vector.shape_cast %parallel_loop3A_1119 : vector<16xf32> to vector<1x16xf32>
        tpu.vector_store %parallel_loop3A_1123[%parallel_loop3A_1124, %parallel_loop3A_1125], %parallel_loop3A_1128 {strides = array<i32>} : memref<100x128xf32, #tpu.memory_space<vmem>>, vector<1x16xf32>,
      } {sc.loop_unroll_factor = 4 : i64, sc.parallel_access}
      %mul3A_714 = arith.constant 2 : i32
      %mul3A_715 = arith.muli %mul3A_714, %add3A_698 : i32
      %add3A_716 = arith.addi %mul3A_2, %mul3A_715 : i32
      %dma_start3A_717 = arith.constant 4 : i32
      %dma_start3A_718 = arith.constant 0 : i32
      %dma_start3A_719 = arith.constant 0 : i32
      %dma_start3A_720 = tpu.memref_slice %arg6[%dma_start3A_717, %dma_start3A_718, %dma_start3A_719] : memref<8x100x128xf32, #tpu.memory_space<vmem>> -> memref<1x50x128xf32, #tpu.memory_space<vmem>>
      %dma_start3A_721 = tpu.memref_squeeze %dma_start3A_720 : memref<1x50x128xf32, #tpu.memory_space<vmem>> -> memref<50x128xf32, #tpu.memory_space<vmem>>
      %dma_start3A_722 = arith.constant 0 : i32
      %dma_start3A_723 = arith.constant 0 : i32
      %dma_start3A_724 = tpu.memref_slice %arg4[%add3A_716, %dma_start3A_722, %dma_start3A_723] : memref<4096x50x128xf32, #tpu.memory_space<hbm>> -> memref<1x50x128xf32, #tpu.memory_space<hbm>>
      %dma_start3A_725 = tpu.memref_squeeze %dma_start3A_724 : memref<1x50x128xf32, #tpu.memory_space<hbm>> -> memref<50x128xf32, #tpu.memory_space<hbm>>
      %dma_start3A_726 = arith.constant 0 : i32
      %dma_start3A_727 = arith.constant 0 : i32
      %dma_start3A_728 = tpu.memref_slice %arg4[%add3A_716, %dma_start3A_726, %dma_start3A_727] : memref<4096x50x128xf32, #tpu.memory_space<hbm>> -> memref<1x50x128xf32, #tpu.memory_space<hbm>>
      %dma_start3A_729 = tpu.memref_squeeze %dma_start3A_728 : memref<1x50x128xf32, #tpu.memory_space<hbm>> -> memref<50x128xf32, #tpu.memory_space<hbm>>
      %dma_start3A_730 = arith.constant 0 : i32
      %dma_start3A_731 = arith.constant 0 : i32
      %dma_start3A_732 = tpu.memref_slice %arg6[%dma_start3A_717, %dma_start3A_730, %dma_start3A_731] : memref<8x100x128xf32, #tpu.memory_space<vmem>> -> memref<1x50x128xf32, #tpu.memory_space<vmem>>
      %dma_start3A_733 = tpu.memref_squeeze %dma_start3A_732 : memref<1x50x128xf32, #tpu.memory_space<vmem>> -> memref<50x128xf32, #tpu.memory_space<vmem>>
      tpu.enqueue_dma source(%dma_start3A_733 : memref<50x128xf32, #tpu.memory_space<vmem>>) target(%dma_start3A_729 : memref<50x128xf32, #tpu.memory_space<hbm>>) target_semaphore(%arg8 : memref<!tpu.dma_semaphore, #tpu.memory_space<semaphore_mem>>)
      %mul3A_734 = arith.constant 2 : i32
      %mul3A_735 = arith.muli %mul3A_734, %add3A_698 : i32
      %add3A_736 = arith.addi %mul3A_2, %mul3A_735 : i32
      %add3A_737 = arith.constant 1 : i32
      %add3A_738 = arith.addi %add3A_736, %add3A_737 : i32
      %dma_start3A_739 = arith.constant 4 : i32
      %dma_start3A_740 = arith.constant 50 : i32
      %dma_start3A_741 = arith.constant 0 : i32
      %dma_start3A_742 = tpu.memref_slice %arg6[%dma_start3A_739, %dma_start3A_740, %dma_start3A_741] : memref<8x100x128xf32, #tpu.memory_space<vmem>> -> memref<1x50x128xf32, #tpu.memory_space<vmem>>
      %dma_start3A_743 = tpu.memref_squeeze %dma_start3A_742 : memref<1x50x128xf32, #tpu.memory_space<vmem>> -> memref<50x128xf32, #tpu.memory_space<vmem>>
      %dma_start3A_744 = arith.constant 0 : i32
      %dma_start3A_745 = arith.constant 0 : i32
      %dma_start3A_746 = tpu.memref_slice %arg4[%add3A_738, %dma_start3A_744, %dma_start3A_745] : memref<4096x50x128xf32, #tpu.memory_space<hbm>> -> memref<1x50x128xf32, #tpu.memory_space<hbm>>
      %dma_start3A_747 = tpu.memref_squeeze %dma_start3A_746 : memref<1x50x128xf32, #tpu.memory_space<hbm>> -> memref<50x128xf32, #tpu.memory_space<hbm>>
      %dma_start3A_748 = arith.constant 0 : i32
      %dma_start3A_749 = arith.constant 0 : i32
      %dma_start3A_750 = tpu.memref_slice %arg4[%add3A_738, %dma_start3A_748, %dma_start3A_749] : memref<4096x50x128xf32, #tpu.memory_space<hbm>> -> memref<1x50x128xf32, #tpu.memory_space<hbm>>
      %dma_start3A_751 = tpu.memref_squeeze %dma_start3A_750 : memref<1x50x128xf32, #tpu.memory_space<hbm>> -> memref<50x128xf32, #tpu.memory_space<hbm>>
      %dma_start3A_752 = arith.constant 50 : i32
      %dma_start3A_753 = arith.constant 0 : i32
      %dma_start3A_754 = tpu.memref_slice %arg6[%dma_start3A_739, %dma_start3A_752, %dma_start3A_753] : memref<8x100x128xf32, #tpu.memory_space<vmem>> -> memref<1x50x128xf32, #tpu.memory_space<vmem>>
      %dma_start3A_755 = tpu.memref_squeeze %dma_start3A_754 : memref<1x50x128xf32, #tpu.memory_space<vmem>> -> memref<50x128xf32, #tpu.memory_space<vmem>>
      tpu.enqueue_dma source(%dma_start3A_755 : memref<50x128xf32, #tpu.memory_space<vmem>>) target(%dma_start3A_751 : memref<50x128xf32, #tpu.memory_space<hbm>>) target_semaphore(%arg8 : memref<!tpu.dma_semaphore, #tpu.memory_space<semaphore_mem>>)
      %add3A_756 = arith.constant 8 : i32
      %add3A_757 = arith.addi %add3A_698, %add3A_756 : i32
      %lt3A_758 = arith.constant 64 : i32
      %lt3A_759 = arith.cmpi slt, %add3A_757, %lt3A_758 : i32
      %convert_element_type3A_760 = arith.extui %lt3A_759 : i1 to i32
      %cond3A_761 = arith.constant 0 : i32
      %cond3A_762 = arith.cmpi ne, %convert_element_type3A_760, %cond3A_761 : i32
      scf.if %cond3A_762 {
        %mul3A_968 = arith.constant 2 : i32
        %mul3A_969 = arith.muli %mul3A_968, %add3A_698 : i32
        %add3A_970 = arith.addi %mul3A_2, %mul3A_969 : i32
        %dma_wait3A_971 = arith.constant 4 : i32
        %dma_wait3A_972 = arith.constant 0 : i32
        %dma_wait3A_973 = arith.constant 0 : i32
        %dma_wait3A_974 = tpu.memref_slice %arg6[%dma_wait3A_971, %dma_wait3A_972, %dma_wait3A_973] : memref<8x100x128xf32, #tpu.memory_space<vmem>> -> memref<1x50x128xf32, #tpu.memory_space<vmem>>
        %dma_wait3A_975 = tpu.memref_squeeze %dma_wait3A_974 : memref<1x50x128xf32, #tpu.memory_space<vmem>> -> memref<50x128xf32, #tpu.memory_space<vmem>>
        %dma_wait3A_976 = arith.constant 0 : i32
        %dma_wait3A_977 = arith.constant 0 : i32
        %dma_wait3A_978 = tpu.memref_slice %arg4[%add3A_970, %dma_wait3A_976, %dma_wait3A_977] : memref<4096x50x128xf32, #tpu.memory_space<hbm>> -> memref<1x50x128xf32, #tpu.memory_space<hbm>>
        %dma_wait3A_979 = tpu.memref_squeeze %dma_wait3A_978 : memref<1x50x128xf32, #tpu.memory_space<hbm>> -> memref<50x128xf32, #tpu.memory_space<hbm>>
        %dma_wait3A_980 = arith.constant 0 : i32
        %dma_wait3A_981 = arith.constant 0 : i32
        %dma_wait3A_982 = tpu.memref_slice %arg4[%add3A_970, %dma_wait3A_980, %dma_wait3A_981] : memref<4096x50x128xf32, #tpu.memory_space<hbm>> -> memref<1x50x128xf32, #tpu.memory_space<hbm>>
        %dma_wait3A_983 = tpu.memref_squeeze %dma_wait3A_982 : memref<1x50x128xf32, #tpu.memory_space<hbm>> -> memref<50x128xf32, #tpu.memory_space<hbm>>
        %dma_wait3A_984 = arith.constant 0 : i32
        %dma_wait3A_985 = arith.constant 0 : i32
        %dma_wait3A_986 = tpu.memref_slice %arg6[%dma_wait3A_971, %dma_wait3A_984, %dma_wait3A_985] : memref<8x100x128xf32, #tpu.memory_space<vmem>> -> memref<1x50x128xf32, #tpu.memory_space<vmem>>
        %dma_wait3A_987 = tpu.memref_squeeze %dma_wait3A_986 : memref<1x50x128xf32, #tpu.memory_space<vmem>> -> memref<50x128xf32, #tpu.memory_space<vmem>>
        tpu.wait_dma2 semaphore(%arg8 : memref<!tpu.dma_semaphore, #tpu.memory_space<semaphore_mem>>) src(%dma_wait3A_987 : memref<50x128xf32, #tpu.memory_space<vmem>>) dst(%dma_wait3A_983 : memref<50x128xf32, #tpu.memory_space<hbm>>)
        %mul3A_988 = arith.constant 2 : i32
        %mul3A_989 = arith.muli %mul3A_988, %add3A_698 : i32
        %add3A_990 = arith.addi %mul3A_2, %mul3A_989 : i32
        %add3A_991 = arith.constant 1 : i32
        %add3A_992 = arith.addi %add3A_990, %add3A_991 : i32
        %dma_wait3A_993 = arith.constant 4 : i32
        %dma_wait3A_994 = arith.constant 50 : i32
        %dma_wait3A_995 = arith.constant 0 : i32
        %dma_wait3A_996 = tpu.memref_slice %arg6[%dma_wait3A_993, %dma_wait3A_994, %dma_wait3A_995] : memref<8x100x128xf32, #tpu.memory_space<vmem>> -> memref<1x50x128xf32, #tpu.memory_space<vmem>>
        %dma_wait3A_997 = tpu.memref_squeeze %dma_wait3A_996 : memref<1x50x128xf32, #tpu.memory_space<vmem>> -> memref<50x128xf32, #tpu.memory_space<vmem>>
        %dma_wait3A_998 = arith.constant 0 : i32
        %dma_wait3A_999 = arith.constant 0 : i32
        %dma_wait3A_1000 = tpu.memref_slice %arg4[%add3A_992, %dma_wait3A_998, %dma_wait3A_999] : memref<4096x50x128xf32, #tpu.memory_space<hbm>> -> memref<1x50x128xf32, #tpu.memory_space<hbm>>
        %dma_wait3A_1001 = tpu.memref_squeeze %dma_wait3A_1000 : memref<1x50x128xf32, #tpu.memory_space<hbm>> -> memref<50x128xf32, #tpu.memory_space<hbm>>
        %dma_wait3A_1002 = arith.constant 0 : i32
        %dma_wait3A_1003 = arith.constant 0 : i32
        %dma_wait3A_1004 = tpu.memref_slice %arg4[%add3A_992, %dma_wait3A_1002, %dma_wait3A_1003] : memref<4096x50x128xf32, #tpu.memory_space<hbm>> -> memref<1x50x128xf32, #tpu.memory_space<hbm>>
        %dma_wait3A_1005 = tpu.memref_squeeze %dma_wait3A_1004 : memref<1x50x128xf32, #tpu.memory_space<hbm>> -> memref<50x128xf32, #tpu.memory_space<hbm>>
        %dma_wait3A_1006 = arith.constant 50 : i32
        %dma_wait3A_1007 = arith.constant 0 : i32
        %dma_wait3A_1008 = tpu.memref_slice %arg6[%dma_wait3A_993, %dma_wait3A_1006, %dma_wait3A_1007] : memref<8x100x128xf32, #tpu.memory_space<vmem>> -> memref<1x50x128xf32, #tpu.memory_space<vmem>>
        %dma_wait3A_1009 = tpu.memref_squeeze %dma_wait3A_1008 : memref<1x50x128xf32, #tpu.memory_space<vmem>> -> memref<50x128xf32, #tpu.memory_space<vmem>>
        tpu.wait_dma2 semaphore(%arg8 : memref<!tpu.dma_semaphore, #tpu.memory_space<semaphore_mem>>) src(%dma_wait3A_1009 : memref<50x128xf32, #tpu.memory_space<vmem>>) dst(%dma_wait3A_1005 : memref<50x128xf32, #tpu.memory_space<hbm>>)
        %dma_start3A_1010 = arith.constant 4 : i32
        %dma_start3A_1011 = arith.constant 0 : i32
        %dma_start3A_1012 = arith.constant 0 : i32
        %dma_start3A_1013 = tpu.memref_slice %arg6[%dma_start3A_1010, %dma_start3A_1011, %dma_start3A_1012] : memref<8x100x128xf32, #tpu.memory_space<vmem>> -> memref<1x100x128xf32, #tpu.memory_space<vmem>>
        %dma_start3A_1014 = tpu.memref_squeeze %dma_start3A_1013 : memref<1x100x128xf32, #tpu.memory_space<vmem>> -> memref<100x128xf32, #tpu.memory_space<vmem>>
        %dma_start3A_1015 = arith.constant 0 : i32
        %dma_start3A_1016 = tpu.memref_slice %arg5[%add3A_757, %dma_start3A_1015] : memref<64x128xi32, #tpu.memory_space<vmem>> -> memref<1x100xi32, #tpu.memory_space<vmem>>
        %dma_start3A_1017 = tpu.memref_squeeze %dma_start3A_1016 : memref<1x100xi32, #tpu.memory_space<vmem>> -> memref<100xi32, #tpu.memory_space<vmem>>
        %dma_start3A_1018 = arith.constant 0 : i32
        %dma_start3A_1019 = arith.constant 0 : i32
        %dma_start3A_1020 = tpu.memref_slice %arg3[%dma_start3A_1018, %dma_start3A_1019] : memref<100000x128xf32, #tpu.memory_space<hbm>> -> memref<100000x128xf32, #tpu.memory_space<hbm>>
        tpu.enqueue_indirect_dma source(%dma_start3A_1020 : memref<100000x128xf32, #tpu.memory_space<hbm>>) target(%dma_start3A_1014 : memref<100x128xf32, #tpu.memory_space<vmem>>) offsets(%dma_start3A_1017 : memref<100xi32, #tpu.memory_space<vmem>>) semaphore(%arg7 : memref<!tpu.dma_semaphore, #tpu.memory_space<semaphore_mem>>)
      } else {
      }
      %mul3A_763 = arith.constant 8 : i32
      %mul3A_764 = arith.muli %scan3A_425, %mul3A_763 : i32
      %add3A_765 = arith.constant 5 : i32
      %add3A_766 = arith.addi %mul3A_764, %add3A_765 : i32
      %dma_wait3A_767 = arith.constant 5 : i32
      %dma_wait3A_768 = arith.constant 0 : i32
      %dma_wait3A_769 = arith.constant 0 : i32
      %dma_wait3A_770 = tpu.memref_slice %arg6[%dma_wait3A_767, %dma_wait3A_768, %dma_wait3A_769] : memref<8x100x128xf32, #tpu.memory_space<vmem>> -> memref<1x100x128xf32, #tpu.memory_space<vmem>>
      %dma_wait3A_771 = tpu.memref_squeeze %dma_wait3A_770 : memref<1x100x128xf32, #tpu.memory_space<vmem>> -> memref<100x128xf32, #tpu.memory_space<vmem>>
      %dma_wait3A_772 = arith.constant 0 : i32
      %dma_wait3A_773 = tpu.memref_slice %arg5[%add3A_766, %dma_wait3A_772] : memref<64x128xi32, #tpu.memory_space<vmem>> -> memref<1x100xi32, #tpu.memory_space<vmem>>
      %dma_wait3A_774 = tpu.memref_squeeze %dma_wait3A_773 : memref<1x100xi32, #tpu.memory_space<vmem>> -> memref<100xi32, #tpu.memory_space<vmem>>
      %dma_wait3A_775 = arith.constant 0 : i32
      %dma_wait3A_776 = arith.constant 0 : i32
      %dma_wait3A_777 = tpu.memref_slice %arg3[%dma_wait3A_775, %dma_wait3A_776] : memref<100000x128xf32, #tpu.memory_space<hbm>> -> memref<100000x128xf32, #tpu.memory_space<hbm>>
      tpu.wait_indirect_dma semaphore(%arg7 : memref<!tpu.dma_semaphore, #tpu.memory_space<semaphore_mem>>) src(%dma_wait3A_777 : memref<100000x128xf32, #tpu.memory_space<hbm>>) dst(%dma_wait3A_771 : memref<100x128xf32, #tpu.memory_space<vmem>>)
      %parallel_loop3A_778 = arith.constant 0 : i32
      %parallel_loop3A_779 = arith.constant 100 : i32
      %parallel_loop3A_780 = arith.constant 1 : i32
      %parallel_loop3A_781 = arith.constant 5 : i32
      scf.for %parallel_loop3A_968 = %parallel_loop3A_778 to %parallel_loop3A_779 step %parallel_loop3A_780  : i32 {
        %parallel_loop3A_969 = arith.constant 0 : i32
        %parallel_loop3A_970 = arith.constant 0 : i32
        %parallel_loop3A_971 = tpu.memref_slice %arg6[%parallel_loop3A_781, %parallel_loop3A_969, %parallel_loop3A_970] : memref<8x100x128xf32, #tpu.memory_space<vmem>> -> memref<1x100x128xf32, #tpu.memory_space<vmem>>
        %parallel_loop3A_972 = tpu.memref_squeeze %parallel_loop3A_971 : memref<1x100x128xf32, #tpu.memory_space<vmem>> -> memref<100x128xf32, #tpu.memory_space<vmem>>
        %parallel_loop3A_973 = arith.index_cast %parallel_loop3A_968 : i32 to index
        %parallel_loop3A_974 = arith.constant 0 : index
        %parallel_loop3A_975 = tpu.vector_load %parallel_loop3A_972[%parallel_loop3A_973, %parallel_loop3A_974] {strides = array<i32>} : memref<100x128xf32, #tpu.memory_space<vmem>>, vector<1x16xf32>,
        %parallel_loop3A_976 = vector.shape_cast %parallel_loop3A_975 : vector<1x16xf32> to vector<16xf32>
        %parallel_loop3A_977 = arith.constant 11.3137083 : f32
        %parallel_loop3A_978 = vector.broadcast %parallel_loop3A_977 : f32 to vector<16xf32>
        %parallel_loop3A_979 = arith.mulf %parallel_loop3A_976, %parallel_loop3A_978 : vector<16xf32>
        %parallel_loop3A_980 = arith.constant 0 : i32
        %parallel_loop3A_981 = arith.constant 0 : i32
        %parallel_loop3A_982 = tpu.memref_slice %arg6[%parallel_loop3A_781, %parallel_loop3A_980, %parallel_loop3A_981] : memref<8x100x128xf32, #tpu.memory_space<vmem>> -> memref<1x100x128xf32, #tpu.memory_space<vmem>>
        %parallel_loop3A_983 = tpu.memref_squeeze %parallel_loop3A_982 : memref<1x100x128xf32, #tpu.memory_space<vmem>> -> memref<100x128xf32, #tpu.memory_space<vmem>>
        %parallel_loop3A_984 = arith.index_cast %parallel_loop3A_968 : i32 to index
        %parallel_loop3A_985 = arith.constant 0 : index
        %parallel_loop3A_986 = tpu.vector_load %parallel_loop3A_983[%parallel_loop3A_984, %parallel_loop3A_985] {strides = array<i32>} : memref<100x128xf32, #tpu.memory_space<vmem>>, vector<1x16xf32>,
        %parallel_loop3A_987 = vector.shape_cast %parallel_loop3A_986 : vector<1x16xf32> to vector<16xf32>
        %parallel_loop3A_988 = vector.shape_cast %parallel_loop3A_979 : vector<16xf32> to vector<1x16xf32>
        tpu.vector_store %parallel_loop3A_983[%parallel_loop3A_984, %parallel_loop3A_985], %parallel_loop3A_988 {strides = array<i32>} : memref<100x128xf32, #tpu.memory_space<vmem>>, vector<1x16xf32>,
        %parallel_loop3A_989 = arith.constant 0 : i32
        %parallel_loop3A_990 = arith.constant 0 : i32
        %parallel_loop3A_991 = tpu.memref_slice %arg6[%parallel_loop3A_781, %parallel_loop3A_989, %parallel_loop3A_990] : memref<8x100x128xf32, #tpu.memory_space<vmem>> -> memref<1x100x128xf32, #tpu.memory_space<vmem>>
        %parallel_loop3A_992 = tpu.memref_squeeze %parallel_loop3A_991 : memref<1x100x128xf32, #tpu.memory_space<vmem>> -> memref<100x128xf32, #tpu.memory_space<vmem>>
        %parallel_loop3A_993 = arith.index_cast %parallel_loop3A_968 : i32 to index
        %parallel_loop3A_994 = arith.constant 16 : index
        %parallel_loop3A_995 = tpu.vector_load %parallel_loop3A_992[%parallel_loop3A_993, %parallel_loop3A_994] {strides = array<i32>} : memref<100x128xf32, #tpu.memory_space<vmem>>, vector<1x16xf32>,
        %parallel_loop3A_996 = vector.shape_cast %parallel_loop3A_995 : vector<1x16xf32> to vector<16xf32>
        %parallel_loop3A_997 = arith.constant 11.3137083 : f32
        %parallel_loop3A_998 = vector.broadcast %parallel_loop3A_997 : f32 to vector<16xf32>
        %parallel_loop3A_999 = arith.mulf %parallel_loop3A_996, %parallel_loop3A_998 : vector<16xf32>
        %parallel_loop3A_1000 = arith.constant 0 : i32
        %parallel_loop3A_1001 = arith.constant 0 : i32
        %parallel_loop3A_1002 = tpu.memref_slice %arg6[%parallel_loop3A_781, %parallel_loop3A_1000, %parallel_loop3A_1001] : memref<8x100x128xf32, #tpu.memory_space<vmem>> -> memref<1x100x128xf32, #tpu.memory_space<vmem>>
        %parallel_loop3A_1003 = tpu.memref_squeeze %parallel_loop3A_1002 : memref<1x100x128xf32, #tpu.memory_space<vmem>> -> memref<100x128xf32, #tpu.memory_space<vmem>>
        %parallel_loop3A_1004 = arith.index_cast %parallel_loop3A_968 : i32 to index
        %parallel_loop3A_1005 = arith.constant 16 : index
        %parallel_loop3A_1006 = tpu.vector_load %parallel_loop3A_1003[%parallel_loop3A_1004, %parallel_loop3A_1005] {strides = array<i32>} : memref<100x128xf32, #tpu.memory_space<vmem>>, vector<1x16xf32>,
        %parallel_loop3A_1007 = vector.shape_cast %parallel_loop3A_1006 : vector<1x16xf32> to vector<16xf32>
        %parallel_loop3A_1008 = vector.shape_cast %parallel_loop3A_999 : vector<16xf32> to vector<1x16xf32>
        tpu.vector_store %parallel_loop3A_1003[%parallel_loop3A_1004, %parallel_loop3A_1005], %parallel_loop3A_1008 {strides = array<i32>} : memref<100x128xf32, #tpu.memory_space<vmem>>, vector<1x16xf32>,
        %parallel_loop3A_1009 = arith.constant 0 : i32
        %parallel_loop3A_1010 = arith.constant 0 : i32
        %parallel_loop3A_1011 = tpu.memref_slice %arg6[%parallel_loop3A_781, %parallel_loop3A_1009, %parallel_loop3A_1010] : memref<8x100x128xf32, #tpu.memory_space<vmem>> -> memref<1x100x128xf32, #tpu.memory_space<vmem>>
        %parallel_loop3A_1012 = tpu.memref_squeeze %parallel_loop3A_1011 : memref<1x100x128xf32, #tpu.memory_space<vmem>> -> memref<100x128xf32, #tpu.memory_space<vmem>>
        %parallel_loop3A_1013 = arith.index_cast %parallel_loop3A_968 : i32 to index
        %parallel_loop3A_1014 = arith.constant 32 : index
        %parallel_loop3A_1015 = tpu.vector_load %parallel_loop3A_1012[%parallel_loop3A_1013, %parallel_loop3A_1014] {strides = array<i32>} : memref<100x128xf32, #tpu.memory_space<vmem>>, vector<1x16xf32>,
        %parallel_loop3A_1016 = vector.shape_cast %parallel_loop3A_1015 : vector<1x16xf32> to vector<16xf32>
        %parallel_loop3A_1017 = arith.constant 11.3137083 : f32
        %parallel_loop3A_1018 = vector.broadcast %parallel_loop3A_1017 : f32 to vector<16xf32>
        %parallel_loop3A_1019 = arith.mulf %parallel_loop3A_1016, %parallel_loop3A_1018 : vector<16xf32>
        %parallel_loop3A_1020 = arith.constant 0 : i32
        %parallel_loop3A_1021 = arith.constant 0 : i32
        %parallel_loop3A_1022 = tpu.memref_slice %arg6[%parallel_loop3A_781, %parallel_loop3A_1020, %parallel_loop3A_1021] : memref<8x100x128xf32, #tpu.memory_space<vmem>> -> memref<1x100x128xf32, #tpu.memory_space<vmem>>
        %parallel_loop3A_1023 = tpu.memref_squeeze %parallel_loop3A_1022 : memref<1x100x128xf32, #tpu.memory_space<vmem>> -> memref<100x128xf32, #tpu.memory_space<vmem>>
        %parallel_loop3A_1024 = arith.index_cast %parallel_loop3A_968 : i32 to index
        %parallel_loop3A_1025 = arith.constant 32 : index
        %parallel_loop3A_1026 = tpu.vector_load %parallel_loop3A_1023[%parallel_loop3A_1024, %parallel_loop3A_1025] {strides = array<i32>} : memref<100x128xf32, #tpu.memory_space<vmem>>, vector<1x16xf32>,
        %parallel_loop3A_1027 = vector.shape_cast %parallel_loop3A_1026 : vector<1x16xf32> to vector<16xf32>
        %parallel_loop3A_1028 = vector.shape_cast %parallel_loop3A_1019 : vector<16xf32> to vector<1x16xf32>
        tpu.vector_store %parallel_loop3A_1023[%parallel_loop3A_1024, %parallel_loop3A_1025], %parallel_loop3A_1028 {strides = array<i32>} : memref<100x128xf32, #tpu.memory_space<vmem>>, vector<1x16xf32>,
        %parallel_loop3A_1029 = arith.constant 0 : i32
        %parallel_loop3A_1030 = arith.constant 0 : i32
        %parallel_loop3A_1031 = tpu.memref_slice %arg6[%parallel_loop3A_781, %parallel_loop3A_1029, %parallel_loop3A_1030] : memref<8x100x128xf32, #tpu.memory_space<vmem>> -> memref<1x100x128xf32, #tpu.memory_space<vmem>>
        %parallel_loop3A_1032 = tpu.memref_squeeze %parallel_loop3A_1031 : memref<1x100x128xf32, #tpu.memory_space<vmem>> -> memref<100x128xf32, #tpu.memory_space<vmem>>
        %parallel_loop3A_1033 = arith.index_cast %parallel_loop3A_968 : i32 to index
        %parallel_loop3A_1034 = arith.constant 48 : index
        %parallel_loop3A_1035 = tpu.vector_load %parallel_loop3A_1032[%parallel_loop3A_1033, %parallel_loop3A_1034] {strides = array<i32>} : memref<100x128xf32, #tpu.memory_space<vmem>>, vector<1x16xf32>,
        %parallel_loop3A_1036 = vector.shape_cast %parallel_loop3A_1035 : vector<1x16xf32> to vector<16xf32>
        %parallel_loop3A_1037 = arith.constant 11.3137083 : f32
        %parallel_loop3A_1038 = vector.broadcast %parallel_loop3A_1037 : f32 to vector<16xf32>
        %parallel_loop3A_1039 = arith.mulf %parallel_loop3A_1036, %parallel_loop3A_1038 : vector<16xf32>
        %parallel_loop3A_1040 = arith.constant 0 : i32
        %parallel_loop3A_1041 = arith.constant 0 : i32
        %parallel_loop3A_1042 = tpu.memref_slice %arg6[%parallel_loop3A_781, %parallel_loop3A_1040, %parallel_loop3A_1041] : memref<8x100x128xf32, #tpu.memory_space<vmem>> -> memref<1x100x128xf32, #tpu.memory_space<vmem>>
        %parallel_loop3A_1043 = tpu.memref_squeeze %parallel_loop3A_1042 : memref<1x100x128xf32, #tpu.memory_space<vmem>> -> memref<100x128xf32, #tpu.memory_space<vmem>>
        %parallel_loop3A_1044 = arith.index_cast %parallel_loop3A_968 : i32 to index
        %parallel_loop3A_1045 = arith.constant 48 : index
        %parallel_loop3A_1046 = tpu.vector_load %parallel_loop3A_1043[%parallel_loop3A_1044, %parallel_loop3A_1045] {strides = array<i32>} : memref<100x128xf32, #tpu.memory_space<vmem>>, vector<1x16xf32>,
        %parallel_loop3A_1047 = vector.shape_cast %parallel_loop3A_1046 : vector<1x16xf32> to vector<16xf32>
        %parallel_loop3A_1048 = vector.shape_cast %parallel_loop3A_1039 : vector<16xf32> to vector<1x16xf32>
        tpu.vector_store %parallel_loop3A_1043[%parallel_loop3A_1044, %parallel_loop3A_1045], %parallel_loop3A_1048 {strides = array<i32>} : memref<100x128xf32, #tpu.memory_space<vmem>>, vector<1x16xf32>,
        %parallel_loop3A_1049 = arith.constant 0 : i32
        %parallel_loop3A_1050 = arith.constant 0 : i32
        %parallel_loop3A_1051 = tpu.memref_slice %arg6[%parallel_loop3A_781, %parallel_loop3A_1049, %parallel_loop3A_1050] : memref<8x100x128xf32, #tpu.memory_space<vmem>> -> memref<1x100x128xf32, #tpu.memory_space<vmem>>
        %parallel_loop3A_1052 = tpu.memref_squeeze %parallel_loop3A_1051 : memref<1x100x128xf32, #tpu.memory_space<vmem>> -> memref<100x128xf32, #tpu.memory_space<vmem>>
        %parallel_loop3A_1053 = arith.index_cast %parallel_loop3A_968 : i32 to index
        %parallel_loop3A_1054 = arith.constant 64 : index
        %parallel_loop3A_1055 = tpu.vector_load %parallel_loop3A_1052[%parallel_loop3A_1053, %parallel_loop3A_1054] {strides = array<i32>} : memref<100x128xf32, #tpu.memory_space<vmem>>, vector<1x16xf32>,
        %parallel_loop3A_1056 = vector.shape_cast %parallel_loop3A_1055 : vector<1x16xf32> to vector<16xf32>
        %parallel_loop3A_1057 = arith.constant 11.3137083 : f32
        %parallel_loop3A_1058 = vector.broadcast %parallel_loop3A_1057 : f32 to vector<16xf32>
        %parallel_loop3A_1059 = arith.mulf %parallel_loop3A_1056, %parallel_loop3A_1058 : vector<16xf32>
        %parallel_loop3A_1060 = arith.constant 0 : i32
        %parallel_loop3A_1061 = arith.constant 0 : i32
        %parallel_loop3A_1062 = tpu.memref_slice %arg6[%parallel_loop3A_781, %parallel_loop3A_1060, %parallel_loop3A_1061] : memref<8x100x128xf32, #tpu.memory_space<vmem>> -> memref<1x100x128xf32, #tpu.memory_space<vmem>>
        %parallel_loop3A_1063 = tpu.memref_squeeze %parallel_loop3A_1062 : memref<1x100x128xf32, #tpu.memory_space<vmem>> -> memref<100x128xf32, #tpu.memory_space<vmem>>
        %parallel_loop3A_1064 = arith.index_cast %parallel_loop3A_968 : i32 to index
        %parallel_loop3A_1065 = arith.constant 64 : index
        %parallel_loop3A_1066 = tpu.vector_load %parallel_loop3A_1063[%parallel_loop3A_1064, %parallel_loop3A_1065] {strides = array<i32>} : memref<100x128xf32, #tpu.memory_space<vmem>>, vector<1x16xf32>,
        %parallel_loop3A_1067 = vector.shape_cast %parallel_loop3A_1066 : vector<1x16xf32> to vector<16xf32>
        %parallel_loop3A_1068 = vector.shape_cast %parallel_loop3A_1059 : vector<16xf32> to vector<1x16xf32>
        tpu.vector_store %parallel_loop3A_1063[%parallel_loop3A_1064, %parallel_loop3A_1065], %parallel_loop3A_1068 {strides = array<i32>} : memref<100x128xf32, #tpu.memory_space<vmem>>, vector<1x16xf32>,
        %parallel_loop3A_1069 = arith.constant 0 : i32
        %parallel_loop3A_1070 = arith.constant 0 : i32
        %parallel_loop3A_1071 = tpu.memref_slice %arg6[%parallel_loop3A_781, %parallel_loop3A_1069, %parallel_loop3A_1070] : memref<8x100x128xf32, #tpu.memory_space<vmem>> -> memref<1x100x128xf32, #tpu.memory_space<vmem>>
        %parallel_loop3A_1072 = tpu.memref_squeeze %parallel_loop3A_1071 : memref<1x100x128xf32, #tpu.memory_space<vmem>> -> memref<100x128xf32, #tpu.memory_space<vmem>>
        %parallel_loop3A_1073 = arith.index_cast %parallel_loop3A_968 : i32 to index
        %parallel_loop3A_1074 = arith.constant 80 : index
        %parallel_loop3A_1075 = tpu.vector_load %parallel_loop3A_1072[%parallel_loop3A_1073, %parallel_loop3A_1074] {strides = array<i32>} : memref<100x128xf32, #tpu.memory_space<vmem>>, vector<1x16xf32>,
        %parallel_loop3A_1076 = vector.shape_cast %parallel_loop3A_1075 : vector<1x16xf32> to vector<16xf32>
        %parallel_loop3A_1077 = arith.constant 11.3137083 : f32
        %parallel_loop3A_1078 = vector.broadcast %parallel_loop3A_1077 : f32 to vector<16xf32>
        %parallel_loop3A_1079 = arith.mulf %parallel_loop3A_1076, %parallel_loop3A_1078 : vector<16xf32>
        %parallel_loop3A_1080 = arith.constant 0 : i32
        %parallel_loop3A_1081 = arith.constant 0 : i32
        %parallel_loop3A_1082 = tpu.memref_slice %arg6[%parallel_loop3A_781, %parallel_loop3A_1080, %parallel_loop3A_1081] : memref<8x100x128xf32, #tpu.memory_space<vmem>> -> memref<1x100x128xf32, #tpu.memory_space<vmem>>
        %parallel_loop3A_1083 = tpu.memref_squeeze %parallel_loop3A_1082 : memref<1x100x128xf32, #tpu.memory_space<vmem>> -> memref<100x128xf32, #tpu.memory_space<vmem>>
        %parallel_loop3A_1084 = arith.index_cast %parallel_loop3A_968 : i32 to index
        %parallel_loop3A_1085 = arith.constant 80 : index
        %parallel_loop3A_1086 = tpu.vector_load %parallel_loop3A_1083[%parallel_loop3A_1084, %parallel_loop3A_1085] {strides = array<i32>} : memref<100x128xf32, #tpu.memory_space<vmem>>, vector<1x16xf32>,
        %parallel_loop3A_1087 = vector.shape_cast %parallel_loop3A_1086 : vector<1x16xf32> to vector<16xf32>
        %parallel_loop3A_1088 = vector.shape_cast %parallel_loop3A_1079 : vector<16xf32> to vector<1x16xf32>
        tpu.vector_store %parallel_loop3A_1083[%parallel_loop3A_1084, %parallel_loop3A_1085], %parallel_loop3A_1088 {strides = array<i32>} : memref<100x128xf32, #tpu.memory_space<vmem>>, vector<1x16xf32>,
        %parallel_loop3A_1089 = arith.constant 0 : i32
        %parallel_loop3A_1090 = arith.constant 0 : i32
        %parallel_loop3A_1091 = tpu.memref_slice %arg6[%parallel_loop3A_781, %parallel_loop3A_1089, %parallel_loop3A_1090] : memref<8x100x128xf32, #tpu.memory_space<vmem>> -> memref<1x100x128xf32, #tpu.memory_space<vmem>>
        %parallel_loop3A_1092 = tpu.memref_squeeze %parallel_loop3A_1091 : memref<1x100x128xf32, #tpu.memory_space<vmem>> -> memref<100x128xf32, #tpu.memory_space<vmem>>
        %parallel_loop3A_1093 = arith.index_cast %parallel_loop3A_968 : i32 to index
        %parallel_loop3A_1094 = arith.constant 96 : index
        %parallel_loop3A_1095 = tpu.vector_load %parallel_loop3A_1092[%parallel_loop3A_1093, %parallel_loop3A_1094] {strides = array<i32>} : memref<100x128xf32, #tpu.memory_space<vmem>>, vector<1x16xf32>,
        %parallel_loop3A_1096 = vector.shape_cast %parallel_loop3A_1095 : vector<1x16xf32> to vector<16xf32>
        %parallel_loop3A_1097 = arith.constant 11.3137083 : f32
        %parallel_loop3A_1098 = vector.broadcast %parallel_loop3A_1097 : f32 to vector<16xf32>
        %parallel_loop3A_1099 = arith.mulf %parallel_loop3A_1096, %parallel_loop3A_1098 : vector<16xf32>
        %parallel_loop3A_1100 = arith.constant 0 : i32
        %parallel_loop3A_1101 = arith.constant 0 : i32
        %parallel_loop3A_1102 = tpu.memref_slice %arg6[%parallel_loop3A_781, %parallel_loop3A_1100, %parallel_loop3A_1101] : memref<8x100x128xf32, #tpu.memory_space<vmem>> -> memref<1x100x128xf32, #tpu.memory_space<vmem>>
        %parallel_loop3A_1103 = tpu.memref_squeeze %parallel_loop3A_1102 : memref<1x100x128xf32, #tpu.memory_space<vmem>> -> memref<100x128xf32, #tpu.memory_space<vmem>>
        %parallel_loop3A_1104 = arith.index_cast %parallel_loop3A_968 : i32 to index
        %parallel_loop3A_1105 = arith.constant 96 : index
        %parallel_loop3A_1106 = tpu.vector_load %parallel_loop3A_1103[%parallel_loop3A_1104, %parallel_loop3A_1105] {strides = array<i32>} : memref<100x128xf32, #tpu.memory_space<vmem>>, vector<1x16xf32>,
        %parallel_loop3A_1107 = vector.shape_cast %parallel_loop3A_1106 : vector<1x16xf32> to vector<16xf32>
        %parallel_loop3A_1108 = vector.shape_cast %parallel_loop3A_1099 : vector<16xf32> to vector<1x16xf32>
        tpu.vector_store %parallel_loop3A_1103[%parallel_loop3A_1104, %parallel_loop3A_1105], %parallel_loop3A_1108 {strides = array<i32>} : memref<100x128xf32, #tpu.memory_space<vmem>>, vector<1x16xf32>,
        %parallel_loop3A_1109 = arith.constant 0 : i32
        %parallel_loop3A_1110 = arith.constant 0 : i32
        %parallel_loop3A_1111 = tpu.memref_slice %arg6[%parallel_loop3A_781, %parallel_loop3A_1109, %parallel_loop3A_1110] : memref<8x100x128xf32, #tpu.memory_space<vmem>> -> memref<1x100x128xf32, #tpu.memory_space<vmem>>
        %parallel_loop3A_1112 = tpu.memref_squeeze %parallel_loop3A_1111 : memref<1x100x128xf32, #tpu.memory_space<vmem>> -> memref<100x128xf32, #tpu.memory_space<vmem>>
        %parallel_loop3A_1113 = arith.index_cast %parallel_loop3A_968 : i32 to index
        %parallel_loop3A_1114 = arith.constant 112 : index
        %parallel_loop3A_1115 = tpu.vector_load %parallel_loop3A_1112[%parallel_loop3A_1113, %parallel_loop3A_1114] {strides = array<i32>} : memref<100x128xf32, #tpu.memory_space<vmem>>, vector<1x16xf32>,
        %parallel_loop3A_1116 = vector.shape_cast %parallel_loop3A_1115 : vector<1x16xf32> to vector<16xf32>
        %parallel_loop3A_1117 = arith.constant 11.3137083 : f32
        %parallel_loop3A_1118 = vector.broadcast %parallel_loop3A_1117 : f32 to vector<16xf32>
        %parallel_loop3A_1119 = arith.mulf %parallel_loop3A_1116, %parallel_loop3A_1118 : vector<16xf32>
        %parallel_loop3A_1120 = arith.constant 0 : i32
        %parallel_loop3A_1121 = arith.constant 0 : i32
        %parallel_loop3A_1122 = tpu.memref_slice %arg6[%parallel_loop3A_781, %parallel_loop3A_1120, %parallel_loop3A_1121] : memref<8x100x128xf32, #tpu.memory_space<vmem>> -> memref<1x100x128xf32, #tpu.memory_space<vmem>>
        %parallel_loop3A_1123 = tpu.memref_squeeze %parallel_loop3A_1122 : memref<1x100x128xf32, #tpu.memory_space<vmem>> -> memref<100x128xf32, #tpu.memory_space<vmem>>
        %parallel_loop3A_1124 = arith.index_cast %parallel_loop3A_968 : i32 to index
        %parallel_loop3A_1125 = arith.constant 112 : index
        %parallel_loop3A_1126 = tpu.vector_load %parallel_loop3A_1123[%parallel_loop3A_1124, %parallel_loop3A_1125] {strides = array<i32>} : memref<100x128xf32, #tpu.memory_space<vmem>>, vector<1x16xf32>,
        %parallel_loop3A_1127 = vector.shape_cast %parallel_loop3A_1126 : vector<1x16xf32> to vector<16xf32>
        %parallel_loop3A_1128 = vector.shape_cast %parallel_loop3A_1119 : vector<16xf32> to vector<1x16xf32>
        tpu.vector_store %parallel_loop3A_1123[%parallel_loop3A_1124, %parallel_loop3A_1125], %parallel_loop3A_1128 {strides = array<i32>} : memref<100x128xf32, #tpu.memory_space<vmem>>, vector<1x16xf32>,
      } {sc.loop_unroll_factor = 4 : i64, sc.parallel_access}
      %mul3A_782 = arith.constant 2 : i32
      %mul3A_783 = arith.muli %mul3A_782, %add3A_766 : i32
      %add3A_784 = arith.addi %mul3A_2, %mul3A_783 : i32
      %dma_start3A_785 = arith.constant 5 : i32
      %dma_start3A_786 = arith.constant 0 : i32
      %dma_start3A_787 = arith.constant 0 : i32
      %dma_start3A_788 = tpu.memref_slice %arg6[%dma_start3A_785, %dma_start3A_786, %dma_start3A_787] : memref<8x100x128xf32, #tpu.memory_space<vmem>> -> memref<1x50x128xf32, #tpu.memory_space<vmem>>
      %dma_start3A_789 = tpu.memref_squeeze %dma_start3A_788 : memref<1x50x128xf32, #tpu.memory_space<vmem>> -> memref<50x128xf32, #tpu.memory_space<vmem>>
      %dma_start3A_790 = arith.constant 0 : i32
      %dma_start3A_791 = arith.constant 0 : i32
      %dma_start3A_792 = tpu.memref_slice %arg4[%add3A_784, %dma_start3A_790, %dma_start3A_791] : memref<4096x50x128xf32, #tpu.memory_space<hbm>> -> memref<1x50x128xf32, #tpu.memory_space<hbm>>
      %dma_start3A_793 = tpu.memref_squeeze %dma_start3A_792 : memref<1x50x128xf32, #tpu.memory_space<hbm>> -> memref<50x128xf32, #tpu.memory_space<hbm>>
      %dma_start3A_794 = arith.constant 0 : i32
      %dma_start3A_795 = arith.constant 0 : i32
      %dma_start3A_796 = tpu.memref_slice %arg4[%add3A_784, %dma_start3A_794, %dma_start3A_795] : memref<4096x50x128xf32, #tpu.memory_space<hbm>> -> memref<1x50x128xf32, #tpu.memory_space<hbm>>
      %dma_start3A_797 = tpu.memref_squeeze %dma_start3A_796 : memref<1x50x128xf32, #tpu.memory_space<hbm>> -> memref<50x128xf32, #tpu.memory_space<hbm>>
      %dma_start3A_798 = arith.constant 0 : i32
      %dma_start3A_799 = arith.constant 0 : i32
      %dma_start3A_800 = tpu.memref_slice %arg6[%dma_start3A_785, %dma_start3A_798, %dma_start3A_799] : memref<8x100x128xf32, #tpu.memory_space<vmem>> -> memref<1x50x128xf32, #tpu.memory_space<vmem>>
      %dma_start3A_801 = tpu.memref_squeeze %dma_start3A_800 : memref<1x50x128xf32, #tpu.memory_space<vmem>> -> memref<50x128xf32, #tpu.memory_space<vmem>>
      tpu.enqueue_dma source(%dma_start3A_801 : memref<50x128xf32, #tpu.memory_space<vmem>>) target(%dma_start3A_797 : memref<50x128xf32, #tpu.memory_space<hbm>>) target_semaphore(%arg8 : memref<!tpu.dma_semaphore, #tpu.memory_space<semaphore_mem>>)
      %mul3A_802 = arith.constant 2 : i32
      %mul3A_803 = arith.muli %mul3A_802, %add3A_766 : i32
      %add3A_804 = arith.addi %mul3A_2, %mul3A_803 : i32
      %add3A_805 = arith.constant 1 : i32
      %add3A_806 = arith.addi %add3A_804, %add3A_805 : i32
      %dma_start3A_807 = arith.constant 5 : i32
      %dma_start3A_808 = arith.constant 50 : i32
      %dma_start3A_809 = arith.constant 0 : i32
      %dma_start3A_810 = tpu.memref_slice %arg6[%dma_start3A_807, %dma_start3A_808, %dma_start3A_809] : memref<8x100x128xf32, #tpu.memory_space<vmem>> -> memref<1x50x128xf32, #tpu.memory_space<vmem>>
      %dma_start3A_811 = tpu.memref_squeeze %dma_start3A_810 : memref<1x50x128xf32, #tpu.memory_space<vmem>> -> memref<50x128xf32, #tpu.memory_space<vmem>>
      %dma_start3A_812 = arith.constant 0 : i32
      %dma_start3A_813 = arith.constant 0 : i32
      %dma_start3A_814 = tpu.memref_slice %arg4[%add3A_806, %dma_start3A_812, %dma_start3A_813] : memref<4096x50x128xf32, #tpu.memory_space<hbm>> -> memref<1x50x128xf32, #tpu.memory_space<hbm>>
      %dma_start3A_815 = tpu.memref_squeeze %dma_start3A_814 : memref<1x50x128xf32, #tpu.memory_space<hbm>> -> memref<50x128xf32, #tpu.memory_space<hbm>>
      %dma_start3A_816 = arith.constant 0 : i32
      %dma_start3A_817 = arith.constant 0 : i32
      %dma_start3A_818 = tpu.memref_slice %arg4[%add3A_806, %dma_start3A_816, %dma_start3A_817] : memref<4096x50x128xf32, #tpu.memory_space<hbm>> -> memref<1x50x128xf32, #tpu.memory_space<hbm>>
      %dma_start3A_819 = tpu.memref_squeeze %dma_start3A_818 : memref<1x50x128xf32, #tpu.memory_space<hbm>> -> memref<50x128xf32, #tpu.memory_space<hbm>>
      %dma_start3A_820 = arith.constant 50 : i32
      %dma_start3A_821 = arith.constant 0 : i32
      %dma_start3A_822 = tpu.memref_slice %arg6[%dma_start3A_807, %dma_start3A_820, %dma_start3A_821] : memref<8x100x128xf32, #tpu.memory_space<vmem>> -> memref<1x50x128xf32, #tpu.memory_space<vmem>>
      %dma_start3A_823 = tpu.memref_squeeze %dma_start3A_822 : memref<1x50x128xf32, #tpu.memory_space<vmem>> -> memref<50x128xf32, #tpu.memory_space<vmem>>
      tpu.enqueue_dma source(%dma_start3A_823 : memref<50x128xf32, #tpu.memory_space<vmem>>) target(%dma_start3A_819 : memref<50x128xf32, #tpu.memory_space<hbm>>) target_semaphore(%arg8 : memref<!tpu.dma_semaphore, #tpu.memory_space<semaphore_mem>>)
      %add3A_824 = arith.constant 8 : i32
      %add3A_825 = arith.addi %add3A_766, %add3A_824 : i32
      %lt3A_826 = arith.constant 64 : i32
      %lt3A_827 = arith.cmpi slt, %add3A_825, %lt3A_826 : i32
      %convert_element_type3A_828 = arith.extui %lt3A_827 : i1 to i32
      %cond3A_829 = arith.constant 0 : i32
      %cond3A_830 = arith.cmpi ne, %convert_element_type3A_828, %cond3A_829 : i32
      scf.if %cond3A_830 {
        %mul3A_968 = arith.constant 2 : i32
        %mul3A_969 = arith.muli %mul3A_968, %add3A_766 : i32
        %add3A_970 = arith.addi %mul3A_2, %mul3A_969 : i32
        %dma_wait3A_971 = arith.constant 5 : i32
        %dma_wait3A_972 = arith.constant 0 : i32
        %dma_wait3A_973 = arith.constant 0 : i32
        %dma_wait3A_974 = tpu.memref_slice %arg6[%dma_wait3A_971, %dma_wait3A_972, %dma_wait3A_973] : memref<8x100x128xf32, #tpu.memory_space<vmem>> -> memref<1x50x128xf32, #tpu.memory_space<vmem>>
        %dma_wait3A_975 = tpu.memref_squeeze %dma_wait3A_974 : memref<1x50x128xf32, #tpu.memory_space<vmem>> -> memref<50x128xf32, #tpu.memory_space<vmem>>
        %dma_wait3A_976 = arith.constant 0 : i32
        %dma_wait3A_977 = arith.constant 0 : i32
        %dma_wait3A_978 = tpu.memref_slice %arg4[%add3A_970, %dma_wait3A_976, %dma_wait3A_977] : memref<4096x50x128xf32, #tpu.memory_space<hbm>> -> memref<1x50x128xf32, #tpu.memory_space<hbm>>
        %dma_wait3A_979 = tpu.memref_squeeze %dma_wait3A_978 : memref<1x50x128xf32, #tpu.memory_space<hbm>> -> memref<50x128xf32, #tpu.memory_space<hbm>>
        %dma_wait3A_980 = arith.constant 0 : i32
        %dma_wait3A_981 = arith.constant 0 : i32
        %dma_wait3A_982 = tpu.memref_slice %arg4[%add3A_970, %dma_wait3A_980, %dma_wait3A_981] : memref<4096x50x128xf32, #tpu.memory_space<hbm>> -> memref<1x50x128xf32, #tpu.memory_space<hbm>>
        %dma_wait3A_983 = tpu.memref_squeeze %dma_wait3A_982 : memref<1x50x128xf32, #tpu.memory_space<hbm>> -> memref<50x128xf32, #tpu.memory_space<hbm>>
        %dma_wait3A_984 = arith.constant 0 : i32
        %dma_wait3A_985 = arith.constant 0 : i32
        %dma_wait3A_986 = tpu.memref_slice %arg6[%dma_wait3A_971, %dma_wait3A_984, %dma_wait3A_985] : memref<8x100x128xf32, #tpu.memory_space<vmem>> -> memref<1x50x128xf32, #tpu.memory_space<vmem>>
        %dma_wait3A_987 = tpu.memref_squeeze %dma_wait3A_986 : memref<1x50x128xf32, #tpu.memory_space<vmem>> -> memref<50x128xf32, #tpu.memory_space<vmem>>
        tpu.wait_dma2 semaphore(%arg8 : memref<!tpu.dma_semaphore, #tpu.memory_space<semaphore_mem>>) src(%dma_wait3A_987 : memref<50x128xf32, #tpu.memory_space<vmem>>) dst(%dma_wait3A_983 : memref<50x128xf32, #tpu.memory_space<hbm>>)
        %mul3A_988 = arith.constant 2 : i32
        %mul3A_989 = arith.muli %mul3A_988, %add3A_766 : i32
        %add3A_990 = arith.addi %mul3A_2, %mul3A_989 : i32
        %add3A_991 = arith.constant 1 : i32
        %add3A_992 = arith.addi %add3A_990, %add3A_991 : i32
        %dma_wait3A_993 = arith.constant 5 : i32
        %dma_wait3A_994 = arith.constant 50 : i32
        %dma_wait3A_995 = arith.constant 0 : i32
        %dma_wait3A_996 = tpu.memref_slice %arg6[%dma_wait3A_993, %dma_wait3A_994, %dma_wait3A_995] : memref<8x100x128xf32, #tpu.memory_space<vmem>> -> memref<1x50x128xf32, #tpu.memory_space<vmem>>
        %dma_wait3A_997 = tpu.memref_squeeze %dma_wait3A_996 : memref<1x50x128xf32, #tpu.memory_space<vmem>> -> memref<50x128xf32, #tpu.memory_space<vmem>>
        %dma_wait3A_998 = arith.constant 0 : i32
        %dma_wait3A_999 = arith.constant 0 : i32
        %dma_wait3A_1000 = tpu.memref_slice %arg4[%add3A_992, %dma_wait3A_998, %dma_wait3A_999] : memref<4096x50x128xf32, #tpu.memory_space<hbm>> -> memref<1x50x128xf32, #tpu.memory_space<hbm>>
        %dma_wait3A_1001 = tpu.memref_squeeze %dma_wait3A_1000 : memref<1x50x128xf32, #tpu.memory_space<hbm>> -> memref<50x128xf32, #tpu.memory_space<hbm>>
        %dma_wait3A_1002 = arith.constant 0 : i32
        %dma_wait3A_1003 = arith.constant 0 : i32
        %dma_wait3A_1004 = tpu.memref_slice %arg4[%add3A_992, %dma_wait3A_1002, %dma_wait3A_1003] : memref<4096x50x128xf32, #tpu.memory_space<hbm>> -> memref<1x50x128xf32, #tpu.memory_space<hbm>>
        %dma_wait3A_1005 = tpu.memref_squeeze %dma_wait3A_1004 : memref<1x50x128xf32, #tpu.memory_space<hbm>> -> memref<50x128xf32, #tpu.memory_space<hbm>>
        %dma_wait3A_1006 = arith.constant 50 : i32
        %dma_wait3A_1007 = arith.constant 0 : i32
        %dma_wait3A_1008 = tpu.memref_slice %arg6[%dma_wait3A_993, %dma_wait3A_1006, %dma_wait3A_1007] : memref<8x100x128xf32, #tpu.memory_space<vmem>> -> memref<1x50x128xf32, #tpu.memory_space<vmem>>
        %dma_wait3A_1009 = tpu.memref_squeeze %dma_wait3A_1008 : memref<1x50x128xf32, #tpu.memory_space<vmem>> -> memref<50x128xf32, #tpu.memory_space<vmem>>
        tpu.wait_dma2 semaphore(%arg8 : memref<!tpu.dma_semaphore, #tpu.memory_space<semaphore_mem>>) src(%dma_wait3A_1009 : memref<50x128xf32, #tpu.memory_space<vmem>>) dst(%dma_wait3A_1005 : memref<50x128xf32, #tpu.memory_space<hbm>>)
        %dma_start3A_1010 = arith.constant 5 : i32
        %dma_start3A_1011 = arith.constant 0 : i32
        %dma_start3A_1012 = arith.constant 0 : i32
        %dma_start3A_1013 = tpu.memref_slice %arg6[%dma_start3A_1010, %dma_start3A_1011, %dma_start3A_1012] : memref<8x100x128xf32, #tpu.memory_space<vmem>> -> memref<1x100x128xf32, #tpu.memory_space<vmem>>
        %dma_start3A_1014 = tpu.memref_squeeze %dma_start3A_1013 : memref<1x100x128xf32, #tpu.memory_space<vmem>> -> memref<100x128xf32, #tpu.memory_space<vmem>>
        %dma_start3A_1015 = arith.constant 0 : i32
        %dma_start3A_1016 = tpu.memref_slice %arg5[%add3A_825, %dma_start3A_1015] : memref<64x128xi32, #tpu.memory_space<vmem>> -> memref<1x100xi32, #tpu.memory_space<vmem>>
        %dma_start3A_1017 = tpu.memref_squeeze %dma_start3A_1016 : memref<1x100xi32, #tpu.memory_space<vmem>> -> memref<100xi32, #tpu.memory_space<vmem>>
        %dma_start3A_1018 = arith.constant 0 : i32
        %dma_start3A_1019 = arith.constant 0 : i32
        %dma_start3A_1020 = tpu.memref_slice %arg3[%dma_start3A_1018, %dma_start3A_1019] : memref<100000x128xf32, #tpu.memory_space<hbm>> -> memref<100000x128xf32, #tpu.memory_space<hbm>>
        tpu.enqueue_indirect_dma source(%dma_start3A_1020 : memref<100000x128xf32, #tpu.memory_space<hbm>>) target(%dma_start3A_1014 : memref<100x128xf32, #tpu.memory_space<vmem>>) offsets(%dma_start3A_1017 : memref<100xi32, #tpu.memory_space<vmem>>) semaphore(%arg7 : memref<!tpu.dma_semaphore, #tpu.memory_space<semaphore_mem>>)
      } else {
      }
      %mul3A_831 = arith.constant 8 : i32
      %mul3A_832 = arith.muli %scan3A_425, %mul3A_831 : i32
      %add3A_833 = arith.constant 6 : i32
      %add3A_834 = arith.addi %mul3A_832, %add3A_833 : i32
      %dma_wait3A_835 = arith.constant 6 : i32
      %dma_wait3A_836 = arith.constant 0 : i32
      %dma_wait3A_837 = arith.constant 0 : i32
      %dma_wait3A_838 = tpu.memref_slice %arg6[%dma_wait3A_835, %dma_wait3A_836, %dma_wait3A_837] : memref<8x100x128xf32, #tpu.memory_space<vmem>> -> memref<1x100x128xf32, #tpu.memory_space<vmem>>
      %dma_wait3A_839 = tpu.memref_squeeze %dma_wait3A_838 : memref<1x100x128xf32, #tpu.memory_space<vmem>> -> memref<100x128xf32, #tpu.memory_space<vmem>>
      %dma_wait3A_840 = arith.constant 0 : i32
      %dma_wait3A_841 = tpu.memref_slice %arg5[%add3A_834, %dma_wait3A_840] : memref<64x128xi32, #tpu.memory_space<vmem>> -> memref<1x100xi32, #tpu.memory_space<vmem>>
      %dma_wait3A_842 = tpu.memref_squeeze %dma_wait3A_841 : memref<1x100xi32, #tpu.memory_space<vmem>> -> memref<100xi32, #tpu.memory_space<vmem>>
      %dma_wait3A_843 = arith.constant 0 : i32
      %dma_wait3A_844 = arith.constant 0 : i32
      %dma_wait3A_845 = tpu.memref_slice %arg3[%dma_wait3A_843, %dma_wait3A_844] : memref<100000x128xf32, #tpu.memory_space<hbm>> -> memref<100000x128xf32, #tpu.memory_space<hbm>>
      tpu.wait_indirect_dma semaphore(%arg7 : memref<!tpu.dma_semaphore, #tpu.memory_space<semaphore_mem>>) src(%dma_wait3A_845 : memref<100000x128xf32, #tpu.memory_space<hbm>>) dst(%dma_wait3A_839 : memref<100x128xf32, #tpu.memory_space<vmem>>)
      %parallel_loop3A_846 = arith.constant 0 : i32
      %parallel_loop3A_847 = arith.constant 100 : i32
      %parallel_loop3A_848 = arith.constant 1 : i32
      %parallel_loop3A_849 = arith.constant 6 : i32
      scf.for %parallel_loop3A_968 = %parallel_loop3A_846 to %parallel_loop3A_847 step %parallel_loop3A_848  : i32 {
        %parallel_loop3A_969 = arith.constant 0 : i32
        %parallel_loop3A_970 = arith.constant 0 : i32
        %parallel_loop3A_971 = tpu.memref_slice %arg6[%parallel_loop3A_849, %parallel_loop3A_969, %parallel_loop3A_970] : memref<8x100x128xf32, #tpu.memory_space<vmem>> -> memref<1x100x128xf32, #tpu.memory_space<vmem>>
        %parallel_loop3A_972 = tpu.memref_squeeze %parallel_loop3A_971 : memref<1x100x128xf32, #tpu.memory_space<vmem>> -> memref<100x128xf32, #tpu.memory_space<vmem>>
        %parallel_loop3A_973 = arith.index_cast %parallel_loop3A_968 : i32 to index
        %parallel_loop3A_974 = arith.constant 0 : index
        %parallel_loop3A_975 = tpu.vector_load %parallel_loop3A_972[%parallel_loop3A_973, %parallel_loop3A_974] {strides = array<i32>} : memref<100x128xf32, #tpu.memory_space<vmem>>, vector<1x16xf32>,
        %parallel_loop3A_976 = vector.shape_cast %parallel_loop3A_975 : vector<1x16xf32> to vector<16xf32>
        %parallel_loop3A_977 = arith.constant 11.3137083 : f32
        %parallel_loop3A_978 = vector.broadcast %parallel_loop3A_977 : f32 to vector<16xf32>
        %parallel_loop3A_979 = arith.mulf %parallel_loop3A_976, %parallel_loop3A_978 : vector<16xf32>
        %parallel_loop3A_980 = arith.constant 0 : i32
        %parallel_loop3A_981 = arith.constant 0 : i32
        %parallel_loop3A_982 = tpu.memref_slice %arg6[%parallel_loop3A_849, %parallel_loop3A_980, %parallel_loop3A_981] : memref<8x100x128xf32, #tpu.memory_space<vmem>> -> memref<1x100x128xf32, #tpu.memory_space<vmem>>
        %parallel_loop3A_983 = tpu.memref_squeeze %parallel_loop3A_982 : memref<1x100x128xf32, #tpu.memory_space<vmem>> -> memref<100x128xf32, #tpu.memory_space<vmem>>
        %parallel_loop3A_984 = arith.index_cast %parallel_loop3A_968 : i32 to index
        %parallel_loop3A_985 = arith.constant 0 : index
        %parallel_loop3A_986 = tpu.vector_load %parallel_loop3A_983[%parallel_loop3A_984, %parallel_loop3A_985] {strides = array<i32>} : memref<100x128xf32, #tpu.memory_space<vmem>>, vector<1x16xf32>,
        %parallel_loop3A_987 = vector.shape_cast %parallel_loop3A_986 : vector<1x16xf32> to vector<16xf32>
        %parallel_loop3A_988 = vector.shape_cast %parallel_loop3A_979 : vector<16xf32> to vector<1x16xf32>
        tpu.vector_store %parallel_loop3A_983[%parallel_loop3A_984, %parallel_loop3A_985], %parallel_loop3A_988 {strides = array<i32>} : memref<100x128xf32, #tpu.memory_space<vmem>>, vector<1x16xf32>,
        %parallel_loop3A_989 = arith.constant 0 : i32
        %parallel_loop3A_990 = arith.constant 0 : i32
        %parallel_loop3A_991 = tpu.memref_slice %arg6[%parallel_loop3A_849, %parallel_loop3A_989, %parallel_loop3A_990] : memref<8x100x128xf32, #tpu.memory_space<vmem>> -> memref<1x100x128xf32, #tpu.memory_space<vmem>>
        %parallel_loop3A_992 = tpu.memref_squeeze %parallel_loop3A_991 : memref<1x100x128xf32, #tpu.memory_space<vmem>> -> memref<100x128xf32, #tpu.memory_space<vmem>>
        %parallel_loop3A_993 = arith.index_cast %parallel_loop3A_968 : i32 to index
        %parallel_loop3A_994 = arith.constant 16 : index
        %parallel_loop3A_995 = tpu.vector_load %parallel_loop3A_992[%parallel_loop3A_993, %parallel_loop3A_994] {strides = array<i32>} : memref<100x128xf32, #tpu.memory_space<vmem>>, vector<1x16xf32>,
        %parallel_loop3A_996 = vector.shape_cast %parallel_loop3A_995 : vector<1x16xf32> to vector<16xf32>
        %parallel_loop3A_997 = arith.constant 11.3137083 : f32
        %parallel_loop3A_998 = vector.broadcast %parallel_loop3A_997 : f32 to vector<16xf32>
        %parallel_loop3A_999 = arith.mulf %parallel_loop3A_996, %parallel_loop3A_998 : vector<16xf32>
        %parallel_loop3A_1000 = arith.constant 0 : i32
        %parallel_loop3A_1001 = arith.constant 0 : i32
        %parallel_loop3A_1002 = tpu.memref_slice %arg6[%parallel_loop3A_849, %parallel_loop3A_1000, %parallel_loop3A_1001] : memref<8x100x128xf32, #tpu.memory_space<vmem>> -> memref<1x100x128xf32, #tpu.memory_space<vmem>>
        %parallel_loop3A_1003 = tpu.memref_squeeze %parallel_loop3A_1002 : memref<1x100x128xf32, #tpu.memory_space<vmem>> -> memref<100x128xf32, #tpu.memory_space<vmem>>
        %parallel_loop3A_1004 = arith.index_cast %parallel_loop3A_968 : i32 to index
        %parallel_loop3A_1005 = arith.constant 16 : index
        %parallel_loop3A_1006 = tpu.vector_load %parallel_loop3A_1003[%parallel_loop3A_1004, %parallel_loop3A_1005] {strides = array<i32>} : memref<100x128xf32, #tpu.memory_space<vmem>>, vector<1x16xf32>,
        %parallel_loop3A_1007 = vector.shape_cast %parallel_loop3A_1006 : vector<1x16xf32> to vector<16xf32>
        %parallel_loop3A_1008 = vector.shape_cast %parallel_loop3A_999 : vector<16xf32> to vector<1x16xf32>
        tpu.vector_store %parallel_loop3A_1003[%parallel_loop3A_1004, %parallel_loop3A_1005], %parallel_loop3A_1008 {strides = array<i32>} : memref<100x128xf32, #tpu.memory_space<vmem>>, vector<1x16xf32>,
        %parallel_loop3A_1009 = arith.constant 0 : i32
        %parallel_loop3A_1010 = arith.constant 0 : i32
        %parallel_loop3A_1011 = tpu.memref_slice %arg6[%parallel_loop3A_849, %parallel_loop3A_1009, %parallel_loop3A_1010] : memref<8x100x128xf32, #tpu.memory_space<vmem>> -> memref<1x100x128xf32, #tpu.memory_space<vmem>>
        %parallel_loop3A_1012 = tpu.memref_squeeze %parallel_loop3A_1011 : memref<1x100x128xf32, #tpu.memory_space<vmem>> -> memref<100x128xf32, #tpu.memory_space<vmem>>
        %parallel_loop3A_1013 = arith.index_cast %parallel_loop3A_968 : i32 to index
        %parallel_loop3A_1014 = arith.constant 32 : index
        %parallel_loop3A_1015 = tpu.vector_load %parallel_loop3A_1012[%parallel_loop3A_1013, %parallel_loop3A_1014] {strides = array<i32>} : memref<100x128xf32, #tpu.memory_space<vmem>>, vector<1x16xf32>,
        %parallel_loop3A_1016 = vector.shape_cast %parallel_loop3A_1015 : vector<1x16xf32> to vector<16xf32>
        %parallel_loop3A_1017 = arith.constant 11.3137083 : f32
        %parallel_loop3A_1018 = vector.broadcast %parallel_loop3A_1017 : f32 to vector<16xf32>
        %parallel_loop3A_1019 = arith.mulf %parallel_loop3A_1016, %parallel_loop3A_1018 : vector<16xf32>
        %parallel_loop3A_1020 = arith.constant 0 : i32
        %parallel_loop3A_1021 = arith.constant 0 : i32
        %parallel_loop3A_1022 = tpu.memref_slice %arg6[%parallel_loop3A_849, %parallel_loop3A_1020, %parallel_loop3A_1021] : memref<8x100x128xf32, #tpu.memory_space<vmem>> -> memref<1x100x128xf32, #tpu.memory_space<vmem>>
        %parallel_loop3A_1023 = tpu.memref_squeeze %parallel_loop3A_1022 : memref<1x100x128xf32, #tpu.memory_space<vmem>> -> memref<100x128xf32, #tpu.memory_space<vmem>>
        %parallel_loop3A_1024 = arith.index_cast %parallel_loop3A_968 : i32 to index
        %parallel_loop3A_1025 = arith.constant 32 : index
        %parallel_loop3A_1026 = tpu.vector_load %parallel_loop3A_1023[%parallel_loop3A_1024, %parallel_loop3A_1025] {strides = array<i32>} : memref<100x128xf32, #tpu.memory_space<vmem>>, vector<1x16xf32>,
        %parallel_loop3A_1027 = vector.shape_cast %parallel_loop3A_1026 : vector<1x16xf32> to vector<16xf32>
        %parallel_loop3A_1028 = vector.shape_cast %parallel_loop3A_1019 : vector<16xf32> to vector<1x16xf32>
        tpu.vector_store %parallel_loop3A_1023[%parallel_loop3A_1024, %parallel_loop3A_1025], %parallel_loop3A_1028 {strides = array<i32>} : memref<100x128xf32, #tpu.memory_space<vmem>>, vector<1x16xf32>,
        %parallel_loop3A_1029 = arith.constant 0 : i32
        %parallel_loop3A_1030 = arith.constant 0 : i32
        %parallel_loop3A_1031 = tpu.memref_slice %arg6[%parallel_loop3A_849, %parallel_loop3A_1029, %parallel_loop3A_1030] : memref<8x100x128xf32, #tpu.memory_space<vmem>> -> memref<1x100x128xf32, #tpu.memory_space<vmem>>
        %parallel_loop3A_1032 = tpu.memref_squeeze %parallel_loop3A_1031 : memref<1x100x128xf32, #tpu.memory_space<vmem>> -> memref<100x128xf32, #tpu.memory_space<vmem>>
        %parallel_loop3A_1033 = arith.index_cast %parallel_loop3A_968 : i32 to index
        %parallel_loop3A_1034 = arith.constant 48 : index
        %parallel_loop3A_1035 = tpu.vector_load %parallel_loop3A_1032[%parallel_loop3A_1033, %parallel_loop3A_1034] {strides = array<i32>} : memref<100x128xf32, #tpu.memory_space<vmem>>, vector<1x16xf32>,
        %parallel_loop3A_1036 = vector.shape_cast %parallel_loop3A_1035 : vector<1x16xf32> to vector<16xf32>
        %parallel_loop3A_1037 = arith.constant 11.3137083 : f32
        %parallel_loop3A_1038 = vector.broadcast %parallel_loop3A_1037 : f32 to vector<16xf32>
        %parallel_loop3A_1039 = arith.mulf %parallel_loop3A_1036, %parallel_loop3A_1038 : vector<16xf32>
        %parallel_loop3A_1040 = arith.constant 0 : i32
        %parallel_loop3A_1041 = arith.constant 0 : i32
        %parallel_loop3A_1042 = tpu.memref_slice %arg6[%parallel_loop3A_849, %parallel_loop3A_1040, %parallel_loop3A_1041] : memref<8x100x128xf32, #tpu.memory_space<vmem>> -> memref<1x100x128xf32, #tpu.memory_space<vmem>>
        %parallel_loop3A_1043 = tpu.memref_squeeze %parallel_loop3A_1042 : memref<1x100x128xf32, #tpu.memory_space<vmem>> -> memref<100x128xf32, #tpu.memory_space<vmem>>
        %parallel_loop3A_1044 = arith.index_cast %parallel_loop3A_968 : i32 to index
        %parallel_loop3A_1045 = arith.constant 48 : index
        %parallel_loop3A_1046 = tpu.vector_load %parallel_loop3A_1043[%parallel_loop3A_1044, %parallel_loop3A_1045] {strides = array<i32>} : memref<100x128xf32, #tpu.memory_space<vmem>>, vector<1x16xf32>,
        %parallel_loop3A_1047 = vector.shape_cast %parallel_loop3A_1046 : vector<1x16xf32> to vector<16xf32>
        %parallel_loop3A_1048 = vector.shape_cast %parallel_loop3A_1039 : vector<16xf32> to vector<1x16xf32>
        tpu.vector_store %parallel_loop3A_1043[%parallel_loop3A_1044, %parallel_loop3A_1045], %parallel_loop3A_1048 {strides = array<i32>} : memref<100x128xf32, #tpu.memory_space<vmem>>, vector<1x16xf32>,
        %parallel_loop3A_1049 = arith.constant 0 : i32
        %parallel_loop3A_1050 = arith.constant 0 : i32
        %parallel_loop3A_1051 = tpu.memref_slice %arg6[%parallel_loop3A_849, %parallel_loop3A_1049, %parallel_loop3A_1050] : memref<8x100x128xf32, #tpu.memory_space<vmem>> -> memref<1x100x128xf32, #tpu.memory_space<vmem>>
        %parallel_loop3A_1052 = tpu.memref_squeeze %parallel_loop3A_1051 : memref<1x100x128xf32, #tpu.memory_space<vmem>> -> memref<100x128xf32, #tpu.memory_space<vmem>>
        %parallel_loop3A_1053 = arith.index_cast %parallel_loop3A_968 : i32 to index
        %parallel_loop3A_1054 = arith.constant 64 : index
        %parallel_loop3A_1055 = tpu.vector_load %parallel_loop3A_1052[%parallel_loop3A_1053, %parallel_loop3A_1054] {strides = array<i32>} : memref<100x128xf32, #tpu.memory_space<vmem>>, vector<1x16xf32>,
        %parallel_loop3A_1056 = vector.shape_cast %parallel_loop3A_1055 : vector<1x16xf32> to vector<16xf32>
        %parallel_loop3A_1057 = arith.constant 11.3137083 : f32
        %parallel_loop3A_1058 = vector.broadcast %parallel_loop3A_1057 : f32 to vector<16xf32>
        %parallel_loop3A_1059 = arith.mulf %parallel_loop3A_1056, %parallel_loop3A_1058 : vector<16xf32>
        %parallel_loop3A_1060 = arith.constant 0 : i32
        %parallel_loop3A_1061 = arith.constant 0 : i32
        %parallel_loop3A_1062 = tpu.memref_slice %arg6[%parallel_loop3A_849, %parallel_loop3A_1060, %parallel_loop3A_1061] : memref<8x100x128xf32, #tpu.memory_space<vmem>> -> memref<1x100x128xf32, #tpu.memory_space<vmem>>
        %parallel_loop3A_1063 = tpu.memref_squeeze %parallel_loop3A_1062 : memref<1x100x128xf32, #tpu.memory_space<vmem>> -> memref<100x128xf32, #tpu.memory_space<vmem>>
        %parallel_loop3A_1064 = arith.index_cast %parallel_loop3A_968 : i32 to index
        %parallel_loop3A_1065 = arith.constant 64 : index
        %parallel_loop3A_1066 = tpu.vector_load %parallel_loop3A_1063[%parallel_loop3A_1064, %parallel_loop3A_1065] {strides = array<i32>} : memref<100x128xf32, #tpu.memory_space<vmem>>, vector<1x16xf32>,
        %parallel_loop3A_1067 = vector.shape_cast %parallel_loop3A_1066 : vector<1x16xf32> to vector<16xf32>
        %parallel_loop3A_1068 = vector.shape_cast %parallel_loop3A_1059 : vector<16xf32> to vector<1x16xf32>
        tpu.vector_store %parallel_loop3A_1063[%parallel_loop3A_1064, %parallel_loop3A_1065], %parallel_loop3A_1068 {strides = array<i32>} : memref<100x128xf32, #tpu.memory_space<vmem>>, vector<1x16xf32>,
        %parallel_loop3A_1069 = arith.constant 0 : i32
        %parallel_loop3A_1070 = arith.constant 0 : i32
        %parallel_loop3A_1071 = tpu.memref_slice %arg6[%parallel_loop3A_849, %parallel_loop3A_1069, %parallel_loop3A_1070] : memref<8x100x128xf32, #tpu.memory_space<vmem>> -> memref<1x100x128xf32, #tpu.memory_space<vmem>>
        %parallel_loop3A_1072 = tpu.memref_squeeze %parallel_loop3A_1071 : memref<1x100x128xf32, #tpu.memory_space<vmem>> -> memref<100x128xf32, #tpu.memory_space<vmem>>
        %parallel_loop3A_1073 = arith.index_cast %parallel_loop3A_968 : i32 to index
        %parallel_loop3A_1074 = arith.constant 80 : index
        %parallel_loop3A_1075 = tpu.vector_load %parallel_loop3A_1072[%parallel_loop3A_1073, %parallel_loop3A_1074] {strides = array<i32>} : memref<100x128xf32, #tpu.memory_space<vmem>>, vector<1x16xf32>,
        %parallel_loop3A_1076 = vector.shape_cast %parallel_loop3A_1075 : vector<1x16xf32> to vector<16xf32>
        %parallel_loop3A_1077 = arith.constant 11.3137083 : f32
        %parallel_loop3A_1078 = vector.broadcast %parallel_loop3A_1077 : f32 to vector<16xf32>
        %parallel_loop3A_1079 = arith.mulf %parallel_loop3A_1076, %parallel_loop3A_1078 : vector<16xf32>
        %parallel_loop3A_1080 = arith.constant 0 : i32
        %parallel_loop3A_1081 = arith.constant 0 : i32
        %parallel_loop3A_1082 = tpu.memref_slice %arg6[%parallel_loop3A_849, %parallel_loop3A_1080, %parallel_loop3A_1081] : memref<8x100x128xf32, #tpu.memory_space<vmem>> -> memref<1x100x128xf32, #tpu.memory_space<vmem>>
        %parallel_loop3A_1083 = tpu.memref_squeeze %parallel_loop3A_1082 : memref<1x100x128xf32, #tpu.memory_space<vmem>> -> memref<100x128xf32, #tpu.memory_space<vmem>>
        %parallel_loop3A_1084 = arith.index_cast %parallel_loop3A_968 : i32 to index
        %parallel_loop3A_1085 = arith.constant 80 : index
        %parallel_loop3A_1086 = tpu.vector_load %parallel_loop3A_1083[%parallel_loop3A_1084, %parallel_loop3A_1085] {strides = array<i32>} : memref<100x128xf32, #tpu.memory_space<vmem>>, vector<1x16xf32>,
        %parallel_loop3A_1087 = vector.shape_cast %parallel_loop3A_1086 : vector<1x16xf32> to vector<16xf32>
        %parallel_loop3A_1088 = vector.shape_cast %parallel_loop3A_1079 : vector<16xf32> to vector<1x16xf32>
        tpu.vector_store %parallel_loop3A_1083[%parallel_loop3A_1084, %parallel_loop3A_1085], %parallel_loop3A_1088 {strides = array<i32>} : memref<100x128xf32, #tpu.memory_space<vmem>>, vector<1x16xf32>,
        %parallel_loop3A_1089 = arith.constant 0 : i32
        %parallel_loop3A_1090 = arith.constant 0 : i32
        %parallel_loop3A_1091 = tpu.memref_slice %arg6[%parallel_loop3A_849, %parallel_loop3A_1089, %parallel_loop3A_1090] : memref<8x100x128xf32, #tpu.memory_space<vmem>> -> memref<1x100x128xf32, #tpu.memory_space<vmem>>
        %parallel_loop3A_1092 = tpu.memref_squeeze %parallel_loop3A_1091 : memref<1x100x128xf32, #tpu.memory_space<vmem>> -> memref<100x128xf32, #tpu.memory_space<vmem>>
        %parallel_loop3A_1093 = arith.index_cast %parallel_loop3A_968 : i32 to index
        %parallel_loop3A_1094 = arith.constant 96 : index
        %parallel_loop3A_1095 = tpu.vector_load %parallel_loop3A_1092[%parallel_loop3A_1093, %parallel_loop3A_1094] {strides = array<i32>} : memref<100x128xf32, #tpu.memory_space<vmem>>, vector<1x16xf32>,
        %parallel_loop3A_1096 = vector.shape_cast %parallel_loop3A_1095 : vector<1x16xf32> to vector<16xf32>
        %parallel_loop3A_1097 = arith.constant 11.3137083 : f32
        %parallel_loop3A_1098 = vector.broadcast %parallel_loop3A_1097 : f32 to vector<16xf32>
        %parallel_loop3A_1099 = arith.mulf %parallel_loop3A_1096, %parallel_loop3A_1098 : vector<16xf32>
        %parallel_loop3A_1100 = arith.constant 0 : i32
        %parallel_loop3A_1101 = arith.constant 0 : i32
        %parallel_loop3A_1102 = tpu.memref_slice %arg6[%parallel_loop3A_849, %parallel_loop3A_1100, %parallel_loop3A_1101] : memref<8x100x128xf32, #tpu.memory_space<vmem>> -> memref<1x100x128xf32, #tpu.memory_space<vmem>>
        %parallel_loop3A_1103 = tpu.memref_squeeze %parallel_loop3A_1102 : memref<1x100x128xf32, #tpu.memory_space<vmem>> -> memref<100x128xf32, #tpu.memory_space<vmem>>
        %parallel_loop3A_1104 = arith.index_cast %parallel_loop3A_968 : i32 to index
        %parallel_loop3A_1105 = arith.constant 96 : index
        %parallel_loop3A_1106 = tpu.vector_load %parallel_loop3A_1103[%parallel_loop3A_1104, %parallel_loop3A_1105] {strides = array<i32>} : memref<100x128xf32, #tpu.memory_space<vmem>>, vector<1x16xf32>,
        %parallel_loop3A_1107 = vector.shape_cast %parallel_loop3A_1106 : vector<1x16xf32> to vector<16xf32>
        %parallel_loop3A_1108 = vector.shape_cast %parallel_loop3A_1099 : vector<16xf32> to vector<1x16xf32>
        tpu.vector_store %parallel_loop3A_1103[%parallel_loop3A_1104, %parallel_loop3A_1105], %parallel_loop3A_1108 {strides = array<i32>} : memref<100x128xf32, #tpu.memory_space<vmem>>, vector<1x16xf32>,
        %parallel_loop3A_1109 = arith.constant 0 : i32
        %parallel_loop3A_1110 = arith.constant 0 : i32
        %parallel_loop3A_1111 = tpu.memref_slice %arg6[%parallel_loop3A_849, %parallel_loop3A_1109, %parallel_loop3A_1110] : memref<8x100x128xf32, #tpu.memory_space<vmem>> -> memref<1x100x128xf32, #tpu.memory_space<vmem>>
        %parallel_loop3A_1112 = tpu.memref_squeeze %parallel_loop3A_1111 : memref<1x100x128xf32, #tpu.memory_space<vmem>> -> memref<100x128xf32, #tpu.memory_space<vmem>>
        %parallel_loop3A_1113 = arith.index_cast %parallel_loop3A_968 : i32 to index
        %parallel_loop3A_1114 = arith.constant 112 : index
        %parallel_loop3A_1115 = tpu.vector_load %parallel_loop3A_1112[%parallel_loop3A_1113, %parallel_loop3A_1114] {strides = array<i32>} : memref<100x128xf32, #tpu.memory_space<vmem>>, vector<1x16xf32>,
        %parallel_loop3A_1116 = vector.shape_cast %parallel_loop3A_1115 : vector<1x16xf32> to vector<16xf32>
        %parallel_loop3A_1117 = arith.constant 11.3137083 : f32
        %parallel_loop3A_1118 = vector.broadcast %parallel_loop3A_1117 : f32 to vector<16xf32>
        %parallel_loop3A_1119 = arith.mulf %parallel_loop3A_1116, %parallel_loop3A_1118 : vector<16xf32>
        %parallel_loop3A_1120 = arith.constant 0 : i32
        %parallel_loop3A_1121 = arith.constant 0 : i32
        %parallel_loop3A_1122 = tpu.memref_slice %arg6[%parallel_loop3A_849, %parallel_loop3A_1120, %parallel_loop3A_1121] : memref<8x100x128xf32, #tpu.memory_space<vmem>> -> memref<1x100x128xf32, #tpu.memory_space<vmem>>
        %parallel_loop3A_1123 = tpu.memref_squeeze %parallel_loop3A_1122 : memref<1x100x128xf32, #tpu.memory_space<vmem>> -> memref<100x128xf32, #tpu.memory_space<vmem>>
        %parallel_loop3A_1124 = arith.index_cast %parallel_loop3A_968 : i32 to index
        %parallel_loop3A_1125 = arith.constant 112 : index
        %parallel_loop3A_1126 = tpu.vector_load %parallel_loop3A_1123[%parallel_loop3A_1124, %parallel_loop3A_1125] {strides = array<i32>} : memref<100x128xf32, #tpu.memory_space<vmem>>, vector<1x16xf32>,
        %parallel_loop3A_1127 = vector.shape_cast %parallel_loop3A_1126 : vector<1x16xf32> to vector<16xf32>
        %parallel_loop3A_1128 = vector.shape_cast %parallel_loop3A_1119 : vector<16xf32> to vector<1x16xf32>
        tpu.vector_store %parallel_loop3A_1123[%parallel_loop3A_1124, %parallel_loop3A_1125], %parallel_loop3A_1128 {strides = array<i32>} : memref<100x128xf32, #tpu.memory_space<vmem>>, vector<1x16xf32>,
      } {sc.loop_unroll_factor = 4 : i64, sc.parallel_access}
      %mul3A_850 = arith.constant 2 : i32
      %mul3A_851 = arith.muli %mul3A_850, %add3A_834 : i32
      %add3A_852 = arith.addi %mul3A_2, %mul3A_851 : i32
      %dma_start3A_853 = arith.constant 6 : i32
      %dma_start3A_854 = arith.constant 0 : i32
      %dma_start3A_855 = arith.constant 0 : i32
      %dma_start3A_856 = tpu.memref_slice %arg6[%dma_start3A_853, %dma_start3A_854, %dma_start3A_855] : memref<8x100x128xf32, #tpu.memory_space<vmem>> -> memref<1x50x128xf32, #tpu.memory_space<vmem>>
      %dma_start3A_857 = tpu.memref_squeeze %dma_start3A_856 : memref<1x50x128xf32, #tpu.memory_space<vmem>> -> memref<50x128xf32, #tpu.memory_space<vmem>>
      %dma_start3A_858 = arith.constant 0 : i32
      %dma_start3A_859 = arith.constant 0 : i32
      %dma_start3A_860 = tpu.memref_slice %arg4[%add3A_852, %dma_start3A_858, %dma_start3A_859] : memref<4096x50x128xf32, #tpu.memory_space<hbm>> -> memref<1x50x128xf32, #tpu.memory_space<hbm>>
      %dma_start3A_861 = tpu.memref_squeeze %dma_start3A_860 : memref<1x50x128xf32, #tpu.memory_space<hbm>> -> memref<50x128xf32, #tpu.memory_space<hbm>>
      %dma_start3A_862 = arith.constant 0 : i32
      %dma_start3A_863 = arith.constant 0 : i32
      %dma_start3A_864 = tpu.memref_slice %arg4[%add3A_852, %dma_start3A_862, %dma_start3A_863] : memref<4096x50x128xf32, #tpu.memory_space<hbm>> -> memref<1x50x128xf32, #tpu.memory_space<hbm>>
      %dma_start3A_865 = tpu.memref_squeeze %dma_start3A_864 : memref<1x50x128xf32, #tpu.memory_space<hbm>> -> memref<50x128xf32, #tpu.memory_space<hbm>>
      %dma_start3A_866 = arith.constant 0 : i32
      %dma_start3A_867 = arith.constant 0 : i32
      %dma_start3A_868 = tpu.memref_slice %arg6[%dma_start3A_853, %dma_start3A_866, %dma_start3A_867] : memref<8x100x128xf32, #tpu.memory_space<vmem>> -> memref<1x50x128xf32, #tpu.memory_space<vmem>>
      %dma_start3A_869 = tpu.memref_squeeze %dma_start3A_868 : memref<1x50x128xf32, #tpu.memory_space<vmem>> -> memref<50x128xf32, #tpu.memory_space<vmem>>
      tpu.enqueue_dma source(%dma_start3A_869 : memref<50x128xf32, #tpu.memory_space<vmem>>) target(%dma_start3A_865 : memref<50x128xf32, #tpu.memory_space<hbm>>) target_semaphore(%arg8 : memref<!tpu.dma_semaphore, #tpu.memory_space<semaphore_mem>>)
      %mul3A_870 = arith.constant 2 : i32
      %mul3A_871 = arith.muli %mul3A_870, %add3A_834 : i32
      %add3A_872 = arith.addi %mul3A_2, %mul3A_871 : i32
      %add3A_873 = arith.constant 1 : i32
      %add3A_874 = arith.addi %add3A_872, %add3A_873 : i32
      %dma_start3A_875 = arith.constant 6 : i32
      %dma_start3A_876 = arith.constant 50 : i32
      %dma_start3A_877 = arith.constant 0 : i32
      %dma_start3A_878 = tpu.memref_slice %arg6[%dma_start3A_875, %dma_start3A_876, %dma_start3A_877] : memref<8x100x128xf32, #tpu.memory_space<vmem>> -> memref<1x50x128xf32, #tpu.memory_space<vmem>>
      %dma_start3A_879 = tpu.memref_squeeze %dma_start3A_878 : memref<1x50x128xf32, #tpu.memory_space<vmem>> -> memref<50x128xf32, #tpu.memory_space<vmem>>
      %dma_start3A_880 = arith.constant 0 : i32
      %dma_start3A_881 = arith.constant 0 : i32
      %dma_start3A_882 = tpu.memref_slice %arg4[%add3A_874, %dma_start3A_880, %dma_start3A_881] : memref<4096x50x128xf32, #tpu.memory_space<hbm>> -> memref<1x50x128xf32, #tpu.memory_space<hbm>>
      %dma_start3A_883 = tpu.memref_squeeze %dma_start3A_882 : memref<1x50x128xf32, #tpu.memory_space<hbm>> -> memref<50x128xf32, #tpu.memory_space<hbm>>
      %dma_start3A_884 = arith.constant 0 : i32
      %dma_start3A_885 = arith.constant 0 : i32
      %dma_start3A_886 = tpu.memref_slice %arg4[%add3A_874, %dma_start3A_884, %dma_start3A_885] : memref<4096x50x128xf32, #tpu.memory_space<hbm>> -> memref<1x50x128xf32, #tpu.memory_space<hbm>>
      %dma_start3A_887 = tpu.memref_squeeze %dma_start3A_886 : memref<1x50x128xf32, #tpu.memory_space<hbm>> -> memref<50x128xf32, #tpu.memory_space<hbm>>
      %dma_start3A_888 = arith.constant 50 : i32
      %dma_start3A_889 = arith.constant 0 : i32
      %dma_start3A_890 = tpu.memref_slice %arg6[%dma_start3A_875, %dma_start3A_888, %dma_start3A_889] : memref<8x100x128xf32, #tpu.memory_space<vmem>> -> memref<1x50x128xf32, #tpu.memory_space<vmem>>
      %dma_start3A_891 = tpu.memref_squeeze %dma_start3A_890 : memref<1x50x128xf32, #tpu.memory_space<vmem>> -> memref<50x128xf32, #tpu.memory_space<vmem>>
      tpu.enqueue_dma source(%dma_start3A_891 : memref<50x128xf32, #tpu.memory_space<vmem>>) target(%dma_start3A_887 : memref<50x128xf32, #tpu.memory_space<hbm>>) target_semaphore(%arg8 : memref<!tpu.dma_semaphore, #tpu.memory_space<semaphore_mem>>)
      %add3A_892 = arith.constant 8 : i32
      %add3A_893 = arith.addi %add3A_834, %add3A_892 : i32
      %lt3A_894 = arith.constant 64 : i32
      %lt3A_895 = arith.cmpi slt, %add3A_893, %lt3A_894 : i32
      %convert_element_type3A_896 = arith.extui %lt3A_895 : i1 to i32
      %cond3A_897 = arith.constant 0 : i32
      %cond3A_898 = arith.cmpi ne, %convert_element_type3A_896, %cond3A_897 : i32
      scf.if %cond3A_898 {
        %mul3A_968 = arith.constant 2 : i32
        %mul3A_969 = arith.muli %mul3A_968, %add3A_834 : i32
        %add3A_970 = arith.addi %mul3A_2, %mul3A_969 : i32
        %dma_wait3A_971 = arith.constant 6 : i32
        %dma_wait3A_972 = arith.constant 0 : i32
        %dma_wait3A_973 = arith.constant 0 : i32
        %dma_wait3A_974 = tpu.memref_slice %arg6[%dma_wait3A_971, %dma_wait3A_972, %dma_wait3A_973] : memref<8x100x128xf32, #tpu.memory_space<vmem>> -> memref<1x50x128xf32, #tpu.memory_space<vmem>>
        %dma_wait3A_975 = tpu.memref_squeeze %dma_wait3A_974 : memref<1x50x128xf32, #tpu.memory_space<vmem>> -> memref<50x128xf32, #tpu.memory_space<vmem>>
        %dma_wait3A_976 = arith.constant 0 : i32
        %dma_wait3A_977 = arith.constant 0 : i32
        %dma_wait3A_978 = tpu.memref_slice %arg4[%add3A_970, %dma_wait3A_976, %dma_wait3A_977] : memref<4096x50x128xf32, #tpu.memory_space<hbm>> -> memref<1x50x128xf32, #tpu.memory_space<hbm>>
        %dma_wait3A_979 = tpu.memref_squeeze %dma_wait3A_978 : memref<1x50x128xf32, #tpu.memory_space<hbm>> -> memref<50x128xf32, #tpu.memory_space<hbm>>
        %dma_wait3A_980 = arith.constant 0 : i32
        %dma_wait3A_981 = arith.constant 0 : i32
        %dma_wait3A_982 = tpu.memref_slice %arg4[%add3A_970, %dma_wait3A_980, %dma_wait3A_981] : memref<4096x50x128xf32, #tpu.memory_space<hbm>> -> memref<1x50x128xf32, #tpu.memory_space<hbm>>
        %dma_wait3A_983 = tpu.memref_squeeze %dma_wait3A_982 : memref<1x50x128xf32, #tpu.memory_space<hbm>> -> memref<50x128xf32, #tpu.memory_space<hbm>>
        %dma_wait3A_984 = arith.constant 0 : i32
        %dma_wait3A_985 = arith.constant 0 : i32
        %dma_wait3A_986 = tpu.memref_slice %arg6[%dma_wait3A_971, %dma_wait3A_984, %dma_wait3A_985] : memref<8x100x128xf32, #tpu.memory_space<vmem>> -> memref<1x50x128xf32, #tpu.memory_space<vmem>>
        %dma_wait3A_987 = tpu.memref_squeeze %dma_wait3A_986 : memref<1x50x128xf32, #tpu.memory_space<vmem>> -> memref<50x128xf32, #tpu.memory_space<vmem>>
        tpu.wait_dma2 semaphore(%arg8 : memref<!tpu.dma_semaphore, #tpu.memory_space<semaphore_mem>>) src(%dma_wait3A_987 : memref<50x128xf32, #tpu.memory_space<vmem>>) dst(%dma_wait3A_983 : memref<50x128xf32, #tpu.memory_space<hbm>>)
        %mul3A_988 = arith.constant 2 : i32
        %mul3A_989 = arith.muli %mul3A_988, %add3A_834 : i32
        %add3A_990 = arith.addi %mul3A_2, %mul3A_989 : i32
        %add3A_991 = arith.constant 1 : i32
        %add3A_992 = arith.addi %add3A_990, %add3A_991 : i32
        %dma_wait3A_993 = arith.constant 6 : i32
        %dma_wait3A_994 = arith.constant 50 : i32
        %dma_wait3A_995 = arith.constant 0 : i32
        %dma_wait3A_996 = tpu.memref_slice %arg6[%dma_wait3A_993, %dma_wait3A_994, %dma_wait3A_995] : memref<8x100x128xf32, #tpu.memory_space<vmem>> -> memref<1x50x128xf32, #tpu.memory_space<vmem>>
        %dma_wait3A_997 = tpu.memref_squeeze %dma_wait3A_996 : memref<1x50x128xf32, #tpu.memory_space<vmem>> -> memref<50x128xf32, #tpu.memory_space<vmem>>
        %dma_wait3A_998 = arith.constant 0 : i32
        %dma_wait3A_999 = arith.constant 0 : i32
        %dma_wait3A_1000 = tpu.memref_slice %arg4[%add3A_992, %dma_wait3A_998, %dma_wait3A_999] : memref<4096x50x128xf32, #tpu.memory_space<hbm>> -> memref<1x50x128xf32, #tpu.memory_space<hbm>>
        %dma_wait3A_1001 = tpu.memref_squeeze %dma_wait3A_1000 : memref<1x50x128xf32, #tpu.memory_space<hbm>> -> memref<50x128xf32, #tpu.memory_space<hbm>>
        %dma_wait3A_1002 = arith.constant 0 : i32
        %dma_wait3A_1003 = arith.constant 0 : i32
        %dma_wait3A_1004 = tpu.memref_slice %arg4[%add3A_992, %dma_wait3A_1002, %dma_wait3A_1003] : memref<4096x50x128xf32, #tpu.memory_space<hbm>> -> memref<1x50x128xf32, #tpu.memory_space<hbm>>
        %dma_wait3A_1005 = tpu.memref_squeeze %dma_wait3A_1004 : memref<1x50x128xf32, #tpu.memory_space<hbm>> -> memref<50x128xf32, #tpu.memory_space<hbm>>
        %dma_wait3A_1006 = arith.constant 50 : i32
        %dma_wait3A_1007 = arith.constant 0 : i32
        %dma_wait3A_1008 = tpu.memref_slice %arg6[%dma_wait3A_993, %dma_wait3A_1006, %dma_wait3A_1007] : memref<8x100x128xf32, #tpu.memory_space<vmem>> -> memref<1x50x128xf32, #tpu.memory_space<vmem>>
        %dma_wait3A_1009 = tpu.memref_squeeze %dma_wait3A_1008 : memref<1x50x128xf32, #tpu.memory_space<vmem>> -> memref<50x128xf32, #tpu.memory_space<vmem>>
        tpu.wait_dma2 semaphore(%arg8 : memref<!tpu.dma_semaphore, #tpu.memory_space<semaphore_mem>>) src(%dma_wait3A_1009 : memref<50x128xf32, #tpu.memory_space<vmem>>) dst(%dma_wait3A_1005 : memref<50x128xf32, #tpu.memory_space<hbm>>)
        %dma_start3A_1010 = arith.constant 6 : i32
        %dma_start3A_1011 = arith.constant 0 : i32
        %dma_start3A_1012 = arith.constant 0 : i32
        %dma_start3A_1013 = tpu.memref_slice %arg6[%dma_start3A_1010, %dma_start3A_1011, %dma_start3A_1012] : memref<8x100x128xf32, #tpu.memory_space<vmem>> -> memref<1x100x128xf32, #tpu.memory_space<vmem>>
        %dma_start3A_1014 = tpu.memref_squeeze %dma_start3A_1013 : memref<1x100x128xf32, #tpu.memory_space<vmem>> -> memref<100x128xf32, #tpu.memory_space<vmem>>
        %dma_start3A_1015 = arith.constant 0 : i32
        %dma_start3A_1016 = tpu.memref_slice %arg5[%add3A_893, %dma_start3A_1015] : memref<64x128xi32, #tpu.memory_space<vmem>> -> memref<1x100xi32, #tpu.memory_space<vmem>>
        %dma_start3A_1017 = tpu.memref_squeeze %dma_start3A_1016 : memref<1x100xi32, #tpu.memory_space<vmem>> -> memref<100xi32, #tpu.memory_space<vmem>>
        %dma_start3A_1018 = arith.constant 0 : i32
        %dma_start3A_1019 = arith.constant 0 : i32
        %dma_start3A_1020 = tpu.memref_slice %arg3[%dma_start3A_1018, %dma_start3A_1019] : memref<100000x128xf32, #tpu.memory_space<hbm>> -> memref<100000x128xf32, #tpu.memory_space<hbm>>
        tpu.enqueue_indirect_dma source(%dma_start3A_1020 : memref<100000x128xf32, #tpu.memory_space<hbm>>) target(%dma_start3A_1014 : memref<100x128xf32, #tpu.memory_space<vmem>>) offsets(%dma_start3A_1017 : memref<100xi32, #tpu.memory_space<vmem>>) semaphore(%arg7 : memref<!tpu.dma_semaphore, #tpu.memory_space<semaphore_mem>>)
      } else {
      }
      %mul3A_899 = arith.constant 8 : i32
      %mul3A_900 = arith.muli %scan3A_425, %mul3A_899 : i32
      %add3A_901 = arith.constant 7 : i32
      %add3A_902 = arith.addi %mul3A_900, %add3A_901 : i32
      %dma_wait3A_903 = arith.constant 7 : i32
      %dma_wait3A_904 = arith.constant 0 : i32
      %dma_wait3A_905 = arith.constant 0 : i32
      %dma_wait3A_906 = tpu.memref_slice %arg6[%dma_wait3A_903, %dma_wait3A_904, %dma_wait3A_905] : memref<8x100x128xf32, #tpu.memory_space<vmem>> -> memref<1x100x128xf32, #tpu.memory_space<vmem>>
      %dma_wait3A_907 = tpu.memref_squeeze %dma_wait3A_906 : memref<1x100x128xf32, #tpu.memory_space<vmem>> -> memref<100x128xf32, #tpu.memory_space<vmem>>
      %dma_wait3A_908 = arith.constant 0 : i32
      %dma_wait3A_909 = tpu.memref_slice %arg5[%add3A_902, %dma_wait3A_908] : memref<64x128xi32, #tpu.memory_space<vmem>> -> memref<1x100xi32, #tpu.memory_space<vmem>>
      %dma_wait3A_910 = tpu.memref_squeeze %dma_wait3A_909 : memref<1x100xi32, #tpu.memory_space<vmem>> -> memref<100xi32, #tpu.memory_space<vmem>>
      %dma_wait3A_911 = arith.constant 0 : i32
      %dma_wait3A_912 = arith.constant 0 : i32
      %dma_wait3A_913 = tpu.memref_slice %arg3[%dma_wait3A_911, %dma_wait3A_912] : memref<100000x128xf32, #tpu.memory_space<hbm>> -> memref<100000x128xf32, #tpu.memory_space<hbm>>
      tpu.wait_indirect_dma semaphore(%arg7 : memref<!tpu.dma_semaphore, #tpu.memory_space<semaphore_mem>>) src(%dma_wait3A_913 : memref<100000x128xf32, #tpu.memory_space<hbm>>) dst(%dma_wait3A_907 : memref<100x128xf32, #tpu.memory_space<vmem>>)
      %parallel_loop3A_914 = arith.constant 0 : i32
      %parallel_loop3A_915 = arith.constant 100 : i32
      %parallel_loop3A_916 = arith.constant 1 : i32
      %parallel_loop3A_917 = arith.constant 7 : i32
      scf.for %parallel_loop3A_968 = %parallel_loop3A_914 to %parallel_loop3A_915 step %parallel_loop3A_916  : i32 {
        %parallel_loop3A_969 = arith.constant 0 : i32
        %parallel_loop3A_970 = arith.constant 0 : i32
        %parallel_loop3A_971 = tpu.memref_slice %arg6[%parallel_loop3A_917, %parallel_loop3A_969, %parallel_loop3A_970] : memref<8x100x128xf32, #tpu.memory_space<vmem>> -> memref<1x100x128xf32, #tpu.memory_space<vmem>>
        %parallel_loop3A_972 = tpu.memref_squeeze %parallel_loop3A_971 : memref<1x100x128xf32, #tpu.memory_space<vmem>> -> memref<100x128xf32, #tpu.memory_space<vmem>>
        %parallel_loop3A_973 = arith.index_cast %parallel_loop3A_968 : i32 to index
        %parallel_loop3A_974 = arith.constant 0 : index
        %parallel_loop3A_975 = tpu.vector_load %parallel_loop3A_972[%parallel_loop3A_973, %parallel_loop3A_974] {strides = array<i32>} : memref<100x128xf32, #tpu.memory_space<vmem>>, vector<1x16xf32>,
        %parallel_loop3A_976 = vector.shape_cast %parallel_loop3A_975 : vector<1x16xf32> to vector<16xf32>
        %parallel_loop3A_977 = arith.constant 11.3137083 : f32
        %parallel_loop3A_978 = vector.broadcast %parallel_loop3A_977 : f32 to vector<16xf32>
        %parallel_loop3A_979 = arith.mulf %parallel_loop3A_976, %parallel_loop3A_978 : vector<16xf32>
        %parallel_loop3A_980 = arith.constant 0 : i32
        %parallel_loop3A_981 = arith.constant 0 : i32
        %parallel_loop3A_982 = tpu.memref_slice %arg6[%parallel_loop3A_917, %parallel_loop3A_980, %parallel_loop3A_981] : memref<8x100x128xf32, #tpu.memory_space<vmem>> -> memref<1x100x128xf32, #tpu.memory_space<vmem>>
        %parallel_loop3A_983 = tpu.memref_squeeze %parallel_loop3A_982 : memref<1x100x128xf32, #tpu.memory_space<vmem>> -> memref<100x128xf32, #tpu.memory_space<vmem>>
        %parallel_loop3A_984 = arith.index_cast %parallel_loop3A_968 : i32 to index
        %parallel_loop3A_985 = arith.constant 0 : index
        %parallel_loop3A_986 = tpu.vector_load %parallel_loop3A_983[%parallel_loop3A_984, %parallel_loop3A_985] {strides = array<i32>} : memref<100x128xf32, #tpu.memory_space<vmem>>, vector<1x16xf32>,
        %parallel_loop3A_987 = vector.shape_cast %parallel_loop3A_986 : vector<1x16xf32> to vector<16xf32>
        %parallel_loop3A_988 = vector.shape_cast %parallel_loop3A_979 : vector<16xf32> to vector<1x16xf32>
        tpu.vector_store %parallel_loop3A_983[%parallel_loop3A_984, %parallel_loop3A_985], %parallel_loop3A_988 {strides = array<i32>} : memref<100x128xf32, #tpu.memory_space<vmem>>, vector<1x16xf32>,
        %parallel_loop3A_989 = arith.constant 0 : i32
        %parallel_loop3A_990 = arith.constant 0 : i32
        %parallel_loop3A_991 = tpu.memref_slice %arg6[%parallel_loop3A_917, %parallel_loop3A_989, %parallel_loop3A_990] : memref<8x100x128xf32, #tpu.memory_space<vmem>> -> memref<1x100x128xf32, #tpu.memory_space<vmem>>
        %parallel_loop3A_992 = tpu.memref_squeeze %parallel_loop3A_991 : memref<1x100x128xf32, #tpu.memory_space<vmem>> -> memref<100x128xf32, #tpu.memory_space<vmem>>
        %parallel_loop3A_993 = arith.index_cast %parallel_loop3A_968 : i32 to index
        %parallel_loop3A_994 = arith.constant 16 : index
        %parallel_loop3A_995 = tpu.vector_load %parallel_loop3A_992[%parallel_loop3A_993, %parallel_loop3A_994] {strides = array<i32>} : memref<100x128xf32, #tpu.memory_space<vmem>>, vector<1x16xf32>,
        %parallel_loop3A_996 = vector.shape_cast %parallel_loop3A_995 : vector<1x16xf32> to vector<16xf32>
        %parallel_loop3A_997 = arith.constant 11.3137083 : f32
        %parallel_loop3A_998 = vector.broadcast %parallel_loop3A_997 : f32 to vector<16xf32>
        %parallel_loop3A_999 = arith.mulf %parallel_loop3A_996, %parallel_loop3A_998 : vector<16xf32>
        %parallel_loop3A_1000 = arith.constant 0 : i32
        %parallel_loop3A_1001 = arith.constant 0 : i32
        %parallel_loop3A_1002 = tpu.memref_slice %arg6[%parallel_loop3A_917, %parallel_loop3A_1000, %parallel_loop3A_1001] : memref<8x100x128xf32, #tpu.memory_space<vmem>> -> memref<1x100x128xf32, #tpu.memory_space<vmem>>
        %parallel_loop3A_1003 = tpu.memref_squeeze %parallel_loop3A_1002 : memref<1x100x128xf32, #tpu.memory_space<vmem>> -> memref<100x128xf32, #tpu.memory_space<vmem>>
        %parallel_loop3A_1004 = arith.index_cast %parallel_loop3A_968 : i32 to index
        %parallel_loop3A_1005 = arith.constant 16 : index
        %parallel_loop3A_1006 = tpu.vector_load %parallel_loop3A_1003[%parallel_loop3A_1004, %parallel_loop3A_1005] {strides = array<i32>} : memref<100x128xf32, #tpu.memory_space<vmem>>, vector<1x16xf32>,
        %parallel_loop3A_1007 = vector.shape_cast %parallel_loop3A_1006 : vector<1x16xf32> to vector<16xf32>
        %parallel_loop3A_1008 = vector.shape_cast %parallel_loop3A_999 : vector<16xf32> to vector<1x16xf32>
        tpu.vector_store %parallel_loop3A_1003[%parallel_loop3A_1004, %parallel_loop3A_1005], %parallel_loop3A_1008 {strides = array<i32>} : memref<100x128xf32, #tpu.memory_space<vmem>>, vector<1x16xf32>,
        %parallel_loop3A_1009 = arith.constant 0 : i32
        %parallel_loop3A_1010 = arith.constant 0 : i32
        %parallel_loop3A_1011 = tpu.memref_slice %arg6[%parallel_loop3A_917, %parallel_loop3A_1009, %parallel_loop3A_1010] : memref<8x100x128xf32, #tpu.memory_space<vmem>> -> memref<1x100x128xf32, #tpu.memory_space<vmem>>
        %parallel_loop3A_1012 = tpu.memref_squeeze %parallel_loop3A_1011 : memref<1x100x128xf32, #tpu.memory_space<vmem>> -> memref<100x128xf32, #tpu.memory_space<vmem>>
        %parallel_loop3A_1013 = arith.index_cast %parallel_loop3A_968 : i32 to index
        %parallel_loop3A_1014 = arith.constant 32 : index
        %parallel_loop3A_1015 = tpu.vector_load %parallel_loop3A_1012[%parallel_loop3A_1013, %parallel_loop3A_1014] {strides = array<i32>} : memref<100x128xf32, #tpu.memory_space<vmem>>, vector<1x16xf32>,
        %parallel_loop3A_1016 = vector.shape_cast %parallel_loop3A_1015 : vector<1x16xf32> to vector<16xf32>
        %parallel_loop3A_1017 = arith.constant 11.3137083 : f32
        %parallel_loop3A_1018 = vector.broadcast %parallel_loop3A_1017 : f32 to vector<16xf32>
        %parallel_loop3A_1019 = arith.mulf %parallel_loop3A_1016, %parallel_loop3A_1018 : vector<16xf32>
        %parallel_loop3A_1020 = arith.constant 0 : i32
        %parallel_loop3A_1021 = arith.constant 0 : i32
        %parallel_loop3A_1022 = tpu.memref_slice %arg6[%parallel_loop3A_917, %parallel_loop3A_1020, %parallel_loop3A_1021] : memref<8x100x128xf32, #tpu.memory_space<vmem>> -> memref<1x100x128xf32, #tpu.memory_space<vmem>>
        %parallel_loop3A_1023 = tpu.memref_squeeze %parallel_loop3A_1022 : memref<1x100x128xf32, #tpu.memory_space<vmem>> -> memref<100x128xf32, #tpu.memory_space<vmem>>
        %parallel_loop3A_1024 = arith.index_cast %parallel_loop3A_968 : i32 to index
        %parallel_loop3A_1025 = arith.constant 32 : index
        %parallel_loop3A_1026 = tpu.vector_load %parallel_loop3A_1023[%parallel_loop3A_1024, %parallel_loop3A_1025] {strides = array<i32>} : memref<100x128xf32, #tpu.memory_space<vmem>>, vector<1x16xf32>,
        %parallel_loop3A_1027 = vector.shape_cast %parallel_loop3A_1026 : vector<1x16xf32> to vector<16xf32>
        %parallel_loop3A_1028 = vector.shape_cast %parallel_loop3A_1019 : vector<16xf32> to vector<1x16xf32>
        tpu.vector_store %parallel_loop3A_1023[%parallel_loop3A_1024, %parallel_loop3A_1025], %parallel_loop3A_1028 {strides = array<i32>} : memref<100x128xf32, #tpu.memory_space<vmem>>, vector<1x16xf32>,
        %parallel_loop3A_1029 = arith.constant 0 : i32
        %parallel_loop3A_1030 = arith.constant 0 : i32
        %parallel_loop3A_1031 = tpu.memref_slice %arg6[%parallel_loop3A_917, %parallel_loop3A_1029, %parallel_loop3A_1030] : memref<8x100x128xf32, #tpu.memory_space<vmem>> -> memref<1x100x128xf32, #tpu.memory_space<vmem>>
        %parallel_loop3A_1032 = tpu.memref_squeeze %parallel_loop3A_1031 : memref<1x100x128xf32, #tpu.memory_space<vmem>> -> memref<100x128xf32, #tpu.memory_space<vmem>>
        %parallel_loop3A_1033 = arith.index_cast %parallel_loop3A_968 : i32 to index
        %parallel_loop3A_1034 = arith.constant 48 : index
        %parallel_loop3A_1035 = tpu.vector_load %parallel_loop3A_1032[%parallel_loop3A_1033, %parallel_loop3A_1034] {strides = array<i32>} : memref<100x128xf32, #tpu.memory_space<vmem>>, vector<1x16xf32>,
        %parallel_loop3A_1036 = vector.shape_cast %parallel_loop3A_1035 : vector<1x16xf32> to vector<16xf32>
        %parallel_loop3A_1037 = arith.constant 11.3137083 : f32
        %parallel_loop3A_1038 = vector.broadcast %parallel_loop3A_1037 : f32 to vector<16xf32>
        %parallel_loop3A_1039 = arith.mulf %parallel_loop3A_1036, %parallel_loop3A_1038 : vector<16xf32>
        %parallel_loop3A_1040 = arith.constant 0 : i32
        %parallel_loop3A_1041 = arith.constant 0 : i32
        %parallel_loop3A_1042 = tpu.memref_slice %arg6[%parallel_loop3A_917, %parallel_loop3A_1040, %parallel_loop3A_1041] : memref<8x100x128xf32, #tpu.memory_space<vmem>> -> memref<1x100x128xf32, #tpu.memory_space<vmem>>
        %parallel_loop3A_1043 = tpu.memref_squeeze %parallel_loop3A_1042 : memref<1x100x128xf32, #tpu.memory_space<vmem>> -> memref<100x128xf32, #tpu.memory_space<vmem>>
        %parallel_loop3A_1044 = arith.index_cast %parallel_loop3A_968 : i32 to index
        %parallel_loop3A_1045 = arith.constant 48 : index
        %parallel_loop3A_1046 = tpu.vector_load %parallel_loop3A_1043[%parallel_loop3A_1044, %parallel_loop3A_1045] {strides = array<i32>} : memref<100x128xf32, #tpu.memory_space<vmem>>, vector<1x16xf32>,
        %parallel_loop3A_1047 = vector.shape_cast %parallel_loop3A_1046 : vector<1x16xf32> to vector<16xf32>
        %parallel_loop3A_1048 = vector.shape_cast %parallel_loop3A_1039 : vector<16xf32> to vector<1x16xf32>
        tpu.vector_store %parallel_loop3A_1043[%parallel_loop3A_1044, %parallel_loop3A_1045], %parallel_loop3A_1048 {strides = array<i32>} : memref<100x128xf32, #tpu.memory_space<vmem>>, vector<1x16xf32>,
        %parallel_loop3A_1049 = arith.constant 0 : i32
        %parallel_loop3A_1050 = arith.constant 0 : i32
        %parallel_loop3A_1051 = tpu.memref_slice %arg6[%parallel_loop3A_917, %parallel_loop3A_1049, %parallel_loop3A_1050] : memref<8x100x128xf32, #tpu.memory_space<vmem>> -> memref<1x100x128xf32, #tpu.memory_space<vmem>>
        %parallel_loop3A_1052 = tpu.memref_squeeze %parallel_loop3A_1051 : memref<1x100x128xf32, #tpu.memory_space<vmem>> -> memref<100x128xf32, #tpu.memory_space<vmem>>
        %parallel_loop3A_1053 = arith.index_cast %parallel_loop3A_968 : i32 to index
        %parallel_loop3A_1054 = arith.constant 64 : index
        %parallel_loop3A_1055 = tpu.vector_load %parallel_loop3A_1052[%parallel_loop3A_1053, %parallel_loop3A_1054] {strides = array<i32>} : memref<100x128xf32, #tpu.memory_space<vmem>>, vector<1x16xf32>,
        %parallel_loop3A_1056 = vector.shape_cast %parallel_loop3A_1055 : vector<1x16xf32> to vector<16xf32>
        %parallel_loop3A_1057 = arith.constant 11.3137083 : f32
        %parallel_loop3A_1058 = vector.broadcast %parallel_loop3A_1057 : f32 to vector<16xf32>
        %parallel_loop3A_1059 = arith.mulf %parallel_loop3A_1056, %parallel_loop3A_1058 : vector<16xf32>
        %parallel_loop3A_1060 = arith.constant 0 : i32
        %parallel_loop3A_1061 = arith.constant 0 : i32
        %parallel_loop3A_1062 = tpu.memref_slice %arg6[%parallel_loop3A_917, %parallel_loop3A_1060, %parallel_loop3A_1061] : memref<8x100x128xf32, #tpu.memory_space<vmem>> -> memref<1x100x128xf32, #tpu.memory_space<vmem>>
        %parallel_loop3A_1063 = tpu.memref_squeeze %parallel_loop3A_1062 : memref<1x100x128xf32, #tpu.memory_space<vmem>> -> memref<100x128xf32, #tpu.memory_space<vmem>>
        %parallel_loop3A_1064 = arith.index_cast %parallel_loop3A_968 : i32 to index
        %parallel_loop3A_1065 = arith.constant 64 : index
        %parallel_loop3A_1066 = tpu.vector_load %parallel_loop3A_1063[%parallel_loop3A_1064, %parallel_loop3A_1065] {strides = array<i32>} : memref<100x128xf32, #tpu.memory_space<vmem>>, vector<1x16xf32>,
        %parallel_loop3A_1067 = vector.shape_cast %parallel_loop3A_1066 : vector<1x16xf32> to vector<16xf32>
        %parallel_loop3A_1068 = vector.shape_cast %parallel_loop3A_1059 : vector<16xf32> to vector<1x16xf32>
        tpu.vector_store %parallel_loop3A_1063[%parallel_loop3A_1064, %parallel_loop3A_1065], %parallel_loop3A_1068 {strides = array<i32>} : memref<100x128xf32, #tpu.memory_space<vmem>>, vector<1x16xf32>,
        %parallel_loop3A_1069 = arith.constant 0 : i32
        %parallel_loop3A_1070 = arith.constant 0 : i32
        %parallel_loop3A_1071 = tpu.memref_slice %arg6[%parallel_loop3A_917, %parallel_loop3A_1069, %parallel_loop3A_1070] : memref<8x100x128xf32, #tpu.memory_space<vmem>> -> memref<1x100x128xf32, #tpu.memory_space<vmem>>
        %parallel_loop3A_1072 = tpu.memref_squeeze %parallel_loop3A_1071 : memref<1x100x128xf32, #tpu.memory_space<vmem>> -> memref<100x128xf32, #tpu.memory_space<vmem>>
        %parallel_loop3A_1073 = arith.index_cast %parallel_loop3A_968 : i32 to index
        %parallel_loop3A_1074 = arith.constant 80 : index
        %parallel_loop3A_1075 = tpu.vector_load %parallel_loop3A_1072[%parallel_loop3A_1073, %parallel_loop3A_1074] {strides = array<i32>} : memref<100x128xf32, #tpu.memory_space<vmem>>, vector<1x16xf32>,
        %parallel_loop3A_1076 = vector.shape_cast %parallel_loop3A_1075 : vector<1x16xf32> to vector<16xf32>
        %parallel_loop3A_1077 = arith.constant 11.3137083 : f32
        %parallel_loop3A_1078 = vector.broadcast %parallel_loop3A_1077 : f32 to vector<16xf32>
        %parallel_loop3A_1079 = arith.mulf %parallel_loop3A_1076, %parallel_loop3A_1078 : vector<16xf32>
        %parallel_loop3A_1080 = arith.constant 0 : i32
        %parallel_loop3A_1081 = arith.constant 0 : i32
        %parallel_loop3A_1082 = tpu.memref_slice %arg6[%parallel_loop3A_917, %parallel_loop3A_1080, %parallel_loop3A_1081] : memref<8x100x128xf32, #tpu.memory_space<vmem>> -> memref<1x100x128xf32, #tpu.memory_space<vmem>>
        %parallel_loop3A_1083 = tpu.memref_squeeze %parallel_loop3A_1082 : memref<1x100x128xf32, #tpu.memory_space<vmem>> -> memref<100x128xf32, #tpu.memory_space<vmem>>
        %parallel_loop3A_1084 = arith.index_cast %parallel_loop3A_968 : i32 to index
        %parallel_loop3A_1085 = arith.constant 80 : index
        %parallel_loop3A_1086 = tpu.vector_load %parallel_loop3A_1083[%parallel_loop3A_1084, %parallel_loop3A_1085] {strides = array<i32>} : memref<100x128xf32, #tpu.memory_space<vmem>>, vector<1x16xf32>,
        %parallel_loop3A_1087 = vector.shape_cast %parallel_loop3A_1086 : vector<1x16xf32> to vector<16xf32>
        %parallel_loop3A_1088 = vector.shape_cast %parallel_loop3A_1079 : vector<16xf32> to vector<1x16xf32>
        tpu.vector_store %parallel_loop3A_1083[%parallel_loop3A_1084, %parallel_loop3A_1085], %parallel_loop3A_1088 {strides = array<i32>} : memref<100x128xf32, #tpu.memory_space<vmem>>, vector<1x16xf32>,
        %parallel_loop3A_1089 = arith.constant 0 : i32
        %parallel_loop3A_1090 = arith.constant 0 : i32
        %parallel_loop3A_1091 = tpu.memref_slice %arg6[%parallel_loop3A_917, %parallel_loop3A_1089, %parallel_loop3A_1090] : memref<8x100x128xf32, #tpu.memory_space<vmem>> -> memref<1x100x128xf32, #tpu.memory_space<vmem>>
        %parallel_loop3A_1092 = tpu.memref_squeeze %parallel_loop3A_1091 : memref<1x100x128xf32, #tpu.memory_space<vmem>> -> memref<100x128xf32, #tpu.memory_space<vmem>>
        %parallel_loop3A_1093 = arith.index_cast %parallel_loop3A_968 : i32 to index
        %parallel_loop3A_1094 = arith.constant 96 : index
        %parallel_loop3A_1095 = tpu.vector_load %parallel_loop3A_1092[%parallel_loop3A_1093, %parallel_loop3A_1094] {strides = array<i32>} : memref<100x128xf32, #tpu.memory_space<vmem>>, vector<1x16xf32>,
        %parallel_loop3A_1096 = vector.shape_cast %parallel_loop3A_1095 : vector<1x16xf32> to vector<16xf32>
        %parallel_loop3A_1097 = arith.constant 11.3137083 : f32
        %parallel_loop3A_1098 = vector.broadcast %parallel_loop3A_1097 : f32 to vector<16xf32>
        %parallel_loop3A_1099 = arith.mulf %parallel_loop3A_1096, %parallel_loop3A_1098 : vector<16xf32>
        %parallel_loop3A_1100 = arith.constant 0 : i32
        %parallel_loop3A_1101 = arith.constant 0 : i32
        %parallel_loop3A_1102 = tpu.memref_slice %arg6[%parallel_loop3A_917, %parallel_loop3A_1100, %parallel_loop3A_1101] : memref<8x100x128xf32, #tpu.memory_space<vmem>> -> memref<1x100x128xf32, #tpu.memory_space<vmem>>
        %parallel_loop3A_1103 = tpu.memref_squeeze %parallel_loop3A_1102 : memref<1x100x128xf32, #tpu.memory_space<vmem>> -> memref<100x128xf32, #tpu.memory_space<vmem>>
        %parallel_loop3A_1104 = arith.index_cast %parallel_loop3A_968 : i32 to index
        %parallel_loop3A_1105 = arith.constant 96 : index
        %parallel_loop3A_1106 = tpu.vector_load %parallel_loop3A_1103[%parallel_loop3A_1104, %parallel_loop3A_1105] {strides = array<i32>} : memref<100x128xf32, #tpu.memory_space<vmem>>, vector<1x16xf32>,
        %parallel_loop3A_1107 = vector.shape_cast %parallel_loop3A_1106 : vector<1x16xf32> to vector<16xf32>
        %parallel_loop3A_1108 = vector.shape_cast %parallel_loop3A_1099 : vector<16xf32> to vector<1x16xf32>
        tpu.vector_store %parallel_loop3A_1103[%parallel_loop3A_1104, %parallel_loop3A_1105], %parallel_loop3A_1108 {strides = array<i32>} : memref<100x128xf32, #tpu.memory_space<vmem>>, vector<1x16xf32>,
        %parallel_loop3A_1109 = arith.constant 0 : i32
        %parallel_loop3A_1110 = arith.constant 0 : i32
        %parallel_loop3A_1111 = tpu.memref_slice %arg6[%parallel_loop3A_917, %parallel_loop3A_1109, %parallel_loop3A_1110] : memref<8x100x128xf32, #tpu.memory_space<vmem>> -> memref<1x100x128xf32, #tpu.memory_space<vmem>>
        %parallel_loop3A_1112 = tpu.memref_squeeze %parallel_loop3A_1111 : memref<1x100x128xf32, #tpu.memory_space<vmem>> -> memref<100x128xf32, #tpu.memory_space<vmem>>
        %parallel_loop3A_1113 = arith.index_cast %parallel_loop3A_968 : i32 to index
        %parallel_loop3A_1114 = arith.constant 112 : index
        %parallel_loop3A_1115 = tpu.vector_load %parallel_loop3A_1112[%parallel_loop3A_1113, %parallel_loop3A_1114] {strides = array<i32>} : memref<100x128xf32, #tpu.memory_space<vmem>>, vector<1x16xf32>,
        %parallel_loop3A_1116 = vector.shape_cast %parallel_loop3A_1115 : vector<1x16xf32> to vector<16xf32>
        %parallel_loop3A_1117 = arith.constant 11.3137083 : f32
        %parallel_loop3A_1118 = vector.broadcast %parallel_loop3A_1117 : f32 to vector<16xf32>
        %parallel_loop3A_1119 = arith.mulf %parallel_loop3A_1116, %parallel_loop3A_1118 : vector<16xf32>
        %parallel_loop3A_1120 = arith.constant 0 : i32
        %parallel_loop3A_1121 = arith.constant 0 : i32
        %parallel_loop3A_1122 = tpu.memref_slice %arg6[%parallel_loop3A_917, %parallel_loop3A_1120, %parallel_loop3A_1121] : memref<8x100x128xf32, #tpu.memory_space<vmem>> -> memref<1x100x128xf32, #tpu.memory_space<vmem>>
        %parallel_loop3A_1123 = tpu.memref_squeeze %parallel_loop3A_1122 : memref<1x100x128xf32, #tpu.memory_space<vmem>> -> memref<100x128xf32, #tpu.memory_space<vmem>>
        %parallel_loop3A_1124 = arith.index_cast %parallel_loop3A_968 : i32 to index
        %parallel_loop3A_1125 = arith.constant 112 : index
        %parallel_loop3A_1126 = tpu.vector_load %parallel_loop3A_1123[%parallel_loop3A_1124, %parallel_loop3A_1125] {strides = array<i32>} : memref<100x128xf32, #tpu.memory_space<vmem>>, vector<1x16xf32>,
        %parallel_loop3A_1127 = vector.shape_cast %parallel_loop3A_1126 : vector<1x16xf32> to vector<16xf32>
        %parallel_loop3A_1128 = vector.shape_cast %parallel_loop3A_1119 : vector<16xf32> to vector<1x16xf32>
        tpu.vector_store %parallel_loop3A_1123[%parallel_loop3A_1124, %parallel_loop3A_1125], %parallel_loop3A_1128 {strides = array<i32>} : memref<100x128xf32, #tpu.memory_space<vmem>>, vector<1x16xf32>,
      } {sc.loop_unroll_factor = 4 : i64, sc.parallel_access}
      %mul3A_918 = arith.constant 2 : i32
      %mul3A_919 = arith.muli %mul3A_918, %add3A_902 : i32
      %add3A_920 = arith.addi %mul3A_2, %mul3A_919 : i32
      %dma_start3A_921 = arith.constant 7 : i32
      %dma_start3A_922 = arith.constant 0 : i32
      %dma_start3A_923 = arith.constant 0 : i32
      %dma_start3A_924 = tpu.memref_slice %arg6[%dma_start3A_921, %dma_start3A_922, %dma_start3A_923] : memref<8x100x128xf32, #tpu.memory_space<vmem>> -> memref<1x50x128xf32, #tpu.memory_space<vmem>>
      %dma_start3A_925 = tpu.memref_squeeze %dma_start3A_924 : memref<1x50x128xf32, #tpu.memory_space<vmem>> -> memref<50x128xf32, #tpu.memory_space<vmem>>
      %dma_start3A_926 = arith.constant 0 : i32
      %dma_start3A_927 = arith.constant 0 : i32
      %dma_start3A_928 = tpu.memref_slice %arg4[%add3A_920, %dma_start3A_926, %dma_start3A_927] : memref<4096x50x128xf32, #tpu.memory_space<hbm>> -> memref<1x50x128xf32, #tpu.memory_space<hbm>>
      %dma_start3A_929 = tpu.memref_squeeze %dma_start3A_928 : memref<1x50x128xf32, #tpu.memory_space<hbm>> -> memref<50x128xf32, #tpu.memory_space<hbm>>
      %dma_start3A_930 = arith.constant 0 : i32
      %dma_start3A_931 = arith.constant 0 : i32
      %dma_start3A_932 = tpu.memref_slice %arg4[%add3A_920, %dma_start3A_930, %dma_start3A_931] : memref<4096x50x128xf32, #tpu.memory_space<hbm>> -> memref<1x50x128xf32, #tpu.memory_space<hbm>>
      %dma_start3A_933 = tpu.memref_squeeze %dma_start3A_932 : memref<1x50x128xf32, #tpu.memory_space<hbm>> -> memref<50x128xf32, #tpu.memory_space<hbm>>
      %dma_start3A_934 = arith.constant 0 : i32
      %dma_start3A_935 = arith.constant 0 : i32
      %dma_start3A_936 = tpu.memref_slice %arg6[%dma_start3A_921, %dma_start3A_934, %dma_start3A_935] : memref<8x100x128xf32, #tpu.memory_space<vmem>> -> memref<1x50x128xf32, #tpu.memory_space<vmem>>
      %dma_start3A_937 = tpu.memref_squeeze %dma_start3A_936 : memref<1x50x128xf32, #tpu.memory_space<vmem>> -> memref<50x128xf32, #tpu.memory_space<vmem>>
      tpu.enqueue_dma source(%dma_start3A_937 : memref<50x128xf32, #tpu.memory_space<vmem>>) target(%dma_start3A_933 : memref<50x128xf32, #tpu.memory_space<hbm>>) target_semaphore(%arg8 : memref<!tpu.dma_semaphore, #tpu.memory_space<semaphore_mem>>)
      %mul3A_938 = arith.constant 2 : i32
      %mul3A_939 = arith.muli %mul3A_938, %add3A_902 : i32
      %add3A_940 = arith.addi %mul3A_2, %mul3A_939 : i32
      %add3A_941 = arith.constant 1 : i32
      %add3A_942 = arith.addi %add3A_940, %add3A_941 : i32
      %dma_start3A_943 = arith.constant 7 : i32
      %dma_start3A_944 = arith.constant 50 : i32
      %dma_start3A_945 = arith.constant 0 : i32
      %dma_start3A_946 = tpu.memref_slice %arg6[%dma_start3A_943, %dma_start3A_944, %dma_start3A_945] : memref<8x100x128xf32, #tpu.memory_space<vmem>> -> memref<1x50x128xf32, #tpu.memory_space<vmem>>
      %dma_start3A_947 = tpu.memref_squeeze %dma_start3A_946 : memref<1x50x128xf32, #tpu.memory_space<vmem>> -> memref<50x128xf32, #tpu.memory_space<vmem>>
      %dma_start3A_948 = arith.constant 0 : i32
      %dma_start3A_949 = arith.constant 0 : i32
      %dma_start3A_950 = tpu.memref_slice %arg4[%add3A_942, %dma_start3A_948, %dma_start3A_949] : memref<4096x50x128xf32, #tpu.memory_space<hbm>> -> memref<1x50x128xf32, #tpu.memory_space<hbm>>
      %dma_start3A_951 = tpu.memref_squeeze %dma_start3A_950 : memref<1x50x128xf32, #tpu.memory_space<hbm>> -> memref<50x128xf32, #tpu.memory_space<hbm>>
      %dma_start3A_952 = arith.constant 0 : i32
      %dma_start3A_953 = arith.constant 0 : i32
      %dma_start3A_954 = tpu.memref_slice %arg4[%add3A_942, %dma_start3A_952, %dma_start3A_953] : memref<4096x50x128xf32, #tpu.memory_space<hbm>> -> memref<1x50x128xf32, #tpu.memory_space<hbm>>
      %dma_start3A_955 = tpu.memref_squeeze %dma_start3A_954 : memref<1x50x128xf32, #tpu.memory_space<hbm>> -> memref<50x128xf32, #tpu.memory_space<hbm>>
      %dma_start3A_956 = arith.constant 50 : i32
      %dma_start3A_957 = arith.constant 0 : i32
      %dma_start3A_958 = tpu.memref_slice %arg6[%dma_start3A_943, %dma_start3A_956, %dma_start3A_957] : memref<8x100x128xf32, #tpu.memory_space<vmem>> -> memref<1x50x128xf32, #tpu.memory_space<vmem>>
      %dma_start3A_959 = tpu.memref_squeeze %dma_start3A_958 : memref<1x50x128xf32, #tpu.memory_space<vmem>> -> memref<50x128xf32, #tpu.memory_space<vmem>>
      tpu.enqueue_dma source(%dma_start3A_959 : memref<50x128xf32, #tpu.memory_space<vmem>>) target(%dma_start3A_955 : memref<50x128xf32, #tpu.memory_space<hbm>>) target_semaphore(%arg8 : memref<!tpu.dma_semaphore, #tpu.memory_space<semaphore_mem>>)
      %add3A_960 = arith.constant 8 : i32
      %add3A_961 = arith.addi %add3A_902, %add3A_960 : i32
      %lt3A_962 = arith.constant 64 : i32
      %lt3A_963 = arith.cmpi slt, %add3A_961, %lt3A_962 : i32
      %convert_element_type3A_964 = arith.extui %lt3A_963 : i1 to i32
      %cond3A_965 = arith.constant 0 : i32
      %cond3A_966 = arith.cmpi ne, %convert_element_type3A_964, %cond3A_965 : i32
      scf.if %cond3A_966 {
        %mul3A_968 = arith.constant 2 : i32
        %mul3A_969 = arith.muli %mul3A_968, %add3A_902 : i32
        %add3A_970 = arith.addi %mul3A_2, %mul3A_969 : i32
        %dma_wait3A_971 = arith.constant 7 : i32
        %dma_wait3A_972 = arith.constant 0 : i32
        %dma_wait3A_973 = arith.constant 0 : i32
        %dma_wait3A_974 = tpu.memref_slice %arg6[%dma_wait3A_971, %dma_wait3A_972, %dma_wait3A_973] : memref<8x100x128xf32, #tpu.memory_space<vmem>> -> memref<1x50x128xf32, #tpu.memory_space<vmem>>
        %dma_wait3A_975 = tpu.memref_squeeze %dma_wait3A_974 : memref<1x50x128xf32, #tpu.memory_space<vmem>> -> memref<50x128xf32, #tpu.memory_space<vmem>>
        %dma_wait3A_976 = arith.constant 0 : i32
        %dma_wait3A_977 = arith.constant 0 : i32
        %dma_wait3A_978 = tpu.memref_slice %arg4[%add3A_970, %dma_wait3A_976, %dma_wait3A_977] : memref<4096x50x128xf32, #tpu.memory_space<hbm>> -> memref<1x50x128xf32, #tpu.memory_space<hbm>>
        %dma_wait3A_979 = tpu.memref_squeeze %dma_wait3A_978 : memref<1x50x128xf32, #tpu.memory_space<hbm>> -> memref<50x128xf32, #tpu.memory_space<hbm>>
        %dma_wait3A_980 = arith.constant 0 : i32
        %dma_wait3A_981 = arith.constant 0 : i32
        %dma_wait3A_982 = tpu.memref_slice %arg4[%add3A_970, %dma_wait3A_980, %dma_wait3A_981] : memref<4096x50x128xf32, #tpu.memory_space<hbm>> -> memref<1x50x128xf32, #tpu.memory_space<hbm>>
        %dma_wait3A_983 = tpu.memref_squeeze %dma_wait3A_982 : memref<1x50x128xf32, #tpu.memory_space<hbm>> -> memref<50x128xf32, #tpu.memory_space<hbm>>
        %dma_wait3A_984 = arith.constant 0 : i32
        %dma_wait3A_985 = arith.constant 0 : i32
        %dma_wait3A_986 = tpu.memref_slice %arg6[%dma_wait3A_971, %dma_wait3A_984, %dma_wait3A_985] : memref<8x100x128xf32, #tpu.memory_space<vmem>> -> memref<1x50x128xf32, #tpu.memory_space<vmem>>
        %dma_wait3A_987 = tpu.memref_squeeze %dma_wait3A_986 : memref<1x50x128xf32, #tpu.memory_space<vmem>> -> memref<50x128xf32, #tpu.memory_space<vmem>>
        tpu.wait_dma2 semaphore(%arg8 : memref<!tpu.dma_semaphore, #tpu.memory_space<semaphore_mem>>) src(%dma_wait3A_987 : memref<50x128xf32, #tpu.memory_space<vmem>>) dst(%dma_wait3A_983 : memref<50x128xf32, #tpu.memory_space<hbm>>)
        %mul3A_988 = arith.constant 2 : i32
        %mul3A_989 = arith.muli %mul3A_988, %add3A_902 : i32
        %add3A_990 = arith.addi %mul3A_2, %mul3A_989 : i32
        %add3A_991 = arith.constant 1 : i32
        %add3A_992 = arith.addi %add3A_990, %add3A_991 : i32
        %dma_wait3A_993 = arith.constant 7 : i32
        %dma_wait3A_994 = arith.constant 50 : i32
        %dma_wait3A_995 = arith.constant 0 : i32
        %dma_wait3A_996 = tpu.memref_slice %arg6[%dma_wait3A_993, %dma_wait3A_994, %dma_wait3A_995] : memref<8x100x128xf32, #tpu.memory_space<vmem>> -> memref<1x50x128xf32, #tpu.memory_space<vmem>>
        %dma_wait3A_997 = tpu.memref_squeeze %dma_wait3A_996 : memref<1x50x128xf32, #tpu.memory_space<vmem>> -> memref<50x128xf32, #tpu.memory_space<vmem>>
        %dma_wait3A_998 = arith.constant 0 : i32
        %dma_wait3A_999 = arith.constant 0 : i32
        %dma_wait3A_1000 = tpu.memref_slice %arg4[%add3A_992, %dma_wait3A_998, %dma_wait3A_999] : memref<4096x50x128xf32, #tpu.memory_space<hbm>> -> memref<1x50x128xf32, #tpu.memory_space<hbm>>
        %dma_wait3A_1001 = tpu.memref_squeeze %dma_wait3A_1000 : memref<1x50x128xf32, #tpu.memory_space<hbm>> -> memref<50x128xf32, #tpu.memory_space<hbm>>
        %dma_wait3A_1002 = arith.constant 0 : i32
        %dma_wait3A_1003 = arith.constant 0 : i32
        %dma_wait3A_1004 = tpu.memref_slice %arg4[%add3A_992, %dma_wait3A_1002, %dma_wait3A_1003] : memref<4096x50x128xf32, #tpu.memory_space<hbm>> -> memref<1x50x128xf32, #tpu.memory_space<hbm>>
        %dma_wait3A_1005 = tpu.memref_squeeze %dma_wait3A_1004 : memref<1x50x128xf32, #tpu.memory_space<hbm>> -> memref<50x128xf32, #tpu.memory_space<hbm>>
        %dma_wait3A_1006 = arith.constant 50 : i32
        %dma_wait3A_1007 = arith.constant 0 : i32
        %dma_wait3A_1008 = tpu.memref_slice %arg6[%dma_wait3A_993, %dma_wait3A_1006, %dma_wait3A_1007] : memref<8x100x128xf32, #tpu.memory_space<vmem>> -> memref<1x50x128xf32, #tpu.memory_space<vmem>>
        %dma_wait3A_1009 = tpu.memref_squeeze %dma_wait3A_1008 : memref<1x50x128xf32, #tpu.memory_space<vmem>> -> memref<50x128xf32, #tpu.memory_space<vmem>>
        tpu.wait_dma2 semaphore(%arg8 : memref<!tpu.dma_semaphore, #tpu.memory_space<semaphore_mem>>) src(%dma_wait3A_1009 : memref<50x128xf32, #tpu.memory_space<vmem>>) dst(%dma_wait3A_1005 : memref<50x128xf32, #tpu.memory_space<hbm>>)
        %dma_start3A_1010 = arith.constant 7 : i32
        %dma_start3A_1011 = arith.constant 0 : i32
        %dma_start3A_1012 = arith.constant 0 : i32
        %dma_start3A_1013 = tpu.memref_slice %arg6[%dma_start3A_1010, %dma_start3A_1011, %dma_start3A_1012] : memref<8x100x128xf32, #tpu.memory_space<vmem>> -> memref<1x100x128xf32, #tpu.memory_space<vmem>>
        %dma_start3A_1014 = tpu.memref_squeeze %dma_start3A_1013 : memref<1x100x128xf32, #tpu.memory_space<vmem>> -> memref<100x128xf32, #tpu.memory_space<vmem>>
        %dma_start3A_1015 = arith.constant 0 : i32
        %dma_start3A_1016 = tpu.memref_slice %arg5[%add3A_961, %dma_start3A_1015] : memref<64x128xi32, #tpu.memory_space<vmem>> -> memref<1x100xi32, #tpu.memory_space<vmem>>
        %dma_start3A_1017 = tpu.memref_squeeze %dma_start3A_1016 : memref<1x100xi32, #tpu.memory_space<vmem>> -> memref<100xi32, #tpu.memory_space<vmem>>
        %dma_start3A_1018 = arith.constant 0 : i32
        %dma_start3A_1019 = arith.constant 0 : i32
        %dma_start3A_1020 = tpu.memref_slice %arg3[%dma_start3A_1018, %dma_start3A_1019] : memref<100000x128xf32, #tpu.memory_space<hbm>> -> memref<100000x128xf32, #tpu.memory_space<hbm>>
        tpu.enqueue_indirect_dma source(%dma_start3A_1020 : memref<100000x128xf32, #tpu.memory_space<hbm>>) target(%dma_start3A_1014 : memref<100x128xf32, #tpu.memory_space<vmem>>) offsets(%dma_start3A_1017 : memref<100xi32, #tpu.memory_space<vmem>>) semaphore(%arg7 : memref<!tpu.dma_semaphore, #tpu.memory_space<semaphore_mem>>)
      } else {
      }
      %scan3A_967 = arith.constant 0 : i32
      scf.yield %scan3A_967 : i32
    }
    %scan3A_105 = arith.constant 8 : i32
    %add3A_106 = arith.constant 112 : i32
    %add3A_107 = arith.addi %mul3A_2, %add3A_106 : i32
    %dma_wait3A = arith.constant 0 : i32
    %dma_wait3A_108 = arith.constant 0 : i32
    %dma_wait3A_109 = arith.constant 0 : i32
    %dma_wait3A_110 = tpu.memref_slice %arg6[%dma_wait3A, %dma_wait3A_108, %dma_wait3A_109] : memref<8x100x128xf32, #tpu.memory_space<vmem>> -> memref<1x50x128xf32, #tpu.memory_space<vmem>>
    %dma_wait3A_111 = tpu.memref_squeeze %dma_wait3A_110 : memref<1x50x128xf32, #tpu.memory_space<vmem>> -> memref<50x128xf32, #tpu.memory_space<vmem>>
    %dma_wait3A_112 = arith.constant 0 : i32
    %dma_wait3A_113 = arith.constant 0 : i32
    %dma_wait3A_114 = tpu.memref_slice %arg4[%add3A_107, %dma_wait3A_112, %dma_wait3A_113] : memref<4096x50x128xf32, #tpu.memory_space<hbm>> -> memref<1x50x128xf32, #tpu.memory_space<hbm>>
    %dma_wait3A_115 = tpu.memref_squeeze %dma_wait3A_114 : memref<1x50x128xf32, #tpu.memory_space<hbm>> -> memref<50x128xf32, #tpu.memory_space<hbm>>
    %dma_wait3A_116 = arith.constant 0 : i32
    %dma_wait3A_117 = arith.constant 0 : i32
    %dma_wait3A_118 = tpu.memref_slice %arg4[%add3A_107, %dma_wait3A_116, %dma_wait3A_117] : memref<4096x50x128xf32, #tpu.memory_space<hbm>> -> memref<1x50x128xf32, #tpu.memory_space<hbm>>
    %dma_wait3A_119 = tpu.memref_squeeze %dma_wait3A_118 : memref<1x50x128xf32, #tpu.memory_space<hbm>> -> memref<50x128xf32, #tpu.memory_space<hbm>>
    %dma_wait3A_120 = arith.constant 0 : i32
    %dma_wait3A_121 = arith.constant 0 : i32
    %dma_wait3A_122 = tpu.memref_slice %arg6[%dma_wait3A, %dma_wait3A_120, %dma_wait3A_121] : memref<8x100x128xf32, #tpu.memory_space<vmem>> -> memref<1x50x128xf32, #tpu.memory_space<vmem>>
    %dma_wait3A_123 = tpu.memref_squeeze %dma_wait3A_122 : memref<1x50x128xf32, #tpu.memory_space<vmem>> -> memref<50x128xf32, #tpu.memory_space<vmem>>
    tpu.wait_dma2 semaphore(%arg8 : memref<!tpu.dma_semaphore, #tpu.memory_space<semaphore_mem>>) src(%dma_wait3A_123 : memref<50x128xf32, #tpu.memory_space<vmem>>) dst(%dma_wait3A_119 : memref<50x128xf32, #tpu.memory_space<hbm>>)
    %add3A_124 = arith.constant 112 : i32
    %add3A_125 = arith.addi %mul3A_2, %add3A_124 : i32
    %add3A_126 = arith.constant 1 : i32
    %add3A_127 = arith.addi %add3A_125, %add3A_126 : i32
    %dma_wait3A_128 = arith.constant 0 : i32
    %dma_wait3A_129 = arith.constant 50 : i32
    %dma_wait3A_130 = arith.constant 0 : i32
    %dma_wait3A_131 = tpu.memref_slice %arg6[%dma_wait3A_128, %dma_wait3A_129, %dma_wait3A_130] : memref<8x100x128xf32, #tpu.memory_space<vmem>> -> memref<1x50x128xf32, #tpu.memory_space<vmem>>
    %dma_wait3A_132 = tpu.memref_squeeze %dma_wait3A_131 : memref<1x50x128xf32, #tpu.memory_space<vmem>> -> memref<50x128xf32, #tpu.memory_space<vmem>>
    %dma_wait3A_133 = arith.constant 0 : i32
    %dma_wait3A_134 = arith.constant 0 : i32
    %dma_wait3A_135 = tpu.memref_slice %arg4[%add3A_127, %dma_wait3A_133, %dma_wait3A_134] : memref<4096x50x128xf32, #tpu.memory_space<hbm>> -> memref<1x50x128xf32, #tpu.memory_space<hbm>>
    %dma_wait3A_136 = tpu.memref_squeeze %dma_wait3A_135 : memref<1x50x128xf32, #tpu.memory_space<hbm>> -> memref<50x128xf32, #tpu.memory_space<hbm>>
    %dma_wait3A_137 = arith.constant 0 : i32
    %dma_wait3A_138 = arith.constant 0 : i32
    %dma_wait3A_139 = tpu.memref_slice %arg4[%add3A_127, %dma_wait3A_137, %dma_wait3A_138] : memref<4096x50x128xf32, #tpu.memory_space<hbm>> -> memref<1x50x128xf32, #tpu.memory_space<hbm>>
    %dma_wait3A_140 = tpu.memref_squeeze %dma_wait3A_139 : memref<1x50x128xf32, #tpu.memory_space<hbm>> -> memref<50x128xf32, #tpu.memory_space<hbm>>
    %dma_wait3A_141 = arith.constant 50 : i32
    %dma_wait3A_142 = arith.constant 0 : i32
    %dma_wait3A_143 = tpu.memref_slice %arg6[%dma_wait3A_128, %dma_wait3A_141, %dma_wait3A_142] : memref<8x100x128xf32, #tpu.memory_space<vmem>> -> memref<1x50x128xf32, #tpu.memory_space<vmem>>
    %dma_wait3A_144 = tpu.memref_squeeze %dma_wait3A_143 : memref<1x50x128xf32, #tpu.memory_space<vmem>> -> memref<50x128xf32, #tpu.memory_space<vmem>>
    tpu.wait_dma2 semaphore(%arg8 : memref<!tpu.dma_semaphore, #tpu.memory_space<semaphore_mem>>) src(%dma_wait3A_144 : memref<50x128xf32, #tpu.memory_space<vmem>>) dst(%dma_wait3A_140 : memref<50x128xf32, #tpu.memory_space<hbm>>)
    %add3A_145 = arith.constant 114 : i32
    %add3A_146 = arith.addi %mul3A_2, %add3A_145 : i32
    %dma_wait3A_147 = arith.constant 1 : i32
    %dma_wait3A_148 = arith.constant 0 : i32
    %dma_wait3A_149 = arith.constant 0 : i32
    %dma_wait3A_150 = tpu.memref_slice %arg6[%dma_wait3A_147, %dma_wait3A_148, %dma_wait3A_149] : memref<8x100x128xf32, #tpu.memory_space<vmem>> -> memref<1x50x128xf32, #tpu.memory_space<vmem>>
    %dma_wait3A_151 = tpu.memref_squeeze %dma_wait3A_150 : memref<1x50x128xf32, #tpu.memory_space<vmem>> -> memref<50x128xf32, #tpu.memory_space<vmem>>
    %dma_wait3A_152 = arith.constant 0 : i32
    %dma_wait3A_153 = arith.constant 0 : i32
    %dma_wait3A_154 = tpu.memref_slice %arg4[%add3A_146, %dma_wait3A_152, %dma_wait3A_153] : memref<4096x50x128xf32, #tpu.memory_space<hbm>> -> memref<1x50x128xf32, #tpu.memory_space<hbm>>
    %dma_wait3A_155 = tpu.memref_squeeze %dma_wait3A_154 : memref<1x50x128xf32, #tpu.memory_space<hbm>> -> memref<50x128xf32, #tpu.memory_space<hbm>>
    %dma_wait3A_156 = arith.constant 0 : i32
    %dma_wait3A_157 = arith.constant 0 : i32
    %dma_wait3A_158 = tpu.memref_slice %arg4[%add3A_146, %dma_wait3A_156, %dma_wait3A_157] : memref<4096x50x128xf32, #tpu.memory_space<hbm>> -> memref<1x50x128xf32, #tpu.memory_space<hbm>>
    %dma_wait3A_159 = tpu.memref_squeeze %dma_wait3A_158 : memref<1x50x128xf32, #tpu.memory_space<hbm>> -> memref<50x128xf32, #tpu.memory_space<hbm>>
    %dma_wait3A_160 = arith.constant 0 : i32
    %dma_wait3A_161 = arith.constant 0 : i32
    %dma_wait3A_162 = tpu.memref_slice %arg6[%dma_wait3A_147, %dma_wait3A_160, %dma_wait3A_161] : memref<8x100x128xf32, #tpu.memory_space<vmem>> -> memref<1x50x128xf32, #tpu.memory_space<vmem>>
    %dma_wait3A_163 = tpu.memref_squeeze %dma_wait3A_162 : memref<1x50x128xf32, #tpu.memory_space<vmem>> -> memref<50x128xf32, #tpu.memory_space<vmem>>
    tpu.wait_dma2 semaphore(%arg8 : memref<!tpu.dma_semaphore, #tpu.memory_space<semaphore_mem>>) src(%dma_wait3A_163 : memref<50x128xf32, #tpu.memory_space<vmem>>) dst(%dma_wait3A_159 : memref<50x128xf32, #tpu.memory_space<hbm>>)
    %add3A_164 = arith.constant 114 : i32
    %add3A_165 = arith.addi %mul3A_2, %add3A_164 : i32
    %add3A_166 = arith.constant 1 : i32
    %add3A_167 = arith.addi %add3A_165, %add3A_166 : i32
    %dma_wait3A_168 = arith.constant 1 : i32
    %dma_wait3A_169 = arith.constant 50 : i32
    %dma_wait3A_170 = arith.constant 0 : i32
    %dma_wait3A_171 = tpu.memref_slice %arg6[%dma_wait3A_168, %dma_wait3A_169, %dma_wait3A_170] : memref<8x100x128xf32, #tpu.memory_space<vmem>> -> memref<1x50x128xf32, #tpu.memory_space<vmem>>
    %dma_wait3A_172 = tpu.memref_squeeze %dma_wait3A_171 : memref<1x50x128xf32, #tpu.memory_space<vmem>> -> memref<50x128xf32, #tpu.memory_space<vmem>>
    %dma_wait3A_173 = arith.constant 0 : i32
    %dma_wait3A_174 = arith.constant 0 : i32
    %dma_wait3A_175 = tpu.memref_slice %arg4[%add3A_167, %dma_wait3A_173, %dma_wait3A_174] : memref<4096x50x128xf32, #tpu.memory_space<hbm>> -> memref<1x50x128xf32, #tpu.memory_space<hbm>>
    %dma_wait3A_176 = tpu.memref_squeeze %dma_wait3A_175 : memref<1x50x128xf32, #tpu.memory_space<hbm>> -> memref<50x128xf32, #tpu.memory_space<hbm>>
    %dma_wait3A_177 = arith.constant 0 : i32
    %dma_wait3A_178 = arith.constant 0 : i32
    %dma_wait3A_179 = tpu.memref_slice %arg4[%add3A_167, %dma_wait3A_177, %dma_wait3A_178] : memref<4096x50x128xf32, #tpu.memory_space<hbm>> -> memref<1x50x128xf32, #tpu.memory_space<hbm>>
    %dma_wait3A_180 = tpu.memref_squeeze %dma_wait3A_179 : memref<1x50x128xf32, #tpu.memory_space<hbm>> -> memref<50x128xf32, #tpu.memory_space<hbm>>
    %dma_wait3A_181 = arith.constant 50 : i32
    %dma_wait3A_182 = arith.constant 0 : i32
    %dma_wait3A_183 = tpu.memref_slice %arg6[%dma_wait3A_168, %dma_wait3A_181, %dma_wait3A_182] : memref<8x100x128xf32, #tpu.memory_space<vmem>> -> memref<1x50x128xf32, #tpu.memory_space<vmem>>
    %dma_wait3A_184 = tpu.memref_squeeze %dma_wait3A_183 : memref<1x50x128xf32, #tpu.memory_space<vmem>> -> memref<50x128xf32, #tpu.memory_space<vmem>>
    tpu.wait_dma2 semaphore(%arg8 : memref<!tpu.dma_semaphore, #tpu.memory_space<semaphore_mem>>) src(%dma_wait3A_184 : memref<50x128xf32, #tpu.memory_space<vmem>>) dst(%dma_wait3A_180 : memref<50x128xf32, #tpu.memory_space<hbm>>)
    %add3A_185 = arith.constant 116 : i32
    %add3A_186 = arith.addi %mul3A_2, %add3A_185 : i32
    %dma_wait3A_187 = arith.constant 2 : i32
    %dma_wait3A_188 = arith.constant 0 : i32
    %dma_wait3A_189 = arith.constant 0 : i32
    %dma_wait3A_190 = tpu.memref_slice %arg6[%dma_wait3A_187, %dma_wait3A_188, %dma_wait3A_189] : memref<8x100x128xf32, #tpu.memory_space<vmem>> -> memref<1x50x128xf32, #tpu.memory_space<vmem>>
    %dma_wait3A_191 = tpu.memref_squeeze %dma_wait3A_190 : memref<1x50x128xf32, #tpu.memory_space<vmem>> -> memref<50x128xf32, #tpu.memory_space<vmem>>
    %dma_wait3A_192 = arith.constant 0 : i32
    %dma_wait3A_193 = arith.constant 0 : i32
    %dma_wait3A_194 = tpu.memref_slice %arg4[%add3A_186, %dma_wait3A_192, %dma_wait3A_193] : memref<4096x50x128xf32, #tpu.memory_space<hbm>> -> memref<1x50x128xf32, #tpu.memory_space<hbm>>
    %dma_wait3A_195 = tpu.memref_squeeze %dma_wait3A_194 : memref<1x50x128xf32, #tpu.memory_space<hbm>> -> memref<50x128xf32, #tpu.memory_space<hbm>>
    %dma_wait3A_196 = arith.constant 0 : i32
    %dma_wait3A_197 = arith.constant 0 : i32
    %dma_wait3A_198 = tpu.memref_slice %arg4[%add3A_186, %dma_wait3A_196, %dma_wait3A_197] : memref<4096x50x128xf32, #tpu.memory_space<hbm>> -> memref<1x50x128xf32, #tpu.memory_space<hbm>>
    %dma_wait3A_199 = tpu.memref_squeeze %dma_wait3A_198 : memref<1x50x128xf32, #tpu.memory_space<hbm>> -> memref<50x128xf32, #tpu.memory_space<hbm>>
    %dma_wait3A_200 = arith.constant 0 : i32
    %dma_wait3A_201 = arith.constant 0 : i32
    %dma_wait3A_202 = tpu.memref_slice %arg6[%dma_wait3A_187, %dma_wait3A_200, %dma_wait3A_201] : memref<8x100x128xf32, #tpu.memory_space<vmem>> -> memref<1x50x128xf32, #tpu.memory_space<vmem>>
    %dma_wait3A_203 = tpu.memref_squeeze %dma_wait3A_202 : memref<1x50x128xf32, #tpu.memory_space<vmem>> -> memref<50x128xf32, #tpu.memory_space<vmem>>
    tpu.wait_dma2 semaphore(%arg8 : memref<!tpu.dma_semaphore, #tpu.memory_space<semaphore_mem>>) src(%dma_wait3A_203 : memref<50x128xf32, #tpu.memory_space<vmem>>) dst(%dma_wait3A_199 : memref<50x128xf32, #tpu.memory_space<hbm>>)
    %add3A_204 = arith.constant 116 : i32
    %add3A_205 = arith.addi %mul3A_2, %add3A_204 : i32
    %add3A_206 = arith.constant 1 : i32
    %add3A_207 = arith.addi %add3A_205, %add3A_206 : i32
    %dma_wait3A_208 = arith.constant 2 : i32
    %dma_wait3A_209 = arith.constant 50 : i32
    %dma_wait3A_210 = arith.constant 0 : i32
    %dma_wait3A_211 = tpu.memref_slice %arg6[%dma_wait3A_208, %dma_wait3A_209, %dma_wait3A_210] : memref<8x100x128xf32, #tpu.memory_space<vmem>> -> memref<1x50x128xf32, #tpu.memory_space<vmem>>
    %dma_wait3A_212 = tpu.memref_squeeze %dma_wait3A_211 : memref<1x50x128xf32, #tpu.memory_space<vmem>> -> memref<50x128xf32, #tpu.memory_space<vmem>>
    %dma_wait3A_213 = arith.constant 0 : i32
    %dma_wait3A_214 = arith.constant 0 : i32
    %dma_wait3A_215 = tpu.memref_slice %arg4[%add3A_207, %dma_wait3A_213, %dma_wait3A_214] : memref<4096x50x128xf32, #tpu.memory_space<hbm>> -> memref<1x50x128xf32, #tpu.memory_space<hbm>>
    %dma_wait3A_216 = tpu.memref_squeeze %dma_wait3A_215 : memref<1x50x128xf32, #tpu.memory_space<hbm>> -> memref<50x128xf32, #tpu.memory_space<hbm>>
    %dma_wait3A_217 = arith.constant 0 : i32
    %dma_wait3A_218 = arith.constant 0 : i32
    %dma_wait3A_219 = tpu.memref_slice %arg4[%add3A_207, %dma_wait3A_217, %dma_wait3A_218] : memref<4096x50x128xf32, #tpu.memory_space<hbm>> -> memref<1x50x128xf32, #tpu.memory_space<hbm>>
    %dma_wait3A_220 = tpu.memref_squeeze %dma_wait3A_219 : memref<1x50x128xf32, #tpu.memory_space<hbm>> -> memref<50x128xf32, #tpu.memory_space<hbm>>
    %dma_wait3A_221 = arith.constant 50 : i32
    %dma_wait3A_222 = arith.constant 0 : i32
    %dma_wait3A_223 = tpu.memref_slice %arg6[%dma_wait3A_208, %dma_wait3A_221, %dma_wait3A_222] : memref<8x100x128xf32, #tpu.memory_space<vmem>> -> memref<1x50x128xf32, #tpu.memory_space<vmem>>
    %dma_wait3A_224 = tpu.memref_squeeze %dma_wait3A_223 : memref<1x50x128xf32, #tpu.memory_space<vmem>> -> memref<50x128xf32, #tpu.memory_space<vmem>>
    tpu.wait_dma2 semaphore(%arg8 : memref<!tpu.dma_semaphore, #tpu.memory_space<semaphore_mem>>) src(%dma_wait3A_224 : memref<50x128xf32, #tpu.memory_space<vmem>>) dst(%dma_wait3A_220 : memref<50x128xf32, #tpu.memory_space<hbm>>)
    %add3A_225 = arith.constant 118 : i32
    %add3A_226 = arith.addi %mul3A_2, %add3A_225 : i32
    %dma_wait3A_227 = arith.constant 3 : i32
    %dma_wait3A_228 = arith.constant 0 : i32
    %dma_wait3A_229 = arith.constant 0 : i32
    %dma_wait3A_230 = tpu.memref_slice %arg6[%dma_wait3A_227, %dma_wait3A_228, %dma_wait3A_229] : memref<8x100x128xf32, #tpu.memory_space<vmem>> -> memref<1x50x128xf32, #tpu.memory_space<vmem>>
    %dma_wait3A_231 = tpu.memref_squeeze %dma_wait3A_230 : memref<1x50x128xf32, #tpu.memory_space<vmem>> -> memref<50x128xf32, #tpu.memory_space<vmem>>
    %dma_wait3A_232 = arith.constant 0 : i32
    %dma_wait3A_233 = arith.constant 0 : i32
    %dma_wait3A_234 = tpu.memref_slice %arg4[%add3A_226, %dma_wait3A_232, %dma_wait3A_233] : memref<4096x50x128xf32, #tpu.memory_space<hbm>> -> memref<1x50x128xf32, #tpu.memory_space<hbm>>
    %dma_wait3A_235 = tpu.memref_squeeze %dma_wait3A_234 : memref<1x50x128xf32, #tpu.memory_space<hbm>> -> memref<50x128xf32, #tpu.memory_space<hbm>>
    %dma_wait3A_236 = arith.constant 0 : i32
    %dma_wait3A_237 = arith.constant 0 : i32
    %dma_wait3A_238 = tpu.memref_slice %arg4[%add3A_226, %dma_wait3A_236, %dma_wait3A_237] : memref<4096x50x128xf32, #tpu.memory_space<hbm>> -> memref<1x50x128xf32, #tpu.memory_space<hbm>>
    %dma_wait3A_239 = tpu.memref_squeeze %dma_wait3A_238 : memref<1x50x128xf32, #tpu.memory_space<hbm>> -> memref<50x128xf32, #tpu.memory_space<hbm>>
    %dma_wait3A_240 = arith.constant 0 : i32
    %dma_wait3A_241 = arith.constant 0 : i32
    %dma_wait3A_242 = tpu.memref_slice %arg6[%dma_wait3A_227, %dma_wait3A_240, %dma_wait3A_241] : memref<8x100x128xf32, #tpu.memory_space<vmem>> -> memref<1x50x128xf32, #tpu.memory_space<vmem>>
    %dma_wait3A_243 = tpu.memref_squeeze %dma_wait3A_242 : memref<1x50x128xf32, #tpu.memory_space<vmem>> -> memref<50x128xf32, #tpu.memory_space<vmem>>
    tpu.wait_dma2 semaphore(%arg8 : memref<!tpu.dma_semaphore, #tpu.memory_space<semaphore_mem>>) src(%dma_wait3A_243 : memref<50x128xf32, #tpu.memory_space<vmem>>) dst(%dma_wait3A_239 : memref<50x128xf32, #tpu.memory_space<hbm>>)
    %add3A_244 = arith.constant 118 : i32
    %add3A_245 = arith.addi %mul3A_2, %add3A_244 : i32
    %add3A_246 = arith.constant 1 : i32
    %add3A_247 = arith.addi %add3A_245, %add3A_246 : i32
    %dma_wait3A_248 = arith.constant 3 : i32
    %dma_wait3A_249 = arith.constant 50 : i32
    %dma_wait3A_250 = arith.constant 0 : i32
    %dma_wait3A_251 = tpu.memref_slice %arg6[%dma_wait3A_248, %dma_wait3A_249, %dma_wait3A_250] : memref<8x100x128xf32, #tpu.memory_space<vmem>> -> memref<1x50x128xf32, #tpu.memory_space<vmem>>
    %dma_wait3A_252 = tpu.memref_squeeze %dma_wait3A_251 : memref<1x50x128xf32, #tpu.memory_space<vmem>> -> memref<50x128xf32, #tpu.memory_space<vmem>>
    %dma_wait3A_253 = arith.constant 0 : i32
    %dma_wait3A_254 = arith.constant 0 : i32
    %dma_wait3A_255 = tpu.memref_slice %arg4[%add3A_247, %dma_wait3A_253, %dma_wait3A_254] : memref<4096x50x128xf32, #tpu.memory_space<hbm>> -> memref<1x50x128xf32, #tpu.memory_space<hbm>>
    %dma_wait3A_256 = tpu.memref_squeeze %dma_wait3A_255 : memref<1x50x128xf32, #tpu.memory_space<hbm>> -> memref<50x128xf32, #tpu.memory_space<hbm>>
    %dma_wait3A_257 = arith.constant 0 : i32
    %dma_wait3A_258 = arith.constant 0 : i32
    %dma_wait3A_259 = tpu.memref_slice %arg4[%add3A_247, %dma_wait3A_257, %dma_wait3A_258] : memref<4096x50x128xf32, #tpu.memory_space<hbm>> -> memref<1x50x128xf32, #tpu.memory_space<hbm>>
    %dma_wait3A_260 = tpu.memref_squeeze %dma_wait3A_259 : memref<1x50x128xf32, #tpu.memory_space<hbm>> -> memref<50x128xf32, #tpu.memory_space<hbm>>
    %dma_wait3A_261 = arith.constant 50 : i32
    %dma_wait3A_262 = arith.constant 0 : i32
    %dma_wait3A_263 = tpu.memref_slice %arg6[%dma_wait3A_248, %dma_wait3A_261, %dma_wait3A_262] : memref<8x100x128xf32, #tpu.memory_space<vmem>> -> memref<1x50x128xf32, #tpu.memory_space<vmem>>
    %dma_wait3A_264 = tpu.memref_squeeze %dma_wait3A_263 : memref<1x50x128xf32, #tpu.memory_space<vmem>> -> memref<50x128xf32, #tpu.memory_space<vmem>>
    tpu.wait_dma2 semaphore(%arg8 : memref<!tpu.dma_semaphore, #tpu.memory_space<semaphore_mem>>) src(%dma_wait3A_264 : memref<50x128xf32, #tpu.memory_space<vmem>>) dst(%dma_wait3A_260 : memref<50x128xf32, #tpu.memory_space<hbm>>)
    %add3A_265 = arith.constant 120 : i32
    %add3A_266 = arith.addi %mul3A_2, %add3A_265 : i32
    %dma_wait3A_267 = arith.constant 4 : i32
    %dma_wait3A_268 = arith.constant 0 : i32
    %dma_wait3A_269 = arith.constant 0 : i32
    %dma_wait3A_270 = tpu.memref_slice %arg6[%dma_wait3A_267, %dma_wait3A_268, %dma_wait3A_269] : memref<8x100x128xf32, #tpu.memory_space<vmem>> -> memref<1x50x128xf32, #tpu.memory_space<vmem>>
    %dma_wait3A_271 = tpu.memref_squeeze %dma_wait3A_270 : memref<1x50x128xf32, #tpu.memory_space<vmem>> -> memref<50x128xf32, #tpu.memory_space<vmem>>
    %dma_wait3A_272 = arith.constant 0 : i32
    %dma_wait3A_273 = arith.constant 0 : i32
    %dma_wait3A_274 = tpu.memref_slice %arg4[%add3A_266, %dma_wait3A_272, %dma_wait3A_273] : memref<4096x50x128xf32, #tpu.memory_space<hbm>> -> memref<1x50x128xf32, #tpu.memory_space<hbm>>
    %dma_wait3A_275 = tpu.memref_squeeze %dma_wait3A_274 : memref<1x50x128xf32, #tpu.memory_space<hbm>> -> memref<50x128xf32, #tpu.memory_space<hbm>>
    %dma_wait3A_276 = arith.constant 0 : i32
    %dma_wait3A_277 = arith.constant 0 : i32
    %dma_wait3A_278 = tpu.memref_slice %arg4[%add3A_266, %dma_wait3A_276, %dma_wait3A_277] : memref<4096x50x128xf32, #tpu.memory_space<hbm>> -> memref<1x50x128xf32, #tpu.memory_space<hbm>>
    %dma_wait3A_279 = tpu.memref_squeeze %dma_wait3A_278 : memref<1x50x128xf32, #tpu.memory_space<hbm>> -> memref<50x128xf32, #tpu.memory_space<hbm>>
    %dma_wait3A_280 = arith.constant 0 : i32
    %dma_wait3A_281 = arith.constant 0 : i32
    %dma_wait3A_282 = tpu.memref_slice %arg6[%dma_wait3A_267, %dma_wait3A_280, %dma_wait3A_281] : memref<8x100x128xf32, #tpu.memory_space<vmem>> -> memref<1x50x128xf32, #tpu.memory_space<vmem>>
    %dma_wait3A_283 = tpu.memref_squeeze %dma_wait3A_282 : memref<1x50x128xf32, #tpu.memory_space<vmem>> -> memref<50x128xf32, #tpu.memory_space<vmem>>
    tpu.wait_dma2 semaphore(%arg8 : memref<!tpu.dma_semaphore, #tpu.memory_space<semaphore_mem>>) src(%dma_wait3A_283 : memref<50x128xf32, #tpu.memory_space<vmem>>) dst(%dma_wait3A_279 : memref<50x128xf32, #tpu.memory_space<hbm>>)
    %add3A_284 = arith.constant 120 : i32
    %add3A_285 = arith.addi %mul3A_2, %add3A_284 : i32
    %add3A_286 = arith.constant 1 : i32
    %add3A_287 = arith.addi %add3A_285, %add3A_286 : i32
    %dma_wait3A_288 = arith.constant 4 : i32
    %dma_wait3A_289 = arith.constant 50 : i32
    %dma_wait3A_290 = arith.constant 0 : i32
    %dma_wait3A_291 = tpu.memref_slice %arg6[%dma_wait3A_288, %dma_wait3A_289, %dma_wait3A_290] : memref<8x100x128xf32, #tpu.memory_space<vmem>> -> memref<1x50x128xf32, #tpu.memory_space<vmem>>
    %dma_wait3A_292 = tpu.memref_squeeze %dma_wait3A_291 : memref<1x50x128xf32, #tpu.memory_space<vmem>> -> memref<50x128xf32, #tpu.memory_space<vmem>>
    %dma_wait3A_293 = arith.constant 0 : i32
    %dma_wait3A_294 = arith.constant 0 : i32
    %dma_wait3A_295 = tpu.memref_slice %arg4[%add3A_287, %dma_wait3A_293, %dma_wait3A_294] : memref<4096x50x128xf32, #tpu.memory_space<hbm>> -> memref<1x50x128xf32, #tpu.memory_space<hbm>>
    %dma_wait3A_296 = tpu.memref_squeeze %dma_wait3A_295 : memref<1x50x128xf32, #tpu.memory_space<hbm>> -> memref<50x128xf32, #tpu.memory_space<hbm>>
    %dma_wait3A_297 = arith.constant 0 : i32
    %dma_wait3A_298 = arith.constant 0 : i32
    %dma_wait3A_299 = tpu.memref_slice %arg4[%add3A_287, %dma_wait3A_297, %dma_wait3A_298] : memref<4096x50x128xf32, #tpu.memory_space<hbm>> -> memref<1x50x128xf32, #tpu.memory_space<hbm>>
    %dma_wait3A_300 = tpu.memref_squeeze %dma_wait3A_299 : memref<1x50x128xf32, #tpu.memory_space<hbm>> -> memref<50x128xf32, #tpu.memory_space<hbm>>
    %dma_wait3A_301 = arith.constant 50 : i32
    %dma_wait3A_302 = arith.constant 0 : i32
    %dma_wait3A_303 = tpu.memref_slice %arg6[%dma_wait3A_288, %dma_wait3A_301, %dma_wait3A_302] : memref<8x100x128xf32, #tpu.memory_space<vmem>> -> memref<1x50x128xf32, #tpu.memory_space<vmem>>
    %dma_wait3A_304 = tpu.memref_squeeze %dma_wait3A_303 : memref<1x50x128xf32, #tpu.memory_space<vmem>> -> memref<50x128xf32, #tpu.memory_space<vmem>>
    tpu.wait_dma2 semaphore(%arg8 : memref<!tpu.dma_semaphore, #tpu.memory_space<semaphore_mem>>) src(%dma_wait3A_304 : memref<50x128xf32, #tpu.memory_space<vmem>>) dst(%dma_wait3A_300 : memref<50x128xf32, #tpu.memory_space<hbm>>)
    %add3A_305 = arith.constant 122 : i32
    %add3A_306 = arith.addi %mul3A_2, %add3A_305 : i32
    %dma_wait3A_307 = arith.constant 5 : i32
    %dma_wait3A_308 = arith.constant 0 : i32
    %dma_wait3A_309 = arith.constant 0 : i32
    %dma_wait3A_310 = tpu.memref_slice %arg6[%dma_wait3A_307, %dma_wait3A_308, %dma_wait3A_309] : memref<8x100x128xf32, #tpu.memory_space<vmem>> -> memref<1x50x128xf32, #tpu.memory_space<vmem>>
    %dma_wait3A_311 = tpu.memref_squeeze %dma_wait3A_310 : memref<1x50x128xf32, #tpu.memory_space<vmem>> -> memref<50x128xf32, #tpu.memory_space<vmem>>
    %dma_wait3A_312 = arith.constant 0 : i32
    %dma_wait3A_313 = arith.constant 0 : i32
    %dma_wait3A_314 = tpu.memref_slice %arg4[%add3A_306, %dma_wait3A_312, %dma_wait3A_313] : memref<4096x50x128xf32, #tpu.memory_space<hbm>> -> memref<1x50x128xf32, #tpu.memory_space<hbm>>
    %dma_wait3A_315 = tpu.memref_squeeze %dma_wait3A_314 : memref<1x50x128xf32, #tpu.memory_space<hbm>> -> memref<50x128xf32, #tpu.memory_space<hbm>>
    %dma_wait3A_316 = arith.constant 0 : i32
    %dma_wait3A_317 = arith.constant 0 : i32
    %dma_wait3A_318 = tpu.memref_slice %arg4[%add3A_306, %dma_wait3A_316, %dma_wait3A_317] : memref<4096x50x128xf32, #tpu.memory_space<hbm>> -> memref<1x50x128xf32, #tpu.memory_space<hbm>>
    %dma_wait3A_319 = tpu.memref_squeeze %dma_wait3A_318 : memref<1x50x128xf32, #tpu.memory_space<hbm>> -> memref<50x128xf32, #tpu.memory_space<hbm>>
    %dma_wait3A_320 = arith.constant 0 : i32
    %dma_wait3A_321 = arith.constant 0 : i32
    %dma_wait3A_322 = tpu.memref_slice %arg6[%dma_wait3A_307, %dma_wait3A_320, %dma_wait3A_321] : memref<8x100x128xf32, #tpu.memory_space<vmem>> -> memref<1x50x128xf32, #tpu.memory_space<vmem>>
    %dma_wait3A_323 = tpu.memref_squeeze %dma_wait3A_322 : memref<1x50x128xf32, #tpu.memory_space<vmem>> -> memref<50x128xf32, #tpu.memory_space<vmem>>
    tpu.wait_dma2 semaphore(%arg8 : memref<!tpu.dma_semaphore, #tpu.memory_space<semaphore_mem>>) src(%dma_wait3A_323 : memref<50x128xf32, #tpu.memory_space<vmem>>) dst(%dma_wait3A_319 : memref<50x128xf32, #tpu.memory_space<hbm>>)
    %add3A_324 = arith.constant 122 : i32
    %add3A_325 = arith.addi %mul3A_2, %add3A_324 : i32
    %add3A_326 = arith.constant 1 : i32
    %add3A_327 = arith.addi %add3A_325, %add3A_326 : i32
    %dma_wait3A_328 = arith.constant 5 : i32
    %dma_wait3A_329 = arith.constant 50 : i32
    %dma_wait3A_330 = arith.constant 0 : i32
    %dma_wait3A_331 = tpu.memref_slice %arg6[%dma_wait3A_328, %dma_wait3A_329, %dma_wait3A_330] : memref<8x100x128xf32, #tpu.memory_space<vmem>> -> memref<1x50x128xf32, #tpu.memory_space<vmem>>
    %dma_wait3A_332 = tpu.memref_squeeze %dma_wait3A_331 : memref<1x50x128xf32, #tpu.memory_space<vmem>> -> memref<50x128xf32, #tpu.memory_space<vmem>>
    %dma_wait3A_333 = arith.constant 0 : i32
    %dma_wait3A_334 = arith.constant 0 : i32
    %dma_wait3A_335 = tpu.memref_slice %arg4[%add3A_327, %dma_wait3A_333, %dma_wait3A_334] : memref<4096x50x128xf32, #tpu.memory_space<hbm>> -> memref<1x50x128xf32, #tpu.memory_space<hbm>>
    %dma_wait3A_336 = tpu.memref_squeeze %dma_wait3A_335 : memref<1x50x128xf32, #tpu.memory_space<hbm>> -> memref<50x128xf32, #tpu.memory_space<hbm>>
    %dma_wait3A_337 = arith.constant 0 : i32
    %dma_wait3A_338 = arith.constant 0 : i32
    %dma_wait3A_339 = tpu.memref_slice %arg4[%add3A_327, %dma_wait3A_337, %dma_wait3A_338] : memref<4096x50x128xf32, #tpu.memory_space<hbm>> -> memref<1x50x128xf32, #tpu.memory_space<hbm>>
    %dma_wait3A_340 = tpu.memref_squeeze %dma_wait3A_339 : memref<1x50x128xf32, #tpu.memory_space<hbm>> -> memref<50x128xf32, #tpu.memory_space<hbm>>
    %dma_wait3A_341 = arith.constant 50 : i32
    %dma_wait3A_342 = arith.constant 0 : i32
    %dma_wait3A_343 = tpu.memref_slice %arg6[%dma_wait3A_328, %dma_wait3A_341, %dma_wait3A_342] : memref<8x100x128xf32, #tpu.memory_space<vmem>> -> memref<1x50x128xf32, #tpu.memory_space<vmem>>
    %dma_wait3A_344 = tpu.memref_squeeze %dma_wait3A_343 : memref<1x50x128xf32, #tpu.memory_space<vmem>> -> memref<50x128xf32, #tpu.memory_space<vmem>>
    tpu.wait_dma2 semaphore(%arg8 : memref<!tpu.dma_semaphore, #tpu.memory_space<semaphore_mem>>) src(%dma_wait3A_344 : memref<50x128xf32, #tpu.memory_space<vmem>>) dst(%dma_wait3A_340 : memref<50x128xf32, #tpu.memory_space<hbm>>)
    %add3A_345 = arith.constant 124 : i32
    %add3A_346 = arith.addi %mul3A_2, %add3A_345 : i32
    %dma_wait3A_347 = arith.constant 6 : i32
    %dma_wait3A_348 = arith.constant 0 : i32
    %dma_wait3A_349 = arith.constant 0 : i32
    %dma_wait3A_350 = tpu.memref_slice %arg6[%dma_wait3A_347, %dma_wait3A_348, %dma_wait3A_349] : memref<8x100x128xf32, #tpu.memory_space<vmem>> -> memref<1x50x128xf32, #tpu.memory_space<vmem>>
    %dma_wait3A_351 = tpu.memref_squeeze %dma_wait3A_350 : memref<1x50x128xf32, #tpu.memory_space<vmem>> -> memref<50x128xf32, #tpu.memory_space<vmem>>
    %dma_wait3A_352 = arith.constant 0 : i32
    %dma_wait3A_353 = arith.constant 0 : i32
    %dma_wait3A_354 = tpu.memref_slice %arg4[%add3A_346, %dma_wait3A_352, %dma_wait3A_353] : memref<4096x50x128xf32, #tpu.memory_space<hbm>> -> memref<1x50x128xf32, #tpu.memory_space<hbm>>
    %dma_wait3A_355 = tpu.memref_squeeze %dma_wait3A_354 : memref<1x50x128xf32, #tpu.memory_space<hbm>> -> memref<50x128xf32, #tpu.memory_space<hbm>>
    %dma_wait3A_356 = arith.constant 0 : i32
    %dma_wait3A_357 = arith.constant 0 : i32
    %dma_wait3A_358 = tpu.memref_slice %arg4[%add3A_346, %dma_wait3A_356, %dma_wait3A_357] : memref<4096x50x128xf32, #tpu.memory_space<hbm>> -> memref<1x50x128xf32, #tpu.memory_space<hbm>>
    %dma_wait3A_359 = tpu.memref_squeeze %dma_wait3A_358 : memref<1x50x128xf32, #tpu.memory_space<hbm>> -> memref<50x128xf32, #tpu.memory_space<hbm>>
    %dma_wait3A_360 = arith.constant 0 : i32
    %dma_wait3A_361 = arith.constant 0 : i32
    %dma_wait3A_362 = tpu.memref_slice %arg6[%dma_wait3A_347, %dma_wait3A_360, %dma_wait3A_361] : memref<8x100x128xf32, #tpu.memory_space<vmem>> -> memref<1x50x128xf32, #tpu.memory_space<vmem>>
    %dma_wait3A_363 = tpu.memref_squeeze %dma_wait3A_362 : memref<1x50x128xf32, #tpu.memory_space<vmem>> -> memref<50x128xf32, #tpu.memory_space<vmem>>
    tpu.wait_dma2 semaphore(%arg8 : memref<!tpu.dma_semaphore, #tpu.memory_space<semaphore_mem>>) src(%dma_wait3A_363 : memref<50x128xf32, #tpu.memory_space<vmem>>) dst(%dma_wait3A_359 : memref<50x128xf32, #tpu.memory_space<hbm>>)
    %add3A_364 = arith.constant 124 : i32
    %add3A_365 = arith.addi %mul3A_2, %add3A_364 : i32
    %add3A_366 = arith.constant 1 : i32
    %add3A_367 = arith.addi %add3A_365, %add3A_366 : i32
    %dma_wait3A_368 = arith.constant 6 : i32
    %dma_wait3A_369 = arith.constant 50 : i32
    %dma_wait3A_370 = arith.constant 0 : i32
    %dma_wait3A_371 = tpu.memref_slice %arg6[%dma_wait3A_368, %dma_wait3A_369, %dma_wait3A_370] : memref<8x100x128xf32, #tpu.memory_space<vmem>> -> memref<1x50x128xf32, #tpu.memory_space<vmem>>
    %dma_wait3A_372 = tpu.memref_squeeze %dma_wait3A_371 : memref<1x50x128xf32, #tpu.memory_space<vmem>> -> memref<50x128xf32, #tpu.memory_space<vmem>>
    %dma_wait3A_373 = arith.constant 0 : i32
    %dma_wait3A_374 = arith.constant 0 : i32
    %dma_wait3A_375 = tpu.memref_slice %arg4[%add3A_367, %dma_wait3A_373, %dma_wait3A_374] : memref<4096x50x128xf32, #tpu.memory_space<hbm>> -> memref<1x50x128xf32, #tpu.memory_space<hbm>>
    %dma_wait3A_376 = tpu.memref_squeeze %dma_wait3A_375 : memref<1x50x128xf32, #tpu.memory_space<hbm>> -> memref<50x128xf32, #tpu.memory_space<hbm>>
    %dma_wait3A_377 = arith.constant 0 : i32
    %dma_wait3A_378 = arith.constant 0 : i32
    %dma_wait3A_379 = tpu.memref_slice %arg4[%add3A_367, %dma_wait3A_377, %dma_wait3A_378] : memref<4096x50x128xf32, #tpu.memory_space<hbm>> -> memref<1x50x128xf32, #tpu.memory_space<hbm>>
    %dma_wait3A_380 = tpu.memref_squeeze %dma_wait3A_379 : memref<1x50x128xf32, #tpu.memory_space<hbm>> -> memref<50x128xf32, #tpu.memory_space<hbm>>
    %dma_wait3A_381 = arith.constant 50 : i32
    %dma_wait3A_382 = arith.constant 0 : i32
    %dma_wait3A_383 = tpu.memref_slice %arg6[%dma_wait3A_368, %dma_wait3A_381, %dma_wait3A_382] : memref<8x100x128xf32, #tpu.memory_space<vmem>> -> memref<1x50x128xf32, #tpu.memory_space<vmem>>
    %dma_wait3A_384 = tpu.memref_squeeze %dma_wait3A_383 : memref<1x50x128xf32, #tpu.memory_space<vmem>> -> memref<50x128xf32, #tpu.memory_space<vmem>>
    tpu.wait_dma2 semaphore(%arg8 : memref<!tpu.dma_semaphore, #tpu.memory_space<semaphore_mem>>) src(%dma_wait3A_384 : memref<50x128xf32, #tpu.memory_space<vmem>>) dst(%dma_wait3A_380 : memref<50x128xf32, #tpu.memory_space<hbm>>)
    %add3A_385 = arith.constant 126 : i32
    %add3A_386 = arith.addi %mul3A_2, %add3A_385 : i32
    %dma_wait3A_387 = arith.constant 7 : i32
    %dma_wait3A_388 = arith.constant 0 : i32
    %dma_wait3A_389 = arith.constant 0 : i32
    %dma_wait3A_390 = tpu.memref_slice %arg6[%dma_wait3A_387, %dma_wait3A_388, %dma_wait3A_389] : memref<8x100x128xf32, #tpu.memory_space<vmem>> -> memref<1x50x128xf32, #tpu.memory_space<vmem>>
    %dma_wait3A_391 = tpu.memref_squeeze %dma_wait3A_390 : memref<1x50x128xf32, #tpu.memory_space<vmem>> -> memref<50x128xf32, #tpu.memory_space<vmem>>
    %dma_wait3A_392 = arith.constant 0 : i32
    %dma_wait3A_393 = arith.constant 0 : i32
    %dma_wait3A_394 = tpu.memref_slice %arg4[%add3A_386, %dma_wait3A_392, %dma_wait3A_393] : memref<4096x50x128xf32, #tpu.memory_space<hbm>> -> memref<1x50x128xf32, #tpu.memory_space<hbm>>
    %dma_wait3A_395 = tpu.memref_squeeze %dma_wait3A_394 : memref<1x50x128xf32, #tpu.memory_space<hbm>> -> memref<50x128xf32, #tpu.memory_space<hbm>>
    %dma_wait3A_396 = arith.constant 0 : i32
    %dma_wait3A_397 = arith.constant 0 : i32
    %dma_wait3A_398 = tpu.memref_slice %arg4[%add3A_386, %dma_wait3A_396, %dma_wait3A_397] : memref<4096x50x128xf32, #tpu.memory_space<hbm>> -> memref<1x50x128xf32, #tpu.memory_space<hbm>>
    %dma_wait3A_399 = tpu.memref_squeeze %dma_wait3A_398 : memref<1x50x128xf32, #tpu.memory_space<hbm>> -> memref<50x128xf32, #tpu.memory_space<hbm>>
    %dma_wait3A_400 = arith.constant 0 : i32
    %dma_wait3A_401 = arith.constant 0 : i32
    %dma_wait3A_402 = tpu.memref_slice %arg6[%dma_wait3A_387, %dma_wait3A_400, %dma_wait3A_401] : memref<8x100x128xf32, #tpu.memory_space<vmem>> -> memref<1x50x128xf32, #tpu.memory_space<vmem>>
    %dma_wait3A_403 = tpu.memref_squeeze %dma_wait3A_402 : memref<1x50x128xf32, #tpu.memory_space<vmem>> -> memref<50x128xf32, #tpu.memory_space<vmem>>
    tpu.wait_dma2 semaphore(%arg8 : memref<!tpu.dma_semaphore, #tpu.memory_space<semaphore_mem>>) src(%dma_wait3A_403 : memref<50x128xf32, #tpu.memory_space<vmem>>) dst(%dma_wait3A_399 : memref<50x128xf32, #tpu.memory_space<hbm>>)
    %add3A_404 = arith.constant 126 : i32
    %add3A_405 = arith.addi %mul3A_2, %add3A_404 : i32
    %add3A_406 = arith.constant 1 : i32
    %add3A_407 = arith.addi %add3A_405, %add3A_406 : i32
    %dma_wait3A_408 = arith.constant 7 : i32
    %dma_wait3A_409 = arith.constant 50 : i32
    %dma_wait3A_410 = arith.constant 0 : i32
    %dma_wait3A_411 = tpu.memref_slice %arg6[%dma_wait3A_408, %dma_wait3A_409, %dma_wait3A_410] : memref<8x100x128xf32, #tpu.memory_space<vmem>> -> memref<1x50x128xf32, #tpu.memory_space<vmem>>
    %dma_wait3A_412 = tpu.memref_squeeze %dma_wait3A_411 : memref<1x50x128xf32, #tpu.memory_space<vmem>> -> memref<50x128xf32, #tpu.memory_space<vmem>>
    %dma_wait3A_413 = arith.constant 0 : i32
    %dma_wait3A_414 = arith.constant 0 : i32
    %dma_wait3A_415 = tpu.memref_slice %arg4[%add3A_407, %dma_wait3A_413, %dma_wait3A_414] : memref<4096x50x128xf32, #tpu.memory_space<hbm>> -> memref<1x50x128xf32, #tpu.memory_space<hbm>>
    %dma_wait3A_416 = tpu.memref_squeeze %dma_wait3A_415 : memref<1x50x128xf32, #tpu.memory_space<hbm>> -> memref<50x128xf32, #tpu.memory_space<hbm>>
    %dma_wait3A_417 = arith.constant 0 : i32
    %dma_wait3A_418 = arith.constant 0 : i32
    %dma_wait3A_419 = tpu.memref_slice %arg4[%add3A_407, %dma_wait3A_417, %dma_wait3A_418] : memref<4096x50x128xf32, #tpu.memory_space<hbm>> -> memref<1x50x128xf32, #tpu.memory_space<hbm>>
    %dma_wait3A_420 = tpu.memref_squeeze %dma_wait3A_419 : memref<1x50x128xf32, #tpu.memory_space<hbm>> -> memref<50x128xf32, #tpu.memory_space<hbm>>
    %dma_wait3A_421 = arith.constant 50 : i32
    %dma_wait3A_422 = arith.constant 0 : i32
    %dma_wait3A_423 = tpu.memref_slice %arg6[%dma_wait3A_408, %dma_wait3A_421, %dma_wait3A_422] : memref<8x100x128xf32, #tpu.memory_space<vmem>> -> memref<1x50x128xf32, #tpu.memory_space<vmem>>
    %dma_wait3A_424 = tpu.memref_squeeze %dma_wait3A_423 : memref<1x50x128xf32, #tpu.memory_space<vmem>> -> memref<50x128xf32, #tpu.memory_space<vmem>>
    tpu.wait_dma2 semaphore(%arg8 : memref<!tpu.dma_semaphore, #tpu.memory_space<semaphore_mem>>) src(%dma_wait3A_424 : memref<50x128xf32, #tpu.memory_space<vmem>>) dst(%dma_wait3A_420 : memref<50x128xf32, #tpu.memory_space<hbm>>)
    return
  }
}

</mosaic_0001>

<sc_bundles>
// kernel: kernel.3.cloned.1.call-start
scs
__scs_entry_jumppad:
0x0: {  	(pc) =	sbr.rel $0x88, $3  }
0x1: {  	(tag) =	ssettag $0x0;
	lr =	simm.s32 $0x1  }
0x2: {  	[smem:$0x3F9F] =	sst lr;
	_ =	strace $0xD0000000  }
0x3: {  	_ = 	snop  }
0x4: {  	_ = 	snop  }
0x5: {  	_ = 	snop  }
0x6: {  	_ = 	snop  }
0x7: {  	_ = 	snop  }
__scs_overlays_trampoline_lowered:
0x8: {  	[smem:$0x3FAE] =	sst s0  }
0x9: {  	[smem:$0x3FAF] =	sst s1  }
0xa: {  	[smem:$0x3FB0] =	sst s2  }
0xb: {  	[smem:$0x3FB1] =	sst s3  }
0xc: {  	[smem:$0x3FB2] =	sst s4  }
0xd: {  	[smem:$0x3FB3] =	sst s5  }
0xe: {  	[smem:$0x3FB4] =	sst s6  }
0xf: {  	[smem:$0x3FB5] =	sst s7  }
0x10: {  	[smem:$0x3FB6] =	sst s8  }
0x11: {  	[smem:$0x3FB7] =	sst s9;
	s0 =	simm.s32 @!p0 $0x0  }
0x12: {  	s1 =	sld [smem:$0x3F9D];
	s0 =	simm.s32 @p0 $0x1  }
0x13: {  	[smem:$0x3FB8] =	sst s0;
	s0 =	simm.s32 @!p1 $0x0  }
0x14: {  	s2 =	sld [smem:$0x3F9C];
	s0 =	simm.s32 @p1 $0x1  }
0x15: {  	[smem:$0x3FB9] =	sst s0;
	s0 =	simm.s32 @!p2 $0x0  }
0x16: {  	s3 =	sld [smem:$0x3FDB];
	s0 =	simm.s32 @p2 $0x1  }
0x17: {  	s4 =	simm.s32 $0x1BF5;
	[smem:$0x3FBB] =	sst s0  }
0x18: {  	s0 =	sld [smem:$0x3F9E];
	_ =	swait.ge [sflag:s4], $0x0  }
0x19: {  	s7 =	sld [smem:$0x3F9F]  }
0x1a: {  	s8 =	sadd.s32 $0xFFFFE003, lr  }
0x1b: {  	s9 =	sadd.s32 $0xFFFFFEF7, lr;
	s5 =	simm.s32 $0xFFFFFFFF;
	p2 =	slt.u32 s8, $0xFFFFF086  }
0x1c: {  	p1 =	slt.u32 s9, $0xF7A;
	s5 =	simm.s32 @!p2 $0x0  }
0x1d: {  	s5 =	simm.s32 @p1 $0x1;
	p0 =	seq.s32 s7, s2  }
0x1e: {  	s7 =	smul.u32 @!p0 $0xF7A, s2;
	p2 =	seq.s32 @!p0 s5, $0x0  }
0x1f: {  	s9 =	smul.u32 $0xF7A, s1;
	s8 =	simm.s32 @!p0 $0x1BF5;
	p2 =	por !p2, p0  }
0x20: {  	[sflag:s8] =	ssyncset.s32 @!p0 $0xFFFFF086;
	s6 =	sadd.s32 @!p0 s3, s7;
	s7 =	simm.s32 @!p0 $0x108  }
0x21: {  	s3 =	sadd.s32 s3, s9;
	s6 =	sadd.s32 @!p0 $0x88, s6;
	s7 =	simm.s32 @p2 $0x1082  }
0x22: {  	[simem:s7], [sflag:s8] =	dma.local @!p0 [hbm:s6], $0xF7A  }
0x23: {  	s9 =	sor.u32 $0xD0000000, s2;
	s6 =	simm.s32 $0x108;
	_ =	swait.ge @!p0 [sflag:s8], $0x0  }
0x24: {  	s3 =	sadd.s32 $0x88, s3;
	s6 =	simm.s32 @!p1 $0x1082;
	[sflag:s4] =	ssyncset.s32 $0xFFFFF086  }
0x25: {  	[simem:s6], [sflag:s4] =	dma.local [hbm:s3], $0xF7A  }
0x26: {  	[smem:$0x3F9F] =	sst s1;
	(tag) =	ssettag s2;
	_ =	strace s9  }
0x27: {  	s1 =	sld [smem:$0x3FAF]  }
0x28: {  	s2 =	sld [smem:$0x3FB0]  }
0x29: {  	s4 =	sld [smem:$0x3FB2]  }
0x2a: {  	p0 =	seq.s32 s5, $0x0;
	s5 =	sld [smem:$0x3FB3]  }
0x2b: {  	s6 =	sld [smem:$0x3FB4]  }
0x2c: {  	s7 =	sld [smem:$0x3FB5]  }
0x2d: {  	s3 =	simm.s32 $0x108;
	s8 =	sld [smem:$0x3FB6]  }
0x2e: {  	s3 =	simm.s32 @!p0 $0x1082;
	s9 =	sld [smem:$0x3FB7]  }
0x2f: {  	lr =	sadd.s32 s0, s3;
	s0 =	sld [smem:$0x3FAE]  }
0x30: {  	s3 =	sld [smem:$0x3FB1]  }
0x31: {  	[smem:$0x3FBA] =	sst s10  }
0x32: {  	s10 =	sld [smem:$0x3FB8];
	_ =	sdelay $0x3  }
0x33: {  	p0 =	seq.s32 s10, $0x1;
	s10 =	sld [smem:$0x3FBA];
	_ =	sdelay $0x3  }
0x34: {  	[smem:$0x3FBA] =	sst s10  }
0x35: {  	s10 =	sld [smem:$0x3FB9];
	_ =	sdelay $0x3  }
0x36: {  	p1 =	seq.s32 s10, $0x1;
	s10 =	sld [smem:$0x3FBA];
	_ =	sdelay $0x3  }
0x37: {  	[smem:$0x3FBA] =	sst s10  }
0x38: {  	s10 =	sld [smem:$0x3FBB]  }
0x39: {  	_ = 	snop;
	(pc) =	sbr.ind lr, $3  }
0x3a: {  	_ = 	snop  }
0x3b: {  	_ = 	snop  }
0x3c: {  	p2 =	seq.s32 s10, $0x1;
	s10 =	sld [smem:$0x3FBA]  }
0x3d: {  	_ =	shalt  }
0x3e: {  	_ =	shalt  }
0x3f: {  	_ =	shalt  }
0x40: {  	_ =	shalt  }
0x41: {  	_ =	shalt  }
0x42: {  	_ =	shalt  }
0x43: {  	_ =	shalt  }
0x44: {  	_ =	shalt  }
0x45: {  	_ =	shalt  }
0x46: {  	_ =	shalt  }
0x47: {  	_ =	shalt  }
0x48: {  	_ =	shalt  }
0x49: {  	_ =	shalt  }
0x4a: {  	_ =	shalt  }
0x4b: {  	_ =	shalt  }
0x4c: {  	_ =	shalt  }
0x4d: {  	_ =	shalt  }
0x4e: {  	_ =	shalt  }
0x4f: {  	_ =	shalt  }
0x50: {  	_ =	shalt  }
0x51: {  	_ =	shalt  }
0x52: {  	_ =	shalt  }
0x53: {  	_ =	shalt  }
0x54: {  	_ =	shalt  }
0x55: {  	_ =	shalt  }
0x56: {  	_ =	shalt  }
0x57: {  	_ =	shalt  }
0x58: {  	_ =	shalt  }
0x59: {  	_ =	shalt  }
0x5a: {  	_ =	shalt  }
0x5b: {  	_ =	shalt  }
0x5c: {  	_ =	shalt  }
0x5d: {  	_ =	shalt  }
0x5e: {  	_ =	shalt  }
0x5f: {  	_ =	shalt  }
0x60: {  	_ =	shalt  }
0x61: {  	_ =	shalt  }
0x62: {  	_ =	shalt  }
0x63: {  	_ =	shalt  }
0x64: {  	_ =	shalt  }
0x65: {  	_ =	shalt  }
0x66: {  	_ =	shalt  }
0x67: {  	_ =	shalt  }
0x68: {  	_ =	shalt  }
0x69: {  	_ =	shalt  }
0x6a: {  	_ =	shalt  }
0x6b: {  	_ =	shalt  }
0x6c: {  	_ =	shalt  }
0x6d: {  	_ =	shalt  }
0x6e: {  	_ =	shalt  }
0x6f: {  	_ =	shalt  }
0x70: {  	_ =	shalt  }
0x71: {  	_ =	shalt  }
0x72: {  	_ =	shalt  }
0x73: {  	_ =	shalt  }
0x74: {  	_ =	shalt  }
0x75: {  	_ =	shalt  }
0x76: {  	_ =	shalt  }
0x77: {  	_ =	shalt  }
0x78: {  	_ =	shalt  }
0x79: {  	_ =	shalt  }
0x7a: {  	_ =	shalt  }
0x7b: {  	_ =	shalt  }
0x7c: {  	_ =	shalt  }
0x7d: {  	_ =	shalt  }
0x7e: {  	_ =	shalt  }
0x7f: {  	_ =	shalt  }
0x80: {  	_ =	shalt  }
0x81: {  	_ =	shalt  }
0x82: {  	_ =	shalt  }
0x83: {  	_ =	shalt  }
0x84: {  	_ =	shalt  }
0x85: {  	_ =	shalt  }
0x86: {  	_ =	shalt  }
0x87: {  	_ =	shalt  }
.Lfunc_end0:
.L_simem_size_0:
called_computation_lowered:
.L_overlay_start_0:
0x88: {  	s2 =	sld [smem:$0x3FD9]  }
0x89: {  	s3 =	sld [smem:$0x3FFE];
	_ =	sdelay $0x1  }
0x8a: {  	s1 =	srdreg.scid  }
0x8b: {  	s0 =	sand.u32 $0x1, s1  }
0x8c: {  	s17 =	sshll.u32 s0, $0xA;
	s2 =	sadd.s32 s3, s2  }
0x8d: {  	s2 =	sadd.s32 s2, s17  }
0x8e: {  	[smem:$0x3FC6] =	sst s2  }
0x8f: {  	_ = 	snop  }
0x90: {  	s2 =	sld [smem:$0x3FC8]  }
0x91: {  	s18 =	sld [smem:$0x3FD0];
	(tm) =	ssettm $0x1  }
0x92: {  	s4 =	sld [smem:$0x3FFB];
	_ =	sdelay $0x3  }
0x93: {  	_ =	strace s4  }
0x94: {  	s4 =	sld [smem:$0x3FFC];
	_ =	sdelay $0x3  }
0x95: {  	_ =	strace s4  }
0x96: {  	s4 =	sld [smem:$0x3FFD];
	_ =	sdelay $0x3  }
0x97: {  	_ =	strace s4  }
0x98: {  	_ =	strace $0x8FFFFFFF  }
0x99: {  	s19 =	sld [smem:$0x3FDB];
	_ =	sdelay $0x1  }
0x9a: {  	s5 =	simm.s32 $_scs_section_size  }
0x9b: {  	s6 =	simm.s32 $_size__tile_overlayer_lowered;
	s7 =	simm.s32 $_tile_overlayer_lowered  }
0x9c: {  	s22 =	simm.s32 $0x1BFF;
	s21 =	sshll.u32 s7, $0x1;
	s4 =	sadd.s32 s5, s19  }
0x9d: {  	s8 =	simm.s32 $0x0;
	s20 =	sshll.u32 s6, $0x1;
	s6 =	sadd.s32 s21, s4  }
0x9e: {  	[timem:s8], [sflag:s22] =	dma.local [hbm:s6], s20  }
0x9f: {  	_ =	swait.ge [sflag:s22], s20  }
0xa0: {  	s5 =	ssub.s32 $0x0, s20;
	[sflag:s22] =	ssyncset.done $0x0  }
0xa1: {  	[sflag:s22] =	ssyncadd.s32 s5;
	_ =	sdelay $0x1  }
0xa2: {  	s23 =	simm.s32 $0x1B8B  }
0xa3: {  	_ =	swait.ge [sflag:s23], $0x1  }
0xa4: {  	[sflag:s23] =	ssyncset.done $0x0  }
0xa5: {  	s25 =	simm.s32 $0x1B8E;
	s24 =	sld [smem:$0x3FFE];
	[sflag:s23] =	ssyncadd.s32 $0xFFFFFFFF  }
0xa6: {  	s26 =	simm.s32 $execute0_lowered;
	[smem:$0x3FD2] =	sst s25  }
0xa7: {  	s6 =	sshll.u32 s26, $0x1;
	_ =	strace $0x80000046;
	[dreg:$0x1] =	wrdreg $0xFFFFFFFF  }
0xa8: {  	s28 =	simm.s32 $_size_execute0_lowered;
	s4 =	sadd.s32 s4, s6;
	[dreg:$0x0] =	wrdreg $0x0  }
0xa9: {  	s6 =	sshll.u32 s28, $0x1;
	[dreg:$0x2] =	wrdreg s4  }
0xaa: {  	[dreg:$0x3] =	wrdreg s6  }
0xab: {  	[dreg:$0x4] =	wrdreg $0xC0  }
0xac: {  	_ =	task [dreg:s8], $0x5FFFF  }
0xad: {  	[dreg:$0x1] =	wrdreg $0xFFFFFFFF  }
0xae: {  	[dreg:$0x0] =	wrdreg $0x60  }
0xaf: {  	[dreg:$0x2] =	wrdreg s18  }
0xb0: {  	[dreg:$0x3] =	wrdreg s2  }
0xb1: {  	[dreg:$0x4] =	wrdreg s24  }
0xb2: {  	[dreg:$0x5] =	wrdreg $0x9  }
0xb3: {  	_ =	task.clear_ibuf [dreg:s8], $0x6FFFF;
	_ =	strace $0x90000046  }
0xb4: {  	s29 =	simm.s32 $0x9;
	_ =	strace $0x80000048  }
0xb5: {  	_ =	swait.ge [sflag:s29], $0x1  }
0xb6: {  	[sflag:s29] =	ssyncadd.s32 $0xFFFFFFFF  }
0xb7: {  	_ =	strace $0x90000048  }
0xb8: {  	_ =	sfence  }
0xb9: {  	s30 =	sld [smem:$0x0];
	_ =	sdelay $0x2  }
0xba: {  	s31 =	sshll.u32 s1, $0xD;
	s1 =	sshrl.u32 s1, $0x2  }
0xbb: {  	s3 =	sand.u32 $0x4000, s31;
	s1 =	sadd.s32 s1, s30  }
0xbc: {  	s0 =	sor.u32 s3, s0;
	s1 =	sshll.u32 s1, $0x11  }
0xbd: {  	s0 =	sor.u32 s1, s0  }
0xbe: {  	s0 =	sadd.s32 $0x8F2B, s0  }
0xbf: {  	[sflag:s0] =	ssyncadd.remote.s32 $0x1  }
0xc0: {  	_ =	sfence.sel $0xFFFF  }
0xc1: {  	[dreg:$0x0] =	wrdreg $0xFFFFFFFF;
	(pc) =	sbr.abs _section_cstart, $3  }
0xc2: {  	[dreg:$0x1] =	wrdreg $0xFFFFFFFF  }
0xc3: {  	_ =	task.clear_ibuf [dreg:s8], $0x2FFFF;
	_ =	strace $0x9FFFFFFF  }
0xc4: {  	(tm) =	ssettm $0x7FFFFFFF  }
0xc5: {  	_ =	shalt  }
tec
execute0_lowered:
.L_overlay_start_1:
0x0: {  	(tag) =	ssettag $0x1  }
0x1: {  	s0 =	rddreg [dreg:$0x0]  }
0x2: {  	s1 =	rddreg [dreg:$0x1]  }
0x3: {  	s2 =	rddreg [dreg:$0x2]  }
0x4: {  	s3 =	simm.s32 $0x0;
	s4 =	srdreg.scid;
	s5 =	stileid.u32  }
0x5: {  	s10 =	simm.s32 $0x64;
	s11 =	simm.s32 $0x2000;
	s13 =	simm.s32 $0x5400  }
0x6: {  	s15 =	simm.s32 $0x8800;
	s17 =	simm.s32 $0xBC00;
	s19 =	simm.s32 $0xF000  }
0x7: {  	s21 =	simm.s32 $0x12400;
	s23 =	simm.s32 $0x15800;
	s25 =	simm.s32 $0x18C00  }
0x8: {  	s26 =	simm.s32 $0x1;
	s29 =	simm.s32 $0x6D00;
	s30 =	simm.s32 $0xA100  }
0x9: {  	s31 =	simm.s32 $0xD500;
	s12 =	simm.s32 $0x17100;
	s14 =	simm.s32 $0x1A500  }
0xa: {  	s16 =	simm.s32 $0x2;
	[smem:$0x7FF] =	sst s3;
	s4 =	sand.u32 $0x1, s4  }
0xb: {  	s5 =	sshll.u32 s5, $0x1;
	_ =	strace $0x80000047;
	s6 =	ssub.s32 $0x2, s4  }
.Ltmp0:
0xc: {  	s5 =	sor.u32 s4, s5;
	s4 =	sadd.s32 $0x400, s2;
	(pc) =	sbr.rel .LBB2_1-.Ltmp0, $4  }
0xd: {  	s7 =	sshrl.u32 s6, $0x1;
	s8 =	sshll.u32 s5, $0xA;
	s5 =	sshll.u32 s5, $0x7  }
0xe: {  	s6 =	ssub.s32 s6, s7;
	s0 =	sadd.s32 s0, s8;
	s7 =	sadd.s32 $0x780, s2  }
0xf: {  	s2 =	simm.s32 $0x13D00;
	[dreg:$0x4] =	wrdreg s0;
	s28 =	smax.u32 s6, $0x1  }
0x10: {  	s8 =	simm.s32 $0x0;
	s0 =	simm.s32 $0x10900;
	[dreg:$0x5] =	wrdreg s28  }
.LBB2_20:
0x11: {  	_ =	swait.ge [sflag:s16], $0x1900  }
0x12: {  	[sflag:s16] =	ssyncset.done $0x0  }
0x13: {  	[sflag:s16] =	ssyncadd.s32 $0xFFFFE700  }
0x14: {  	_ =	swait.ge [sflag:s16], $0x1900  }
0x15: {  	[sflag:s16] =	ssyncset.done $0x0  }
0x16: {  	[sflag:s16] =	ssyncadd.s32 $0xFFFFE700  }
0x17: {  	_ =	swait.ge [sflag:s16], $0x1900  }
0x18: {  	[sflag:s16] =	ssyncset.done $0x0  }
0x19: {  	[sflag:s16] =	ssyncadd.s32 $0xFFFFE700  }
0x1a: {  	_ =	swait.ge [sflag:s16], $0x1900  }
0x1b: {  	[sflag:s16] =	ssyncset.done $0x0  }
0x1c: {  	[sflag:s16] =	ssyncadd.s32 $0xFFFFE700  }
0x1d: {  	_ =	swait.ge [sflag:s16], $0x1900  }
0x1e: {  	[sflag:s16] =	ssyncset.done $0x0  }
0x1f: {  	[sflag:s16] =	ssyncadd.s32 $0xFFFFE700  }
0x20: {  	_ =	swait.ge [sflag:s16], $0x1900  }
0x21: {  	[sflag:s16] =	ssyncset.done $0x0  }
0x22: {  	[sflag:s16] =	ssyncadd.s32 $0xFFFFE700  }
0x23: {  	_ =	swait.ge [sflag:s16], $0x1900  }
0x24: {  	[sflag:s16] =	ssyncset.done $0x0  }
0x25: {  	[sflag:s16] =	ssyncadd.s32 $0xFFFFE700  }
0x26: {  	_ =	swait.ge [sflag:s16], $0x1900  }
0x27: {  	[sflag:s16] =	ssyncset.done $0x0  }
0x28: {  	[sflag:s16] =	ssyncadd.s32 $0xFFFFE700  }
0x29: {  	_ =	swait.ge [sflag:s16], $0x1900  }
0x2a: {  	[sflag:s16] =	ssyncset.done $0x0  }
0x2b: {  	[sflag:s16] =	ssyncadd.s32 $0xFFFFE700  }
0x2c: {  	_ =	swait.ge [sflag:s16], $0x1900  }
0x2d: {  	[sflag:s16] =	ssyncset.done $0x0  }
0x2e: {  	[sflag:s16] =	ssyncadd.s32 $0xFFFFE700  }
0x2f: {  	_ =	swait.ge [sflag:s16], $0x1900  }
0x30: {  	[sflag:s16] =	ssyncset.done $0x0  }
0x31: {  	[sflag:s16] =	ssyncadd.s32 $0xFFFFE700  }
0x32: {  	_ =	swait.ge [sflag:s16], $0x1900  }
0x33: {  	[sflag:s16] =	ssyncset.done $0x0  }
0x34: {  	[sflag:s16] =	ssyncadd.s32 $0xFFFFE700  }
0x35: {  	_ =	swait.ge [sflag:s16], $0x1900  }
0x36: {  	[sflag:s16] =	ssyncset.done $0x0  }
0x37: {  	[sflag:s16] =	ssyncadd.s32 $0xFFFFE700  }
0x38: {  	_ =	swait.ge [sflag:s16], $0x1900  }
0x39: {  	s8 =	rddreg [dreg:$0x6]  }
0x3a: {  	s6 =	rddreg [dreg:$0x5];
	s8 =	sadd.s32 $0x1, s8  }
0x3b: {  	p0 =	sne.s32 s8, s6  }
.Ltmp1:
0x3c: {  	_ = 	snop;
	(pc) =	sbr.rel @!p0 .LBB2_21-.Ltmp1, $3  }
0x3d: {  	_ =	sdelay $0x1  }
0x3e: {  	[sflag:s16] =	ssyncset.done $0x0  }
0x3f: {  	[sflag:s16] =	ssyncadd.s32 $0xFFFFE700  }
.LBB2_1:
0x40: {  	[dreg:$0x6] =	wrdreg s8  }
0x41: {  	s6 =	rddreg [dreg:$0x4];
	s28 =	simm.s32 $0x3  }
0x42: {  	[tilespmem:s3], [sflag:$0x3] =	stream.linear.gather [hbm4b:s6+s3], $0x2000, $0x38;
	[tilespmem:$0x1C000] =	vst v63  }
0x43: {  	_ =	swait.ge [sflag:s28], $0x2000  }
0x44: {  	[sflag:s28] =	ssyncset.done $0x0  }
0x45: {  	[sflag:s28] =	ssyncadd.s32 $0xFFFFE000  }
0x46: {  	[tilespmem:s11], [sflag:$0x1] =	stream.indirect.gather [hbm4b:s1+s10], $0x80, s3, s10, $0xb8;
	[tilespmem:$0x1C000] =	vst v63  }
0x47: {  	s8 =	simm.s32 $0x80  }
0x48: {  	[tilespmem:s13], [sflag:$0x1] =	stream.indirect.gather [hbm4b:s1+s10], $0x80, s8, s10, $0xb8;
	[tilespmem:$0x1C000] =	vst v63  }
0x49: {  	s9 =	simm.s32 $0x100  }
0x4a: {  	[tilespmem:s15], [sflag:$0x1] =	stream.indirect.gather [hbm4b:s1+s10], $0x80, s9, s10, $0xb8;
	[tilespmem:$0x1C000] =	vst v63  }
0x4b: {  	s18 =	simm.s32 $0x180  }
0x4c: {  	[tilespmem:s17], [sflag:$0x1] =	stream.indirect.gather [hbm4b:s1+s10], $0x80, s18, s10, $0xb8;
	[tilespmem:$0x1C000] =	vst v63  }
0x4d: {  	s20 =	simm.s32 $0x200  }
0x4e: {  	[tilespmem:s19], [sflag:$0x1] =	stream.indirect.gather [hbm4b:s1+s10], $0x80, s20, s10, $0xb8;
	[tilespmem:$0x1C000] =	vst v63  }
0x4f: {  	s22 =	simm.s32 $0x280  }
0x50: {  	[tilespmem:s21], [sflag:$0x1] =	stream.indirect.gather [hbm4b:s1+s10], $0x80, s22, s10, $0xb8;
	[tilespmem:$0x1C000] =	vst v63  }
0x51: {  	s24 =	simm.s32 $0x300  }
0x52: {  	[tilespmem:s23], [sflag:$0x1] =	stream.indirect.gather [hbm4b:s1+s10], $0x80, s24, s10, $0xb8;
	[tilespmem:$0x1C000] =	vst v63  }
0x53: {  	s28 =	simm.s32 $0x380;
	s20 =	simm.s32 $0x0  }
0x54: {  	[tilespmem:s25], [sflag:$0x1] =	stream.indirect.gather [hbm4b:s1+s10], $0x80, s28, s10, $0xb8;
	[tilespmem:$0x1C000] =	vst v63  }
.LBB2_2:
0x55: {  	_ =	swait.ge [sflag:s26], $0x3200  }
0x56: {  	[sflag:s26] =	ssyncset.done $0x0  }
0x57: {  	s6 =	simm.s32 $0x2100;
	[sflag:s26] =	ssyncadd.s32 $0xFFFFCE00  }
0x58: {  	v0 =	vld [tilespmem:s6+$0xF0]  }
0x59: {  	v1 =	vld [tilespmem:s6+$0xFFFFFF10]  }
0x5a: {  	v2 =	vld [tilespmem:s6+$0xFFFFFF20]  }
0x5b: {  	v3 =	vld [tilespmem:s6+$0xFFFFFF30]  }
0x5c: {  	v6 =	vld [tilespmem:s6+$0xFFFFFF60]  }
0x5d: {  	v4 =	vld [tilespmem:s6+$0xFFFFFF40]  }
0x5e: {  	v5 =	vld [tilespmem:s6+$0xFFFFFF50];
	v0 =	vmul.f32 $1.131370830e+01, v0  }
0x5f: {  	v8 =	vld [tilespmem:s6+$0xFFFFFF80];
	v1 =	vmul.f32 $1.131370830e+01, v1  }
0x60: {  	v7 =	vld [tilespmem:s6+$0xFFFFFF70];
	v2 =	vmul.f32 $1.131370830e+01, v2;
	[tilespmem:s6+$0xF0] =	vst v0  }
0x61: {  	v6 =	vmul.f32 $1.131370830e+01, v6;
	v0 =	vld [tilespmem:s6+$0xFFFFFF90];
	[tilespmem:s6+$0xFFFFFF10] =	vst v1  }
0x62: {  	v1 =	vmul.f32 $1.131370830e+01, v3;
	v3 =	vld [tilespmem:s6+$0xFFFFFFA0];
	[tilespmem:s6+$0xFFFFFF20] =	vst v2;
	v2 =	vmul.f32 $1.131370830e+01, v4  }
0x63: {  	[tilespmem:s6+$0xFFFFFF60] =	vst v6;
	v6 =	vld [tilespmem:s6+$0xFFFFFFF0]  }
0x64: {  	v4 =	vld [tilespmem:s6+$0xFFFFFFB0];
	[tilespmem:s6+$0xFFFFFF40] =	vst v2;
	v2 =	vmul.f32 $1.131370830e+01, v8  }
0x65: {  	[tilespmem:s6+$0xFFFFFF30] =	vst v1;
	v1 =	vmul.f32 $1.131370830e+01, v5;
	v5 =	vld [tilespmem:s6+$0xFFFFFFC0]  }
0x66: {  	v8 =	vld [tilespmem:s6+$0xFFFFFFD0];
	[tilespmem:s6+$0xFFFFFF80] =	vst v2;
	v2 =	vmul.f32 $1.131370830e+01, v7  }
0x67: {  	[tilespmem:s6+$0xFFFFFF50] =	vst v1;
	v1 =	vld [tilespmem:s6+$0xFFFFFFE0];
	v0 =	vmul.f32 $1.131370830e+01, v0  }
0x68: {  	v7 =	vld [tilespmem:s6+$0x30];
	v6 =	vmul.f32 $1.131370830e+01, v6;
	[tilespmem:s6+$0xFFFFFF70] =	vst v2  }
0x69: {  	v2 =	vmul.f32 $1.131370830e+01, v3;
	v3 =	vld [tilespmem:s6+$0x0];
	[tilespmem:s6+$0xFFFFFF90] =	vst v0  }
0x6a: {  	v0 =	vmul.f32 $1.131370830e+01, v4;
	v4 =	vld [tilespmem:s6+$0x10];
	[tilespmem:s6+$0xFFFFFFF0] =	vst v6  }
0x6b: {  	[tilespmem:s6+$0xFFFFFFA0] =	vst v2;
	v2 =	vmul.f32 $1.131370830e+01, v5;
	v5 =	vld [tilespmem:s6+$0x20]  }
0x6c: {  	v6 =	vld [tilespmem:s6+$0x80];
	[tilespmem:s6+$0xFFFFFFB0] =	vst v0;
	v0 =	vmul.f32 $1.131370830e+01, v8  }
0x6d: {  	v1 =	vmul.f32 $1.131370830e+01, v1;
	[tilespmem:s6+$0xFFFFFFC0] =	vst v2;
	v2 =	vld [tilespmem:s6+$0x40]  }
0x6e: {  	[tilespmem:s6+$0xFFFFFFD0] =	vst v0;
	v0 =	vmul.f32 $1.131370830e+01, v3;
	v3 =	vld [tilespmem:s6+$0x50]  }
0x6f: {  	[tilespmem:s6+$0xFFFFFFE0] =	vst v1;
	v1 =	vld [tilespmem:s6+$0x60];
	v4 =	vmul.f32 $1.131370830e+01, v4  }
0x70: {  	[tilespmem:s6+$0x0] =	vst v0;
	v0 =	vmul.f32 $1.131370830e+01, v5;
	v5 =	vld [tilespmem:s6+$0x70]  }
0x71: {  	v6 =	vmul.f32 $1.131370830e+01, v6;
	[tilespmem:s6+$0x10] =	vst v4  }
0x72: {  	v4 =	vmul.f32 $1.131370830e+01, v7;
	v7 =	vld [tilespmem:s6+$0x90];
	[tilespmem:s6+$0x20] =	vst v0;
	v0 =	vmul.f32 $1.131370830e+01, v2  }
0x73: {  	v8 =	vld [tilespmem:s6+$0xA0];
	[tilespmem:s6+$0x80] =	vst v6;
	v2 =	vmul.f32 $1.131370830e+01, v3  }
0x74: {  	[tilespmem:s6+$0x40] =	vst v0;
	v0 =	vld [tilespmem:s6+$0xB0]  }
0x75: {  	v3 =	vmul.f32 $1.131370830e+01, v1;
	v1 =	vld [tilespmem:s6+$0xC0];
	[tilespmem:s6+$0x50] =	vst v2;
	v2 =	vmul.f32 $1.131370830e+01, v5  }
0x76: {  	[tilespmem:s6+$0x30] =	vst v4;
	v4 =	vld [tilespmem:s6+$0xD0]  }
0x77: {  	v5 =	vmul.f32 $1.131370830e+01, v7;
	[tilespmem:s6+$0x70] =	vst v2;
	v2 =	vld [tilespmem:s6+$0xE0]  }
0x78: {  	s8 =	simm.s32 $0x0;
	s9 =	simm.s32 $0x2300;
	v6 =	vmul.f32 $1.131370830e+01, v8;
	[tilespmem:s6+$0x60] =	vst v3;
	v3 =	vld [tilespmem:s6+$0xFFFFFF00]  }
.LBB2_3:
0x79: {  	v7 =	vld [tilespmem:s9+$0xF0];
	s8 =	sadd.s32 $0x4, s8;
	[tilespmem:s6+$0x90] =	vst v5;
	v0 =	vmul.f32 $1.131370830e+01, v0  }
0x7a: {  	v5 =	vld [tilespmem:s9+$0xFFFFFF10];
	p0 =	slt.u32 s8, $0x60;
	[tilespmem:s6+$0xA0] =	vst v6;
	v1 =	vmul.f32 $1.131370830e+01, v1  }
0x7b: {  	v6 =	vld [tilespmem:s9+$0xFFFFFF20];
	[tilespmem:s6+$0xB0] =	vst v0;
	v0 =	vmul.f32 $1.131370830e+01, v4  }
0x7c: {  	v4 =	vld [tilespmem:s9+$0xFFFFFF30];
	[tilespmem:s6+$0xC0] =	vst v1;
	v1 =	vmul.f32 $1.131370830e+01, v2  }
0x7d: {  	v2 =	vld [tilespmem:s9+$0xFFFFFF40];
	v3 =	vmul.f32 $1.131370830e+01, v3;
	[tilespmem:s6+$0xD0] =	vst v0  }
0x7e: {  	v0 =	vld [tilespmem:s9+$0xFFFFFF50];
	v7 =	vmul.f32 $1.131370830e+01, v7;
	[tilespmem:s6+$0xE0] =	vst v1  }
0x7f: {  	v1 =	vmul.f32 $1.131370830e+01, v5;
	v5 =	vld [tilespmem:s9+$0xFFFFFF60];
	[tilespmem:s6+$0xFFFFFF00] =	vst v3;
	s6 =	smov.u32 s9  }
0x80: {  	v3 =	vmul.f32 $1.131370830e+01, v6;
	v6 =	vld [tilespmem:s9+$0xFFFFFF70];
	[tilespmem:s9+$0xF0] =	vst v7  }
0x81: {  	[tilespmem:s9+$0xFFFFFF10] =	vst v1;
	v1 =	vmul.f32 $1.131370830e+01, v4;
	v4 =	vld [tilespmem:s9+$0xFFFFFF80]  }
0x82: {  	[tilespmem:s9+$0xFFFFFF20] =	vst v3;
	v2 =	vmul.f32 $1.131370830e+01, v2;
	v3 =	vld [tilespmem:s9+$0xFFFFFF90]  }
0x83: {  	[tilespmem:s9+$0xFFFFFF30] =	vst v1;
	v0 =	vmul.f32 $1.131370830e+01, v0;
	v1 =	vld [tilespmem:s9+$0xFFFFFFA0]  }
0x84: {  	[tilespmem:s9+$0xFFFFFF40] =	vst v2;
	v2 =	vmul.f32 $1.131370830e+01, v5;
	v5 =	vld [tilespmem:s9+$0xFFFFFFB0]  }
0x85: {  	[tilespmem:s9+$0xFFFFFF50] =	vst v0;
	v0 =	vmul.f32 $1.131370830e+01, v6;
	v6 =	vld [tilespmem:s9+$0xFFFFFFC0]  }
0x86: {  	[tilespmem:s9+$0xFFFFFF60] =	vst v2;
	v2 =	vmul.f32 $1.131370830e+01, v4;
	v4 =	vld [tilespmem:s9+$0xFFFFFFD0]  }
0x87: {  	[tilespmem:s9+$0xFFFFFF70] =	vst v0;
	v0 =	vmul.f32 $1.131370830e+01, v3;
	v3 =	vld [tilespmem:s9+$0xFFFFFFE0]  }
0x88: {  	[tilespmem:s9+$0xFFFFFF80] =	vst v2;
	v1 =	vmul.f32 $1.131370830e+01, v1;
	v2 =	vld [tilespmem:s9+$0xFFFFFFF0]  }
0x89: {  	[tilespmem:s9+$0xFFFFFF90] =	vst v0;
	v0 =	vmul.f32 $1.131370830e+01, v5;
	v5 =	vld [tilespmem:s9+$0x0]  }
0x8a: {  	[tilespmem:s9+$0xFFFFFFA0] =	vst v1;
	v1 =	vmul.f32 $1.131370830e+01, v6;
	v6 =	vld [tilespmem:s9+$0x10]  }
0x8b: {  	[tilespmem:s9+$0xFFFFFFB0] =	vst v0;
	v0 =	vmul.f32 $1.131370830e+01, v4;
	v4 =	vld [tilespmem:s9+$0x20]  }
0x8c: {  	[tilespmem:s9+$0xFFFFFFC0] =	vst v1;
	v1 =	vmul.f32 $1.131370830e+01, v3;
	v3 =	vld [tilespmem:s9+$0x30]  }
0x8d: {  	[tilespmem:s9+$0xFFFFFFD0] =	vst v0;
	v0 =	vmul.f32 $1.131370830e+01, v2;
	v2 =	vld [tilespmem:s9+$0x40]  }
0x8e: {  	[tilespmem:s9+$0xFFFFFFE0] =	vst v1;
	v1 =	vmul.f32 $1.131370830e+01, v5;
	v5 =	vld [tilespmem:s9+$0x50]  }
0x8f: {  	[tilespmem:s9+$0xFFFFFFF0] =	vst v0;
	v0 =	vmul.f32 $1.131370830e+01, v6;
	v6 =	vld [tilespmem:s9+$0x60]  }
0x90: {  	[tilespmem:s9+$0x0] =	vst v1;
	v1 =	vmul.f32 $1.131370830e+01, v4;
	v4 =	vld [tilespmem:s9+$0x70]  }
0x91: {  	[tilespmem:s9+$0x10] =	vst v0;
	v0 =	vmul.f32 $1.131370830e+01, v3;
	v3 =	vld [tilespmem:s9+$0x80]  }
0x92: {  	[tilespmem:s9+$0x20] =	vst v1;
	v1 =	vmul.f32 $1.131370830e+01, v2;
	v2 =	vld [tilespmem:s9+$0x90]  }
0x93: {  	[tilespmem:s9+$0x30] =	vst v0;
	v5 =	vmul.f32 $1.131370830e+01, v5;
	v7 =	vld [tilespmem:s9+$0xA0]  }
.Ltmp2:
0x94: {  	[tilespmem:s9+$0x40] =	vst v1;
	v6 =	vmul.f32 $1.131370830e+01, v6;
	v0 =	vld [tilespmem:s9+$0xB0];
	(pc) =	sbr.rel @p0 .LBB2_3-.Ltmp2, $4  }
0x95: {  	[tilespmem:s9+$0x50] =	vst v5;
	v5 =	vmul.f32 $1.131370830e+01, v4;
	v1 =	vld [tilespmem:s9+$0xC0]  }
0x96: {  	[tilespmem:s9+$0x60] =	vst v6;
	v6 =	vmul.f32 $1.131370830e+01, v3;
	v4 =	vld [tilespmem:s9+$0xD0]  }
0x97: {  	[tilespmem:s9+$0x70] =	vst v5;
	v5 =	vmul.f32 $1.131370830e+01, v2;
	v2 =	vld [tilespmem:s9+$0xE0]  }
0x98: {  	s9 =	sadd.s32 $0x200, s9;
	v3 =	vld [tilespmem:s6+$0xFFFFFF00];
	[tilespmem:s6+$0x80] =	vst v6;
	v6 =	vmul.f32 $1.131370830e+01, v7  }
0x99: {  	[tilespmem:s6+$0x90] =	vst v5;
	v0 =	vmul.f32 $1.131370830e+01, v0  }
0x9a: {  	[tilespmem:s6+$0xA0] =	vst v6;
	v1 =	vmul.f32 $1.131370830e+01, v1  }
0x9b: {  	s8 =	sshll.u32 s20, $0x4;
	[tilespmem:s6+$0xB0] =	vst v0;
	v0 =	vmul.f32 $1.131370830e+01, v4  }
0x9c: {  	s24 =	sor.u32 s5, s8;
	[tilespmem:s6+$0xC0] =	vst v1;
	v1 =	vmul.f32 $1.131370830e+01, v2  }
0x9d: {  	s8 =	smul.u32 $0x380, s24;
	v2 =	vmul.f32 $1.131370830e+01, v3;
	[tilespmem:s6+$0xD0] =	vst v0  }
0x9e: {  	[tilespmem:s6+$0xE0] =	vst v1  }
0x9f: {  	p0 =	seq.s32 s20, $0x7;
	s18 =	sadd.s32 s4, s8;
	[tilespmem:s6+$0xFFFFFF00] =	vst v2  }
0xa0: {  	[hbm4b:s18+s3] =	stream.linear.scatter [tilespmem:s11], [sflag:$0x2], $0x1900, $0x38;
	[tilespmem:$0x1C000] =	vst v63  }
0xa1: {  	s9 =	simm.s32 $0x3900;
	s22 =	sadd.s32 s8, s7;
	s6 =	simm.s32 @!p0 $0x2  }
0xa2: {  	[hbm4b:s22+s3] =	stream.linear.scatter [tilespmem:s9], [sflag:$0x2], $0x1900, $0x38;
	[tilespmem:$0x1C000] =	vst v63  }
0xa3: {  	_ =	swait.ge @!p0 [sflag:s6], $0x1900  }
0xa4: {  	[sflag:s6] =	ssyncset.done @!p0 $0x0  }
0xa5: {  	[sflag:s6] =	ssyncadd.s32 @!p0 $0xFFFFE700  }
0xa6: {  	_ =	swait.ge @!p0 [sflag:s6], $0x1900  }
0xa7: {  	s22 =	sshll.u32 s20, $0xC;
	[sflag:s6] =	ssyncset.done @!p0 $0x0  }
0xa8: {  	[sflag:s6] =	ssyncadd.s32 @!p0 $0xFFFFE700;
	s6 =	sshrl.u32 @!p0 s22, $0x2  }
0xa9: {  	s28 =	simm.s32 @!p0 $0x2000;
	s18 =	simm.s32 @!p0 $0x64;
	s9 =	sadd.s32 @!p0 $0x400, s6  }
0xaa: {  	[tilespmem:s28], [sflag:$0x1] =	stream.indirect.gather @!p0 [hbm4b:s1+s18], $0x80, s9, s18, $0xb8;
	[tilespmem:$0x1C000] =	vst v63  }
0xab: {  	_ =	swait.ge [sflag:s26], $0x3200  }
0xac: {  	[sflag:s26] =	ssyncset.done $0x0  }
0xad: {  	s9 =	simm.s32 $0x55F0;
	[sflag:s26] =	ssyncadd.s32 $0xFFFFCE00  }
0xae: {  	v0 =	vld [tilespmem:s9+$0x0]  }
0xaf: {  	v1 =	vld [tilespmem:s9+$0xFFFFFE20]  }
0xb0: {  	v2 =	vld [tilespmem:s9+$0xFFFFFE30]  }
0xb1: {  	v3 =	vld [tilespmem:s9+$0xFFFFFE40]  }
0xb2: {  	v6 =	vld [tilespmem:s9+$0xFFFFFE70]  }
0xb3: {  	v4 =	vld [tilespmem:s9+$0xFFFFFE50]  }
0xb4: {  	v5 =	vld [tilespmem:s9+$0xFFFFFE60];
	v0 =	vmul.f32 $1.131370830e+01, v0  }
0xb5: {  	v8 =	vld [tilespmem:s9+$0xFFFFFE90];
	v1 =	vmul.f32 $1.131370830e+01, v1  }
0xb6: {  	v7 =	vld [tilespmem:s9+$0xFFFFFE80];
	v2 =	vmul.f32 $1.131370830e+01, v2;
	[tilespmem:s9+$0x0] =	vst v0  }
0xb7: {  	v6 =	vmul.f32 $1.131370830e+01, v6;
	v0 =	vld [tilespmem:s9+$0xFFFFFEA0];
	[tilespmem:s9+$0xFFFFFE20] =	vst v1  }
0xb8: {  	v1 =	vmul.f32 $1.131370830e+01, v3;
	v3 =	vld [tilespmem:s9+$0xFFFFFEB0];
	[tilespmem:s9+$0xFFFFFE30] =	vst v2;
	v2 =	vmul.f32 $1.131370830e+01, v4  }
0xb9: {  	[tilespmem:s9+$0xFFFFFE70] =	vst v6;
	v6 =	vld [tilespmem:s9+$0xFFFFFF00]  }
0xba: {  	v4 =	vld [tilespmem:s9+$0xFFFFFEC0];
	[tilespmem:s9+$0xFFFFFE50] =	vst v2;
	v2 =	vmul.f32 $1.131370830e+01, v8  }
0xbb: {  	[tilespmem:s9+$0xFFFFFE40] =	vst v1;
	v1 =	vmul.f32 $1.131370830e+01, v5;
	v5 =	vld [tilespmem:s9+$0xFFFFFED0]  }
0xbc: {  	v8 =	vld [tilespmem:s9+$0xFFFFFEE0];
	[tilespmem:s9+$0xFFFFFE90] =	vst v2;
	v2 =	vmul.f32 $1.131370830e+01, v7  }
0xbd: {  	[tilespmem:s9+$0xFFFFFE60] =	vst v1;
	v1 =	vld [tilespmem:s9+$0xFFFFFEF0];
	v0 =	vmul.f32 $1.131370830e+01, v0  }
0xbe: {  	v7 =	vld [tilespmem:s9+$0xFFFFFF40];
	v6 =	vmul.f32 $1.131370830e+01, v6;
	[tilespmem:s9+$0xFFFFFE80] =	vst v2  }
0xbf: {  	v2 =	vmul.f32 $1.131370830e+01, v3;
	v3 =	vld [tilespmem:s9+$0xFFFFFF10];
	[tilespmem:s9+$0xFFFFFEA0] =	vst v0  }
0xc0: {  	v0 =	vmul.f32 $1.131370830e+01, v4;
	v4 =	vld [tilespmem:s9+$0xFFFFFF20];
	[tilespmem:s9+$0xFFFFFF00] =	vst v6  }
0xc1: {  	[tilespmem:s9+$0xFFFFFEB0] =	vst v2;
	v2 =	vmul.f32 $1.131370830e+01, v5;
	v5 =	vld [tilespmem:s9+$0xFFFFFF30]  }
0xc2: {  	v6 =	vld [tilespmem:s9+$0xFFFFFF90];
	[tilespmem:s9+$0xFFFFFEC0] =	vst v0;
	v0 =	vmul.f32 $1.131370830e+01, v8  }
0xc3: {  	v1 =	vmul.f32 $1.131370830e+01, v1;
	[tilespmem:s9+$0xFFFFFED0] =	vst v2;
	v2 =	vld [tilespmem:s9+$0xFFFFFF50]  }
0xc4: {  	[tilespmem:s9+$0xFFFFFEE0] =	vst v0;
	v0 =	vmul.f32 $1.131370830e+01, v3  }
0xc5: {  	v3 =	vld [tilespmem:s9+$0xFFFFFF60];
	[tilespmem:s9+$0xFFFFFEF0] =	vst v1;
	v4 =	vmul.f32 $1.131370830e+01, v4  }
0xc6: {  	v1 =	vld [tilespmem:s9+$0xFFFFFF70];
	[tilespmem:s9+$0xFFFFFF10] =	vst v0;
	v0 =	vmul.f32 $1.131370830e+01, v5  }
0xc7: {  	v6 =	vmul.f32 $1.131370830e+01, v6;
	v5 =	vld [tilespmem:s9+$0xFFFFFF80];
	[tilespmem:s9+$0xFFFFFF20] =	vst v4  }
0xc8: {  	v4 =	vmul.f32 $1.131370830e+01, v7;
	v7 =	vld [tilespmem:s9+$0xFFFFFFA0];
	[tilespmem:s9+$0xFFFFFF30] =	vst v0;
	v0 =	vmul.f32 $1.131370830e+01, v2  }
0xc9: {  	v8 =	vld [tilespmem:s9+$0xFFFFFFB0];
	[tilespmem:s9+$0xFFFFFF90] =	vst v6  }
0xca: {  	v2 =	vmul.f32 $1.131370830e+01, v3;
	[tilespmem:s9+$0xFFFFFF50] =	vst v0;
	v0 =	vld [tilespmem:s9+$0xFFFFFFC0]  }
0xcb: {  	[tilespmem:s9+$0xFFFFFF40] =	vst v4;
	v3 =	vmul.f32 $1.131370830e+01, v1;
	v1 =	vld [tilespmem:s9+$0xFFFFFFD0]  }
0xcc: {  	[tilespmem:s9+$0xFFFFFF60] =	vst v2;
	v4 =	vmul.f32 $1.131370830e+01, v5;
	v2 =	vld [tilespmem:s9+$0xFFFFFFE0]  }
0xcd: {  	[tilespmem:s9+$0xFFFFFF70] =	vst v3;
	v3 =	vld [tilespmem:s9+$0xFFFFFFF0];
	v5 =	vmul.f32 $1.131370830e+01, v7  }
0xce: {  	s18 =	simm.s32 $0x0;
	s28 =	simm.s32 $0x57F0;
	v6 =	vmul.f32 $1.131370830e+01, v8;
	[tilespmem:s9+$0xFFFFFF80] =	vst v4;
	v4 =	vld [tilespmem:s9+$0xFFFFFE10]  }
.LBB2_5:
0xcf: {  	v7 =	vld [tilespmem:s28+$0x0];
	s18 =	sadd.s32 $0x4, s18;
	[tilespmem:s9+$0xFFFFFFA0] =	vst v5;
	v0 =	vmul.f32 $1.131370830e+01, v0  }
0xd0: {  	v5 =	vld [tilespmem:s28+$0xFFFFFE20];
	p1 =	slt.u32 s18, $0x60;
	[tilespmem:s9+$0xFFFFFFB0] =	vst v6;
	v1 =	vmul.f32 $1.131370830e+01, v1  }
0xd1: {  	v6 =	vld [tilespmem:s28+$0xFFFFFE30];
	[tilespmem:s9+$0xFFFFFFC0] =	vst v0;
	v0 =	vmul.f32 $1.131370830e+01, v2  }
0xd2: {  	v2 =	vld [tilespmem:s28+$0xFFFFFE40];
	[tilespmem:s9+$0xFFFFFFD0] =	vst v1;
	v1 =	vmul.f32 $1.131370830e+01, v3  }
0xd3: {  	v3 =	vld [tilespmem:s28+$0xFFFFFE50];
	v4 =	vmul.f32 $1.131370830e+01, v4;
	[tilespmem:s9+$0xFFFFFFE0] =	vst v0  }
0xd4: {  	v0 =	vld [tilespmem:s28+$0xFFFFFE60];
	v7 =	vmul.f32 $1.131370830e+01, v7;
	[tilespmem:s9+$0xFFFFFFF0] =	vst v1  }
0xd5: {  	v1 =	vmul.f32 $1.131370830e+01, v5;
	v5 =	vld [tilespmem:s28+$0xFFFFFE70];
	[tilespmem:s9+$0xFFFFFE10] =	vst v4;
	s9 =	smov.u32 s28  }
0xd6: {  	v4 =	vmul.f32 $1.131370830e+01, v6;
	v6 =	vld [tilespmem:s28+$0xFFFFFE80];
	[tilespmem:s28+$0x0] =	vst v7  }
0xd7: {  	[tilespmem:s28+$0xFFFFFE20] =	vst v1;
	v1 =	vmul.f32 $1.131370830e+01, v2;
	v2 =	vld [tilespmem:s28+$0xFFFFFE90]  }
0xd8: {  	[tilespmem:s28+$0xFFFFFE30] =	vst v4;
	v3 =	vmul.f32 $1.131370830e+01, v3;
	v4 =	vld [tilespmem:s28+$0xFFFFFEA0]  }
0xd9: {  	[tilespmem:s28+$0xFFFFFE40] =	vst v1;
	v0 =	vmul.f32 $1.131370830e+01, v0;
	v1 =	vld [tilespmem:s28+$0xFFFFFEB0]  }
0xda: {  	[tilespmem:s28+$0xFFFFFE50] =	vst v3;
	v3 =	vmul.f32 $1.131370830e+01, v5;
	v5 =	vld [tilespmem:s28+$0xFFFFFEC0]  }
0xdb: {  	[tilespmem:s28+$0xFFFFFE60] =	vst v0;
	v0 =	vmul.f32 $1.131370830e+01, v6;
	v6 =	vld [tilespmem:s28+$0xFFFFFED0]  }
0xdc: {  	[tilespmem:s28+$0xFFFFFE70] =	vst v3;
	v2 =	vmul.f32 $1.131370830e+01, v2;
	v3 =	vld [tilespmem:s28+$0xFFFFFEE0]  }
0xdd: {  	[tilespmem:s28+$0xFFFFFE80] =	vst v0;
	v0 =	vmul.f32 $1.131370830e+01, v4;
	v4 =	vld [tilespmem:s28+$0xFFFFFEF0]  }
0xde: {  	[tilespmem:s28+$0xFFFFFE90] =	vst v2;
	v1 =	vmul.f32 $1.131370830e+01, v1;
	v2 =	vld [tilespmem:s28+$0xFFFFFF00]  }
0xdf: {  	[tilespmem:s28+$0xFFFFFEA0] =	vst v0;
	v0 =	vmul.f32 $1.131370830e+01, v5;
	v5 =	vld [tilespmem:s28+$0xFFFFFF10]  }
0xe0: {  	[tilespmem:s28+$0xFFFFFEB0] =	vst v1;
	v1 =	vmul.f32 $1.131370830e+01, v6;
	v6 =	vld [tilespmem:s28+$0xFFFFFF20]  }
0xe1: {  	[tilespmem:s28+$0xFFFFFEC0] =	vst v0;
	v0 =	vmul.f32 $1.131370830e+01, v3;
	v3 =	vld [tilespmem:s28+$0xFFFFFF30]  }
0xe2: {  	[tilespmem:s28+$0xFFFFFED0] =	vst v1;
	v1 =	vmul.f32 $1.131370830e+01, v4;
	v4 =	vld [tilespmem:s28+$0xFFFFFF40]  }
0xe3: {  	[tilespmem:s28+$0xFFFFFEE0] =	vst v0;
	v0 =	vmul.f32 $1.131370830e+01, v2;
	v2 =	vld [tilespmem:s28+$0xFFFFFF50]  }
0xe4: {  	[tilespmem:s28+$0xFFFFFEF0] =	vst v1;
	v1 =	vmul.f32 $1.131370830e+01, v5;
	v5 =	vld [tilespmem:s28+$0xFFFFFF60]  }
0xe5: {  	[tilespmem:s28+$0xFFFFFF00] =	vst v0;
	v0 =	vmul.f32 $1.131370830e+01, v6;
	v6 =	vld [tilespmem:s28+$0xFFFFFF70]  }
0xe6: {  	[tilespmem:s28+$0xFFFFFF10] =	vst v1;
	v1 =	vmul.f32 $1.131370830e+01, v3;
	v3 =	vld [tilespmem:s28+$0xFFFFFF80]  }
0xe7: {  	[tilespmem:s28+$0xFFFFFF20] =	vst v0;
	v0 =	vmul.f32 $1.131370830e+01, v4;
	v4 =	vld [tilespmem:s28+$0xFFFFFF90]  }
0xe8: {  	[tilespmem:s28+$0xFFFFFF30] =	vst v1;
	v1 =	vmul.f32 $1.131370830e+01, v2;
	v7 =	vld [tilespmem:s28+$0xFFFFFFA0]  }
0xe9: {  	[tilespmem:s28+$0xFFFFFF40] =	vst v0;
	v2 =	vmul.f32 $1.131370830e+01, v5;
	v8 =	vld [tilespmem:s28+$0xFFFFFFB0]  }
.Ltmp3:
0xea: {  	[tilespmem:s28+$0xFFFFFF50] =	vst v1;
	v5 =	vmul.f32 $1.131370830e+01, v6;
	v0 =	vld [tilespmem:s28+$0xFFFFFFC0];
	(pc) =	sbr.rel @p1 .LBB2_5-.Ltmp3, $4  }
0xeb: {  	[tilespmem:s28+$0xFFFFFF60] =	vst v2;
	v3 =	vmul.f32 $1.131370830e+01, v3;
	v1 =	vld [tilespmem:s28+$0xFFFFFFD0]  }
0xec: {  	[tilespmem:s28+$0xFFFFFF70] =	vst v5;
	v6 =	vmul.f32 $1.131370830e+01, v4;
	v2 =	vld [tilespmem:s28+$0xFFFFFFE0]  }
0xed: {  	[tilespmem:s28+$0xFFFFFF80] =	vst v3;
	v5 =	vmul.f32 $1.131370830e+01, v7;
	v3 =	vld [tilespmem:s28+$0xFFFFFFF0]  }
0xee: {  	s28 =	sadd.s32 $0x200, s28;
	v4 =	vld [tilespmem:s9+$0xFFFFFE10];
	[tilespmem:s9+$0xFFFFFF90] =	vst v6;
	v6 =	vmul.f32 $1.131370830e+01, v8  }
0xef: {  	[tilespmem:s9+$0xFFFFFFA0] =	vst v5;
	v0 =	vmul.f32 $1.131370830e+01, v0  }
0xf0: {  	[tilespmem:s9+$0xFFFFFFB0] =	vst v6;
	v1 =	vmul.f32 $1.131370830e+01, v1  }
0xf1: {  	s18 =	sor.u32 $0x2, s24;
	[tilespmem:s9+$0xFFFFFFC0] =	vst v0;
	v0 =	vmul.f32 $1.131370830e+01, v2  }
0xf2: {  	s28 =	smul.u32 $0x380, s18;
	[tilespmem:s9+$0xFFFFFFD0] =	vst v1;
	v1 =	vmul.f32 $1.131370830e+01, v3  }
0xf3: {  	s18 =	smul.u32 $0x1C00, s18;
	v2 =	vmul.f32 $1.131370830e+01, v4;
	[tilespmem:s9+$0xFFFFFFE0] =	vst v0  }
0xf4: {  	[tilespmem:s9+$0xFFFFFFF0] =	vst v1  }
0xf5: {  	s18 =	sshrl.u32 s18, $0x3;
	[tilespmem:s9+$0xFFFFFE10] =	vst v2;
	s9 =	sadd.s32 s4, s28  }
0xf6: {  	[hbm4b:s9+s3] =	stream.linear.scatter [tilespmem:s13], [sflag:$0x2], $0x1900, $0x38;
	[tilespmem:$0x1C000] =	vst v63  }
0xf7: {  	s9 =	sadd.s32 s4, s18  }
0xf8: {  	s9 =	sadd.s32 $0x380, s9  }
0xf9: {  	[hbm4b:s9+s3] =	stream.linear.scatter [tilespmem:s29], [sflag:$0x2], $0x1900, $0x38;
	[tilespmem:$0x1C000] =	vst v63  }
0xfa: {  	s9 =	simm.s32 @!p0 $0x2  }
0xfb: {  	_ =	swait.ge @!p0 [sflag:s9], $0x1900  }
0xfc: {  	[sflag:s9] =	ssyncset.done @!p0 $0x0  }
0xfd: {  	[sflag:s9] =	ssyncadd.s32 @!p0 $0xFFFFE700  }
0xfe: {  	_ =	swait.ge @!p0 [sflag:s9], $0x1900  }
0xff: {  	s28 =	simm.s32 @!p0 $0x5400;
	[sflag:s9] =	ssyncset.done @!p0 $0x0  }
0x100: {  	s18 =	simm.s32 @!p0 $0x64;
	[sflag:s9] =	ssyncadd.s32 @!p0 $0xFFFFE700;
	s9 =	sadd.s32 @!p0 $0x480, s6  }
0x101: {  	[tilespmem:s28], [sflag:$0x1] =	stream.indirect.gather @!p0 [hbm4b:s1+s18], $0x80, s9, s18, $0xb8;
	[tilespmem:$0x1C000] =	vst v63  }
0x102: {  	_ =	swait.ge [sflag:s26], $0x3200  }
0x103: {  	[sflag:s26] =	ssyncset.done $0x0  }
0x104: {  	s9 =	simm.s32 $0x8800;
	[sflag:s26] =	ssyncadd.s32 $0xFFFFCE00  }
0x105: {  	v0 =	vld [tilespmem:s9+$0x1F0]  }
0x106: {  	v1 =	vld [tilespmem:s9+$0x10]  }
0x107: {  	v2 =	vld [tilespmem:s9+$0x20]  }
0x108: {  	v3 =	vld [tilespmem:s9+$0x30]  }
0x109: {  	v6 =	vld [tilespmem:s9+$0x60]  }
0x10a: {  	v4 =	vld [tilespmem:s9+$0x40]  }
0x10b: {  	v5 =	vld [tilespmem:s9+$0x50];
	v0 =	vmul.f32 $1.131370830e+01, v0  }
0x10c: {  	v8 =	vld [tilespmem:s9+$0x80];
	v1 =	vmul.f32 $1.131370830e+01, v1  }
0x10d: {  	v7 =	vld [tilespmem:s9+$0x70];
	v2 =	vmul.f32 $1.131370830e+01, v2;
	[tilespmem:s9+$0x1F0] =	vst v0  }
0x10e: {  	v6 =	vmul.f32 $1.131370830e+01, v6;
	v0 =	vld [tilespmem:s9+$0x90];
	[tilespmem:s9+$0x10] =	vst v1  }
0x10f: {  	v1 =	vmul.f32 $1.131370830e+01, v3;
	v3 =	vld [tilespmem:s9+$0xA0];
	[tilespmem:s9+$0x20] =	vst v2;
	v2 =	vmul.f32 $1.131370830e+01, v4  }
0x110: {  	[tilespmem:s9+$0x60] =	vst v6;
	v6 =	vld [tilespmem:s9+$0xF0]  }
0x111: {  	v4 =	vld [tilespmem:s9+$0xB0];
	[tilespmem:s9+$0x40] =	vst v2;
	v2 =	vmul.f32 $1.131370830e+01, v8  }
0x112: {  	[tilespmem:s9+$0x30] =	vst v1;
	v1 =	vmul.f32 $1.131370830e+01, v5;
	v5 =	vld [tilespmem:s9+$0xC0]  }
0x113: {  	v8 =	vld [tilespmem:s9+$0xD0];
	[tilespmem:s9+$0x80] =	vst v2;
	v2 =	vmul.f32 $1.131370830e+01, v7  }
0x114: {  	[tilespmem:s9+$0x50] =	vst v1;
	v1 =	vld [tilespmem:s9+$0xE0];
	v0 =	vmul.f32 $1.131370830e+01, v0  }
0x115: {  	v7 =	vld [tilespmem:s9+$0x130];
	v6 =	vmul.f32 $1.131370830e+01, v6;
	[tilespmem:s9+$0x70] =	vst v2  }
0x116: {  	v2 =	vmul.f32 $1.131370830e+01, v3;
	v3 =	vld [tilespmem:s9+$0x100];
	[tilespmem:s9+$0x90] =	vst v0  }
0x117: {  	v0 =	vmul.f32 $1.131370830e+01, v4;
	v4 =	vld [tilespmem:s9+$0x110];
	[tilespmem:s9+$0xF0] =	vst v6  }
0x118: {  	[tilespmem:s9+$0xA0] =	vst v2;
	v2 =	vmul.f32 $1.131370830e+01, v5;
	v5 =	vld [tilespmem:s9+$0x120]  }
0x119: {  	v6 =	vld [tilespmem:s9+$0x180];
	[tilespmem:s9+$0xB0] =	vst v0;
	v0 =	vmul.f32 $1.131370830e+01, v8  }
0x11a: {  	v1 =	vmul.f32 $1.131370830e+01, v1;
	[tilespmem:s9+$0xC0] =	vst v2;
	v2 =	vld [tilespmem:s9+$0x140]  }
0x11b: {  	[tilespmem:s9+$0xD0] =	vst v0;
	v0 =	vmul.f32 $1.131370830e+01, v3  }
0x11c: {  	v3 =	vld [tilespmem:s9+$0x150];
	[tilespmem:s9+$0xE0] =	vst v1;
	v4 =	vmul.f32 $1.131370830e+01, v4  }
0x11d: {  	v1 =	vld [tilespmem:s9+$0x160];
	[tilespmem:s9+$0x100] =	vst v0;
	v0 =	vmul.f32 $1.131370830e+01, v5  }
0x11e: {  	v6 =	vmul.f32 $1.131370830e+01, v6;
	v5 =	vld [tilespmem:s9+$0x170];
	[tilespmem:s9+$0x110] =	vst v4  }
0x11f: {  	v4 =	vmul.f32 $1.131370830e+01, v7;
	v7 =	vld [tilespmem:s9+$0x190];
	[tilespmem:s9+$0x120] =	vst v0;
	v0 =	vmul.f32 $1.131370830e+01, v2  }
0x120: {  	v8 =	vld [tilespmem:s9+$0x1A0];
	[tilespmem:s9+$0x180] =	vst v6  }
0x121: {  	v2 =	vmul.f32 $1.131370830e+01, v3;
	[tilespmem:s9+$0x140] =	vst v0;
	v0 =	vld [tilespmem:s9+$0x1B0]  }
0x122: {  	[tilespmem:s9+$0x130] =	vst v4;
	v3 =	vmul.f32 $1.131370830e+01, v1;
	v1 =	vld [tilespmem:s9+$0x1C0]  }
0x123: {  	[tilespmem:s9+$0x150] =	vst v2;
	v4 =	vmul.f32 $1.131370830e+01, v5;
	v2 =	vld [tilespmem:s9+$0x1D0]  }
0x124: {  	[tilespmem:s9+$0x160] =	vst v3;
	v3 =	vld [tilespmem:s9+$0x1E0];
	v5 =	vmul.f32 $1.131370830e+01, v7  }
0x125: {  	s18 =	simm.s32 $0x0;
	s28 =	simm.s32 $0x8A00;
	v6 =	vmul.f32 $1.131370830e+01, v8;
	[tilespmem:s9+$0x170] =	vst v4;
	v4 =	vld [tilespmem:s9+$0x0]  }
.LBB2_7:
0x126: {  	v7 =	vld [tilespmem:s28+$0x1F0];
	s18 =	sadd.s32 $0x4, s18;
	[tilespmem:s9+$0x190] =	vst v5;
	v0 =	vmul.f32 $1.131370830e+01, v0  }
0x127: {  	v5 =	vld [tilespmem:s28+$0x10];
	p1 =	slt.u32 s18, $0x60;
	[tilespmem:s9+$0x1A0] =	vst v6;
	v1 =	vmul.f32 $1.131370830e+01, v1  }
0x128: {  	v6 =	vld [tilespmem:s28+$0x20];
	[tilespmem:s9+$0x1B0] =	vst v0;
	v0 =	vmul.f32 $1.131370830e+01, v2  }
0x129: {  	v2 =	vld [tilespmem:s28+$0x30];
	[tilespmem:s9+$0x1C0] =	vst v1;
	v1 =	vmul.f32 $1.131370830e+01, v3  }
0x12a: {  	v3 =	vld [tilespmem:s28+$0x40];
	v4 =	vmul.f32 $1.131370830e+01, v4;
	[tilespmem:s9+$0x1D0] =	vst v0  }
0x12b: {  	v0 =	vld [tilespmem:s28+$0x50];
	v7 =	vmul.f32 $1.131370830e+01, v7;
	[tilespmem:s9+$0x1E0] =	vst v1  }
0x12c: {  	v1 =	vmul.f32 $1.131370830e+01, v5;
	v5 =	vld [tilespmem:s28+$0x60];
	[tilespmem:s9+$0x0] =	vst v4;
	s9 =	smov.u32 s28  }
0x12d: {  	v4 =	vmul.f32 $1.131370830e+01, v6;
	v6 =	vld [tilespmem:s28+$0x70];
	[tilespmem:s28+$0x1F0] =	vst v7  }
0x12e: {  	[tilespmem:s28+$0x10] =	vst v1;
	v1 =	vmul.f32 $1.131370830e+01, v2;
	v2 =	vld [tilespmem:s28+$0x80]  }
0x12f: {  	[tilespmem:s28+$0x20] =	vst v4;
	v3 =	vmul.f32 $1.131370830e+01, v3;
	v4 =	vld [tilespmem:s28+$0x90]  }
0x130: {  	[tilespmem:s28+$0x30] =	vst v1;
	v0 =	vmul.f32 $1.131370830e+01, v0;
	v1 =	vld [tilespmem:s28+$0xA0]  }
0x131: {  	[tilespmem:s28+$0x40] =	vst v3;
	v3 =	vmul.f32 $1.131370830e+01, v5;
	v5 =	vld [tilespmem:s28+$0xB0]  }
0x132: {  	[tilespmem:s28+$0x50] =	vst v0;
	v0 =	vmul.f32 $1.131370830e+01, v6;
	v6 =	vld [tilespmem:s28+$0xC0]  }
0x133: {  	[tilespmem:s28+$0x60] =	vst v3;
	v2 =	vmul.f32 $1.131370830e+01, v2;
	v3 =	vld [tilespmem:s28+$0xD0]  }
0x134: {  	[tilespmem:s28+$0x70] =	vst v0;
	v0 =	vmul.f32 $1.131370830e+01, v4;
	v4 =	vld [tilespmem:s28+$0xE0]  }
0x135: {  	[tilespmem:s28+$0x80] =	vst v2;
	v1 =	vmul.f32 $1.131370830e+01, v1;
	v2 =	vld [tilespmem:s28+$0xF0]  }
0x136: {  	[tilespmem:s28+$0x90] =	vst v0;
	v0 =	vmul.f32 $1.131370830e+01, v5;
	v5 =	vld [tilespmem:s28+$0x100]  }
0x137: {  	[tilespmem:s28+$0xA0] =	vst v1;
	v1 =	vmul.f32 $1.131370830e+01, v6;
	v6 =	vld [tilespmem:s28+$0x110]  }
0x138: {  	[tilespmem:s28+$0xB0] =	vst v0;
	v0 =	vmul.f32 $1.131370830e+01, v3;
	v3 =	vld [tilespmem:s28+$0x120]  }
0x139: {  	[tilespmem:s28+$0xC0] =	vst v1;
	v1 =	vmul.f32 $1.131370830e+01, v4;
	v4 =	vld [tilespmem:s28+$0x130]  }
0x13a: {  	[tilespmem:s28+$0xD0] =	vst v0;
	v0 =	vmul.f32 $1.131370830e+01, v2;
	v2 =	vld [tilespmem:s28+$0x140]  }
0x13b: {  	[tilespmem:s28+$0xE0] =	vst v1;
	v1 =	vmul.f32 $1.131370830e+01, v5;
	v5 =	vld [tilespmem:s28+$0x150]  }
0x13c: {  	[tilespmem:s28+$0xF0] =	vst v0;
	v0 =	vmul.f32 $1.131370830e+01, v6;
	v6 =	vld [tilespmem:s28+$0x160]  }
0x13d: {  	[tilespmem:s28+$0x100] =	vst v1;
	v1 =	vmul.f32 $1.131370830e+01, v3;
	v3 =	vld [tilespmem:s28+$0x170]  }
0x13e: {  	[tilespmem:s28+$0x110] =	vst v0;
	v0 =	vmul.f32 $1.131370830e+01, v4;
	v4 =	vld [tilespmem:s28+$0x180]  }
0x13f: {  	[tilespmem:s28+$0x120] =	vst v1;
	v1 =	vmul.f32 $1.131370830e+01, v2;
	v7 =	vld [tilespmem:s28+$0x190]  }
0x140: {  	[tilespmem:s28+$0x130] =	vst v0;
	v2 =	vmul.f32 $1.131370830e+01, v5;
	v8 =	vld [tilespmem:s28+$0x1A0]  }
.Ltmp4:
0x141: {  	[tilespmem:s28+$0x140] =	vst v1;
	v5 =	vmul.f32 $1.131370830e+01, v6;
	v0 =	vld [tilespmem:s28+$0x1B0];
	(pc) =	sbr.rel @p1 .LBB2_7-.Ltmp4, $4  }
0x142: {  	[tilespmem:s28+$0x150] =	vst v2;
	v3 =	vmul.f32 $1.131370830e+01, v3;
	v1 =	vld [tilespmem:s28+$0x1C0]  }
0x143: {  	[tilespmem:s28+$0x160] =	vst v5;
	v6 =	vmul.f32 $1.131370830e+01, v4;
	v2 =	vld [tilespmem:s28+$0x1D0]  }
0x144: {  	[tilespmem:s28+$0x170] =	vst v3;
	v5 =	vmul.f32 $1.131370830e+01, v7;
	v3 =	vld [tilespmem:s28+$0x1E0]  }
0x145: {  	s28 =	sadd.s32 $0x200, s28;
	v4 =	vld [tilespmem:s9+$0x0];
	[tilespmem:s9+$0x180] =	vst v6;
	v6 =	vmul.f32 $1.131370830e+01, v8  }
0x146: {  	[tilespmem:s9+$0x190] =	vst v5;
	v0 =	vmul.f32 $1.131370830e+01, v0  }
0x147: {  	[tilespmem:s9+$0x1A0] =	vst v6;
	v1 =	vmul.f32 $1.131370830e+01, v1  }
0x148: {  	s18 =	sor.u32 $0x4, s24;
	[tilespmem:s9+$0x1B0] =	vst v0;
	v0 =	vmul.f32 $1.131370830e+01, v2  }
0x149: {  	s28 =	smul.u32 $0x380, s18;
	[tilespmem:s9+$0x1C0] =	vst v1;
	v1 =	vmul.f32 $1.131370830e+01, v3  }
0x14a: {  	s18 =	smul.u32 $0x1C00, s18;
	v2 =	vmul.f32 $1.131370830e+01, v4;
	[tilespmem:s9+$0x1D0] =	vst v0  }
0x14b: {  	[tilespmem:s9+$0x1E0] =	vst v1  }
0x14c: {  	s18 =	sshrl.u32 s18, $0x3;
	[tilespmem:s9+$0x0] =	vst v2;
	s9 =	sadd.s32 s4, s28  }
0x14d: {  	[hbm4b:s9+s3] =	stream.linear.scatter [tilespmem:s15], [sflag:$0x2], $0x1900, $0x38;
	[tilespmem:$0x1C000] =	vst v63  }
0x14e: {  	s9 =	sadd.s32 s4, s18  }
0x14f: {  	s9 =	sadd.s32 $0x380, s9  }
0x150: {  	[hbm4b:s9+s3] =	stream.linear.scatter [tilespmem:s30], [sflag:$0x2], $0x1900, $0x38;
	[tilespmem:$0x1C000] =	vst v63  }
0x151: {  	s9 =	simm.s32 @!p0 $0x2  }
0x152: {  	_ =	swait.ge @!p0 [sflag:s9], $0x1900  }
0x153: {  	[sflag:s9] =	ssyncset.done @!p0 $0x0  }
0x154: {  	[sflag:s9] =	ssyncadd.s32 @!p0 $0xFFFFE700  }
0x155: {  	_ =	swait.ge @!p0 [sflag:s9], $0x1900  }
0x156: {  	s28 =	simm.s32 @!p0 $0x8800;
	[sflag:s9] =	ssyncset.done @!p0 $0x0  }
0x157: {  	s18 =	simm.s32 @!p0 $0x64;
	[sflag:s9] =	ssyncadd.s32 @!p0 $0xFFFFE700;
	s9 =	sadd.s32 @!p0 $0x500, s6  }
0x158: {  	[tilespmem:s28], [sflag:$0x1] =	stream.indirect.gather @!p0 [hbm4b:s1+s18], $0x80, s9, s18, $0xb8;
	[tilespmem:$0x1C000] =	vst v63  }
0x159: {  	_ =	swait.ge [sflag:s26], $0x3200  }
0x15a: {  	[sflag:s26] =	ssyncset.done $0x0  }
0x15b: {  	s9 =	simm.s32 $0xBC00;
	[sflag:s26] =	ssyncadd.s32 $0xFFFFCE00  }
0x15c: {  	v0 =	vld [tilespmem:s9+$0x1F0]  }
0x15d: {  	v1 =	vld [tilespmem:s9+$0x10]  }
0x15e: {  	v2 =	vld [tilespmem:s9+$0x20]  }
0x15f: {  	v3 =	vld [tilespmem:s9+$0x30]  }
0x160: {  	v6 =	vld [tilespmem:s9+$0x60]  }
0x161: {  	v4 =	vld [tilespmem:s9+$0x40]  }
0x162: {  	v5 =	vld [tilespmem:s9+$0x50];
	v0 =	vmul.f32 $1.131370830e+01, v0  }
0x163: {  	v8 =	vld [tilespmem:s9+$0x80];
	v1 =	vmul.f32 $1.131370830e+01, v1  }
0x164: {  	v7 =	vld [tilespmem:s9+$0x70];
	v2 =	vmul.f32 $1.131370830e+01, v2;
	[tilespmem:s9+$0x1F0] =	vst v0  }
0x165: {  	v6 =	vmul.f32 $1.131370830e+01, v6;
	v0 =	vld [tilespmem:s9+$0x90];
	[tilespmem:s9+$0x10] =	vst v1  }
0x166: {  	v1 =	vmul.f32 $1.131370830e+01, v3;
	v3 =	vld [tilespmem:s9+$0xA0];
	[tilespmem:s9+$0x20] =	vst v2;
	v2 =	vmul.f32 $1.131370830e+01, v4  }
0x167: {  	[tilespmem:s9+$0x60] =	vst v6;
	v6 =	vld [tilespmem:s9+$0xF0]  }
0x168: {  	v4 =	vld [tilespmem:s9+$0xB0];
	[tilespmem:s9+$0x40] =	vst v2;
	v2 =	vmul.f32 $1.131370830e+01, v8  }
0x169: {  	[tilespmem:s9+$0x30] =	vst v1;
	v1 =	vmul.f32 $1.131370830e+01, v5;
	v5 =	vld [tilespmem:s9+$0xC0]  }
0x16a: {  	v8 =	vld [tilespmem:s9+$0xD0];
	[tilespmem:s9+$0x80] =	vst v2;
	v2 =	vmul.f32 $1.131370830e+01, v7  }
0x16b: {  	[tilespmem:s9+$0x50] =	vst v1;
	v1 =	vld [tilespmem:s9+$0xE0];
	v0 =	vmul.f32 $1.131370830e+01, v0  }
0x16c: {  	v7 =	vld [tilespmem:s9+$0x130];
	v6 =	vmul.f32 $1.131370830e+01, v6;
	[tilespmem:s9+$0x70] =	vst v2  }
0x16d: {  	v2 =	vmul.f32 $1.131370830e+01, v3;
	v3 =	vld [tilespmem:s9+$0x100];
	[tilespmem:s9+$0x90] =	vst v0  }
0x16e: {  	v0 =	vmul.f32 $1.131370830e+01, v4;
	v4 =	vld [tilespmem:s9+$0x110];
	[tilespmem:s9+$0xF0] =	vst v6  }
0x16f: {  	[tilespmem:s9+$0xA0] =	vst v2;
	v2 =	vmul.f32 $1.131370830e+01, v5;
	v5 =	vld [tilespmem:s9+$0x120]  }
0x170: {  	v6 =	vld [tilespmem:s9+$0x180];
	[tilespmem:s9+$0xB0] =	vst v0;
	v0 =	vmul.f32 $1.131370830e+01, v8  }
0x171: {  	v1 =	vmul.f32 $1.131370830e+01, v1;
	[tilespmem:s9+$0xC0] =	vst v2;
	v2 =	vld [tilespmem:s9+$0x140]  }
0x172: {  	[tilespmem:s9+$0xD0] =	vst v0;
	v0 =	vmul.f32 $1.131370830e+01, v3  }
0x173: {  	v3 =	vld [tilespmem:s9+$0x150];
	[tilespmem:s9+$0xE0] =	vst v1;
	v4 =	vmul.f32 $1.131370830e+01, v4  }
0x174: {  	v1 =	vld [tilespmem:s9+$0x160];
	[tilespmem:s9+$0x100] =	vst v0;
	v0 =	vmul.f32 $1.131370830e+01, v5  }
0x175: {  	v6 =	vmul.f32 $1.131370830e+01, v6;
	v5 =	vld [tilespmem:s9+$0x170];
	[tilespmem:s9+$0x110] =	vst v4  }
0x176: {  	v4 =	vmul.f32 $1.131370830e+01, v7;
	v7 =	vld [tilespmem:s9+$0x190];
	[tilespmem:s9+$0x120] =	vst v0;
	v0 =	vmul.f32 $1.131370830e+01, v2  }
0x177: {  	v8 =	vld [tilespmem:s9+$0x1A0];
	[tilespmem:s9+$0x180] =	vst v6  }
0x178: {  	v2 =	vmul.f32 $1.131370830e+01, v3;
	[tilespmem:s9+$0x140] =	vst v0;
	v0 =	vld [tilespmem:s9+$0x1B0]  }
0x179: {  	[tilespmem:s9+$0x130] =	vst v4;
	v3 =	vmul.f32 $1.131370830e+01, v1;
	v1 =	vld [tilespmem:s9+$0x1C0]  }
0x17a: {  	[tilespmem:s9+$0x150] =	vst v2;
	v4 =	vmul.f32 $1.131370830e+01, v5;
	v2 =	vld [tilespmem:s9+$0x1D0]  }
0x17b: {  	[tilespmem:s9+$0x160] =	vst v3;
	v3 =	vld [tilespmem:s9+$0x1E0];
	v5 =	vmul.f32 $1.131370830e+01, v7  }
0x17c: {  	s18 =	simm.s32 $0x0;
	s28 =	simm.s32 $0xBE00;
	v6 =	vmul.f32 $1.131370830e+01, v8;
	[tilespmem:s9+$0x170] =	vst v4;
	v4 =	vld [tilespmem:s9+$0x0]  }
.LBB2_9:
0x17d: {  	v7 =	vld [tilespmem:s28+$0x1F0];
	s18 =	sadd.s32 $0x4, s18;
	[tilespmem:s9+$0x190] =	vst v5;
	v0 =	vmul.f32 $1.131370830e+01, v0  }
0x17e: {  	v5 =	vld [tilespmem:s28+$0x10];
	p1 =	slt.u32 s18, $0x60;
	[tilespmem:s9+$0x1A0] =	vst v6;
	v1 =	vmul.f32 $1.131370830e+01, v1  }
0x17f: {  	v6 =	vld [tilespmem:s28+$0x20];
	[tilespmem:s9+$0x1B0] =	vst v0;
	v0 =	vmul.f32 $1.131370830e+01, v2  }
0x180: {  	v2 =	vld [tilespmem:s28+$0x30];
	[tilespmem:s9+$0x1C0] =	vst v1;
	v1 =	vmul.f32 $1.131370830e+01, v3  }
0x181: {  	v3 =	vld [tilespmem:s28+$0x40];
	v4 =	vmul.f32 $1.131370830e+01, v4;
	[tilespmem:s9+$0x1D0] =	vst v0  }
0x182: {  	v0 =	vld [tilespmem:s28+$0x50];
	v7 =	vmul.f32 $1.131370830e+01, v7;
	[tilespmem:s9+$0x1E0] =	vst v1  }
0x183: {  	v1 =	vmul.f32 $1.131370830e+01, v5;
	v5 =	vld [tilespmem:s28+$0x60];
	[tilespmem:s9+$0x0] =	vst v4;
	s9 =	smov.u32 s28  }
0x184: {  	v4 =	vmul.f32 $1.131370830e+01, v6;
	v6 =	vld [tilespmem:s28+$0x70];
	[tilespmem:s28+$0x1F0] =	vst v7  }
0x185: {  	[tilespmem:s28+$0x10] =	vst v1;
	v1 =	vmul.f32 $1.131370830e+01, v2;
	v2 =	vld [tilespmem:s28+$0x80]  }
0x186: {  	[tilespmem:s28+$0x20] =	vst v4;
	v3 =	vmul.f32 $1.131370830e+01, v3;
	v4 =	vld [tilespmem:s28+$0x90]  }
0x187: {  	[tilespmem:s28+$0x30] =	vst v1;
	v0 =	vmul.f32 $1.131370830e+01, v0;
	v1 =	vld [tilespmem:s28+$0xA0]  }
0x188: {  	[tilespmem:s28+$0x40] =	vst v3;
	v3 =	vmul.f32 $1.131370830e+01, v5;
	v5 =	vld [tilespmem:s28+$0xB0]  }
0x189: {  	[tilespmem:s28+$0x50] =	vst v0;
	v0 =	vmul.f32 $1.131370830e+01, v6;
	v6 =	vld [tilespmem:s28+$0xC0]  }
0x18a: {  	[tilespmem:s28+$0x60] =	vst v3;
	v2 =	vmul.f32 $1.131370830e+01, v2;
	v3 =	vld [tilespmem:s28+$0xD0]  }
0x18b: {  	[tilespmem:s28+$0x70] =	vst v0;
	v0 =	vmul.f32 $1.131370830e+01, v4;
	v4 =	vld [tilespmem:s28+$0xE0]  }
0x18c: {  	[tilespmem:s28+$0x80] =	vst v2;
	v1 =	vmul.f32 $1.131370830e+01, v1;
	v2 =	vld [tilespmem:s28+$0xF0]  }
0x18d: {  	[tilespmem:s28+$0x90] =	vst v0;
	v0 =	vmul.f32 $1.131370830e+01, v5;
	v5 =	vld [tilespmem:s28+$0x100]  }
0x18e: {  	[tilespmem:s28+$0xA0] =	vst v1;
	v1 =	vmul.f32 $1.131370830e+01, v6;
	v6 =	vld [tilespmem:s28+$0x110]  }
0x18f: {  	[tilespmem:s28+$0xB0] =	vst v0;
	v0 =	vmul.f32 $1.131370830e+01, v3;
	v3 =	vld [tilespmem:s28+$0x120]  }
0x190: {  	[tilespmem:s28+$0xC0] =	vst v1;
	v1 =	vmul.f32 $1.131370830e+01, v4;
	v4 =	vld [tilespmem:s28+$0x130]  }
0x191: {  	[tilespmem:s28+$0xD0] =	vst v0;
	v0 =	vmul.f32 $1.131370830e+01, v2;
	v2 =	vld [tilespmem:s28+$0x140]  }
0x192: {  	[tilespmem:s28+$0xE0] =	vst v1;
	v1 =	vmul.f32 $1.131370830e+01, v5;
	v5 =	vld [tilespmem:s28+$0x150]  }
0x193: {  	[tilespmem:s28+$0xF0] =	vst v0;
	v0 =	vmul.f32 $1.131370830e+01, v6;
	v6 =	vld [tilespmem:s28+$0x160]  }
0x194: {  	[tilespmem:s28+$0x100] =	vst v1;
	v1 =	vmul.f32 $1.131370830e+01, v3;
	v3 =	vld [tilespmem:s28+$0x170]  }
0x195: {  	[tilespmem:s28+$0x110] =	vst v0;
	v0 =	vmul.f32 $1.131370830e+01, v4;
	v4 =	vld [tilespmem:s28+$0x180]  }
0x196: {  	[tilespmem:s28+$0x120] =	vst v1;
	v1 =	vmul.f32 $1.131370830e+01, v2;
	v7 =	vld [tilespmem:s28+$0x190]  }
0x197: {  	[tilespmem:s28+$0x130] =	vst v0;
	v2 =	vmul.f32 $1.131370830e+01, v5;
	v8 =	vld [tilespmem:s28+$0x1A0]  }
.Ltmp5:
0x198: {  	[tilespmem:s28+$0x140] =	vst v1;
	v5 =	vmul.f32 $1.131370830e+01, v6;
	v0 =	vld [tilespmem:s28+$0x1B0];
	(pc) =	sbr.rel @p1 .LBB2_9-.Ltmp5, $4  }
0x199: {  	[tilespmem:s28+$0x150] =	vst v2;
	v3 =	vmul.f32 $1.131370830e+01, v3;
	v1 =	vld [tilespmem:s28+$0x1C0]  }
0x19a: {  	[tilespmem:s28+$0x160] =	vst v5;
	v6 =	vmul.f32 $1.131370830e+01, v4;
	v2 =	vld [tilespmem:s28+$0x1D0]  }
0x19b: {  	[tilespmem:s28+$0x170] =	vst v3;
	v5 =	vmul.f32 $1.131370830e+01, v7;
	v3 =	vld [tilespmem:s28+$0x1E0]  }
0x19c: {  	s28 =	sadd.s32 $0x200, s28;
	v4 =	vld [tilespmem:s9+$0x0];
	[tilespmem:s9+$0x180] =	vst v6;
	v6 =	vmul.f32 $1.131370830e+01, v8  }
0x19d: {  	[tilespmem:s9+$0x190] =	vst v5;
	v0 =	vmul.f32 $1.131370830e+01, v0  }
0x19e: {  	[tilespmem:s9+$0x1A0] =	vst v6;
	v1 =	vmul.f32 $1.131370830e+01, v1  }
0x19f: {  	s18 =	sor.u32 $0x6, s24;
	[tilespmem:s9+$0x1B0] =	vst v0;
	v0 =	vmul.f32 $1.131370830e+01, v2  }
0x1a0: {  	s28 =	smul.u32 $0x380, s18;
	[tilespmem:s9+$0x1C0] =	vst v1;
	v1 =	vmul.f32 $1.131370830e+01, v3  }
0x1a1: {  	s18 =	smul.u32 $0x1C00, s18;
	v2 =	vmul.f32 $1.131370830e+01, v4;
	[tilespmem:s9+$0x1D0] =	vst v0  }
0x1a2: {  	[tilespmem:s9+$0x1E0] =	vst v1  }
0x1a3: {  	s18 =	sshrl.u32 s18, $0x3;
	[tilespmem:s9+$0x0] =	vst v2;
	s9 =	sadd.s32 s4, s28  }
0x1a4: {  	[hbm4b:s9+s3] =	stream.linear.scatter [tilespmem:s17], [sflag:$0x2], $0x1900, $0x38;
	[tilespmem:$0x1C000] =	vst v63  }
0x1a5: {  	s9 =	sadd.s32 s4, s18  }
0x1a6: {  	s9 =	sadd.s32 $0x380, s9  }
0x1a7: {  	[hbm4b:s9+s3] =	stream.linear.scatter [tilespmem:s31], [sflag:$0x2], $0x1900, $0x38;
	[tilespmem:$0x1C000] =	vst v63  }
0x1a8: {  	s9 =	simm.s32 @!p0 $0x2  }
0x1a9: {  	_ =	swait.ge @!p0 [sflag:s9], $0x1900  }
0x1aa: {  	[sflag:s9] =	ssyncset.done @!p0 $0x0  }
0x1ab: {  	[sflag:s9] =	ssyncadd.s32 @!p0 $0xFFFFE700  }
0x1ac: {  	_ =	swait.ge @!p0 [sflag:s9], $0x1900  }
0x1ad: {  	s28 =	simm.s32 @!p0 $0xBC00;
	[sflag:s9] =	ssyncset.done @!p0 $0x0  }
0x1ae: {  	s18 =	simm.s32 @!p0 $0x64;
	[sflag:s9] =	ssyncadd.s32 @!p0 $0xFFFFE700;
	s9 =	sadd.s32 @!p0 $0x580, s6  }
0x1af: {  	[tilespmem:s28], [sflag:$0x1] =	stream.indirect.gather @!p0 [hbm4b:s1+s18], $0x80, s9, s18, $0xb8;
	[tilespmem:$0x1C000] =	vst v63  }
0x1b0: {  	_ =	swait.ge [sflag:s26], $0x3200  }
0x1b1: {  	[sflag:s26] =	ssyncset.done $0x0  }
0x1b2: {  	s9 =	simm.s32 $0xF000;
	[sflag:s26] =	ssyncadd.s32 $0xFFFFCE00  }
0x1b3: {  	v0 =	vld [tilespmem:s9+$0x1F0]  }
0x1b4: {  	v1 =	vld [tilespmem:s9+$0x10]  }
0x1b5: {  	v2 =	vld [tilespmem:s9+$0x20]  }
0x1b6: {  	v3 =	vld [tilespmem:s9+$0x30]  }
0x1b7: {  	v6 =	vld [tilespmem:s9+$0x60]  }
0x1b8: {  	v4 =	vld [tilespmem:s9+$0x40]  }
0x1b9: {  	v5 =	vld [tilespmem:s9+$0x50];
	v0 =	vmul.f32 $1.131370830e+01, v0  }
0x1ba: {  	v8 =	vld [tilespmem:s9+$0x80];
	v1 =	vmul.f32 $1.131370830e+01, v1  }
0x1bb: {  	v7 =	vld [tilespmem:s9+$0x70];
	v2 =	vmul.f32 $1.131370830e+01, v2;
	[tilespmem:s9+$0x1F0] =	vst v0  }
0x1bc: {  	v6 =	vmul.f32 $1.131370830e+01, v6;
	v0 =	vld [tilespmem:s9+$0x90];
	[tilespmem:s9+$0x10] =	vst v1  }
0x1bd: {  	v1 =	vmul.f32 $1.131370830e+01, v3;
	v3 =	vld [tilespmem:s9+$0xA0];
	[tilespmem:s9+$0x20] =	vst v2;
	v2 =	vmul.f32 $1.131370830e+01, v4  }
0x1be: {  	[tilespmem:s9+$0x60] =	vst v6;
	v6 =	vld [tilespmem:s9+$0xF0]  }
0x1bf: {  	v4 =	vld [tilespmem:s9+$0xB0];
	[tilespmem:s9+$0x40] =	vst v2;
	v2 =	vmul.f32 $1.131370830e+01, v8  }
0x1c0: {  	[tilespmem:s9+$0x30] =	vst v1;
	v1 =	vmul.f32 $1.131370830e+01, v5;
	v5 =	vld [tilespmem:s9+$0xC0]  }
0x1c1: {  	v8 =	vld [tilespmem:s9+$0xD0];
	[tilespmem:s9+$0x80] =	vst v2;
	v2 =	vmul.f32 $1.131370830e+01, v7  }
0x1c2: {  	[tilespmem:s9+$0x50] =	vst v1;
	v1 =	vld [tilespmem:s9+$0xE0];
	v0 =	vmul.f32 $1.131370830e+01, v0  }
0x1c3: {  	v7 =	vld [tilespmem:s9+$0x130];
	v6 =	vmul.f32 $1.131370830e+01, v6;
	[tilespmem:s9+$0x70] =	vst v2  }
0x1c4: {  	v2 =	vmul.f32 $1.131370830e+01, v3;
	v3 =	vld [tilespmem:s9+$0x100];
	[tilespmem:s9+$0x90] =	vst v0  }
0x1c5: {  	v0 =	vmul.f32 $1.131370830e+01, v4;
	v4 =	vld [tilespmem:s9+$0x110];
	[tilespmem:s9+$0xF0] =	vst v6  }
0x1c6: {  	[tilespmem:s9+$0xA0] =	vst v2;
	v2 =	vmul.f32 $1.131370830e+01, v5;
	v5 =	vld [tilespmem:s9+$0x120]  }
0x1c7: {  	v6 =	vld [tilespmem:s9+$0x180];
	[tilespmem:s9+$0xB0] =	vst v0;
	v0 =	vmul.f32 $1.131370830e+01, v8  }
0x1c8: {  	v1 =	vmul.f32 $1.131370830e+01, v1;
	[tilespmem:s9+$0xC0] =	vst v2;
	v2 =	vld [tilespmem:s9+$0x140]  }
0x1c9: {  	[tilespmem:s9+$0xD0] =	vst v0;
	v0 =	vmul.f32 $1.131370830e+01, v3  }
0x1ca: {  	v3 =	vld [tilespmem:s9+$0x150];
	[tilespmem:s9+$0xE0] =	vst v1;
	v4 =	vmul.f32 $1.131370830e+01, v4  }
0x1cb: {  	v1 =	vld [tilespmem:s9+$0x160];
	[tilespmem:s9+$0x100] =	vst v0;
	v0 =	vmul.f32 $1.131370830e+01, v5  }
0x1cc: {  	v6 =	vmul.f32 $1.131370830e+01, v6;
	v5 =	vld [tilespmem:s9+$0x170];
	[tilespmem:s9+$0x110] =	vst v4  }
0x1cd: {  	v4 =	vmul.f32 $1.131370830e+01, v7;
	v7 =	vld [tilespmem:s9+$0x190];
	[tilespmem:s9+$0x120] =	vst v0;
	v0 =	vmul.f32 $1.131370830e+01, v2  }
0x1ce: {  	v8 =	vld [tilespmem:s9+$0x1A0];
	[tilespmem:s9+$0x180] =	vst v6  }
0x1cf: {  	v2 =	vmul.f32 $1.131370830e+01, v3;
	[tilespmem:s9+$0x140] =	vst v0;
	v0 =	vld [tilespmem:s9+$0x1B0]  }
0x1d0: {  	[tilespmem:s9+$0x130] =	vst v4;
	v3 =	vmul.f32 $1.131370830e+01, v1;
	v1 =	vld [tilespmem:s9+$0x1C0]  }
0x1d1: {  	[tilespmem:s9+$0x150] =	vst v2;
	v4 =	vmul.f32 $1.131370830e+01, v5;
	v2 =	vld [tilespmem:s9+$0x1D0]  }
0x1d2: {  	[tilespmem:s9+$0x160] =	vst v3;
	v3 =	vld [tilespmem:s9+$0x1E0];
	v5 =	vmul.f32 $1.131370830e+01, v7  }
0x1d3: {  	s18 =	simm.s32 $0x0;
	s28 =	simm.s32 $0xF200;
	v6 =	vmul.f32 $1.131370830e+01, v8;
	[tilespmem:s9+$0x170] =	vst v4;
	v4 =	vld [tilespmem:s9+$0x0]  }
.LBB2_11:
0x1d4: {  	v7 =	vld [tilespmem:s28+$0x1F0];
	s18 =	sadd.s32 $0x4, s18;
	[tilespmem:s9+$0x190] =	vst v5;
	v0 =	vmul.f32 $1.131370830e+01, v0  }
0x1d5: {  	v5 =	vld [tilespmem:s28+$0x10];
	p1 =	slt.u32 s18, $0x60;
	[tilespmem:s9+$0x1A0] =	vst v6;
	v1 =	vmul.f32 $1.131370830e+01, v1  }
0x1d6: {  	v6 =	vld [tilespmem:s28+$0x20];
	[tilespmem:s9+$0x1B0] =	vst v0;
	v0 =	vmul.f32 $1.131370830e+01, v2  }
0x1d7: {  	v2 =	vld [tilespmem:s28+$0x30];
	[tilespmem:s9+$0x1C0] =	vst v1;
	v1 =	vmul.f32 $1.131370830e+01, v3  }
0x1d8: {  	v3 =	vld [tilespmem:s28+$0x40];
	v4 =	vmul.f32 $1.131370830e+01, v4;
	[tilespmem:s9+$0x1D0] =	vst v0  }
0x1d9: {  	v0 =	vld [tilespmem:s28+$0x50];
	v7 =	vmul.f32 $1.131370830e+01, v7;
	[tilespmem:s9+$0x1E0] =	vst v1  }
0x1da: {  	v1 =	vmul.f32 $1.131370830e+01, v5;
	v5 =	vld [tilespmem:s28+$0x60];
	[tilespmem:s9+$0x0] =	vst v4;
	s9 =	smov.u32 s28  }
0x1db: {  	v4 =	vmul.f32 $1.131370830e+01, v6;
	v6 =	vld [tilespmem:s28+$0x70];
	[tilespmem:s28+$0x1F0] =	vst v7  }
0x1dc: {  	[tilespmem:s28+$0x10] =	vst v1;
	v1 =	vmul.f32 $1.131370830e+01, v2;
	v2 =	vld [tilespmem:s28+$0x80]  }
0x1dd: {  	[tilespmem:s28+$0x20] =	vst v4;
	v3 =	vmul.f32 $1.131370830e+01, v3;
	v4 =	vld [tilespmem:s28+$0x90]  }
0x1de: {  	[tilespmem:s28+$0x30] =	vst v1;
	v0 =	vmul.f32 $1.131370830e+01, v0;
	v1 =	vld [tilespmem:s28+$0xA0]  }
0x1df: {  	[tilespmem:s28+$0x40] =	vst v3;
	v3 =	vmul.f32 $1.131370830e+01, v5;
	v5 =	vld [tilespmem:s28+$0xB0]  }
0x1e0: {  	[tilespmem:s28+$0x50] =	vst v0;
	v0 =	vmul.f32 $1.131370830e+01, v6;
	v6 =	vld [tilespmem:s28+$0xC0]  }
0x1e1: {  	[tilespmem:s28+$0x60] =	vst v3;
	v2 =	vmul.f32 $1.131370830e+01, v2;
	v3 =	vld [tilespmem:s28+$0xD0]  }
0x1e2: {  	[tilespmem:s28+$0x70] =	vst v0;
	v0 =	vmul.f32 $1.131370830e+01, v4;
	v4 =	vld [tilespmem:s28+$0xE0]  }
0x1e3: {  	[tilespmem:s28+$0x80] =	vst v2;
	v1 =	vmul.f32 $1.131370830e+01, v1;
	v2 =	vld [tilespmem:s28+$0xF0]  }
0x1e4: {  	[tilespmem:s28+$0x90] =	vst v0;
	v0 =	vmul.f32 $1.131370830e+01, v5;
	v5 =	vld [tilespmem:s28+$0x100]  }
0x1e5: {  	[tilespmem:s28+$0xA0] =	vst v1;
	v1 =	vmul.f32 $1.131370830e+01, v6;
	v6 =	vld [tilespmem:s28+$0x110]  }
0x1e6: {  	[tilespmem:s28+$0xB0] =	vst v0;
	v0 =	vmul.f32 $1.131370830e+01, v3;
	v3 =	vld [tilespmem:s28+$0x120]  }
0x1e7: {  	[tilespmem:s28+$0xC0] =	vst v1;
	v1 =	vmul.f32 $1.131370830e+01, v4;
	v4 =	vld [tilespmem:s28+$0x130]  }
0x1e8: {  	[tilespmem:s28+$0xD0] =	vst v0;
	v0 =	vmul.f32 $1.131370830e+01, v2;
	v2 =	vld [tilespmem:s28+$0x140]  }
0x1e9: {  	[tilespmem:s28+$0xE0] =	vst v1;
	v1 =	vmul.f32 $1.131370830e+01, v5;
	v5 =	vld [tilespmem:s28+$0x150]  }
0x1ea: {  	[tilespmem:s28+$0xF0] =	vst v0;
	v0 =	vmul.f32 $1.131370830e+01, v6;
	v6 =	vld [tilespmem:s28+$0x160]  }
0x1eb: {  	[tilespmem:s28+$0x100] =	vst v1;
	v1 =	vmul.f32 $1.131370830e+01, v3;
	v3 =	vld [tilespmem:s28+$0x170]  }
0x1ec: {  	[tilespmem:s28+$0x110] =	vst v0;
	v0 =	vmul.f32 $1.131370830e+01, v4;
	v4 =	vld [tilespmem:s28+$0x180]  }
0x1ed: {  	[tilespmem:s28+$0x120] =	vst v1;
	v1 =	vmul.f32 $1.131370830e+01, v2;
	v7 =	vld [tilespmem:s28+$0x190]  }
0x1ee: {  	[tilespmem:s28+$0x130] =	vst v0;
	v2 =	vmul.f32 $1.131370830e+01, v5;
	v8 =	vld [tilespmem:s28+$0x1A0]  }
.Ltmp6:
0x1ef: {  	[tilespmem:s28+$0x140] =	vst v1;
	v5 =	vmul.f32 $1.131370830e+01, v6;
	v0 =	vld [tilespmem:s28+$0x1B0];
	(pc) =	sbr.rel @p1 .LBB2_11-.Ltmp6, $4  }
0x1f0: {  	[tilespmem:s28+$0x150] =	vst v2;
	v3 =	vmul.f32 $1.131370830e+01, v3;
	v1 =	vld [tilespmem:s28+$0x1C0]  }
0x1f1: {  	[tilespmem:s28+$0x160] =	vst v5;
	v6 =	vmul.f32 $1.131370830e+01, v4;
	v2 =	vld [tilespmem:s28+$0x1D0]  }
0x1f2: {  	[tilespmem:s28+$0x170] =	vst v3;
	v5 =	vmul.f32 $1.131370830e+01, v7;
	v3 =	vld [tilespmem:s28+$0x1E0]  }
0x1f3: {  	s28 =	sadd.s32 $0x200, s28;
	v4 =	vld [tilespmem:s9+$0x0];
	[tilespmem:s9+$0x180] =	vst v6;
	v6 =	vmul.f32 $1.131370830e+01, v8  }
0x1f4: {  	[tilespmem:s9+$0x190] =	vst v5;
	v0 =	vmul.f32 $1.131370830e+01, v0  }
0x1f5: {  	[tilespmem:s9+$0x1A0] =	vst v6;
	v1 =	vmul.f32 $1.131370830e+01, v1  }
0x1f6: {  	[tilespmem:s9+$0x1B0] =	vst v0;
	v0 =	vmul.f32 $1.131370830e+01, v2  }
0x1f7: {  	[tilespmem:s9+$0x1C0] =	vst v1;
	v1 =	vmul.f32 $1.131370830e+01, v3  }
0x1f8: {  	v2 =	vmul.f32 $1.131370830e+01, v4;
	[tilespmem:s9+$0x1D0] =	vst v0  }
0x1f9: {  	s8 =	sadd.s32 $0x1C00, s8;
	[tilespmem:s9+$0x1E0] =	vst v1  }
0x1fa: {  	s28 =	sadd.s32 s4, s8;
	[tilespmem:s9+$0x0] =	vst v2  }
0x1fb: {  	[hbm4b:s28+s3] =	stream.linear.scatter [tilespmem:s19], [sflag:$0x2], $0x1900, $0x38;
	[tilespmem:$0x1C000] =	vst v63  }
0x1fc: {  	s8 =	sadd.s32 s8, s7  }
0x1fd: {  	[hbm4b:s8+s3] =	stream.linear.scatter [tilespmem:s0], [sflag:$0x2], $0x1900, $0x38;
	[tilespmem:$0x1C000] =	vst v63  }
0x1fe: {  	s8 =	simm.s32 @!p0 $0x2  }
0x1ff: {  	_ =	swait.ge @!p0 [sflag:s8], $0x1900  }
0x200: {  	[sflag:s8] =	ssyncset.done @!p0 $0x0  }
0x201: {  	[sflag:s8] =	ssyncadd.s32 @!p0 $0xFFFFE700  }
0x202: {  	_ =	swait.ge @!p0 [sflag:s8], $0x1900  }
0x203: {  	s18 =	simm.s32 @!p0 $0xF000;
	[sflag:s8] =	ssyncset.done @!p0 $0x0  }
0x204: {  	s9 =	simm.s32 @!p0 $0x64;
	[sflag:s8] =	ssyncadd.s32 @!p0 $0xFFFFE700;
	s8 =	sadd.s32 @!p0 $0x600, s6  }
0x205: {  	[tilespmem:s18], [sflag:$0x1] =	stream.indirect.gather @!p0 [hbm4b:s1+s9], $0x80, s8, s9, $0xb8;
	[tilespmem:$0x1C000] =	vst v63  }
0x206: {  	_ =	swait.ge [sflag:s26], $0x3200  }
0x207: {  	[sflag:s26] =	ssyncset.done $0x0  }
0x208: {  	s8 =	simm.s32 $0x12400;
	[sflag:s26] =	ssyncadd.s32 $0xFFFFCE00  }
0x209: {  	v0 =	vld [tilespmem:s8+$0x1F0]  }
0x20a: {  	v1 =	vld [tilespmem:s8+$0x10]  }
0x20b: {  	v2 =	vld [tilespmem:s8+$0x20]  }
0x20c: {  	v3 =	vld [tilespmem:s8+$0x30]  }
0x20d: {  	v6 =	vld [tilespmem:s8+$0x60]  }
0x20e: {  	v4 =	vld [tilespmem:s8+$0x40]  }
0x20f: {  	v5 =	vld [tilespmem:s8+$0x50];
	v0 =	vmul.f32 $1.131370830e+01, v0  }
0x210: {  	v8 =	vld [tilespmem:s8+$0x80];
	v1 =	vmul.f32 $1.131370830e+01, v1  }
0x211: {  	v7 =	vld [tilespmem:s8+$0x70];
	v2 =	vmul.f32 $1.131370830e+01, v2;
	[tilespmem:s8+$0x1F0] =	vst v0  }
0x212: {  	v6 =	vmul.f32 $1.131370830e+01, v6;
	v0 =	vld [tilespmem:s8+$0x90];
	[tilespmem:s8+$0x10] =	vst v1  }
0x213: {  	v1 =	vmul.f32 $1.131370830e+01, v3;
	v3 =	vld [tilespmem:s8+$0xA0];
	[tilespmem:s8+$0x20] =	vst v2;
	v2 =	vmul.f32 $1.131370830e+01, v4  }
0x214: {  	[tilespmem:s8+$0x60] =	vst v6;
	v6 =	vld [tilespmem:s8+$0xF0]  }
0x215: {  	v4 =	vld [tilespmem:s8+$0xB0];
	[tilespmem:s8+$0x40] =	vst v2;
	v2 =	vmul.f32 $1.131370830e+01, v8  }
0x216: {  	[tilespmem:s8+$0x30] =	vst v1;
	v1 =	vmul.f32 $1.131370830e+01, v5;
	v5 =	vld [tilespmem:s8+$0xC0]  }
0x217: {  	v8 =	vld [tilespmem:s8+$0xD0];
	[tilespmem:s8+$0x80] =	vst v2;
	v2 =	vmul.f32 $1.131370830e+01, v7  }
0x218: {  	[tilespmem:s8+$0x50] =	vst v1;
	v1 =	vld [tilespmem:s8+$0xE0];
	v0 =	vmul.f32 $1.131370830e+01, v0  }
0x219: {  	v7 =	vld [tilespmem:s8+$0x130];
	v6 =	vmul.f32 $1.131370830e+01, v6;
	[tilespmem:s8+$0x70] =	vst v2  }
0x21a: {  	v2 =	vmul.f32 $1.131370830e+01, v3;
	v3 =	vld [tilespmem:s8+$0x100];
	[tilespmem:s8+$0x90] =	vst v0  }
0x21b: {  	v0 =	vmul.f32 $1.131370830e+01, v4;
	v4 =	vld [tilespmem:s8+$0x110];
	[tilespmem:s8+$0xF0] =	vst v6  }
0x21c: {  	[tilespmem:s8+$0xA0] =	vst v2;
	v2 =	vmul.f32 $1.131370830e+01, v5;
	v5 =	vld [tilespmem:s8+$0x120]  }
0x21d: {  	v6 =	vld [tilespmem:s8+$0x180];
	[tilespmem:s8+$0xB0] =	vst v0;
	v0 =	vmul.f32 $1.131370830e+01, v8  }
0x21e: {  	v1 =	vmul.f32 $1.131370830e+01, v1;
	[tilespmem:s8+$0xC0] =	vst v2;
	v2 =	vld [tilespmem:s8+$0x140]  }
0x21f: {  	[tilespmem:s8+$0xD0] =	vst v0;
	v0 =	vmul.f32 $1.131370830e+01, v3  }
0x220: {  	v3 =	vld [tilespmem:s8+$0x150];
	[tilespmem:s8+$0xE0] =	vst v1;
	v4 =	vmul.f32 $1.131370830e+01, v4  }
0x221: {  	v1 =	vld [tilespmem:s8+$0x160];
	[tilespmem:s8+$0x100] =	vst v0;
	v0 =	vmul.f32 $1.131370830e+01, v5  }
0x222: {  	v6 =	vmul.f32 $1.131370830e+01, v6;
	v5 =	vld [tilespmem:s8+$0x170];
	[tilespmem:s8+$0x110] =	vst v4  }
0x223: {  	v4 =	vmul.f32 $1.131370830e+01, v7;
	v7 =	vld [tilespmem:s8+$0x190];
	[tilespmem:s8+$0x120] =	vst v0;
	v0 =	vmul.f32 $1.131370830e+01, v2  }
0x224: {  	v8 =	vld [tilespmem:s8+$0x1A0];
	[tilespmem:s8+$0x180] =	vst v6  }
0x225: {  	v2 =	vmul.f32 $1.131370830e+01, v3;
	[tilespmem:s8+$0x140] =	vst v0;
	v0 =	vld [tilespmem:s8+$0x1B0]  }
0x226: {  	[tilespmem:s8+$0x130] =	vst v4;
	v3 =	vmul.f32 $1.131370830e+01, v1;
	v1 =	vld [tilespmem:s8+$0x1C0]  }
0x227: {  	[tilespmem:s8+$0x150] =	vst v2;
	v4 =	vmul.f32 $1.131370830e+01, v5;
	v2 =	vld [tilespmem:s8+$0x1D0]  }
0x228: {  	[tilespmem:s8+$0x160] =	vst v3;
	v3 =	vld [tilespmem:s8+$0x1E0];
	v5 =	vmul.f32 $1.131370830e+01, v7  }
0x229: {  	s9 =	simm.s32 $0x0;
	s18 =	simm.s32 $0x12600;
	v6 =	vmul.f32 $1.131370830e+01, v8;
	[tilespmem:s8+$0x170] =	vst v4;
	v4 =	vld [tilespmem:s8+$0x0]  }
.LBB2_13:
0x22a: {  	v7 =	vld [tilespmem:s18+$0x1F0];
	s9 =	sadd.s32 $0x4, s9;
	[tilespmem:s8+$0x190] =	vst v5;
	v0 =	vmul.f32 $1.131370830e+01, v0  }
0x22b: {  	v5 =	vld [tilespmem:s18+$0x10];
	p1 =	slt.u32 s9, $0x60;
	[tilespmem:s8+$0x1A0] =	vst v6;
	v1 =	vmul.f32 $1.131370830e+01, v1  }
0x22c: {  	v6 =	vld [tilespmem:s18+$0x20];
	[tilespmem:s8+$0x1B0] =	vst v0;
	v0 =	vmul.f32 $1.131370830e+01, v2  }
0x22d: {  	v2 =	vld [tilespmem:s18+$0x30];
	[tilespmem:s8+$0x1C0] =	vst v1;
	v1 =	vmul.f32 $1.131370830e+01, v3  }
0x22e: {  	v3 =	vld [tilespmem:s18+$0x40];
	v4 =	vmul.f32 $1.131370830e+01, v4;
	[tilespmem:s8+$0x1D0] =	vst v0  }
0x22f: {  	v0 =	vld [tilespmem:s18+$0x50];
	v7 =	vmul.f32 $1.131370830e+01, v7;
	[tilespmem:s8+$0x1E0] =	vst v1  }
0x230: {  	v1 =	vmul.f32 $1.131370830e+01, v5;
	v5 =	vld [tilespmem:s18+$0x60];
	[tilespmem:s8+$0x0] =	vst v4;
	s8 =	smov.u32 s18  }
0x231: {  	v4 =	vmul.f32 $1.131370830e+01, v6;
	v6 =	vld [tilespmem:s18+$0x70];
	[tilespmem:s18+$0x1F0] =	vst v7  }
0x232: {  	[tilespmem:s18+$0x10] =	vst v1;
	v1 =	vmul.f32 $1.131370830e+01, v2;
	v2 =	vld [tilespmem:s18+$0x80]  }
0x233: {  	[tilespmem:s18+$0x20] =	vst v4;
	v3 =	vmul.f32 $1.131370830e+01, v3;
	v4 =	vld [tilespmem:s18+$0x90]  }
0x234: {  	[tilespmem:s18+$0x30] =	vst v1;
	v0 =	vmul.f32 $1.131370830e+01, v0;
	v1 =	vld [tilespmem:s18+$0xA0]  }
0x235: {  	[tilespmem:s18+$0x40] =	vst v3;
	v3 =	vmul.f32 $1.131370830e+01, v5;
	v5 =	vld [tilespmem:s18+$0xB0]  }
0x236: {  	[tilespmem:s18+$0x50] =	vst v0;
	v0 =	vmul.f32 $1.131370830e+01, v6;
	v6 =	vld [tilespmem:s18+$0xC0]  }
0x237: {  	[tilespmem:s18+$0x60] =	vst v3;
	v2 =	vmul.f32 $1.131370830e+01, v2;
	v3 =	vld [tilespmem:s18+$0xD0]  }
0x238: {  	[tilespmem:s18+$0x70] =	vst v0;
	v0 =	vmul.f32 $1.131370830e+01, v4;
	v4 =	vld [tilespmem:s18+$0xE0]  }
0x239: {  	[tilespmem:s18+$0x80] =	vst v2;
	v1 =	vmul.f32 $1.131370830e+01, v1;
	v2 =	vld [tilespmem:s18+$0xF0]  }
0x23a: {  	[tilespmem:s18+$0x90] =	vst v0;
	v0 =	vmul.f32 $1.131370830e+01, v5;
	v5 =	vld [tilespmem:s18+$0x100]  }
0x23b: {  	[tilespmem:s18+$0xA0] =	vst v1;
	v1 =	vmul.f32 $1.131370830e+01, v6;
	v6 =	vld [tilespmem:s18+$0x110]  }
0x23c: {  	[tilespmem:s18+$0xB0] =	vst v0;
	v0 =	vmul.f32 $1.131370830e+01, v3;
	v3 =	vld [tilespmem:s18+$0x120]  }
0x23d: {  	[tilespmem:s18+$0xC0] =	vst v1;
	v1 =	vmul.f32 $1.131370830e+01, v4;
	v4 =	vld [tilespmem:s18+$0x130]  }
0x23e: {  	[tilespmem:s18+$0xD0] =	vst v0;
	v0 =	vmul.f32 $1.131370830e+01, v2;
	v2 =	vld [tilespmem:s18+$0x140]  }
0x23f: {  	[tilespmem:s18+$0xE0] =	vst v1;
	v1 =	vmul.f32 $1.131370830e+01, v5;
	v5 =	vld [tilespmem:s18+$0x150]  }
0x240: {  	[tilespmem:s18+$0xF0] =	vst v0;
	v0 =	vmul.f32 $1.131370830e+01, v6;
	v6 =	vld [tilespmem:s18+$0x160]  }
0x241: {  	[tilespmem:s18+$0x100] =	vst v1;
	v1 =	vmul.f32 $1.131370830e+01, v3;
	v3 =	vld [tilespmem:s18+$0x170]  }
0x242: {  	[tilespmem:s18+$0x110] =	vst v0;
	v0 =	vmul.f32 $1.131370830e+01, v4;
	v4 =	vld [tilespmem:s18+$0x180]  }
0x243: {  	[tilespmem:s18+$0x120] =	vst v1;
	v1 =	vmul.f32 $1.131370830e+01, v2;
	v7 =	vld [tilespmem:s18+$0x190]  }
0x244: {  	[tilespmem:s18+$0x130] =	vst v0;
	v2 =	vmul.f32 $1.131370830e+01, v5;
	v8 =	vld [tilespmem:s18+$0x1A0]  }
.Ltmp7:
0x245: {  	[tilespmem:s18+$0x140] =	vst v1;
	v5 =	vmul.f32 $1.131370830e+01, v6;
	v0 =	vld [tilespmem:s18+$0x1B0];
	(pc) =	sbr.rel @p1 .LBB2_13-.Ltmp7, $4  }
0x246: {  	[tilespmem:s18+$0x150] =	vst v2;
	v3 =	vmul.f32 $1.131370830e+01, v3;
	v1 =	vld [tilespmem:s18+$0x1C0]  }
0x247: {  	[tilespmem:s18+$0x160] =	vst v5;
	v6 =	vmul.f32 $1.131370830e+01, v4;
	v2 =	vld [tilespmem:s18+$0x1D0]  }
0x248: {  	[tilespmem:s18+$0x170] =	vst v3;
	v5 =	vmul.f32 $1.131370830e+01, v7;
	v3 =	vld [tilespmem:s18+$0x1E0]  }
0x249: {  	s18 =	sadd.s32 $0x200, s18;
	v4 =	vld [tilespmem:s8+$0x0];
	[tilespmem:s8+$0x180] =	vst v6;
	v6 =	vmul.f32 $1.131370830e+01, v8  }
0x24a: {  	[tilespmem:s8+$0x190] =	vst v5;
	v0 =	vmul.f32 $1.131370830e+01, v0  }
0x24b: {  	s9 =	sor.u32 $0xA, s24;
	[tilespmem:s8+$0x1A0] =	vst v6;
	v1 =	vmul.f32 $1.131370830e+01, v1  }
0x24c: {  	s18 =	smul.u32 $0x380, s9;
	[tilespmem:s8+$0x1B0] =	vst v0;
	v0 =	vmul.f32 $1.131370830e+01, v2  }
0x24d: {  	s9 =	smul.u32 $0x1C00, s9;
	[tilespmem:s8+$0x1C0] =	vst v1;
	v1 =	vmul.f32 $1.131370830e+01, v3  }
0x24e: {  	v2 =	vmul.f32 $1.131370830e+01, v4;
	[tilespmem:s8+$0x1D0] =	vst v0  }
0x24f: {  	s28 =	sshrl.u32 s9, $0x3;
	[tilespmem:s8+$0x1E0] =	vst v1  }
0x250: {  	s18 =	sadd.s32 s4, s18;
	[tilespmem:s8+$0x0] =	vst v2;
	s8 =	sadd.s32 s4, s28  }
0x251: {  	[hbm4b:s18+s3] =	stream.linear.scatter [tilespmem:s21], [sflag:$0x2], $0x1900, $0x38;
	[tilespmem:$0x1C000] =	vst v63  }
0x252: {  	s8 =	sadd.s32 $0x380, s8  }
0x253: {  	[hbm4b:s8+s3] =	stream.linear.scatter [tilespmem:s2], [sflag:$0x2], $0x1900, $0x38;
	[tilespmem:$0x1C000] =	vst v63  }
0x254: {  	s8 =	simm.s32 @!p0 $0x2  }
0x255: {  	_ =	swait.ge @!p0 [sflag:s8], $0x1900  }
0x256: {  	[sflag:s8] =	ssyncset.done @!p0 $0x0  }
0x257: {  	[sflag:s8] =	ssyncadd.s32 @!p0 $0xFFFFE700  }
0x258: {  	_ =	swait.ge @!p0 [sflag:s8], $0x1900  }
0x259: {  	s9 =	simm.s32 @!p0 $0x64;
	[sflag:s8] =	ssyncset.done @!p0 $0x0  }
0x25a: {  	s18 =	simm.s32 @!p0 $0x12400;
	[sflag:s8] =	ssyncadd.s32 @!p0 $0xFFFFE700;
	s8 =	sadd.s32 @!p0 $0x680, s6  }
0x25b: {  	[tilespmem:s18], [sflag:$0x1] =	stream.indirect.gather @!p0 [hbm4b:s1+s9], $0x80, s8, s9, $0xb8;
	[tilespmem:$0x1C000] =	vst v63  }
0x25c: {  	_ =	swait.ge [sflag:s26], $0x3200  }
0x25d: {  	[sflag:s26] =	ssyncset.done $0x0  }
0x25e: {  	s8 =	simm.s32 $0x15800;
	[sflag:s26] =	ssyncadd.s32 $0xFFFFCE00  }
0x25f: {  	v0 =	vld [tilespmem:s8+$0x1F0]  }
0x260: {  	v1 =	vld [tilespmem:s8+$0x10]  }
0x261: {  	v2 =	vld [tilespmem:s8+$0x20]  }
0x262: {  	v3 =	vld [tilespmem:s8+$0x30]  }
0x263: {  	v6 =	vld [tilespmem:s8+$0x60]  }
0x264: {  	v4 =	vld [tilespmem:s8+$0x40]  }
0x265: {  	v5 =	vld [tilespmem:s8+$0x50];
	v0 =	vmul.f32 $1.131370830e+01, v0  }
0x266: {  	v8 =	vld [tilespmem:s8+$0x80];
	v1 =	vmul.f32 $1.131370830e+01, v1  }
0x267: {  	v7 =	vld [tilespmem:s8+$0x70];
	v2 =	vmul.f32 $1.131370830e+01, v2;
	[tilespmem:s8+$0x1F0] =	vst v0  }
0x268: {  	v6 =	vmul.f32 $1.131370830e+01, v6;
	v0 =	vld [tilespmem:s8+$0x90];
	[tilespmem:s8+$0x10] =	vst v1  }
0x269: {  	v1 =	vmul.f32 $1.131370830e+01, v3;
	v3 =	vld [tilespmem:s8+$0xA0];
	[tilespmem:s8+$0x20] =	vst v2;
	v2 =	vmul.f32 $1.131370830e+01, v4  }
0x26a: {  	[tilespmem:s8+$0x60] =	vst v6;
	v6 =	vld [tilespmem:s8+$0xF0]  }
0x26b: {  	v4 =	vld [tilespmem:s8+$0xB0];
	[tilespmem:s8+$0x40] =	vst v2;
	v2 =	vmul.f32 $1.131370830e+01, v8  }
0x26c: {  	[tilespmem:s8+$0x30] =	vst v1;
	v1 =	vmul.f32 $1.131370830e+01, v5;
	v5 =	vld [tilespmem:s8+$0xC0]  }
0x26d: {  	v8 =	vld [tilespmem:s8+$0xD0];
	[tilespmem:s8+$0x80] =	vst v2;
	v2 =	vmul.f32 $1.131370830e+01, v7  }
0x26e: {  	[tilespmem:s8+$0x50] =	vst v1;
	v1 =	vld [tilespmem:s8+$0xE0];
	v0 =	vmul.f32 $1.131370830e+01, v0  }
0x26f: {  	v7 =	vld [tilespmem:s8+$0x130];
	v6 =	vmul.f32 $1.131370830e+01, v6;
	[tilespmem:s8+$0x70] =	vst v2  }
0x270: {  	v2 =	vmul.f32 $1.131370830e+01, v3;
	v3 =	vld [tilespmem:s8+$0x100];
	[tilespmem:s8+$0x90] =	vst v0  }
0x271: {  	v0 =	vmul.f32 $1.131370830e+01, v4;
	v4 =	vld [tilespmem:s8+$0x110];
	[tilespmem:s8+$0xF0] =	vst v6  }
0x272: {  	[tilespmem:s8+$0xA0] =	vst v2;
	v2 =	vmul.f32 $1.131370830e+01, v5;
	v5 =	vld [tilespmem:s8+$0x120]  }
0x273: {  	v6 =	vld [tilespmem:s8+$0x180];
	[tilespmem:s8+$0xB0] =	vst v0;
	v0 =	vmul.f32 $1.131370830e+01, v8  }
0x274: {  	v1 =	vmul.f32 $1.131370830e+01, v1;
	[tilespmem:s8+$0xC0] =	vst v2;
	v2 =	vld [tilespmem:s8+$0x140]  }
0x275: {  	[tilespmem:s8+$0xD0] =	vst v0;
	v0 =	vmul.f32 $1.131370830e+01, v3  }
0x276: {  	v3 =	vld [tilespmem:s8+$0x150];
	[tilespmem:s8+$0xE0] =	vst v1;
	v4 =	vmul.f32 $1.131370830e+01, v4  }
0x277: {  	v1 =	vld [tilespmem:s8+$0x160];
	[tilespmem:s8+$0x100] =	vst v0;
	v0 =	vmul.f32 $1.131370830e+01, v5  }
0x278: {  	v6 =	vmul.f32 $1.131370830e+01, v6;
	v5 =	vld [tilespmem:s8+$0x170];
	[tilespmem:s8+$0x110] =	vst v4  }
0x279: {  	v4 =	vmul.f32 $1.131370830e+01, v7;
	v7 =	vld [tilespmem:s8+$0x190];
	[tilespmem:s8+$0x120] =	vst v0;
	v0 =	vmul.f32 $1.131370830e+01, v2  }
0x27a: {  	v8 =	vld [tilespmem:s8+$0x1A0];
	[tilespmem:s8+$0x180] =	vst v6  }
0x27b: {  	v2 =	vmul.f32 $1.131370830e+01, v3;
	[tilespmem:s8+$0x140] =	vst v0;
	v0 =	vld [tilespmem:s8+$0x1B0]  }
0x27c: {  	[tilespmem:s8+$0x130] =	vst v4;
	v3 =	vmul.f32 $1.131370830e+01, v1;
	v1 =	vld [tilespmem:s8+$0x1C0]  }
0x27d: {  	[tilespmem:s8+$0x150] =	vst v2;
	v4 =	vmul.f32 $1.131370830e+01, v5;
	v2 =	vld [tilespmem:s8+$0x1D0]  }
0x27e: {  	[tilespmem:s8+$0x160] =	vst v3;
	v3 =	vld [tilespmem:s8+$0x1E0];
	v5 =	vmul.f32 $1.131370830e+01, v7  }
0x27f: {  	s9 =	simm.s32 $0x0;
	s18 =	simm.s32 $0x15A00;
	v6 =	vmul.f32 $1.131370830e+01, v8;
	[tilespmem:s8+$0x170] =	vst v4;
	v4 =	vld [tilespmem:s8+$0x0]  }
.LBB2_15:
0x280: {  	v7 =	vld [tilespmem:s18+$0x1F0];
	s9 =	sadd.s32 $0x4, s9;
	[tilespmem:s8+$0x190] =	vst v5;
	v0 =	vmul.f32 $1.131370830e+01, v0  }
0x281: {  	v5 =	vld [tilespmem:s18+$0x10];
	p1 =	slt.u32 s9, $0x60;
	[tilespmem:s8+$0x1A0] =	vst v6;
	v1 =	vmul.f32 $1.131370830e+01, v1  }
0x282: {  	v6 =	vld [tilespmem:s18+$0x20];
	[tilespmem:s8+$0x1B0] =	vst v0;
	v0 =	vmul.f32 $1.131370830e+01, v2  }
0x283: {  	v2 =	vld [tilespmem:s18+$0x30];
	[tilespmem:s8+$0x1C0] =	vst v1;
	v1 =	vmul.f32 $1.131370830e+01, v3  }
0x284: {  	v3 =	vld [tilespmem:s18+$0x40];
	v4 =	vmul.f32 $1.131370830e+01, v4;
	[tilespmem:s8+$0x1D0] =	vst v0  }
0x285: {  	v0 =	vld [tilespmem:s18+$0x50];
	v7 =	vmul.f32 $1.131370830e+01, v7;
	[tilespmem:s8+$0x1E0] =	vst v1  }
0x286: {  	v1 =	vmul.f32 $1.131370830e+01, v5;
	v5 =	vld [tilespmem:s18+$0x60];
	[tilespmem:s8+$0x0] =	vst v4;
	s8 =	smov.u32 s18  }
0x287: {  	v4 =	vmul.f32 $1.131370830e+01, v6;
	v6 =	vld [tilespmem:s18+$0x70];
	[tilespmem:s18+$0x1F0] =	vst v7  }
0x288: {  	[tilespmem:s18+$0x10] =	vst v1;
	v1 =	vmul.f32 $1.131370830e+01, v2;
	v2 =	vld [tilespmem:s18+$0x80]  }
0x289: {  	[tilespmem:s18+$0x20] =	vst v4;
	v3 =	vmul.f32 $1.131370830e+01, v3;
	v4 =	vld [tilespmem:s18+$0x90]  }
0x28a: {  	[tilespmem:s18+$0x30] =	vst v1;
	v0 =	vmul.f32 $1.131370830e+01, v0;
	v1 =	vld [tilespmem:s18+$0xA0]  }
0x28b: {  	[tilespmem:s18+$0x40] =	vst v3;
	v3 =	vmul.f32 $1.131370830e+01, v5;
	v5 =	vld [tilespmem:s18+$0xB0]  }
0x28c: {  	[tilespmem:s18+$0x50] =	vst v0;
	v0 =	vmul.f32 $1.131370830e+01, v6;
	v6 =	vld [tilespmem:s18+$0xC0]  }
0x28d: {  	[tilespmem:s18+$0x60] =	vst v3;
	v2 =	vmul.f32 $1.131370830e+01, v2;
	v3 =	vld [tilespmem:s18+$0xD0]  }
0x28e: {  	[tilespmem:s18+$0x70] =	vst v0;
	v0 =	vmul.f32 $1.131370830e+01, v4;
	v4 =	vld [tilespmem:s18+$0xE0]  }
0x28f: {  	[tilespmem:s18+$0x80] =	vst v2;
	v1 =	vmul.f32 $1.131370830e+01, v1;
	v2 =	vld [tilespmem:s18+$0xF0]  }
0x290: {  	[tilespmem:s18+$0x90] =	vst v0;
	v0 =	vmul.f32 $1.131370830e+01, v5;
	v5 =	vld [tilespmem:s18+$0x100]  }
0x291: {  	[tilespmem:s18+$0xA0] =	vst v1;
	v1 =	vmul.f32 $1.131370830e+01, v6;
	v6 =	vld [tilespmem:s18+$0x110]  }
0x292: {  	[tilespmem:s18+$0xB0] =	vst v0;
	v0 =	vmul.f32 $1.131370830e+01, v3;
	v3 =	vld [tilespmem:s18+$0x120]  }
0x293: {  	[tilespmem:s18+$0xC0] =	vst v1;
	v1 =	vmul.f32 $1.131370830e+01, v4;
	v4 =	vld [tilespmem:s18+$0x130]  }
0x294: {  	[tilespmem:s18+$0xD0] =	vst v0;
	v0 =	vmul.f32 $1.131370830e+01, v2;
	v2 =	vld [tilespmem:s18+$0x140]  }
0x295: {  	[tilespmem:s18+$0xE0] =	vst v1;
	v1 =	vmul.f32 $1.131370830e+01, v5;
	v5 =	vld [tilespmem:s18+$0x150]  }
0x296: {  	[tilespmem:s18+$0xF0] =	vst v0;
	v0 =	vmul.f32 $1.131370830e+01, v6;
	v6 =	vld [tilespmem:s18+$0x160]  }
0x297: {  	[tilespmem:s18+$0x100] =	vst v1;
	v1 =	vmul.f32 $1.131370830e+01, v3;
	v3 =	vld [tilespmem:s18+$0x170]  }
0x298: {  	[tilespmem:s18+$0x110] =	vst v0;
	v0 =	vmul.f32 $1.131370830e+01, v4;
	v4 =	vld [tilespmem:s18+$0x180]  }
0x299: {  	[tilespmem:s18+$0x120] =	vst v1;
	v1 =	vmul.f32 $1.131370830e+01, v2;
	v7 =	vld [tilespmem:s18+$0x190]  }
0x29a: {  	[tilespmem:s18+$0x130] =	vst v0;
	v2 =	vmul.f32 $1.131370830e+01, v5;
	v8 =	vld [tilespmem:s18+$0x1A0]  }
.Ltmp8:
0x29b: {  	[tilespmem:s18+$0x140] =	vst v1;
	v5 =	vmul.f32 $1.131370830e+01, v6;
	v0 =	vld [tilespmem:s18+$0x1B0];
	(pc) =	sbr.rel @p1 .LBB2_15-.Ltmp8, $4  }
0x29c: {  	[tilespmem:s18+$0x150] =	vst v2;
	v3 =	vmul.f32 $1.131370830e+01, v3;
	v1 =	vld [tilespmem:s18+$0x1C0]  }
0x29d: {  	[tilespmem:s18+$0x160] =	vst v5;
	v6 =	vmul.f32 $1.131370830e+01, v4;
	v2 =	vld [tilespmem:s18+$0x1D0]  }
0x29e: {  	[tilespmem:s18+$0x170] =	vst v3;
	v5 =	vmul.f32 $1.131370830e+01, v7;
	v3 =	vld [tilespmem:s18+$0x1E0]  }
0x29f: {  	s18 =	sadd.s32 $0x200, s18;
	v4 =	vld [tilespmem:s8+$0x0];
	[tilespmem:s8+$0x180] =	vst v6;
	v6 =	vmul.f32 $1.131370830e+01, v8  }
0x2a0: {  	[tilespmem:s8+$0x190] =	vst v5;
	v0 =	vmul.f32 $1.131370830e+01, v0  }
0x2a1: {  	s9 =	sor.u32 $0xC, s24;
	[tilespmem:s8+$0x1A0] =	vst v6;
	v1 =	vmul.f32 $1.131370830e+01, v1  }
0x2a2: {  	s18 =	smul.u32 $0x380, s9;
	[tilespmem:s8+$0x1B0] =	vst v0;
	v0 =	vmul.f32 $1.131370830e+01, v2  }
0x2a3: {  	s9 =	smul.u32 $0x1C00, s9;
	[tilespmem:s8+$0x1C0] =	vst v1;
	v1 =	vmul.f32 $1.131370830e+01, v3  }
0x2a4: {  	v2 =	vmul.f32 $1.131370830e+01, v4;
	[tilespmem:s8+$0x1D0] =	vst v0  }
0x2a5: {  	s28 =	sshrl.u32 s9, $0x3;
	[tilespmem:s8+$0x1E0] =	vst v1  }
0x2a6: {  	s18 =	sadd.s32 s4, s18;
	[tilespmem:s8+$0x0] =	vst v2;
	s8 =	sadd.s32 s4, s28  }
0x2a7: {  	[hbm4b:s18+s3] =	stream.linear.scatter [tilespmem:s23], [sflag:$0x2], $0x1900, $0x38;
	[tilespmem:$0x1C000] =	vst v63  }
0x2a8: {  	s8 =	sadd.s32 $0x380, s8  }
0x2a9: {  	[hbm4b:s8+s3] =	stream.linear.scatter [tilespmem:s12], [sflag:$0x2], $0x1900, $0x38;
	[tilespmem:$0x1C000] =	vst v63  }
0x2aa: {  	s8 =	simm.s32 @!p0 $0x2  }
0x2ab: {  	_ =	swait.ge @!p0 [sflag:s8], $0x1900  }
0x2ac: {  	[sflag:s8] =	ssyncset.done @!p0 $0x0  }
0x2ad: {  	[sflag:s8] =	ssyncadd.s32 @!p0 $0xFFFFE700  }
0x2ae: {  	_ =	swait.ge @!p0 [sflag:s8], $0x1900  }
0x2af: {  	s6 =	sadd.s32 @!p0 $0x700, s6;
	[sflag:s8] =	ssyncset.done @!p0 $0x0  }
0x2b0: {  	s9 =	simm.s32 @!p0 $0x15800;
	[sflag:s8] =	ssyncadd.s32 @!p0 $0xFFFFE700;
	s8 =	simm.s32 @!p0 $0x64  }
0x2b1: {  	[tilespmem:s9], [sflag:$0x1] =	stream.indirect.gather @!p0 [hbm4b:s1+s8], $0x80, s6, s8, $0xb8;
	[tilespmem:$0x1C000] =	vst v63  }
0x2b2: {  	_ =	swait.ge [sflag:s26], $0x3200  }
0x2b3: {  	[sflag:s26] =	ssyncset.done $0x0  }
0x2b4: {  	s6 =	simm.s32 $0x18C00;
	[sflag:s26] =	ssyncadd.s32 $0xFFFFCE00  }
0x2b5: {  	v0 =	vld [tilespmem:s6+$0x1F0]  }
0x2b6: {  	v1 =	vld [tilespmem:s6+$0x10]  }
0x2b7: {  	v2 =	vld [tilespmem:s6+$0x20]  }
0x2b8: {  	v3 =	vld [tilespmem:s6+$0x30]  }
0x2b9: {  	v6 =	vld [tilespmem:s6+$0x60]  }
0x2ba: {  	v4 =	vld [tilespmem:s6+$0x40]  }
0x2bb: {  	v5 =	vld [tilespmem:s6+$0x50];
	v0 =	vmul.f32 $1.131370830e+01, v0  }
0x2bc: {  	v8 =	vld [tilespmem:s6+$0x80];
	v1 =	vmul.f32 $1.131370830e+01, v1  }
0x2bd: {  	v7 =	vld [tilespmem:s6+$0x70];
	v2 =	vmul.f32 $1.131370830e+01, v2;
	[tilespmem:s6+$0x1F0] =	vst v0  }
0x2be: {  	v6 =	vmul.f32 $1.131370830e+01, v6;
	v0 =	vld [tilespmem:s6+$0x90];
	[tilespmem:s6+$0x10] =	vst v1  }
0x2bf: {  	v1 =	vmul.f32 $1.131370830e+01, v3;
	v3 =	vld [tilespmem:s6+$0xA0];
	[tilespmem:s6+$0x20] =	vst v2;
	v2 =	vmul.f32 $1.131370830e+01, v4  }
0x2c0: {  	[tilespmem:s6+$0x60] =	vst v6;
	v6 =	vld [tilespmem:s6+$0xF0]  }
0x2c1: {  	v4 =	vld [tilespmem:s6+$0xB0];
	[tilespmem:s6+$0x40] =	vst v2;
	v2 =	vmul.f32 $1.131370830e+01, v8  }
0x2c2: {  	[tilespmem:s6+$0x30] =	vst v1;
	v1 =	vmul.f32 $1.131370830e+01, v5;
	v5 =	vld [tilespmem:s6+$0xC0]  }
0x2c3: {  	v8 =	vld [tilespmem:s6+$0xD0];
	[tilespmem:s6+$0x80] =	vst v2;
	v2 =	vmul.f32 $1.131370830e+01, v7  }
0x2c4: {  	[tilespmem:s6+$0x50] =	vst v1;
	v1 =	vld [tilespmem:s6+$0xE0];
	v0 =	vmul.f32 $1.131370830e+01, v0  }
0x2c5: {  	v7 =	vld [tilespmem:s6+$0x130];
	v6 =	vmul.f32 $1.131370830e+01, v6;
	[tilespmem:s6+$0x70] =	vst v2  }
0x2c6: {  	v2 =	vmul.f32 $1.131370830e+01, v3;
	v3 =	vld [tilespmem:s6+$0x100];
	[tilespmem:s6+$0x90] =	vst v0  }
0x2c7: {  	v0 =	vmul.f32 $1.131370830e+01, v4;
	v4 =	vld [tilespmem:s6+$0x110];
	[tilespmem:s6+$0xF0] =	vst v6  }
0x2c8: {  	[tilespmem:s6+$0xA0] =	vst v2;
	v2 =	vmul.f32 $1.131370830e+01, v5;
	v5 =	vld [tilespmem:s6+$0x120]  }
0x2c9: {  	v6 =	vld [tilespmem:s6+$0x180];
	[tilespmem:s6+$0xB0] =	vst v0;
	v0 =	vmul.f32 $1.131370830e+01, v8  }
0x2ca: {  	v1 =	vmul.f32 $1.131370830e+01, v1;
	[tilespmem:s6+$0xC0] =	vst v2;
	v2 =	vld [tilespmem:s6+$0x140]  }
0x2cb: {  	[tilespmem:s6+$0xD0] =	vst v0;
	v0 =	vmul.f32 $1.131370830e+01, v3  }
0x2cc: {  	v3 =	vld [tilespmem:s6+$0x150];
	[tilespmem:s6+$0xE0] =	vst v1;
	v4 =	vmul.f32 $1.131370830e+01, v4  }
0x2cd: {  	v1 =	vld [tilespmem:s6+$0x160];
	[tilespmem:s6+$0x100] =	vst v0;
	v0 =	vmul.f32 $1.131370830e+01, v5  }
0x2ce: {  	v6 =	vmul.f32 $1.131370830e+01, v6;
	v5 =	vld [tilespmem:s6+$0x170];
	[tilespmem:s6+$0x110] =	vst v4  }
0x2cf: {  	v4 =	vmul.f32 $1.131370830e+01, v7;
	v7 =	vld [tilespmem:s6+$0x190];
	[tilespmem:s6+$0x120] =	vst v0;
	v0 =	vmul.f32 $1.131370830e+01, v2  }
0x2d0: {  	v8 =	vld [tilespmem:s6+$0x1A0];
	[tilespmem:s6+$0x180] =	vst v6  }
0x2d1: {  	v2 =	vmul.f32 $1.131370830e+01, v3;
	[tilespmem:s6+$0x140] =	vst v0;
	v0 =	vld [tilespmem:s6+$0x1B0]  }
0x2d2: {  	[tilespmem:s6+$0x130] =	vst v4;
	v3 =	vmul.f32 $1.131370830e+01, v1;
	v1 =	vld [tilespmem:s6+$0x1C0]  }
0x2d3: {  	[tilespmem:s6+$0x150] =	vst v2;
	v4 =	vmul.f32 $1.131370830e+01, v5;
	v2 =	vld [tilespmem:s6+$0x1D0]  }
0x2d4: {  	[tilespmem:s6+$0x160] =	vst v3;
	v3 =	vld [tilespmem:s6+$0x1E0];
	v5 =	vmul.f32 $1.131370830e+01, v7  }
0x2d5: {  	s8 =	simm.s32 $0x0;
	s9 =	simm.s32 $0x18E00;
	v6 =	vmul.f32 $1.131370830e+01, v8;
	[tilespmem:s6+$0x170] =	vst v4;
	v4 =	vld [tilespmem:s6+$0x0]  }
.LBB2_17:
0x2d6: {  	v7 =	vld [tilespmem:s9+$0x1F0];
	s8 =	sadd.s32 $0x4, s8;
	[tilespmem:s6+$0x190] =	vst v5;
	v0 =	vmul.f32 $1.131370830e+01, v0  }
0x2d7: {  	v5 =	vld [tilespmem:s9+$0x10];
	p1 =	slt.u32 s8, $0x60;
	[tilespmem:s6+$0x1A0] =	vst v6;
	v1 =	vmul.f32 $1.131370830e+01, v1  }
0x2d8: {  	v6 =	vld [tilespmem:s9+$0x20];
	[tilespmem:s6+$0x1B0] =	vst v0;
	v0 =	vmul.f32 $1.131370830e+01, v2  }
0x2d9: {  	v2 =	vld [tilespmem:s9+$0x30];
	[tilespmem:s6+$0x1C0] =	vst v1;
	v1 =	vmul.f32 $1.131370830e+01, v3  }
0x2da: {  	v3 =	vld [tilespmem:s9+$0x40];
	v4 =	vmul.f32 $1.131370830e+01, v4;
	[tilespmem:s6+$0x1D0] =	vst v0  }
0x2db: {  	v0 =	vld [tilespmem:s9+$0x50];
	v7 =	vmul.f32 $1.131370830e+01, v7;
	[tilespmem:s6+$0x1E0] =	vst v1  }
0x2dc: {  	v1 =	vmul.f32 $1.131370830e+01, v5;
	v5 =	vld [tilespmem:s9+$0x60];
	[tilespmem:s6+$0x0] =	vst v4;
	s6 =	smov.u32 s9  }
0x2dd: {  	v4 =	vmul.f32 $1.131370830e+01, v6;
	v6 =	vld [tilespmem:s9+$0x70];
	[tilespmem:s9+$0x1F0] =	vst v7  }
0x2de: {  	[tilespmem:s9+$0x10] =	vst v1;
	v1 =	vmul.f32 $1.131370830e+01, v2;
	v2 =	vld [tilespmem:s9+$0x80]  }
0x2df: {  	[tilespmem:s9+$0x20] =	vst v4;
	v3 =	vmul.f32 $1.131370830e+01, v3;
	v4 =	vld [tilespmem:s9+$0x90]  }
0x2e0: {  	[tilespmem:s9+$0x30] =	vst v1;
	v0 =	vmul.f32 $1.131370830e+01, v0;
	v1 =	vld [tilespmem:s9+$0xA0]  }
0x2e1: {  	[tilespmem:s9+$0x40] =	vst v3;
	v3 =	vmul.f32 $1.131370830e+01, v5;
	v5 =	vld [tilespmem:s9+$0xB0]  }
0x2e2: {  	[tilespmem:s9+$0x50] =	vst v0;
	v0 =	vmul.f32 $1.131370830e+01, v6;
	v6 =	vld [tilespmem:s9+$0xC0]  }
0x2e3: {  	[tilespmem:s9+$0x60] =	vst v3;
	v2 =	vmul.f32 $1.131370830e+01, v2;
	v3 =	vld [tilespmem:s9+$0xD0]  }
0x2e4: {  	[tilespmem:s9+$0x70] =	vst v0;
	v0 =	vmul.f32 $1.131370830e+01, v4;
	v4 =	vld [tilespmem:s9+$0xE0]  }
0x2e5: {  	[tilespmem:s9+$0x80] =	vst v2;
	v1 =	vmul.f32 $1.131370830e+01, v1;
	v2 =	vld [tilespmem:s9+$0xF0]  }
0x2e6: {  	[tilespmem:s9+$0x90] =	vst v0;
	v0 =	vmul.f32 $1.131370830e+01, v5;
	v5 =	vld [tilespmem:s9+$0x100]  }
0x2e7: {  	[tilespmem:s9+$0xA0] =	vst v1;
	v1 =	vmul.f32 $1.131370830e+01, v6;
	v6 =	vld [tilespmem:s9+$0x110]  }
0x2e8: {  	[tilespmem:s9+$0xB0] =	vst v0;
	v0 =	vmul.f32 $1.131370830e+01, v3;
	v3 =	vld [tilespmem:s9+$0x120]  }
0x2e9: {  	[tilespmem:s9+$0xC0] =	vst v1;
	v1 =	vmul.f32 $1.131370830e+01, v4;
	v4 =	vld [tilespmem:s9+$0x130]  }
0x2ea: {  	[tilespmem:s9+$0xD0] =	vst v0;
	v0 =	vmul.f32 $1.131370830e+01, v2;
	v2 =	vld [tilespmem:s9+$0x140]  }
0x2eb: {  	[tilespmem:s9+$0xE0] =	vst v1;
	v1 =	vmul.f32 $1.131370830e+01, v5;
	v5 =	vld [tilespmem:s9+$0x150]  }
0x2ec: {  	[tilespmem:s9+$0xF0] =	vst v0;
	v0 =	vmul.f32 $1.131370830e+01, v6;
	v6 =	vld [tilespmem:s9+$0x160]  }
0x2ed: {  	[tilespmem:s9+$0x100] =	vst v1;
	v1 =	vmul.f32 $1.131370830e+01, v3;
	v3 =	vld [tilespmem:s9+$0x170]  }
0x2ee: {  	[tilespmem:s9+$0x110] =	vst v0;
	v0 =	vmul.f32 $1.131370830e+01, v4;
	v4 =	vld [tilespmem:s9+$0x180]  }
0x2ef: {  	[tilespmem:s9+$0x120] =	vst v1;
	v1 =	vmul.f32 $1.131370830e+01, v2;
	v7 =	vld [tilespmem:s9+$0x190]  }
0x2f0: {  	[tilespmem:s9+$0x130] =	vst v0;
	v2 =	vmul.f32 $1.131370830e+01, v5;
	v8 =	vld [tilespmem:s9+$0x1A0]  }
.Ltmp9:
0x2f1: {  	[tilespmem:s9+$0x140] =	vst v1;
	v5 =	vmul.f32 $1.131370830e+01, v6;
	v0 =	vld [tilespmem:s9+$0x1B0];
	(pc) =	sbr.rel @p1 .LBB2_17-.Ltmp9, $4  }
0x2f2: {  	[tilespmem:s9+$0x150] =	vst v2;
	v3 =	vmul.f32 $1.131370830e+01, v3;
	v1 =	vld [tilespmem:s9+$0x1C0]  }
0x2f3: {  	[tilespmem:s9+$0x160] =	vst v5;
	v6 =	vmul.f32 $1.131370830e+01, v4;
	v2 =	vld [tilespmem:s9+$0x1D0]  }
0x2f4: {  	[tilespmem:s9+$0x170] =	vst v3;
	v5 =	vmul.f32 $1.131370830e+01, v7;
	v3 =	vld [tilespmem:s9+$0x1E0]  }
0x2f5: {  	s9 =	sadd.s32 $0x200, s9;
	v4 =	vld [tilespmem:s6+$0x0];
	[tilespmem:s6+$0x180] =	vst v6;
	v6 =	vmul.f32 $1.131370830e+01, v8  }
0x2f6: {  	[tilespmem:s6+$0x190] =	vst v5;
	v0 =	vmul.f32 $1.131370830e+01, v0  }
0x2f7: {  	s8 =	sor.u32 $0xE, s24;
	[tilespmem:s6+$0x1A0] =	vst v6;
	v1 =	vmul.f32 $1.131370830e+01, v1  }
0x2f8: {  	s9 =	smul.u32 $0x380, s8;
	[tilespmem:s6+$0x1B0] =	vst v0;
	v61 =	vmul.f32 $1.131370830e+01, v2  }
0x2f9: {  	s8 =	smul.u32 $0x1C00, s8;
	[tilespmem:s6+$0x1C0] =	vst v1;
	v62 =	vmul.f32 $1.131370830e+01, v3  }
0x2fa: {  	v63 =	vmul.f32 $1.131370830e+01, v4;
	[tilespmem:s6+$0x1D0] =	vst v61  }
0x2fb: {  	s28 =	sshrl.u32 s8, $0x3;
	[tilespmem:s6+$0x1E0] =	vst v62  }
0x2fc: {  	s24 =	sadd.s32 s4, s9;
	[tilespmem:s6+$0x0] =	vst v63;
	s6 =	sadd.s32 s4, s28  }
0x2fd: {  	[hbm4b:s24+s3] =	stream.linear.scatter [tilespmem:s25], [sflag:$0x2], $0x1900, $0x38;
	[tilespmem:$0x1C000] =	vst v63  }
0x2fe: {  	s6 =	sadd.s32 $0x380, s6  }
0x2ff: {  	[hbm4b:s6+s3] =	stream.linear.scatter [tilespmem:s14], [sflag:$0x2], $0x1900, $0x38;
	[tilespmem:$0x1C000] =	vst v63  }
0x300: {  	_ =	swait.ge [sflag:s16], $0x1900  }
.Ltmp10:
0x301: {  	[sflag:s16] =	ssyncset.done $0x0;
	(pc) =	sbr.rel @p0 .LBB2_20-.Ltmp10, $4  }
0x302: {  	[sflag:s16] =	ssyncadd.s32 $0xFFFFE700  }
0x303: {  	_ =	swait.ge [sflag:s16], $0x1900  }
0x304: {  	[sflag:s16] =	ssyncset.done $0x0  }
0x305: {  	[sflag:s16] =	ssyncadd.s32 $0xFFFFE700  }
.Ltmp11:
0x306: {  	(pc) =	sbr.rel .LBB2_2-.Ltmp11, $4  }
0x307: {  	_ = 	snop  }
0x308: {  	s6 =	sshrl.u32 s22, $0x2  }
0x309: {  	s20 =	sadd.s32 $0x1, s20;
	s6 =	sadd.s32 $0x780, s6  }
0x30a: {  	[tilespmem:s25], [sflag:$0x1] =	stream.indirect.gather [hbm4b:s1+s10], $0x80, s6, s10, $0xb8;
	[tilespmem:$0x1C000] =	vst v63  }
.LBB2_21:
0x30b: {  	_ =	sfence.sel $0x180000  }
0x30c: {  	[bflag:$0x0] =	sbarrier.arrive $0xFFFF  }
0x30d: {  	_ =	strace $0x90000047  }
0x30e: {  	s0 =	stileid.u32;
	[bflag:$0x2] =	sbarrier.arrive $0xFFFF  }
0x30f: {  	p0 =	sne.s32 s0, $0x0;
	s0 =	rddreg [dreg:$0x3]  }
0x310: {  	s0 =	sadd.s32 @!p0 $0x100000, s0  }
0x311: {  	[sflag:s0] =	ssyncadd.tile.s32 @!p0 $0x1;
	_ =	shalt  }
.Lfunc_end2:
_tile_overlayer_lowered:
.L_overlay_start_2:
0x312: {  	(tag) =	ssettag $0x2  }
0x313: {  	s0 =	rddreg [dreg:$0x0];
	s2 =	stileid.u32  }
0x314: {  	s1 =	rddreg [dreg:$0x1];
	p0 =	sne.s32 s2, $0x0  }
0x315: {  	s3 =	rddreg [dreg:$0x2];
	[bflag:$0x3] =	sbarrier.arrive $0xFFFF;
	s2 =	simm.s32 @!p0 $0x1C03  }
0x316: {  	[timem:s3], [sflag:s2] =	dma.local @!p0 [hbm:s0], s1  }
0x317: {  	s0 =	simm.s32 @!p0 $0x3  }
0x318: {  	_ =	swait.ge @!p0 [sflag:s0], s1  }
0x319: {  	s1 =	ssub.s32 @!p0 $0x0, s1;
	[sflag:s0] =	ssyncset.done @!p0 $0x0  }
0x31a: {  	[sflag:s0] =	ssyncadd.s32 @!p0 s1  }
0x31b: {  	[bflag:$0x3] =	sbarrier.arrive $0xFFFF  }
0x31c: {  	_ =	shalt  }

</sc_bundles>
